<compile_context>
chip_gen: v7x
topology: tpu7x:2x2x1
jax: 0.10.2.dev20260603
libtpu: 0.0.44.dev20260713+nightly
codegen_flags: <defaults>
</compile_context>

<pallas_src>
import functools

import jax
import jax.numpy as jnp
import numpy as np
from jax import lax
from jax.experimental import pallas as pl
from jax.experimental.pallas import tpu as pltpu
from jax.experimental.pallas import tpu_sc as plsc

B, N, K = 4, 1024, 30
KP = 32
NE = B * N * KP
NAA = 20
NRBF = 16
BN_ROWS = 256
NB = 128
TE = NB * KP
LN_EPS = 1e-5

_BMAT = np.zeros((TE, NB), np.float32)
for _n in range(NB):
    _BMAT[_n * KP:(_n + 1) * KP, _n] = 1.0
_RMAT = np.zeros((NB, TE), np.float32)
for _n in range(NB):
    _RMAT[_n, _n * KP:_n * KP + K] = 1.0
_SINC = (6.28318298622592, -41.34143331806659, 81.59640430299906,
         -76.58159139136328, 41.20893327247536, -12.272487951343365)
_SIGMA = (22.0 - 2.0) / NRBF


def _bmat():
    return jnp.asarray(_BMAT)


def _rmat():
    return jnp.asarray(_RMAT)


def _ln(x):
    m = jnp.mean(x, axis=-1, keepdims=True)
    xc = x - m
    v = jnp.mean(xc * xc, axis=-1, keepdims=True)
    return xc / jnp.sqrt(v + LN_EPS)


def _mm(a, b):
    return jnp.dot(a, b, preferred_element_type=jnp.float32)


def _mmb(a, b):
    return jnp.dot(a.astype(jnp.bfloat16), b.astype(jnp.bfloat16),
                   preferred_element_type=jnp.float32)


def _sin2pi(t):
    s = t - jnp.floor(t + 0.5)
    s2 = s * s
    p = jnp.float32(_SINC[5])
    for c in (_SINC[4], _SINC[3], _SINC[2], _SINC[1], _SINC[0]):
        p = p * s2 + jnp.float32(c)
    return p * s


def _pack_bf16(v):
    u = lax.bitcast_convert_type(v.astype(jnp.bfloat16), jnp.uint16)
    lo = u[:, :64].astype(jnp.uint32)
    hi = u[:, 64:].astype(jnp.uint32)
    return lax.bitcast_convert_type(lo | (hi << 16), jnp.int32)


def _unpack_bf16(p):
    u = lax.bitcast_convert_type(p, jnp.uint32)
    lo = (u & jnp.uint32(0xFFFF)).astype(jnp.uint16)
    hi = lax.shift_right_logical(u, jnp.uint32(16)).astype(jnp.uint16)
    return jnp.concatenate(
        [lax.bitcast_convert_type(lo, jnp.bfloat16),
         lax.bitcast_convert_type(hi, jnp.bfloat16)], axis=1)


def _knn_body(cxr, cyr, czr, chr_, orr, cxa, cya, cza, cha, ora,
              idx_ref, dk_ref, same_ref, ar_ref):
    i = pl.program_id(0)
    b = i // (N // BN_ROWS)
    d2 = (cxr[...] - cxa[...][None, :]) ** 2
    d2 = d2 + (cyr[...] - cya[...][None, :]) ** 2
    d2 = d2 + (czr[...] - cza[...][None, :]) ** 2
    iota = lax.broadcasted_iota(jnp.int32, (BN_ROWS, N), 1)
    iota1 = lax.broadcasted_iota(jnp.int32, (1, N), 1)
    cmb_i = (ora[...] * 4.0 + cha[...]).astype(jnp.int32)[None, :]
    combo_row = iota1 * 4096 + cmb_i
    chr_i = chr_[...].astype(jnp.int32)
    orr_i = orr[...].astype(jnp.int32)
    big = jnp.int32(1 << 30)
    cols_i, cols_d, cols_s, cols_a = [], [], [], []
    cur = d2
    for _t in range(K):
        vmin = jnp.min(cur, axis=1, keepdims=True)
        ismin = cur == vmin
        sel = jnp.min(jnp.where(ismin, combo_row, big), axis=1, keepdims=True)
        cand = lax.shift_right_logical(sel, 12)
        cmb = sel & 4095
        oj = lax.shift_right_logical(cmb, 2)
        cj = cmb & 3
        cols_i.append(cand + b * N)
        cols_d.append(jnp.sqrt(vmin + 1e-8))
        cols_s.append((cj == chr_i).astype(jnp.float32))
        cols_a.append((oj < orr_i).astype(jnp.float32))
        cur = jnp.where(iota == cand, jnp.inf, cur)
    self_g = i * BN_ROWS + lax.broadcasted_iota(jnp.int32, (BN_ROWS, 1), 0)
    zcol = jnp.zeros((BN_ROWS, 1), jnp.float32)
    for _t in range(KP - K):
        cols_i.append(self_g)
        cols_d.append(zcol + 1e-4)
        cols_s.append(zcol + 1.0)
        cols_a.append(zcol)
    idx_ref[...] = jnp.concatenate(cols_i, axis=1)
    dk_ref[...] = jnp.concatenate(cols_d, axis=1)
    same_ref[...] = jnp.concatenate(cols_s, axis=1)
    ar_ref[...] = jnp.concatenate(cols_a, axis=1)


def _knn(C, chain_f, order_f):
    cx, cy, cz = C[:, :, 0].reshape(-1), C[:, :, 1].reshape(-1), C[:, :, 2].reshape(-1)
    grid = (B * N // BN_ROWS,)
    col = lambda: pl.BlockSpec((BN_ROWS, 1), lambda i: (i, 0))
    full = lambda: pl.BlockSpec((N,), lambda i: (i // (N // BN_ROWS),))
    out2 = lambda dt: jax.ShapeDtypeStruct((B * N, KP), dt)
    return pl.pallas_call(
        _knn_body,
        grid=grid,
        in_specs=[col(), col(), col(), col(), col(),
                  full(), full(), full(), full(), full()],
        out_specs=[pl.BlockSpec((BN_ROWS, KP), lambda i: (i, 0))] * 4,
        out_shape=[out2(jnp.int32), out2(jnp.float32), out2(jnp.float32),
                   out2(jnp.float32)],
    )(cx.reshape(-1, 1), cy.reshape(-1, 1), cz.reshape(-1, 1),
      chain_f.reshape(-1, 1), order_f.reshape(-1, 1),
      cx, cy, cz, chain_f.reshape(-1), order_f.reshape(-1))


def _feat_body(dk, same, lcol, emb, wl, centers, W_e, b_e, Rm, W1e, b1, W2, b2,
               e_ref, v_ref, vp_ref, sp_ref):
    dkv = dk[...]
    c_row = centers[...][None, :]
    rbf = jnp.exp(-(((dkv - c_row) / _SIGMA) ** 2))
    wlf = _sin2pi(dkv / wl[...][None, :])
    We = W_e[...]
    e = _mmb(rbf, We[:NRBF]) + _mmb(wlf, We[NRBF:NRBF + 128])
    e = e + same[...] * We[NRBF + 128][None, :] + b_e[...][None, :]
    e_ref[...] = e
    pre = jax.nn.relu(_mmb(e, W1e[...]) + b1[...][None, :])
    t = _mmb(Rm[...], pre) * (1.0 / K)
    v1 = _ln(_mm(t, W2[...]) + b2[...][None, :])
    v_ref[...] = v1
    vp_ref[...] = _pack_bf16(v1)
    lv = lcol[...]
    lc = jnp.clip(lv, 0, NAA)
    oh = (lc == lax.broadcasted_iota(jnp.int32, (NB, NAA + 1), 1)).astype(jnp.float32)
    s = _mm(oh, emb[...]) * (lv >= 0).astype(jnp.float32)
    sp_ref[...] = _pack_bf16(s)


def _featurize(dk_col, same_col, L, emb_S, wl, centers, W_e, b_e,
               W1e, b1, W2, b2):
    grid = (NE // TE,)
    col = pl.BlockSpec((TE, 1), lambda i: (i, 0))
    w128 = pl.BlockSpec((128, 128), lambda i: (0, 0))
    bspec = pl.BlockSpec((128,), lambda i: (0,))
    nspec = pl.BlockSpec((NB, 128), lambda i: (i, 0))
    return pl.pallas_call(
        _feat_body,
        grid=grid,
        in_specs=[col, col,
                  pl.BlockSpec((NB, 1), lambda i: (i, 0)),
                  pl.BlockSpec((NAA + 1, 128), lambda i: (0, 0)),
                  pl.BlockSpec((128,), lambda i: (0,)),
                  pl.BlockSpec((NRBF,), lambda i: (0,)),
                  pl.BlockSpec((NRBF + 129, 128), lambda i: (0, 0)),
                  bspec,
                  pl.BlockSpec((NB, TE), lambda i: (0, 0)),
                  w128, bspec, w128, bspec],
        out_specs=[pl.BlockSpec((TE, 128), lambda i: (i, 0)), nspec,
                   pl.BlockSpec((NB, 64), lambda i: (i, 0)),
                   pl.BlockSpec((NB, 64), lambda i: (i, 0))],
        out_shape=[jax.ShapeDtypeStruct((NE, 128), jnp.float32),
                   jax.ShapeDtypeStruct((B * N, 128), jnp.float32),
                   jax.ShapeDtypeStruct((B * N, 64), jnp.int32),
                   jax.ShapeDtypeStruct((B * N, 64), jnp.int32)],
    )(dk_col, same_col, L.reshape(-1, 1).astype(jnp.int32), emb_S,
      wl, centers, W_e, b_e, _rmat(), W1e, b1, W2, b2)


def _edge_node_body(e, gv, vb, Bm_r, Rm_r, eW1, eb1, eW2, eb2, W1, b1, W2, b2,
                    e_out, v_out, vp_out):
    Bm = Bm_r[...]
    Rm = Rm_r[...]
    ev, gvv, vbv = e[...], gv[...], vb[...]
    eW1v = eW1[...]
    a_e = _mmb(Bm, _mm(vbv, eW1v[0:128]))
    mid = jax.nn.relu(a_e + _mmb(gvv, eW1v[128:256]) + _mmb(ev, eW1v[256:384])
                      + eb1[...][None, :])
    me = _mmb(mid, eW2[...]) + eb2[...][None, :]
    e1 = _ln(ev + me)
    e_out[...] = e1
    W1v = W1[...]
    a_n = _mmb(Bm, _mm(vbv, W1v[0:128]))
    pre = jax.nn.relu(a_n + _mmb(gvv, W1v[128:256]) + _mmb(e1, W1v[256:384])
                      + b1[...][None, :])
    t = _mm(_mmb(Rm, pre) * (1.0 / K), W2[...]) + b2[...][None, :]
    v2 = _ln(vbv + t)
    v_out[...] = v2
    vp_out[...] = _pack_bf16(v2)


def _edge_then_node(E, GV, V, eW1, eb1, eW2, eb2, W1, b1, W2, b2):
    grid = (B * N // NB,)
    espec = pl.BlockSpec((TE, 128), lambda i: (i, 0))
    vspec = pl.BlockSpec((NB, 128), lambda i: (i, 0))
    w384 = pl.BlockSpec((384, 128), lambda i: (0, 0))
    w128 = pl.BlockSpec((128, 128), lambda i: (0, 0))
    bspec = pl.BlockSpec((128,), lambda i: (0,))
    return pl.pallas_call(
        _edge_node_body,
        grid=grid,
        in_specs=[espec, espec, vspec,
                  pl.BlockSpec((TE, NB), lambda i: (0, 0)),
                  pl.BlockSpec((NB, TE), lambda i: (0, 0)),
                  w384, bspec, w128, bspec,
                  w384, bspec, w128, bspec],
        out_specs=[espec, vspec, pl.BlockSpec((NB, 64), lambda i: (i, 0))],
        out_shape=[jax.ShapeDtypeStruct((NE, 128), jnp.float32),
                   jax.ShapeDtypeStruct((B * N, 128), jnp.float32),
                   jax.ShapeDtypeStruct((B * N, 64), jnp.int32)],
    )(E, GV, V, _bmat(), _rmat(), eW1, eb1, eW2, eb2, W1, b1, W2, b2)


def _dec_body(e, g, arc, vb, Bm_r, Rm_r, eW1, eb1, eW2, eb2,
              W1v3, W1e3, W1j3, W1s3, b1_3, W2_3, b2_3, W_out, b_out, o_ref):
    Bm = Bm_r[...]
    Rm = Rm_r[...]
    ev, vbv = e[...], vb[...]
    gval = g[...]
    gvv = _unpack_bf16(gval[:, :64])
    eW1v = eW1[...]
    a_e = _mmb(Bm, _mm(vbv, eW1v[0:128]))
    mid = jax.nn.relu(a_e + _mmb(gvv, eW1v[128:256]) + _mmb(ev, eW1v[256:384])
                      + eb1[...][None, :])
    e3 = _ln(ev + _mmb(mid, eW2[...]) + eb2[...][None, :])
    sj = _unpack_bf16(gval[:, 64:]).astype(jnp.float32) * arc[...]
    vn = vbv
    for l in range(3):
        a_n = _mmb(Bm, _mm(vn, W1v3[l]))
        pre = jax.nn.relu(a_n + _mmb(e3, W1e3[l]) + _mmb(gvv, W1j3[l])
                          + _mmb(sj, W1s3[l]) + b1_3[l][None, :])
        t = _mm(_mmb(Rm, pre) * (1.0 / K), W2_3[l]) + b2_3[l][None, :]
        vn = _ln(vn + t)
    o_ref[...] = _mm(vn, W_out[...]) + b_out[...][None, :]


def _decoder(E, G, ar_col, V, eW1, eb1, eW2, eb2,
             W1v3, W1e3, W1j3, W1s3, b1_3, W2_3, b2_3, W_out, b_out):
    grid = (B * N // NB,)
    espec = pl.BlockSpec((TE, 128), lambda i: (i, 0))
    w3 = pl.BlockSpec((3, 128, 128), lambda i: (0, 0, 0))
    b3 = pl.BlockSpec((3, 128), lambda i: (0, 0))
    return pl.pallas_call(
        _dec_body,
        grid=grid,
        in_specs=[espec, espec,
                  pl.BlockSpec((TE, 1), lambda i: (i, 0)),
                  pl.BlockSpec((NB, 128), lambda i: (i, 0)),
                  pl.BlockSpec((TE, NB), lambda i: (0, 0)),
                  pl.BlockSpec((NB, TE), lambda i: (0, 0)),
                  pl.BlockSpec((384, 128), lambda i: (0, 0)),
                  pl.BlockSpec((128,), lambda i: (0,)),
                  pl.BlockSpec((128, 128), lambda i: (0, 0)),
                  pl.BlockSpec((128,), lambda i: (0,)),
                  w3, w3, w3, w3, b3, w3, b3,
                  pl.BlockSpec((128, NAA), lambda i: (0, 0)),
                  pl.BlockSpec((NAA,), lambda i: (0,))],
        out_specs=pl.BlockSpec((NB, NAA), lambda i: (i, 0)),
        out_shape=jax.ShapeDtypeStruct((B * N, NAA), jnp.float32),
    )(E, G, ar_col, V, _bmat(), _rmat(), eW1, eb1, eW2, eb2,
      W1v3, W1e3, W1j3, W1s3, b1_3, W2_3, b2_3, W_out, b_out)


_SC_NC, _SC_NS = 2, 16
_SC_NW = _SC_NC * _SC_NS
_IDX_ROWS = NE // 128
_ROWS_PER_W = _IDX_ROWS // _SC_NW
_SC_NBUF = 4


def _sc_gather(idx2d, table):
    mesh = plsc.VectorSubcoreMesh(core_axis_name="c", subcore_axis_name="s")
    scratch = []
    for _j in range(_SC_NBUF):
        scratch.append(pltpu.VMEM((128,), jnp.int32))
        scratch.append(pltpu.VMEM((128, 128), jnp.float32))
        scratch.append(pltpu.SemaphoreType.DMA)

    @functools.partial(
        pl.kernel, mesh=mesh,
        out_type=jax.ShapeDtypeStruct((NE, 128), jnp.float32),
        scratch_types=scratch,
    )
    def k(idx_hbm, table_hbm, out_hbm, *bufs):
        idxv = bufs[0::3]
        rows = bufs[1::3]
        sems = bufs[2::3]
        wid = lax.axis_index("s") * _SC_NC + lax.axis_index("c")
        row0 = wid * _ROWS_PER_W

        def body(step, carry):
            base = row0 + step * _SC_NBUF
            for j in range(_SC_NBUF):
                pltpu.sync_copy(idx_hbm.at[base + j], idxv[j])
            cps = [pltpu.async_copy(table_hbm.at[idxv[j]], rows[j], sems[j])
                   for j in range(_SC_NBUF)]
            for j in range(_SC_NBUF):
                cps[j].wait()
                r = base + j
                pltpu.sync_copy(
                    rows[j], out_hbm.at[pl.ds(pl.multiple_of(r * 128, 128), 128)])
            return carry

        lax.fori_loop(0, _ROWS_PER_W // _SC_NBUF, body, 0)

    return k(idx2d, table)


def _sc_gather_packed(idx2d, table):
    mesh = plsc.VectorSubcoreMesh(core_axis_name="c", subcore_axis_name="s")
    scratch = []
    for _j in range(_SC_NBUF):
        scratch.append(pltpu.VMEM((128,), jnp.int32))
        scratch.append(pltpu.VMEM((128, 128), jnp.int32))
        scratch.append(pltpu.SemaphoreType.DMA)

    @functools.partial(
        pl.kernel, mesh=mesh,
        out_type=jax.ShapeDtypeStruct((NE, 128), jnp.int32),
        scratch_types=scratch,
    )
    def k(idx_hbm, table_hbm, out_hbm, *bufs):
        idxv = bufs[0::3]
        rows = bufs[1::3]
        sems = bufs[2::3]
        wid = lax.axis_index("s") * _SC_NC + lax.axis_index("c")
        row0 = wid * _ROWS_PER_W

        def body(step, carry):
            base = row0 + step * _SC_NBUF
            for j in range(_SC_NBUF):
                pltpu.sync_copy(idx_hbm.at[base + j], idxv[j])
            cps = [pltpu.async_copy(table_hbm.at[idxv[j]], rows[j], sems[j])
                   for j in range(_SC_NBUF)]
            for j in range(_SC_NBUF):
                cps[j].wait()
                r = base + j
                pltpu.sync_copy(
                    rows[j], out_hbm.at[pl.ds(pl.multiple_of(r * 128, 128), 128)])
            return carry

        lax.fori_loop(0, _ROWS_PER_W // _SC_NBUF, body, 0)

    return k(idx2d, table)


def kernel(C, L, chain_idxs, decoding_order, wl, emb_S, W_e, b_e,
           enc_W1, enc_b1, enc_W2, enc_b2, enc_eW1, enc_eb1, enc_eW2, enc_eb2,
           dec_W1, dec_b1, dec_W2, dec_b2, W_out, b_out):
    chain_f = chain_idxs.astype(jnp.float32)
    order_f = decoding_order.astype(jnp.float32)

    gidx2, dk2, same2, ar2 = _knn(C, chain_f, order_f)
    idx2d = gidx2.reshape(_IDX_ROWS, 128)
    dk_col = dk2.reshape(NE, 1)
    same_col = same2.reshape(NE, 1)
    ar_col = ar2.reshape(NE, 1)

    centers = jnp.linspace(2.0, 22.0, NRBF)
    E0, V1, V1p, Sp = _featurize(dk_col, same_col, L, emb_S, wl, centers,
                                 W_e, b_e, enc_W1[0, 256:384], enc_b1[0],
                                 enc_W2[0], enc_b2[0])

    GV1 = _sc_gather(idx2d, V1)
    E1, V2, V2p = _edge_then_node(E0, GV1, V1,
                                  enc_eW1[0], enc_eb1[0], enc_eW2[0], enc_eb2[0],
                                  enc_W1[1], enc_b1[1], enc_W2[1], enc_b2[1])
    GV2 = _sc_gather(idx2d, V2)
    E2, V3, V3p = _edge_then_node(E1, GV2, V2,
                                  enc_eW1[1], enc_eb1[1], enc_eW2[1], enc_eb2[1],
                                  enc_W1[2], enc_b1[2], enc_W2[2], enc_b2[2])
    G = _sc_gather_packed(idx2d, jnp.concatenate([V3p, Sp], axis=1))

    out = _decoder(E2, G, ar_col, V3,
                   enc_eW1[2], enc_eb1[2], enc_eW2[2], enc_eb2[2],
                   dec_W1[:, 0:128, :], dec_W1[:, 128:256, :],
                   dec_W1[:, 256:384, :], dec_W1[:, 384:512, :],
                   dec_b1, dec_W2, dec_b2, W_out, b_out)
    return out.reshape(B, N, NAA)

# --- scband reference (transcript-rebuilt; emitter-appended) ---
"""Pipeline reference for scband-proteus-ai-65841848648068 (READ-ONLY COPY).

The authoritative reference and input builder live on the scoring server;
editing this copy changes nothing except your own understanding.
"""

import jax, jax.numpy as jnp
import numpy as np

B, N, K = 4, 1024, 30
De = 128; Dw = 128; Dv = 128; Ds = 128
NRBF = 16
NAA = 20


def _ln(x):
    m = jnp.mean(x, axis=-1, keepdims=True)
    v = jnp.var(x, axis=-1, keepdims=True)
    return (x - m) / jnp.sqrt(v + 1e-5)


def _gather(x, idx):
    # x: [B, N, ...], idx: [B, N, K] -> [B, N, K, ...]
    return jax.vmap(lambda a, i: a[i])(x, idx)


def setup_inputs(seed: int = 0) -> dict:
    key = jax.random.key(seed)
    ks = jax.random.split(key, 30)
    s = 0.05
    inp = {}
    inp['C'] = jax.random.normal(ks[0], (B, N, 3), jnp.float32) * 8.0
    inp['L'] = jax.random.randint(ks[1], (B, N), 0, NAA)
    inp['chain_idxs'] = jax.random.randint(ks[2], (B, N), 0, 4)
    inp['decoding_order'] = jax.random.randint(ks[3], (B, N), 0, N)
    # learned featurizer params
    inp['wl'] = 3.5 + jax.random.uniform(ks[4], (Dw,), jnp.float32) * (12.0 - 3.5)
    inp['emb_S'] = jax.random.normal(ks[5], (NAA + 1, Ds), jnp.float32) * s
    inp['W_e'] = jax.random.normal(ks[6], (Dw + NRBF + 1, De), jnp.float32) * s
    inp['b_e'] = jnp.zeros((De,), jnp.float32)
    # encoder params (3 layers)
    inp['enc_W1'] = jax.random.normal(ks[7], (3, 2 * Dv + De, Dv), jnp.float32) * s
    inp['enc_b1'] = jnp.zeros((3, Dv), jnp.float32)
    inp['enc_W2'] = jax.random.normal(ks[8], (3, Dv, Dv), jnp.float32) * s
    inp['enc_b2'] = jnp.zeros((3, Dv), jnp.float32)
    inp['enc_eW1'] = jax.random.normal(ks[9], (3, 2 * Dv + De, De), jnp.float32) * s
    inp['enc_eb1'] = jnp.zeros((3, De), jnp.float32)
    inp['enc_eW2'] = jax.random.normal(ks[10], (3, De, De), jnp.float32) * s
    inp['enc_eb2'] = jnp.zeros((3, De), jnp.float32)
    # decoder params (3 layers)
    inp['dec_W1'] = jax.random.normal(ks[11], (3, Dv + De + Dv + Ds, Dv), jnp.float32) * s
    inp['dec_b1'] = jnp.zeros((3, Dv), jnp.float32)
    inp['dec_W2'] = jax.random.normal(ks[12], (3, Dv, Dv), jnp.float32) * s
    inp['dec_b2'] = jnp.zeros((3, Dv), jnp.float32)
    inp['W_out'] = jax.random.normal(ks[13], (Dv, NAA), jnp.float32) * s
    inp['b_out'] = jnp.zeros((NAA,), jnp.float32)
    return inp


def reference(C, L, chain_idxs, decoding_order, wl, emb_S, W_e, b_e,
              enc_W1, enc_b1, enc_W2, enc_b2, enc_eW1, enc_eb1, enc_eW2, enc_eb2,
              dec_W1, dec_b1, dec_W2, dec_b2, W_out, b_out):
    # ---- FeaturizeProtein ----
    diff = C[:, :, None, :] - C[:, None, :, :]
    D = jnp.sqrt(jnp.sum(diff * diff, axis=-1) + 1e-8)
    idx = jnp.argsort(D, axis=2)[:, :, :K]               # [B,N,K] kNN indices
    Dk = jnp.take_along_axis(D, idx, axis=2)             # [B,N,K]
    centers = jnp.linspace(2.0, 22.0, NRBF)
    sigma = (22.0 - 2.0) / NRBF
    rbf = jnp.exp(-(((Dk[..., None] - centers) / sigma) ** 2))   # [B,N,K,16]
    wlf = jnp.sin(2.0 * jnp.pi * Dk[..., None] / wl)             # [B,N,K,Dw]
    cj = _gather(chain_idxs, idx)
    same = (cj == chain_idxs[:, :, None]).astype(jnp.float32)[..., None]
    Ef = jnp.concatenate([rbf, wlf, same], axis=-1)
    E = Ef @ W_e + b_e                                   # [B,N,K,De]
    Lc = jnp.clip(L, 0, NAA)
    S = jnp.take(emb_S, Lc, axis=0) * (L >= 0)[..., None].astype(jnp.float32)
    oj = _gather(decoding_order, idx)
    ar = (oj < decoding_order[:, :, None]).astype(jnp.float32)[..., None]  # autoregressive mask
    V = jnp.zeros((B, N, Dv), jnp.float32)
    # ---- Encoder ----
    for l in range(3):
        Vj = _gather(V, idx)
        Vi = jnp.broadcast_to(V[:, :, None, :], (B, N, K, Dv))
        h = jnp.concatenate([Vi, Vj, E], axis=-1)
        m = jax.nn.relu(h @ enc_W1[l] + enc_b1[l]) @ enc_W2[l] + enc_b2[l]
        V = _ln(V + jnp.mean(m, axis=2))
        Vj2 = _gather(V, idx)
        Vi2 = jnp.broadcast_to(V[:, :, None, :], (B, N, K, Dv))
        h2 = jnp.concatenate([Vi2, Vj2, E], axis=-1)
        me = jax.nn.relu(h2 @ enc_eW1[l] + enc_eb1[l]) @ enc_eW2[l] + enc_eb2[l]
        E = _ln(E + me)
    # ---- Decoder (autoregressively masked sequence features) ----
    Vn = V
    Vj = _gather(V, idx)
    Sj = _gather(S, idx) * ar
    for l in range(3):
        Vni = jnp.broadcast_to(Vn[:, :, None, :], (B, N, K, Dv))
        h = jnp.concatenate([Vni, E, Vj, Sj], axis=-1)
        m = jax.nn.relu(h @ dec_W1[l] + dec_b1[l]) @ dec_W2[l] + dec_b2[l]
        Vn = _ln(Vn + jnp.mean(m, axis=2))
    return Vn @ W_out + b_out

if __name__ == "__main__":
    import jax
    _d = setup_inputs()
    print(jax.jit(kernel)(*tuple(_d.values())))

</pallas_src>

<mosaic_0001>
#map = affine_map<(d0, d1) -> (0, 0)>
module attributes {stable_mosaic.version = 14 : i64} {
  func.func @k(%arg0: i32, %arg1: i32, %arg2: memref<1024x128xi32, #tpu.memory_space<hbm>>, %arg3: memref<4096x128xf32, #tpu.memory_space<hbm>>, %arg4: memref<131072x128xf32, #tpu.memory_space<hbm>>, %arg5: memref<128xi32, #tpu.memory_space<vmem>>, %arg6: memref<128x128xf32, #tpu.memory_space<vmem>>, %arg7: memref<!tpu.dma_semaphore, #tpu.memory_space<semaphore_mem>>, %arg8: memref<128xi32, #tpu.memory_space<vmem>>, %arg9: memref<128x128xf32, #tpu.memory_space<vmem>>, %arg10: memref<!tpu.dma_semaphore, #tpu.memory_space<semaphore_mem>>, %arg11: memref<128xi32, #tpu.memory_space<vmem>>, %arg12: memref<128x128xf32, #tpu.memory_space<vmem>>, %arg13: memref<!tpu.dma_semaphore, #tpu.memory_space<semaphore_mem>>, %arg14: memref<128xi32, #tpu.memory_space<vmem>>, %arg15: memref<128x128xf32, #tpu.memory_space<vmem>>, %arg16: memref<!tpu.dma_semaphore, #tpu.memory_space<semaphore_mem>>) attributes {dimension_semantics = [#tpu.dimension_semantics<core_parallel>, #tpu.dimension_semantics<subcore_parallel>], iteration_bounds = array<i64: 2, 16>, scalar_prefetch = 0 : i64, scratch_operands = 12 : i64, tpu.core_type = #tpu.core_type<sc_vector_subcore>, window_params = [{transform_indices = #map}, {transform_indices = #map}, {transform_indices = #map}]} {
    %mul3A = arith.constant 2 : i32
    %mul3A_0 = arith.muli %arg1, %mul3A : i32
    %add3A = arith.addi %mul3A_0, %arg0 : i32
    %mul3A_1 = arith.constant 32 : i32
    %mul3A_2 = arith.muli %add3A, %mul3A_1 : i32
    %scan3A = arith.constant 0 : i32
    %scan3A_3 = arith.constant 0 : i32
    %scan3A_4 = arith.constant 8 : i32
    %scan3A_5 = arith.addi %scan3A_3, %scan3A_4 : i32
    %scan3A_6 = arith.constant 1 : i32
    scf.for %scan3A_8 = %scan3A_3 to %scan3A_5 step %scan3A_6  : i32 {
      %mul3A_9 = arith.constant 4 : i32
      %mul3A_10 = arith.muli %scan3A_8, %mul3A_9 : i32
      %add3A_11 = arith.addi %mul3A_2, %mul3A_10 : i32
      %add3A_12 = arith.constant 0 : i32
      %add3A_13 = arith.addi %add3A_11, %add3A_12 : i32
      "tpu.region"() ({
        %run_scoped3A = tpu.sem_alloc : memref<!tpu.dma_semaphore, #tpu.memory_space<semaphore_mem>>
        %dma_start3A_61 = arith.constant 0 : i32
        %dma_start3A_62 = tpu.memref_slice %arg2[%add3A_13, %dma_start3A_61] : memref<1024x128xi32, #tpu.memory_space<hbm>> -> memref<1x128xi32, #tpu.memory_space<hbm>>
        %dma_start3A_63 = tpu.memref_squeeze %dma_start3A_62 : memref<1x128xi32, #tpu.memory_space<hbm>> -> memref<128xi32, #tpu.memory_space<hbm>>
        %dma_start3A_64 = arith.constant 0 : i32
        %dma_start3A_65 = tpu.memref_slice %arg2[%add3A_13, %dma_start3A_64] : memref<1024x128xi32, #tpu.memory_space<hbm>> -> memref<1x128xi32, #tpu.memory_space<hbm>>
        %dma_start3A_66 = tpu.memref_squeeze %dma_start3A_65 : memref<1x128xi32, #tpu.memory_space<hbm>> -> memref<128xi32, #tpu.memory_space<hbm>>
        tpu.enqueue_dma source(%dma_start3A_66 : memref<128xi32, #tpu.memory_space<hbm>>) target(%arg5 : memref<128xi32, #tpu.memory_space<vmem>>) target_semaphore(%run_scoped3A : memref<!tpu.dma_semaphore, #tpu.memory_space<semaphore_mem>>)
        %dma_wait3A_67 = arith.constant 0 : i32
        %dma_wait3A_68 = tpu.memref_slice %arg2[%add3A_13, %dma_wait3A_67] : memref<1024x128xi32, #tpu.memory_space<hbm>> -> memref<1x128xi32, #tpu.memory_space<hbm>>
        %dma_wait3A_69 = tpu.memref_squeeze %dma_wait3A_68 : memref<1x128xi32, #tpu.memory_space<hbm>> -> memref<128xi32, #tpu.memory_space<hbm>>
        %dma_wait3A_70 = arith.constant 0 : i32
        %dma_wait3A_71 = tpu.memref_slice %arg2[%add3A_13, %dma_wait3A_70] : memref<1024x128xi32, #tpu.memory_space<hbm>> -> memref<1x128xi32, #tpu.memory_space<hbm>>
        %dma_wait3A_72 = tpu.memref_squeeze %dma_wait3A_71 : memref<1x128xi32, #tpu.memory_space<hbm>> -> memref<128xi32, #tpu.memory_space<hbm>>
        tpu.wait_dma2 semaphore(%run_scoped3A : memref<!tpu.dma_semaphore, #tpu.memory_space<semaphore_mem>>) src(%dma_wait3A_72 : memref<128xi32, #tpu.memory_space<hbm>>) dst(%arg5 : memref<128xi32, #tpu.memory_space<vmem>>)
        tpu.yield
      }) : () -> ()
      %add3A_14 = arith.constant 1 : i32
      %add3A_15 = arith.addi %add3A_11, %add3A_14 : i32
      "tpu.region"() ({
        %run_scoped3A = tpu.sem_alloc : memref<!tpu.dma_semaphore, #tpu.memory_space<semaphore_mem>>
        %dma_start3A_61 = arith.constant 0 : i32
        %dma_start3A_62 = tpu.memref_slice %arg2[%add3A_15, %dma_start3A_61] : memref<1024x128xi32, #tpu.memory_space<hbm>> -> memref<1x128xi32, #tpu.memory_space<hbm>>
        %dma_start3A_63 = tpu.memref_squeeze %dma_start3A_62 : memref<1x128xi32, #tpu.memory_space<hbm>> -> memref<128xi32, #tpu.memory_space<hbm>>
        %dma_start3A_64 = arith.constant 0 : i32
        %dma_start3A_65 = tpu.memref_slice %arg2[%add3A_15, %dma_start3A_64] : memref<1024x128xi32, #tpu.memory_space<hbm>> -> memref<1x128xi32, #tpu.memory_space<hbm>>
        %dma_start3A_66 = tpu.memref_squeeze %dma_start3A_65 : memref<1x128xi32, #tpu.memory_space<hbm>> -> memref<128xi32, #tpu.memory_space<hbm>>
        tpu.enqueue_dma source(%dma_start3A_66 : memref<128xi32, #tpu.memory_space<hbm>>) target(%arg8 : memref<128xi32, #tpu.memory_space<vmem>>) target_semaphore(%run_scoped3A : memref<!tpu.dma_semaphore, #tpu.memory_space<semaphore_mem>>)
        %dma_wait3A_67 = arith.constant 0 : i32
        %dma_wait3A_68 = tpu.memref_slice %arg2[%add3A_15, %dma_wait3A_67] : memref<1024x128xi32, #tpu.memory_space<hbm>> -> memref<1x128xi32, #tpu.memory_space<hbm>>
        %dma_wait3A_69 = tpu.memref_squeeze %dma_wait3A_68 : memref<1x128xi32, #tpu.memory_space<hbm>> -> memref<128xi32, #tpu.memory_space<hbm>>
        %dma_wait3A_70 = arith.constant 0 : i32
        %dma_wait3A_71 = tpu.memref_slice %arg2[%add3A_15, %dma_wait3A_70] : memref<1024x128xi32, #tpu.memory_space<hbm>> -> memref<1x128xi32, #tpu.memory_space<hbm>>
        %dma_wait3A_72 = tpu.memref_squeeze %dma_wait3A_71 : memref<1x128xi32, #tpu.memory_space<hbm>> -> memref<128xi32, #tpu.memory_space<hbm>>
        tpu.wait_dma2 semaphore(%run_scoped3A : memref<!tpu.dma_semaphore, #tpu.memory_space<semaphore_mem>>) src(%dma_wait3A_72 : memref<128xi32, #tpu.memory_space<hbm>>) dst(%arg8 : memref<128xi32, #tpu.memory_space<vmem>>)
        tpu.yield
      }) : () -> ()
      %add3A_16 = arith.constant 2 : i32
      %add3A_17 = arith.addi %add3A_11, %add3A_16 : i32
      "tpu.region"() ({
        %run_scoped3A = tpu.sem_alloc : memref<!tpu.dma_semaphore, #tpu.memory_space<semaphore_mem>>
        %dma_start3A_61 = arith.constant 0 : i32
        %dma_start3A_62 = tpu.memref_slice %arg2[%add3A_17, %dma_start3A_61] : memref<1024x128xi32, #tpu.memory_space<hbm>> -> memref<1x128xi32, #tpu.memory_space<hbm>>
        %dma_start3A_63 = tpu.memref_squeeze %dma_start3A_62 : memref<1x128xi32, #tpu.memory_space<hbm>> -> memref<128xi32, #tpu.memory_space<hbm>>
        %dma_start3A_64 = arith.constant 0 : i32
        %dma_start3A_65 = tpu.memref_slice %arg2[%add3A_17, %dma_start3A_64] : memref<1024x128xi32, #tpu.memory_space<hbm>> -> memref<1x128xi32, #tpu.memory_space<hbm>>
        %dma_start3A_66 = tpu.memref_squeeze %dma_start3A_65 : memref<1x128xi32, #tpu.memory_space<hbm>> -> memref<128xi32, #tpu.memory_space<hbm>>
        tpu.enqueue_dma source(%dma_start3A_66 : memref<128xi32, #tpu.memory_space<hbm>>) target(%arg11 : memref<128xi32, #tpu.memory_space<vmem>>) target_semaphore(%run_scoped3A : memref<!tpu.dma_semaphore, #tpu.memory_space<semaphore_mem>>)
        %dma_wait3A_67 = arith.constant 0 : i32
        %dma_wait3A_68 = tpu.memref_slice %arg2[%add3A_17, %dma_wait3A_67] : memref<1024x128xi32, #tpu.memory_space<hbm>> -> memref<1x128xi32, #tpu.memory_space<hbm>>
        %dma_wait3A_69 = tpu.memref_squeeze %dma_wait3A_68 : memref<1x128xi32, #tpu.memory_space<hbm>> -> memref<128xi32, #tpu.memory_space<hbm>>
        %dma_wait3A_70 = arith.constant 0 : i32
        %dma_wait3A_71 = tpu.memref_slice %arg2[%add3A_17, %dma_wait3A_70] : memref<1024x128xi32, #tpu.memory_space<hbm>> -> memref<1x128xi32, #tpu.memory_space<hbm>>
        %dma_wait3A_72 = tpu.memref_squeeze %dma_wait3A_71 : memref<1x128xi32, #tpu.memory_space<hbm>> -> memref<128xi32, #tpu.memory_space<hbm>>
        tpu.wait_dma2 semaphore(%run_scoped3A : memref<!tpu.dma_semaphore, #tpu.memory_space<semaphore_mem>>) src(%dma_wait3A_72 : memref<128xi32, #tpu.memory_space<hbm>>) dst(%arg11 : memref<128xi32, #tpu.memory_space<vmem>>)
        tpu.yield
      }) : () -> ()
      %add3A_18 = arith.constant 3 : i32
      %add3A_19 = arith.addi %add3A_11, %add3A_18 : i32
      "tpu.region"() ({
        %run_scoped3A = tpu.sem_alloc : memref<!tpu.dma_semaphore, #tpu.memory_space<semaphore_mem>>
        %dma_start3A_61 = arith.constant 0 : i32
        %dma_start3A_62 = tpu.memref_slice %arg2[%add3A_19, %dma_start3A_61] : memref<1024x128xi32, #tpu.memory_space<hbm>> -> memref<1x128xi32, #tpu.memory_space<hbm>>
        %dma_start3A_63 = tpu.memref_squeeze %dma_start3A_62 : memref<1x128xi32, #tpu.memory_space<hbm>> -> memref<128xi32, #tpu.memory_space<hbm>>
        %dma_start3A_64 = arith.constant 0 : i32
        %dma_start3A_65 = tpu.memref_slice %arg2[%add3A_19, %dma_start3A_64] : memref<1024x128xi32, #tpu.memory_space<hbm>> -> memref<1x128xi32, #tpu.memory_space<hbm>>
        %dma_start3A_66 = tpu.memref_squeeze %dma_start3A_65 : memref<1x128xi32, #tpu.memory_space<hbm>> -> memref<128xi32, #tpu.memory_space<hbm>>
        tpu.enqueue_dma source(%dma_start3A_66 : memref<128xi32, #tpu.memory_space<hbm>>) target(%arg14 : memref<128xi32, #tpu.memory_space<vmem>>) target_semaphore(%run_scoped3A : memref<!tpu.dma_semaphore, #tpu.memory_space<semaphore_mem>>)
        %dma_wait3A_67 = arith.constant 0 : i32
        %dma_wait3A_68 = tpu.memref_slice %arg2[%add3A_19, %dma_wait3A_67] : memref<1024x128xi32, #tpu.memory_space<hbm>> -> memref<1x128xi32, #tpu.memory_space<hbm>>
        %dma_wait3A_69 = tpu.memref_squeeze %dma_wait3A_68 : memref<1x128xi32, #tpu.memory_space<hbm>> -> memref<128xi32, #tpu.memory_space<hbm>>
        %dma_wait3A_70 = arith.constant 0 : i32
        %dma_wait3A_71 = tpu.memref_slice %arg2[%add3A_19, %dma_wait3A_70] : memref<1024x128xi32, #tpu.memory_space<hbm>> -> memref<1x128xi32, #tpu.memory_space<hbm>>
        %dma_wait3A_72 = tpu.memref_squeeze %dma_wait3A_71 : memref<1x128xi32, #tpu.memory_space<hbm>> -> memref<128xi32, #tpu.memory_space<hbm>>
        tpu.wait_dma2 semaphore(%run_scoped3A : memref<!tpu.dma_semaphore, #tpu.memory_space<semaphore_mem>>) src(%dma_wait3A_72 : memref<128xi32, #tpu.memory_space<hbm>>) dst(%arg14 : memref<128xi32, #tpu.memory_space<vmem>>)
        tpu.yield
      }) : () -> ()
      %dma_start3A = arith.constant 0 : i32
      %dma_start3A_20 = arith.constant 0 : i32
      %dma_start3A_21 = tpu.memref_slice %arg3[%dma_start3A, %dma_start3A_20] : memref<4096x128xf32, #tpu.memory_space<hbm>> -> memref<4096x128xf32, #tpu.memory_space<hbm>>
      tpu.enqueue_indirect_dma source(%dma_start3A_21 : memref<4096x128xf32, #tpu.memory_space<hbm>>) target(%arg6 : memref<128x128xf32, #tpu.memory_space<vmem>>) offsets(%arg5 : memref<128xi32, #tpu.memory_space<vmem>>) semaphore(%arg7 : memref<!tpu.dma_semaphore, #tpu.memory_space<semaphore_mem>>)
      %dma_start3A_22 = arith.constant 0 : i32
      %dma_start3A_23 = arith.constant 0 : i32
      %dma_start3A_24 = tpu.memref_slice %arg3[%dma_start3A_22, %dma_start3A_23] : memref<4096x128xf32, #tpu.memory_space<hbm>> -> memref<4096x128xf32, #tpu.memory_space<hbm>>
      tpu.enqueue_indirect_dma source(%dma_start3A_24 : memref<4096x128xf32, #tpu.memory_space<hbm>>) target(%arg9 : memref<128x128xf32, #tpu.memory_space<vmem>>) offsets(%arg8 : memref<128xi32, #tpu.memory_space<vmem>>) semaphore(%arg10 : memref<!tpu.dma_semaphore, #tpu.memory_space<semaphore_mem>>)
      %dma_start3A_25 = arith.constant 0 : i32
      %dma_start3A_26 = arith.constant 0 : i32
      %dma_start3A_27 = tpu.memref_slice %arg3[%dma_start3A_25, %dma_start3A_26] : memref<4096x128xf32, #tpu.memory_space<hbm>> -> memref<4096x128xf32, #tpu.memory_space<hbm>>
      tpu.enqueue_indirect_dma source(%dma_start3A_27 : memref<4096x128xf32, #tpu.memory_space<hbm>>) target(%arg12 : memref<128x128xf32, #tpu.memory_space<vmem>>) offsets(%arg11 : memref<128xi32, #tpu.memory_space<vmem>>) semaphore(%arg13 : memref<!tpu.dma_semaphore, #tpu.memory_space<semaphore_mem>>)
      %dma_start3A_28 = arith.constant 0 : i32
      %dma_start3A_29 = arith.constant 0 : i32
      %dma_start3A_30 = tpu.memref_slice %arg3[%dma_start3A_28, %dma_start3A_29] : memref<4096x128xf32, #tpu.memory_space<hbm>> -> memref<4096x128xf32, #tpu.memory_space<hbm>>
      tpu.enqueue_indirect_dma source(%dma_start3A_30 : memref<4096x128xf32, #tpu.memory_space<hbm>>) target(%arg15 : memref<128x128xf32, #tpu.memory_space<vmem>>) offsets(%arg14 : memref<128xi32, #tpu.memory_space<vmem>>) semaphore(%arg16 : memref<!tpu.dma_semaphore, #tpu.memory_space<semaphore_mem>>)
      %dma_wait3A = arith.constant 0 : i32
      %dma_wait3A_31 = arith.constant 0 : i32
      %dma_wait3A_32 = tpu.memref_slice %arg3[%dma_wait3A, %dma_wait3A_31] : memref<4096x128xf32, #tpu.memory_space<hbm>> -> memref<4096x128xf32, #tpu.memory_space<hbm>>
      tpu.wait_indirect_dma semaphore(%arg7 : memref<!tpu.dma_semaphore, #tpu.memory_space<semaphore_mem>>) src(%dma_wait3A_32 : memref<4096x128xf32, #tpu.memory_space<hbm>>) dst(%arg6 : memref<128x128xf32, #tpu.memory_space<vmem>>)
      %add3A_33 = arith.constant 0 : i32
      %add3A_34 = arith.addi %add3A_11, %add3A_33 : i32
      %mul3A_35 = arith.constant 128 : i32
      %mul3A_36 = arith.muli %add3A_34, %mul3A_35 : i32
      %multiple_of3A = tpu.assume_multiple %mul3A_36, 128 : i32
      "tpu.region"() ({
        %run_scoped3A = tpu.sem_alloc : memref<!tpu.dma_semaphore, #tpu.memory_space<semaphore_mem>>
        %dma_start3A_61 = arith.constant 0 : i32
        %dma_start3A_62 = tpu.memref_slice %arg4[%multiple_of3A, %dma_start3A_61] : memref<131072x128xf32, #tpu.memory_space<hbm>> -> memref<128x128xf32, #tpu.memory_space<hbm>>
        %dma_start3A_63 = arith.constant 0 : i32
        %dma_start3A_64 = tpu.memref_slice %arg4[%multiple_of3A, %dma_start3A_63] : memref<131072x128xf32, #tpu.memory_space<hbm>> -> memref<128x128xf32, #tpu.memory_space<hbm>>
        tpu.enqueue_dma source(%arg6 : memref<128x128xf32, #tpu.memory_space<vmem>>) target(%dma_start3A_64 : memref<128x128xf32, #tpu.memory_space<hbm>>) target_semaphore(%run_scoped3A : memref<!tpu.dma_semaphore, #tpu.memory_space<semaphore_mem>>)
        %dma_wait3A_65 = arith.constant 0 : i32
        %dma_wait3A_66 = tpu.memref_slice %arg4[%multiple_of3A, %dma_wait3A_65] : memref<131072x128xf32, #tpu.memory_space<hbm>> -> memref<128x128xf32, #tpu.memory_space<hbm>>
        %dma_wait3A_67 = arith.constant 0 : i32
        %dma_wait3A_68 = tpu.memref_slice %arg4[%multiple_of3A, %dma_wait3A_67] : memref<131072x128xf32, #tpu.memory_space<hbm>> -> memref<128x128xf32, #tpu.memory_space<hbm>>
        tpu.wait_dma2 semaphore(%run_scoped3A : memref<!tpu.dma_semaphore, #tpu.memory_space<semaphore_mem>>) src(%arg6 : memref<128x128xf32, #tpu.memory_space<vmem>>) dst(%dma_wait3A_68 : memref<128x128xf32, #tpu.memory_space<hbm>>)
        tpu.yield
      }) : () -> ()
      %dma_wait3A_37 = arith.constant 0 : i32
      %dma_wait3A_38 = arith.constant 0 : i32
      %dma_wait3A_39 = tpu.memref_slice %arg3[%dma_wait3A_37, %dma_wait3A_38] : memref<4096x128xf32, #tpu.memory_space<hbm>> -> memref<4096x128xf32, #tpu.memory_space<hbm>>
      tpu.wait_indirect_dma semaphore(%arg10 : memref<!tpu.dma_semaphore, #tpu.memory_space<semaphore_mem>>) src(%dma_wait3A_39 : memref<4096x128xf32, #tpu.memory_space<hbm>>) dst(%arg9 : memref<128x128xf32, #tpu.memory_space<vmem>>)
      %add3A_40 = arith.constant 1 : i32
      %add3A_41 = arith.addi %add3A_11, %add3A_40 : i32
      %mul3A_42 = arith.constant 128 : i32
      %mul3A_43 = arith.muli %add3A_41, %mul3A_42 : i32
      %multiple_of3A_44 = tpu.assume_multiple %mul3A_43, 128 : i32
      "tpu.region"() ({
        %run_scoped3A = tpu.sem_alloc : memref<!tpu.dma_semaphore, #tpu.memory_space<semaphore_mem>>
        %dma_start3A_61 = arith.constant 0 : i32
        %dma_start3A_62 = tpu.memref_slice %arg4[%multiple_of3A_44, %dma_start3A_61] : memref<131072x128xf32, #tpu.memory_space<hbm>> -> memref<128x128xf32, #tpu.memory_space<hbm>>
        %dma_start3A_63 = arith.constant 0 : i32
        %dma_start3A_64 = tpu.memref_slice %arg4[%multiple_of3A_44, %dma_start3A_63] : memref<131072x128xf32, #tpu.memory_space<hbm>> -> memref<128x128xf32, #tpu.memory_space<hbm>>
        tpu.enqueue_dma source(%arg9 : memref<128x128xf32, #tpu.memory_space<vmem>>) target(%dma_start3A_64 : memref<128x128xf32, #tpu.memory_space<hbm>>) target_semaphore(%run_scoped3A : memref<!tpu.dma_semaphore, #tpu.memory_space<semaphore_mem>>)
        %dma_wait3A_65 = arith.constant 0 : i32
        %dma_wait3A_66 = tpu.memref_slice %arg4[%multiple_of3A_44, %dma_wait3A_65] : memref<131072x128xf32, #tpu.memory_space<hbm>> -> memref<128x128xf32, #tpu.memory_space<hbm>>
        %dma_wait3A_67 = arith.constant 0 : i32
        %dma_wait3A_68 = tpu.memref_slice %arg4[%multiple_of3A_44, %dma_wait3A_67] : memref<131072x128xf32, #tpu.memory_space<hbm>> -> memref<128x128xf32, #tpu.memory_space<hbm>>
        tpu.wait_dma2 semaphore(%run_scoped3A : memref<!tpu.dma_semaphore, #tpu.memory_space<semaphore_mem>>) src(%arg9 : memref<128x128xf32, #tpu.memory_space<vmem>>) dst(%dma_wait3A_68 : memref<128x128xf32, #tpu.memory_space<hbm>>)
        tpu.yield
      }) : () -> ()
      %dma_wait3A_45 = arith.constant 0 : i32
      %dma_wait3A_46 = arith.constant 0 : i32
      %dma_wait3A_47 = tpu.memref_slice %arg3[%dma_wait3A_45, %dma_wait3A_46] : memref<4096x128xf32, #tpu.memory_space<hbm>> -> memref<4096x128xf32, #tpu.memory_space<hbm>>
      tpu.wait_indirect_dma semaphore(%arg13 : memref<!tpu.dma_semaphore, #tpu.memory_space<semaphore_mem>>) src(%dma_wait3A_47 : memref<4096x128xf32, #tpu.memory_space<hbm>>) dst(%arg12 : memref<128x128xf32, #tpu.memory_space<vmem>>)
      %add3A_48 = arith.constant 2 : i32
      %add3A_49 = arith.addi %add3A_11, %add3A_48 : i32
      %mul3A_50 = arith.constant 128 : i32
      %mul3A_51 = arith.muli %add3A_49, %mul3A_50 : i32
      %multiple_of3A_52 = tpu.assume_multiple %mul3A_51, 128 : i32
      "tpu.region"() ({
        %run_scoped3A = tpu.sem_alloc : memref<!tpu.dma_semaphore, #tpu.memory_space<semaphore_mem>>
        %dma_start3A_61 = arith.constant 0 : i32
        %dma_start3A_62 = tpu.memref_slice %arg4[%multiple_of3A_52, %dma_start3A_61] : memref<131072x128xf32, #tpu.memory_space<hbm>> -> memref<128x128xf32, #tpu.memory_space<hbm>>
        %dma_start3A_63 = arith.constant 0 : i32
        %dma_start3A_64 = tpu.memref_slice %arg4[%multiple_of3A_52, %dma_start3A_63] : memref<131072x128xf32, #tpu.memory_space<hbm>> -> memref<128x128xf32, #tpu.memory_space<hbm>>
        tpu.enqueue_dma source(%arg12 : memref<128x128xf32, #tpu.memory_space<vmem>>) target(%dma_start3A_64 : memref<128x128xf32, #tpu.memory_space<hbm>>) target_semaphore(%run_scoped3A : memref<!tpu.dma_semaphore, #tpu.memory_space<semaphore_mem>>)
        %dma_wait3A_65 = arith.constant 0 : i32
        %dma_wait3A_66 = tpu.memref_slice %arg4[%multiple_of3A_52, %dma_wait3A_65] : memref<131072x128xf32, #tpu.memory_space<hbm>> -> memref<128x128xf32, #tpu.memory_space<hbm>>
        %dma_wait3A_67 = arith.constant 0 : i32
        %dma_wait3A_68 = tpu.memref_slice %arg4[%multiple_of3A_52, %dma_wait3A_67] : memref<131072x128xf32, #tpu.memory_space<hbm>> -> memref<128x128xf32, #tpu.memory_space<hbm>>
        tpu.wait_dma2 semaphore(%run_scoped3A : memref<!tpu.dma_semaphore, #tpu.memory_space<semaphore_mem>>) src(%arg12 : memref<128x128xf32, #tpu.memory_space<vmem>>) dst(%dma_wait3A_68 : memref<128x128xf32, #tpu.memory_space<hbm>>)
        tpu.yield
      }) : () -> ()
      %dma_wait3A_53 = arith.constant 0 : i32
      %dma_wait3A_54 = arith.constant 0 : i32
      %dma_wait3A_55 = tpu.memref_slice %arg3[%dma_wait3A_53, %dma_wait3A_54] : memref<4096x128xf32, #tpu.memory_space<hbm>> -> memref<4096x128xf32, #tpu.memory_space<hbm>>
      tpu.wait_indirect_dma semaphore(%arg16 : memref<!tpu.dma_semaphore, #tpu.memory_space<semaphore_mem>>) src(%dma_wait3A_55 : memref<4096x128xf32, #tpu.memory_space<hbm>>) dst(%arg15 : memref<128x128xf32, #tpu.memory_space<vmem>>)
      %add3A_56 = arith.constant 3 : i32
      %add3A_57 = arith.addi %add3A_11, %add3A_56 : i32
      %mul3A_58 = arith.constant 128 : i32
      %mul3A_59 = arith.muli %add3A_57, %mul3A_58 : i32
      %multiple_of3A_60 = tpu.assume_multiple %mul3A_59, 128 : i32
      "tpu.region"() ({
        %run_scoped3A = tpu.sem_alloc : memref<!tpu.dma_semaphore, #tpu.memory_space<semaphore_mem>>
        %dma_start3A_61 = arith.constant 0 : i32
        %dma_start3A_62 = tpu.memref_slice %arg4[%multiple_of3A_60, %dma_start3A_61] : memref<131072x128xf32, #tpu.memory_space<hbm>> -> memref<128x128xf32, #tpu.memory_space<hbm>>
        %dma_start3A_63 = arith.constant 0 : i32
        %dma_start3A_64 = tpu.memref_slice %arg4[%multiple_of3A_60, %dma_start3A_63] : memref<131072x128xf32, #tpu.memory_space<hbm>> -> memref<128x128xf32, #tpu.memory_space<hbm>>
        tpu.enqueue_dma source(%arg15 : memref<128x128xf32, #tpu.memory_space<vmem>>) target(%dma_start3A_64 : memref<128x128xf32, #tpu.memory_space<hbm>>) target_semaphore(%run_scoped3A : memref<!tpu.dma_semaphore, #tpu.memory_space<semaphore_mem>>)
        %dma_wait3A_65 = arith.constant 0 : i32
        %dma_wait3A_66 = tpu.memref_slice %arg4[%multiple_of3A_60, %dma_wait3A_65] : memref<131072x128xf32, #tpu.memory_space<hbm>> -> memref<128x128xf32, #tpu.memory_space<hbm>>
        %dma_wait3A_67 = arith.constant 0 : i32
        %dma_wait3A_68 = tpu.memref_slice %arg4[%multiple_of3A_60, %dma_wait3A_67] : memref<131072x128xf32, #tpu.memory_space<hbm>> -> memref<128x128xf32, #tpu.memory_space<hbm>>
        tpu.wait_dma2 semaphore(%run_scoped3A : memref<!tpu.dma_semaphore, #tpu.memory_space<semaphore_mem>>) src(%arg15 : memref<128x128xf32, #tpu.memory_space<vmem>>) dst(%dma_wait3A_68 : memref<128x128xf32, #tpu.memory_space<hbm>>)
        tpu.yield
      }) : () -> ()
    }
    %scan3A_7 = arith.constant 8 : i32
    return
  }
}

#map = affine_map<(d0, d1) -> (0, 0)>
module attributes {stable_mosaic.version = 14 : i64} {
  func.func @k(%arg0: i32, %arg1: i32, %arg2: memref<1024x128xi32, #tpu.memory_space<hbm>>, %arg3: memref<4096x128xf32, #tpu.memory_space<hbm>>, %arg4: memref<131072x128xf32, #tpu.memory_space<hbm>>, %arg5: memref<128xi32, #tpu.memory_space<vmem>>, %arg6: memref<128x128xf32, #tpu.memory_space<vmem>>, %arg7: memref<!tpu.dma_semaphore, #tpu.memory_space<semaphore_mem>>, %arg8: memref<128xi32, #tpu.memory_space<vmem>>, %arg9: memref<128x128xf32, #tpu.memory_space<vmem>>, %arg10: memref<!tpu.dma_semaphore, #tpu.memory_space<semaphore_mem>>, %arg11: memref<128xi32, #tpu.memory_space<vmem>>, %arg12: memref<128x128xf32, #tpu.memory_space<vmem>>, %arg13: memref<!tpu.dma_semaphore, #tpu.memory_space<semaphore_mem>>, %arg14: memref<128xi32, #tpu.memory_space<vmem>>, %arg15: memref<128x128xf32, #tpu.memory_space<vmem>>, %arg16: memref<!tpu.dma_semaphore, #tpu.memory_space<semaphore_mem>>) attributes {dimension_semantics = [#tpu.dimension_semantics<core_parallel>, #tpu.dimension_semantics<subcore_parallel>], iteration_bounds = array<i64: 2, 16>, scalar_prefetch = 0 : i64, scratch_operands = 12 : i64, tpu.core_type = #tpu.core_type<sc_vector_subcore>, window_params = [{transform_indices = #map}, {transform_indices = #map}, {transform_indices = #map}]} {
    %mul3A = arith.constant 2 : i32
    %mul3A_0 = arith.muli %arg1, %mul3A : i32
    %add3A = arith.addi %mul3A_0, %arg0 : i32
    %mul3A_1 = arith.constant 32 : i32
    %mul3A_2 = arith.muli %add3A, %mul3A_1 : i32
    %scan3A = arith.constant 0 : i32
    %scan3A_3 = arith.constant 0 : i32
    %scan3A_4 = arith.constant 8 : i32
    %scan3A_5 = arith.addi %scan3A_3, %scan3A_4 : i32
    %scan3A_6 = arith.constant 1 : i32
    scf.for %scan3A_8 = %scan3A_3 to %scan3A_5 step %scan3A_6  : i32 {
      %mul3A_9 = arith.constant 4 : i32
      %mul3A_10 = arith.muli %scan3A_8, %mul3A_9 : i32
      %add3A_11 = arith.addi %mul3A_2, %mul3A_10 : i32
      %add3A_12 = arith.constant 0 : i32
      %add3A_13 = arith.addi %add3A_11, %add3A_12 : i32
      "tpu.region"() ({
        %run_scoped3A = tpu.sem_alloc : memref<!tpu.dma_semaphore, #tpu.memory_space<semaphore_mem>>
        %dma_start3A_61 = arith.constant 0 : i32
        %dma_start3A_62 = tpu.memref_slice %arg2[%add3A_13, %dma_start3A_61] : memref<1024x128xi32, #tpu.memory_space<hbm>> -> memref<1x128xi32, #tpu.memory_space<hbm>>
        %dma_start3A_63 = tpu.memref_squeeze %dma_start3A_62 : memref<1x128xi32, #tpu.memory_space<hbm>> -> memref<128xi32, #tpu.memory_space<hbm>>
        %dma_start3A_64 = arith.constant 0 : i32
        %dma_start3A_65 = tpu.memref_slice %arg2[%add3A_13, %dma_start3A_64] : memref<1024x128xi32, #tpu.memory_space<hbm>> -> memref<1x128xi32, #tpu.memory_space<hbm>>
        %dma_start3A_66 = tpu.memref_squeeze %dma_start3A_65 : memref<1x128xi32, #tpu.memory_space<hbm>> -> memref<128xi32, #tpu.memory_space<hbm>>
        tpu.enqueue_dma source(%dma_start3A_66 : memref<128xi32, #tpu.memory_space<hbm>>) target(%arg5 : memref<128xi32, #tpu.memory_space<vmem>>) target_semaphore(%run_scoped3A : memref<!tpu.dma_semaphore, #tpu.memory_space<semaphore_mem>>)
        %dma_wait3A_67 = arith.constant 0 : i32
        %dma_wait3A_68 = tpu.memref_slice %arg2[%add3A_13, %dma_wait3A_67] : memref<1024x128xi32, #tpu.memory_space<hbm>> -> memref<1x128xi32, #tpu.memory_space<hbm>>
        %dma_wait3A_69 = tpu.memref_squeeze %dma_wait3A_68 : memref<1x128xi32, #tpu.memory_space<hbm>> -> memref<128xi32, #tpu.memory_space<hbm>>
        %dma_wait3A_70 = arith.constant 0 : i32
        %dma_wait3A_71 = tpu.memref_slice %arg2[%add3A_13, %dma_wait3A_70] : memref<1024x128xi32, #tpu.memory_space<hbm>> -> memref<1x128xi32, #tpu.memory_space<hbm>>
        %dma_wait3A_72 = tpu.memref_squeeze %dma_wait3A_71 : memref<1x128xi32, #tpu.memory_space<hbm>> -> memref<128xi32, #tpu.memory_space<hbm>>
        tpu.wait_dma2 semaphore(%run_scoped3A : memref<!tpu.dma_semaphore, #tpu.memory_space<semaphore_mem>>) src(%dma_wait3A_72 : memref<128xi32, #tpu.memory_space<hbm>>) dst(%arg5 : memref<128xi32, #tpu.memory_space<vmem>>)
        tpu.yield
      }) : () -> ()
      %add3A_14 = arith.constant 1 : i32
      %add3A_15 = arith.addi %add3A_11, %add3A_14 : i32
      "tpu.region"() ({
        %run_scoped3A = tpu.sem_alloc : memref<!tpu.dma_semaphore, #tpu.memory_space<semaphore_mem>>
        %dma_start3A_61 = arith.constant 0 : i32
        %dma_start3A_62 = tpu.memref_slice %arg2[%add3A_15, %dma_start3A_61] : memref<1024x128xi32, #tpu.memory_space<hbm>> -> memref<1x128xi32, #tpu.memory_space<hbm>>
        %dma_start3A_63 = tpu.memref_squeeze %dma_start3A_62 : memref<1x128xi32, #tpu.memory_space<hbm>> -> memref<128xi32, #tpu.memory_space<hbm>>
        %dma_start3A_64 = arith.constant 0 : i32
        %dma_start3A_65 = tpu.memref_slice %arg2[%add3A_15, %dma_start3A_64] : memref<1024x128xi32, #tpu.memory_space<hbm>> -> memref<1x128xi32, #tpu.memory_space<hbm>>
        %dma_start3A_66 = tpu.memref_squeeze %dma_start3A_65 : memref<1x128xi32, #tpu.memory_space<hbm>> -> memref<128xi32, #tpu.memory_space<hbm>>
        tpu.enqueue_dma source(%dma_start3A_66 : memref<128xi32, #tpu.memory_space<hbm>>) target(%arg8 : memref<128xi32, #tpu.memory_space<vmem>>) target_semaphore(%run_scoped3A : memref<!tpu.dma_semaphore, #tpu.memory_space<semaphore_mem>>)
        %dma_wait3A_67 = arith.constant 0 : i32
        %dma_wait3A_68 = tpu.memref_slice %arg2[%add3A_15, %dma_wait3A_67] : memref<1024x128xi32, #tpu.memory_space<hbm>> -> memref<1x128xi32, #tpu.memory_space<hbm>>
        %dma_wait3A_69 = tpu.memref_squeeze %dma_wait3A_68 : memref<1x128xi32, #tpu.memory_space<hbm>> -> memref<128xi32, #tpu.memory_space<hbm>>
        %dma_wait3A_70 = arith.constant 0 : i32
        %dma_wait3A_71 = tpu.memref_slice %arg2[%add3A_15, %dma_wait3A_70] : memref<1024x128xi32, #tpu.memory_space<hbm>> -> memref<1x128xi32, #tpu.memory_space<hbm>>
        %dma_wait3A_72 = tpu.memref_squeeze %dma_wait3A_71 : memref<1x128xi32, #tpu.memory_space<hbm>> -> memref<128xi32, #tpu.memory_space<hbm>>
        tpu.wait_dma2 semaphore(%run_scoped3A : memref<!tpu.dma_semaphore, #tpu.memory_space<semaphore_mem>>) src(%dma_wait3A_72 : memref<128xi32, #tpu.memory_space<hbm>>) dst(%arg8 : memref<128xi32, #tpu.memory_space<vmem>>)
        tpu.yield
      }) : () -> ()
      %add3A_16 = arith.constant 2 : i32
      %add3A_17 = arith.addi %add3A_11, %add3A_16 : i32
      "tpu.region"() ({
        %run_scoped3A = tpu.sem_alloc : memref<!tpu.dma_semaphore, #tpu.memory_space<semaphore_mem>>
        %dma_start3A_61 = arith.constant 0 : i32
        %dma_start3A_62 = tpu.memref_slice %arg2[%add3A_17, %dma_start3A_61] : memref<1024x128xi32, #tpu.memory_space<hbm>> -> memref<1x128xi32, #tpu.memory_space<hbm>>
        %dma_start3A_63 = tpu.memref_squeeze %dma_start3A_62 : memref<1x128xi32, #tpu.memory_space<hbm>> -> memref<128xi32, #tpu.memory_space<hbm>>
        %dma_start3A_64 = arith.constant 0 : i32
        %dma_start3A_65 = tpu.memref_slice %arg2[%add3A_17, %dma_start3A_64] : memref<1024x128xi32, #tpu.memory_space<hbm>> -> memref<1x128xi32, #tpu.memory_space<hbm>>
        %dma_start3A_66 = tpu.memref_squeeze %dma_start3A_65 : memref<1x128xi32, #tpu.memory_space<hbm>> -> memref<128xi32, #tpu.memory_space<hbm>>
        tpu.enqueue_dma source(%dma_start3A_66 : memref<128xi32, #tpu.memory_space<hbm>>) target(%arg11 : memref<128xi32, #tpu.memory_space<vmem>>) target_semaphore(%run_scoped3A : memref<!tpu.dma_semaphore, #tpu.memory_space<semaphore_mem>>)
        %dma_wait3A_67 = arith.constant 0 : i32
        %dma_wait3A_68 = tpu.memref_slice %arg2[%add3A_17, %dma_wait3A_67] : memref<1024x128xi32, #tpu.memory_space<hbm>> -> memref<1x128xi32, #tpu.memory_space<hbm>>
        %dma_wait3A_69 = tpu.memref_squeeze %dma_wait3A_68 : memref<1x128xi32, #tpu.memory_space<hbm>> -> memref<128xi32, #tpu.memory_space<hbm>>
        %dma_wait3A_70 = arith.constant 0 : i32
        %dma_wait3A_71 = tpu.memref_slice %arg2[%add3A_17, %dma_wait3A_70] : memref<1024x128xi32, #tpu.memory_space<hbm>> -> memref<1x128xi32, #tpu.memory_space<hbm>>
        %dma_wait3A_72 = tpu.memref_squeeze %dma_wait3A_71 : memref<1x128xi32, #tpu.memory_space<hbm>> -> memref<128xi32, #tpu.memory_space<hbm>>
        tpu.wait_dma2 semaphore(%run_scoped3A : memref<!tpu.dma_semaphore, #tpu.memory_space<semaphore_mem>>) src(%dma_wait3A_72 : memref<128xi32, #tpu.memory_space<hbm>>) dst(%arg11 : memref<128xi32, #tpu.memory_space<vmem>>)
        tpu.yield
      }) : () -> ()
      %add3A_18 = arith.constant 3 : i32
      %add3A_19 = arith.addi %add3A_11, %add3A_18 : i32
      "tpu.region"() ({
        %run_scoped3A = tpu.sem_alloc : memref<!tpu.dma_semaphore, #tpu.memory_space<semaphore_mem>>
        %dma_start3A_61 = arith.constant 0 : i32
        %dma_start3A_62 = tpu.memref_slice %arg2[%add3A_19, %dma_start3A_61] : memref<1024x128xi32, #tpu.memory_space<hbm>> -> memref<1x128xi32, #tpu.memory_space<hbm>>
        %dma_start3A_63 = tpu.memref_squeeze %dma_start3A_62 : memref<1x128xi32, #tpu.memory_space<hbm>> -> memref<128xi32, #tpu.memory_space<hbm>>
        %dma_start3A_64 = arith.constant 0 : i32
        %dma_start3A_65 = tpu.memref_slice %arg2[%add3A_19, %dma_start3A_64] : memref<1024x128xi32, #tpu.memory_space<hbm>> -> memref<1x128xi32, #tpu.memory_space<hbm>>
        %dma_start3A_66 = tpu.memref_squeeze %dma_start3A_65 : memref<1x128xi32, #tpu.memory_space<hbm>> -> memref<128xi32, #tpu.memory_space<hbm>>
        tpu.enqueue_dma source(%dma_start3A_66 : memref<128xi32, #tpu.memory_space<hbm>>) target(%arg14 : memref<128xi32, #tpu.memory_space<vmem>>) target_semaphore(%run_scoped3A : memref<!tpu.dma_semaphore, #tpu.memory_space<semaphore_mem>>)
        %dma_wait3A_67 = arith.constant 0 : i32
        %dma_wait3A_68 = tpu.memref_slice %arg2[%add3A_19, %dma_wait3A_67] : memref<1024x128xi32, #tpu.memory_space<hbm>> -> memref<1x128xi32, #tpu.memory_space<hbm>>
        %dma_wait3A_69 = tpu.memref_squeeze %dma_wait3A_68 : memref<1x128xi32, #tpu.memory_space<hbm>> -> memref<128xi32, #tpu.memory_space<hbm>>
        %dma_wait3A_70 = arith.constant 0 : i32
        %dma_wait3A_71 = tpu.memref_slice %arg2[%add3A_19, %dma_wait3A_70] : memref<1024x128xi32, #tpu.memory_space<hbm>> -> memref<1x128xi32, #tpu.memory_space<hbm>>
        %dma_wait3A_72 = tpu.memref_squeeze %dma_wait3A_71 : memref<1x128xi32, #tpu.memory_space<hbm>> -> memref<128xi32, #tpu.memory_space<hbm>>
        tpu.wait_dma2 semaphore(%run_scoped3A : memref<!tpu.dma_semaphore, #tpu.memory_space<semaphore_mem>>) src(%dma_wait3A_72 : memref<128xi32, #tpu.memory_space<hbm>>) dst(%arg14 : memref<128xi32, #tpu.memory_space<vmem>>)
        tpu.yield
      }) : () -> ()
      %dma_start3A = arith.constant 0 : i32
      %dma_start3A_20 = arith.constant 0 : i32
      %dma_start3A_21 = tpu.memref_slice %arg3[%dma_start3A, %dma_start3A_20] : memref<4096x128xf32, #tpu.memory_space<hbm>> -> memref<4096x128xf32, #tpu.memory_space<hbm>>
      tpu.enqueue_indirect_dma source(%dma_start3A_21 : memref<4096x128xf32, #tpu.memory_space<hbm>>) target(%arg6 : memref<128x128xf32, #tpu.memory_space<vmem>>) offsets(%arg5 : memref<128xi32, #tpu.memory_space<vmem>>) semaphore(%arg7 : memref<!tpu.dma_semaphore, #tpu.memory_space<semaphore_mem>>)
      %dma_start3A_22 = arith.constant 0 : i32
      %dma_start3A_23 = arith.constant 0 : i32
      %dma_start3A_24 = tpu.memref_slice %arg3[%dma_start3A_22, %dma_start3A_23] : memref<4096x128xf32, #tpu.memory_space<hbm>> -> memref<4096x128xf32, #tpu.memory_space<hbm>>
      tpu.enqueue_indirect_dma source(%dma_start3A_24 : memref<4096x128xf32, #tpu.memory_space<hbm>>) target(%arg9 : memref<128x128xf32, #tpu.memory_space<vmem>>) offsets(%arg8 : memref<128xi32, #tpu.memory_space<vmem>>) semaphore(%arg10 : memref<!tpu.dma_semaphore, #tpu.memory_space<semaphore_mem>>)
      %dma_start3A_25 = arith.constant 0 : i32
      %dma_start3A_26 = arith.constant 0 : i32
      %dma_start3A_27 = tpu.memref_slice %arg3[%dma_start3A_25, %dma_start3A_26] : memref<4096x128xf32, #tpu.memory_space<hbm>> -> memref<4096x128xf32, #tpu.memory_space<hbm>>
      tpu.enqueue_indirect_dma source(%dma_start3A_27 : memref<4096x128xf32, #tpu.memory_space<hbm>>) target(%arg12 : memref<128x128xf32, #tpu.memory_space<vmem>>) offsets(%arg11 : memref<128xi32, #tpu.memory_space<vmem>>) semaphore(%arg13 : memref<!tpu.dma_semaphore, #tpu.memory_space<semaphore_mem>>)
      %dma_start3A_28 = arith.constant 0 : i32
      %dma_start3A_29 = arith.constant 0 : i32
      %dma_start3A_30 = tpu.memref_slice %arg3[%dma_start3A_28, %dma_start3A_29] : memref<4096x128xf32, #tpu.memory_space<hbm>> -> memref<4096x128xf32, #tpu.memory_space<hbm>>
      tpu.enqueue_indirect_dma source(%dma_start3A_30 : memref<4096x128xf32, #tpu.memory_space<hbm>>) target(%arg15 : memref<128x128xf32, #tpu.memory_space<vmem>>) offsets(%arg14 : memref<128xi32, #tpu.memory_space<vmem>>) semaphore(%arg16 : memref<!tpu.dma_semaphore, #tpu.memory_space<semaphore_mem>>)
      %dma_wait3A = arith.constant 0 : i32
      %dma_wait3A_31 = arith.constant 0 : i32
      %dma_wait3A_32 = tpu.memref_slice %arg3[%dma_wait3A, %dma_wait3A_31] : memref<4096x128xf32, #tpu.memory_space<hbm>> -> memref<4096x128xf32, #tpu.memory_space<hbm>>
      tpu.wait_indirect_dma semaphore(%arg7 : memref<!tpu.dma_semaphore, #tpu.memory_space<semaphore_mem>>) src(%dma_wait3A_32 : memref<4096x128xf32, #tpu.memory_space<hbm>>) dst(%arg6 : memref<128x128xf32, #tpu.memory_space<vmem>>)
      %add3A_33 = arith.constant 0 : i32
      %add3A_34 = arith.addi %add3A_11, %add3A_33 : i32
      %mul3A_35 = arith.constant 128 : i32
      %mul3A_36 = arith.muli %add3A_34, %mul3A_35 : i32
      %multiple_of3A = tpu.assume_multiple %mul3A_36, 128 : i32
      "tpu.region"() ({
        %run_scoped3A = tpu.sem_alloc : memref<!tpu.dma_semaphore, #tpu.memory_space<semaphore_mem>>
        %dma_start3A_61 = arith.constant 0 : i32
        %dma_start3A_62 = tpu.memref_slice %arg4[%multiple_of3A, %dma_start3A_61] : memref<131072x128xf32, #tpu.memory_space<hbm>> -> memref<128x128xf32, #tpu.memory_space<hbm>>
        %dma_start3A_63 = arith.constant 0 : i32
        %dma_start3A_64 = tpu.memref_slice %arg4[%multiple_of3A, %dma_start3A_63] : memref<131072x128xf32, #tpu.memory_space<hbm>> -> memref<128x128xf32, #tpu.memory_space<hbm>>
        tpu.enqueue_dma source(%arg6 : memref<128x128xf32, #tpu.memory_space<vmem>>) target(%dma_start3A_64 : memref<128x128xf32, #tpu.memory_space<hbm>>) target_semaphore(%run_scoped3A : memref<!tpu.dma_semaphore, #tpu.memory_space<semaphore_mem>>)
        %dma_wait3A_65 = arith.constant 0 : i32
        %dma_wait3A_66 = tpu.memref_slice %arg4[%multiple_of3A, %dma_wait3A_65] : memref<131072x128xf32, #tpu.memory_space<hbm>> -> memref<128x128xf32, #tpu.memory_space<hbm>>
        %dma_wait3A_67 = arith.constant 0 : i32
        %dma_wait3A_68 = tpu.memref_slice %arg4[%multiple_of3A, %dma_wait3A_67] : memref<131072x128xf32, #tpu.memory_space<hbm>> -> memref<128x128xf32, #tpu.memory_space<hbm>>
        tpu.wait_dma2 semaphore(%run_scoped3A : memref<!tpu.dma_semaphore, #tpu.memory_space<semaphore_mem>>) src(%arg6 : memref<128x128xf32, #tpu.memory_space<vmem>>) dst(%dma_wait3A_68 : memref<128x128xf32, #tpu.memory_space<hbm>>)
        tpu.yield
      }) : () -> ()
      %dma_wait3A_37 = arith.constant 0 : i32
      %dma_wait3A_38 = arith.constant 0 : i32
      %dma_wait3A_39 = tpu.memref_slice %arg3[%dma_wait3A_37, %dma_wait3A_38] : memref<4096x128xf32, #tpu.memory_space<hbm>> -> memref<4096x128xf32, #tpu.memory_space<hbm>>
      tpu.wait_indirect_dma semaphore(%arg10 : memref<!tpu.dma_semaphore, #tpu.memory_space<semaphore_mem>>) src(%dma_wait3A_39 : memref<4096x128xf32, #tpu.memory_space<hbm>>) dst(%arg9 : memref<128x128xf32, #tpu.memory_space<vmem>>)
      %add3A_40 = arith.constant 1 : i32
      %add3A_41 = arith.addi %add3A_11, %add3A_40 : i32
      %mul3A_42 = arith.constant 128 : i32
      %mul3A_43 = arith.muli %add3A_41, %mul3A_42 : i32
      %multiple_of3A_44 = tpu.assume_multiple %mul3A_43, 128 : i32
      "tpu.region"() ({
        %run_scoped3A = tpu.sem_alloc : memref<!tpu.dma_semaphore, #tpu.memory_space<semaphore_mem>>
        %dma_start3A_61 = arith.constant 0 : i32
        %dma_start3A_62 = tpu.memref_slice %arg4[%multiple_of3A_44, %dma_start3A_61] : memref<131072x128xf32, #tpu.memory_space<hbm>> -> memref<128x128xf32, #tpu.memory_space<hbm>>
        %dma_start3A_63 = arith.constant 0 : i32
        %dma_start3A_64 = tpu.memref_slice %arg4[%multiple_of3A_44, %dma_start3A_63] : memref<131072x128xf32, #tpu.memory_space<hbm>> -> memref<128x128xf32, #tpu.memory_space<hbm>>
        tpu.enqueue_dma source(%arg9 : memref<128x128xf32, #tpu.memory_space<vmem>>) target(%dma_start3A_64 : memref<128x128xf32, #tpu.memory_space<hbm>>) target_semaphore(%run_scoped3A : memref<!tpu.dma_semaphore, #tpu.memory_space<semaphore_mem>>)
        %dma_wait3A_65 = arith.constant 0 : i32
        %dma_wait3A_66 = tpu.memref_slice %arg4[%multiple_of3A_44, %dma_wait3A_65] : memref<131072x128xf32, #tpu.memory_space<hbm>> -> memref<128x128xf32, #tpu.memory_space<hbm>>
        %dma_wait3A_67 = arith.constant 0 : i32
        %dma_wait3A_68 = tpu.memref_slice %arg4[%multiple_of3A_44, %dma_wait3A_67] : memref<131072x128xf32, #tpu.memory_space<hbm>> -> memref<128x128xf32, #tpu.memory_space<hbm>>
        tpu.wait_dma2 semaphore(%run_scoped3A : memref<!tpu.dma_semaphore, #tpu.memory_space<semaphore_mem>>) src(%arg9 : memref<128x128xf32, #tpu.memory_space<vmem>>) dst(%dma_wait3A_68 : memref<128x128xf32, #tpu.memory_space<hbm>>)
        tpu.yield
      }) : () -> ()
      %dma_wait3A_45 = arith.constant 0 : i32
      %dma_wait3A_46 = arith.constant 0 : i32
      %dma_wait3A_47 = tpu.memref_slice %arg3[%dma_wait3A_45, %dma_wait3A_46] : memref<4096x128xf32, #tpu.memory_space<hbm>> -> memref<4096x128xf32, #tpu.memory_space<hbm>>
      tpu.wait_indirect_dma semaphore(%arg13 : memref<!tpu.dma_semaphore, #tpu.memory_space<semaphore_mem>>) src(%dma_wait3A_47 : memref<4096x128xf32, #tpu.memory_space<hbm>>) dst(%arg12 : memref<128x128xf32, #tpu.memory_space<vmem>>)
      %add3A_48 = arith.constant 2 : i32
      %add3A_49 = arith.addi %add3A_11, %add3A_48 : i32
      %mul3A_50 = arith.constant 128 : i32
      %mul3A_51 = arith.muli %add3A_49, %mul3A_50 : i32
      %multiple_of3A_52 = tpu.assume_multiple %mul3A_51, 128 : i32
      "tpu.region"() ({
        %run_scoped3A = tpu.sem_alloc : memref<!tpu.dma_semaphore, #tpu.memory_space<semaphore_mem>>
        %dma_start3A_61 = arith.constant 0 : i32
        %dma_start3A_62 = tpu.memref_slice %arg4[%multiple_of3A_52, %dma_start3A_61] : memref<131072x128xf32, #tpu.memory_space<hbm>> -> memref<128x128xf32, #tpu.memory_space<hbm>>
        %dma_start3A_63 = arith.constant 0 : i32
        %dma_start3A_64 = tpu.memref_slice %arg4[%multiple_of3A_52, %dma_start3A_63] : memref<131072x128xf32, #tpu.memory_space<hbm>> -> memref<128x128xf32, #tpu.memory_space<hbm>>
        tpu.enqueue_dma source(%arg12 : memref<128x128xf32, #tpu.memory_space<vmem>>) target(%dma_start3A_64 : memref<128x128xf32, #tpu.memory_space<hbm>>) target_semaphore(%run_scoped3A : memref<!tpu.dma_semaphore, #tpu.memory_space<semaphore_mem>>)
        %dma_wait3A_65 = arith.constant 0 : i32
        %dma_wait3A_66 = tpu.memref_slice %arg4[%multiple_of3A_52, %dma_wait3A_65] : memref<131072x128xf32, #tpu.memory_space<hbm>> -> memref<128x128xf32, #tpu.memory_space<hbm>>
        %dma_wait3A_67 = arith.constant 0 : i32
        %dma_wait3A_68 = tpu.memref_slice %arg4[%multiple_of3A_52, %dma_wait3A_67] : memref<131072x128xf32, #tpu.memory_space<hbm>> -> memref<128x128xf32, #tpu.memory_space<hbm>>
        tpu.wait_dma2 semaphore(%run_scoped3A : memref<!tpu.dma_semaphore, #tpu.memory_space<semaphore_mem>>) src(%arg12 : memref<128x128xf32, #tpu.memory_space<vmem>>) dst(%dma_wait3A_68 : memref<128x128xf32, #tpu.memory_space<hbm>>)
        tpu.yield
      }) : () -> ()
      %dma_wait3A_53 = arith.constant 0 : i32
      %dma_wait3A_54 = arith.constant 0 : i32
      %dma_wait3A_55 = tpu.memref_slice %arg3[%dma_wait3A_53, %dma_wait3A_54] : memref<4096x128xf32, #tpu.memory_space<hbm>> -> memref<4096x128xf32, #tpu.memory_space<hbm>>
      tpu.wait_indirect_dma semaphore(%arg16 : memref<!tpu.dma_semaphore, #tpu.memory_space<semaphore_mem>>) src(%dma_wait3A_55 : memref<4096x128xf32, #tpu.memory_space<hbm>>) dst(%arg15 : memref<128x128xf32, #tpu.memory_space<vmem>>)
      %add3A_56 = arith.constant 3 : i32
      %add3A_57 = arith.addi %add3A_11, %add3A_56 : i32
      %mul3A_58 = arith.constant 128 : i32
      %mul3A_59 = arith.muli %add3A_57, %mul3A_58 : i32
      %multiple_of3A_60 = tpu.assume_multiple %mul3A_59, 128 : i32
      "tpu.region"() ({
        %run_scoped3A = tpu.sem_alloc : memref<!tpu.dma_semaphore, #tpu.memory_space<semaphore_mem>>
        %dma_start3A_61 = arith.constant 0 : i32
        %dma_start3A_62 = tpu.memref_slice %arg4[%multiple_of3A_60, %dma_start3A_61] : memref<131072x128xf32, #tpu.memory_space<hbm>> -> memref<128x128xf32, #tpu.memory_space<hbm>>
        %dma_start3A_63 = arith.constant 0 : i32
        %dma_start3A_64 = tpu.memref_slice %arg4[%multiple_of3A_60, %dma_start3A_63] : memref<131072x128xf32, #tpu.memory_space<hbm>> -> memref<128x128xf32, #tpu.memory_space<hbm>>
        tpu.enqueue_dma source(%arg15 : memref<128x128xf32, #tpu.memory_space<vmem>>) target(%dma_start3A_64 : memref<128x128xf32, #tpu.memory_space<hbm>>) target_semaphore(%run_scoped3A : memref<!tpu.dma_semaphore, #tpu.memory_space<semaphore_mem>>)
        %dma_wait3A_65 = arith.constant 0 : i32
        %dma_wait3A_66 = tpu.memref_slice %arg4[%multiple_of3A_60, %dma_wait3A_65] : memref<131072x128xf32, #tpu.memory_space<hbm>> -> memref<128x128xf32, #tpu.memory_space<hbm>>
        %dma_wait3A_67 = arith.constant 0 : i32
        %dma_wait3A_68 = tpu.memref_slice %arg4[%multiple_of3A_60, %dma_wait3A_67] : memref<131072x128xf32, #tpu.memory_space<hbm>> -> memref<128x128xf32, #tpu.memory_space<hbm>>
        tpu.wait_dma2 semaphore(%run_scoped3A : memref<!tpu.dma_semaphore, #tpu.memory_space<semaphore_mem>>) src(%arg15 : memref<128x128xf32, #tpu.memory_space<vmem>>) dst(%dma_wait3A_68 : memref<128x128xf32, #tpu.memory_space<hbm>>)
        tpu.yield
      }) : () -> ()
    }
    %scan3A_7 = arith.constant 8 : i32
    return
  }
}

#map = affine_map<(d0, d1) -> (0, 0)>
module attributes {stable_mosaic.version = 14 : i64} {
  func.func @k(%arg0: i32, %arg1: i32, %arg2: memref<1024x128xi32, #tpu.memory_space<hbm>>, %arg3: memref<4096x128xi32, #tpu.memory_space<hbm>>, %arg4: memref<131072x128xi32, #tpu.memory_space<hbm>>, %arg5: memref<128xi32, #tpu.memory_space<vmem>>, %arg6: memref<128x128xi32, #tpu.memory_space<vmem>>, %arg7: memref<!tpu.dma_semaphore, #tpu.memory_space<semaphore_mem>>, %arg8: memref<128xi32, #tpu.memory_space<vmem>>, %arg9: memref<128x128xi32, #tpu.memory_space<vmem>>, %arg10: memref<!tpu.dma_semaphore, #tpu.memory_space<semaphore_mem>>, %arg11: memref<128xi32, #tpu.memory_space<vmem>>, %arg12: memref<128x128xi32, #tpu.memory_space<vmem>>, %arg13: memref<!tpu.dma_semaphore, #tpu.memory_space<semaphore_mem>>, %arg14: memref<128xi32, #tpu.memory_space<vmem>>, %arg15: memref<128x128xi32, #tpu.memory_space<vmem>>, %arg16: memref<!tpu.dma_semaphore, #tpu.memory_space<semaphore_mem>>) attributes {dimension_semantics = [#tpu.dimension_semantics<core_parallel>, #tpu.dimension_semantics<subcore_parallel>], iteration_bounds = array<i64: 2, 16>, scalar_prefetch = 0 : i64, scratch_operands = 12 : i64, tpu.core_type = #tpu.core_type<sc_vector_subcore>, window_params = [{transform_indices = #map}, {transform_indices = #map}, {transform_indices = #map}]} {
    %mul3A = arith.constant 2 : i32
    %mul3A_0 = arith.muli %arg1, %mul3A : i32
    %add3A = arith.addi %mul3A_0, %arg0 : i32
    %mul3A_1 = arith.constant 32 : i32
    %mul3A_2 = arith.muli %add3A, %mul3A_1 : i32
    %scan3A = arith.constant 0 : i32
    %scan3A_3 = arith.constant 0 : i32
    %scan3A_4 = arith.constant 8 : i32
    %scan3A_5 = arith.addi %scan3A_3, %scan3A_4 : i32
    %scan3A_6 = arith.constant 1 : i32
    scf.for %scan3A_8 = %scan3A_3 to %scan3A_5 step %scan3A_6  : i32 {
      %mul3A_9 = arith.constant 4 : i32
      %mul3A_10 = arith.muli %scan3A_8, %mul3A_9 : i32
      %add3A_11 = arith.addi %mul3A_2, %mul3A_10 : i32
      %add3A_12 = arith.constant 0 : i32
      %add3A_13 = arith.addi %add3A_11, %add3A_12 : i32
      "tpu.region"() ({
        %run_scoped3A = tpu.sem_alloc : memref<!tpu.dma_semaphore, #tpu.memory_space<semaphore_mem>>
        %dma_start3A_61 = arith.constant 0 : i32
        %dma_start3A_62 = tpu.memref_slice %arg2[%add3A_13, %dma_start3A_61] : memref<1024x128xi32, #tpu.memory_space<hbm>> -> memref<1x128xi32, #tpu.memory_space<hbm>>
        %dma_start3A_63 = tpu.memref_squeeze %dma_start3A_62 : memref<1x128xi32, #tpu.memory_space<hbm>> -> memref<128xi32, #tpu.memory_space<hbm>>
        %dma_start3A_64 = arith.constant 0 : i32
        %dma_start3A_65 = tpu.memref_slice %arg2[%add3A_13, %dma_start3A_64] : memref<1024x128xi32, #tpu.memory_space<hbm>> -> memref<1x128xi32, #tpu.memory_space<hbm>>
        %dma_start3A_66 = tpu.memref_squeeze %dma_start3A_65 : memref<1x128xi32, #tpu.memory_space<hbm>> -> memref<128xi32, #tpu.memory_space<hbm>>
        tpu.enqueue_dma source(%dma_start3A_66 : memref<128xi32, #tpu.memory_space<hbm>>) target(%arg5 : memref<128xi32, #tpu.memory_space<vmem>>) target_semaphore(%run_scoped3A : memref<!tpu.dma_semaphore, #tpu.memory_space<semaphore_mem>>)
        %dma_wait3A_67 = arith.constant 0 : i32
        %dma_wait3A_68 = tpu.memref_slice %arg2[%add3A_13, %dma_wait3A_67] : memref<1024x128xi32, #tpu.memory_space<hbm>> -> memref<1x128xi32, #tpu.memory_space<hbm>>
        %dma_wait3A_69 = tpu.memref_squeeze %dma_wait3A_68 : memref<1x128xi32, #tpu.memory_space<hbm>> -> memref<128xi32, #tpu.memory_space<hbm>>
        %dma_wait3A_70 = arith.constant 0 : i32
        %dma_wait3A_71 = tpu.memref_slice %arg2[%add3A_13, %dma_wait3A_70] : memref<1024x128xi32, #tpu.memory_space<hbm>> -> memref<1x128xi32, #tpu.memory_space<hbm>>
        %dma_wait3A_72 = tpu.memref_squeeze %dma_wait3A_71 : memref<1x128xi32, #tpu.memory_space<hbm>> -> memref<128xi32, #tpu.memory_space<hbm>>
        tpu.wait_dma2 semaphore(%run_scoped3A : memref<!tpu.dma_semaphore, #tpu.memory_space<semaphore_mem>>) src(%dma_wait3A_72 : memref<128xi32, #tpu.memory_space<hbm>>) dst(%arg5 : memref<128xi32, #tpu.memory_space<vmem>>)
        tpu.yield
      }) : () -> ()
      %add3A_14 = arith.constant 1 : i32
      %add3A_15 = arith.addi %add3A_11, %add3A_14 : i32
      "tpu.region"() ({
        %run_scoped3A = tpu.sem_alloc : memref<!tpu.dma_semaphore, #tpu.memory_space<semaphore_mem>>
        %dma_start3A_61 = arith.constant 0 : i32
        %dma_start3A_62 = tpu.memref_slice %arg2[%add3A_15, %dma_start3A_61] : memref<1024x128xi32, #tpu.memory_space<hbm>> -> memref<1x128xi32, #tpu.memory_space<hbm>>
        %dma_start3A_63 = tpu.memref_squeeze %dma_start3A_62 : memref<1x128xi32, #tpu.memory_space<hbm>> -> memref<128xi32, #tpu.memory_space<hbm>>
        %dma_start3A_64 = arith.constant 0 : i32
        %dma_start3A_65 = tpu.memref_slice %arg2[%add3A_15, %dma_start3A_64] : memref<1024x128xi32, #tpu.memory_space<hbm>> -> memref<1x128xi32, #tpu.memory_space<hbm>>
        %dma_start3A_66 = tpu.memref_squeeze %dma_start3A_65 : memref<1x128xi32, #tpu.memory_space<hbm>> -> memref<128xi32, #tpu.memory_space<hbm>>
        tpu.enqueue_dma source(%dma_start3A_66 : memref<128xi32, #tpu.memory_space<hbm>>) target(%arg8 : memref<128xi32, #tpu.memory_space<vmem>>) target_semaphore(%run_scoped3A : memref<!tpu.dma_semaphore, #tpu.memory_space<semaphore_mem>>)
        %dma_wait3A_67 = arith.constant 0 : i32
        %dma_wait3A_68 = tpu.memref_slice %arg2[%add3A_15, %dma_wait3A_67] : memref<1024x128xi32, #tpu.memory_space<hbm>> -> memref<1x128xi32, #tpu.memory_space<hbm>>
        %dma_wait3A_69 = tpu.memref_squeeze %dma_wait3A_68 : memref<1x128xi32, #tpu.memory_space<hbm>> -> memref<128xi32, #tpu.memory_space<hbm>>
        %dma_wait3A_70 = arith.constant 0 : i32
        %dma_wait3A_71 = tpu.memref_slice %arg2[%add3A_15, %dma_wait3A_70] : memref<1024x128xi32, #tpu.memory_space<hbm>> -> memref<1x128xi32, #tpu.memory_space<hbm>>
        %dma_wait3A_72 = tpu.memref_squeeze %dma_wait3A_71 : memref<1x128xi32, #tpu.memory_space<hbm>> -> memref<128xi32, #tpu.memory_space<hbm>>
        tpu.wait_dma2 semaphore(%run_scoped3A : memref<!tpu.dma_semaphore, #tpu.memory_space<semaphore_mem>>) src(%dma_wait3A_72 : memref<128xi32, #tpu.memory_space<hbm>>) dst(%arg8 : memref<128xi32, #tpu.memory_space<vmem>>)
        tpu.yield
      }) : () -> ()
      %add3A_16 = arith.constant 2 : i32
      %add3A_17 = arith.addi %add3A_11, %add3A_16 : i32
      "tpu.region"() ({
        %run_scoped3A = tpu.sem_alloc : memref<!tpu.dma_semaphore, #tpu.memory_space<semaphore_mem>>
        %dma_start3A_61 = arith.constant 0 : i32
        %dma_start3A_62 = tpu.memref_slice %arg2[%add3A_17, %dma_start3A_61] : memref<1024x128xi32, #tpu.memory_space<hbm>> -> memref<1x128xi32, #tpu.memory_space<hbm>>
        %dma_start3A_63 = tpu.memref_squeeze %dma_start3A_62 : memref<1x128xi32, #tpu.memory_space<hbm>> -> memref<128xi32, #tpu.memory_space<hbm>>
        %dma_start3A_64 = arith.constant 0 : i32
        %dma_start3A_65 = tpu.memref_slice %arg2[%add3A_17, %dma_start3A_64] : memref<1024x128xi32, #tpu.memory_space<hbm>> -> memref<1x128xi32, #tpu.memory_space<hbm>>
        %dma_start3A_66 = tpu.memref_squeeze %dma_start3A_65 : memref<1x128xi32, #tpu.memory_space<hbm>> -> memref<128xi32, #tpu.memory_space<hbm>>
        tpu.enqueue_dma source(%dma_start3A_66 : memref<128xi32, #tpu.memory_space<hbm>>) target(%arg11 : memref<128xi32, #tpu.memory_space<vmem>>) target_semaphore(%run_scoped3A : memref<!tpu.dma_semaphore, #tpu.memory_space<semaphore_mem>>)
        %dma_wait3A_67 = arith.constant 0 : i32
        %dma_wait3A_68 = tpu.memref_slice %arg2[%add3A_17, %dma_wait3A_67] : memref<1024x128xi32, #tpu.memory_space<hbm>> -> memref<1x128xi32, #tpu.memory_space<hbm>>
        %dma_wait3A_69 = tpu.memref_squeeze %dma_wait3A_68 : memref<1x128xi32, #tpu.memory_space<hbm>> -> memref<128xi32, #tpu.memory_space<hbm>>
        %dma_wait3A_70 = arith.constant 0 : i32
        %dma_wait3A_71 = tpu.memref_slice %arg2[%add3A_17, %dma_wait3A_70] : memref<1024x128xi32, #tpu.memory_space<hbm>> -> memref<1x128xi32, #tpu.memory_space<hbm>>
        %dma_wait3A_72 = tpu.memref_squeeze %dma_wait3A_71 : memref<1x128xi32, #tpu.memory_space<hbm>> -> memref<128xi32, #tpu.memory_space<hbm>>
        tpu.wait_dma2 semaphore(%run_scoped3A : memref<!tpu.dma_semaphore, #tpu.memory_space<semaphore_mem>>) src(%dma_wait3A_72 : memref<128xi32, #tpu.memory_space<hbm>>) dst(%arg11 : memref<128xi32, #tpu.memory_space<vmem>>)
        tpu.yield
      }) : () -> ()
      %add3A_18 = arith.constant 3 : i32
      %add3A_19 = arith.addi %add3A_11, %add3A_18 : i32
      "tpu.region"() ({
        %run_scoped3A = tpu.sem_alloc : memref<!tpu.dma_semaphore, #tpu.memory_space<semaphore_mem>>
        %dma_start3A_61 = arith.constant 0 : i32
        %dma_start3A_62 = tpu.memref_slice %arg2[%add3A_19, %dma_start3A_61] : memref<1024x128xi32, #tpu.memory_space<hbm>> -> memref<1x128xi32, #tpu.memory_space<hbm>>
        %dma_start3A_63 = tpu.memref_squeeze %dma_start3A_62 : memref<1x128xi32, #tpu.memory_space<hbm>> -> memref<128xi32, #tpu.memory_space<hbm>>
        %dma_start3A_64 = arith.constant 0 : i32
        %dma_start3A_65 = tpu.memref_slice %arg2[%add3A_19, %dma_start3A_64] : memref<1024x128xi32, #tpu.memory_space<hbm>> -> memref<1x128xi32, #tpu.memory_space<hbm>>
        %dma_start3A_66 = tpu.memref_squeeze %dma_start3A_65 : memref<1x128xi32, #tpu.memory_space<hbm>> -> memref<128xi32, #tpu.memory_space<hbm>>
        tpu.enqueue_dma source(%dma_start3A_66 : memref<128xi32, #tpu.memory_space<hbm>>) target(%arg14 : memref<128xi32, #tpu.memory_space<vmem>>) target_semaphore(%run_scoped3A : memref<!tpu.dma_semaphore, #tpu.memory_space<semaphore_mem>>)
        %dma_wait3A_67 = arith.constant 0 : i32
        %dma_wait3A_68 = tpu.memref_slice %arg2[%add3A_19, %dma_wait3A_67] : memref<1024x128xi32, #tpu.memory_space<hbm>> -> memref<1x128xi32, #tpu.memory_space<hbm>>
        %dma_wait3A_69 = tpu.memref_squeeze %dma_wait3A_68 : memref<1x128xi32, #tpu.memory_space<hbm>> -> memref<128xi32, #tpu.memory_space<hbm>>
        %dma_wait3A_70 = arith.constant 0 : i32
        %dma_wait3A_71 = tpu.memref_slice %arg2[%add3A_19, %dma_wait3A_70] : memref<1024x128xi32, #tpu.memory_space<hbm>> -> memref<1x128xi32, #tpu.memory_space<hbm>>
        %dma_wait3A_72 = tpu.memref_squeeze %dma_wait3A_71 : memref<1x128xi32, #tpu.memory_space<hbm>> -> memref<128xi32, #tpu.memory_space<hbm>>
        tpu.wait_dma2 semaphore(%run_scoped3A : memref<!tpu.dma_semaphore, #tpu.memory_space<semaphore_mem>>) src(%dma_wait3A_72 : memref<128xi32, #tpu.memory_space<hbm>>) dst(%arg14 : memref<128xi32, #tpu.memory_space<vmem>>)
        tpu.yield
      }) : () -> ()
      %dma_start3A = arith.constant 0 : i32
      %dma_start3A_20 = arith.constant 0 : i32
      %dma_start3A_21 = tpu.memref_slice %arg3[%dma_start3A, %dma_start3A_20] : memref<4096x128xi32, #tpu.memory_space<hbm>> -> memref<4096x128xi32, #tpu.memory_space<hbm>>
      tpu.enqueue_indirect_dma source(%dma_start3A_21 : memref<4096x128xi32, #tpu.memory_space<hbm>>) target(%arg6 : memref<128x128xi32, #tpu.memory_space<vmem>>) offsets(%arg5 : memref<128xi32, #tpu.memory_space<vmem>>) semaphore(%arg7 : memref<!tpu.dma_semaphore, #tpu.memory_space<semaphore_mem>>)
      %dma_start3A_22 = arith.constant 0 : i32
      %dma_start3A_23 = arith.constant 0 : i32
      %dma_start3A_24 = tpu.memref_slice %arg3[%dma_start3A_22, %dma_start3A_23] : memref<4096x128xi32, #tpu.memory_space<hbm>> -> memref<4096x128xi32, #tpu.memory_space<hbm>>
      tpu.enqueue_indirect_dma source(%dma_start3A_24 : memref<4096x128xi32, #tpu.memory_space<hbm>>) target(%arg9 : memref<128x128xi32, #tpu.memory_space<vmem>>) offsets(%arg8 : memref<128xi32, #tpu.memory_space<vmem>>) semaphore(%arg10 : memref<!tpu.dma_semaphore, #tpu.memory_space<semaphore_mem>>)
      %dma_start3A_25 = arith.constant 0 : i32
      %dma_start3A_26 = arith.constant 0 : i32
      %dma_start3A_27 = tpu.memref_slice %arg3[%dma_start3A_25, %dma_start3A_26] : memref<4096x128xi32, #tpu.memory_space<hbm>> -> memref<4096x128xi32, #tpu.memory_space<hbm>>
      tpu.enqueue_indirect_dma source(%dma_start3A_27 : memref<4096x128xi32, #tpu.memory_space<hbm>>) target(%arg12 : memref<128x128xi32, #tpu.memory_space<vmem>>) offsets(%arg11 : memref<128xi32, #tpu.memory_space<vmem>>) semaphore(%arg13 : memref<!tpu.dma_semaphore, #tpu.memory_space<semaphore_mem>>)
      %dma_start3A_28 = arith.constant 0 : i32
      %dma_start3A_29 = arith.constant 0 : i32
      %dma_start3A_30 = tpu.memref_slice %arg3[%dma_start3A_28, %dma_start3A_29] : memref<4096x128xi32, #tpu.memory_space<hbm>> -> memref<4096x128xi32, #tpu.memory_space<hbm>>
      tpu.enqueue_indirect_dma source(%dma_start3A_30 : memref<4096x128xi32, #tpu.memory_space<hbm>>) target(%arg15 : memref<128x128xi32, #tpu.memory_space<vmem>>) offsets(%arg14 : memref<128xi32, #tpu.memory_space<vmem>>) semaphore(%arg16 : memref<!tpu.dma_semaphore, #tpu.memory_space<semaphore_mem>>)
      %dma_wait3A = arith.constant 0 : i32
      %dma_wait3A_31 = arith.constant 0 : i32
      %dma_wait3A_32 = tpu.memref_slice %arg3[%dma_wait3A, %dma_wait3A_31] : memref<4096x128xi32, #tpu.memory_space<hbm>> -> memref<4096x128xi32, #tpu.memory_space<hbm>>
      tpu.wait_indirect_dma semaphore(%arg7 : memref<!tpu.dma_semaphore, #tpu.memory_space<semaphore_mem>>) src(%dma_wait3A_32 : memref<4096x128xi32, #tpu.memory_space<hbm>>) dst(%arg6 : memref<128x128xi32, #tpu.memory_space<vmem>>)
      %add3A_33 = arith.constant 0 : i32
      %add3A_34 = arith.addi %add3A_11, %add3A_33 : i32
      %mul3A_35 = arith.constant 128 : i32
      %mul3A_36 = arith.muli %add3A_34, %mul3A_35 : i32
      %multiple_of3A = tpu.assume_multiple %mul3A_36, 128 : i32
      "tpu.region"() ({
        %run_scoped3A = tpu.sem_alloc : memref<!tpu.dma_semaphore, #tpu.memory_space<semaphore_mem>>
        %dma_start3A_61 = arith.constant 0 : i32
        %dma_start3A_62 = tpu.memref_slice %arg4[%multiple_of3A, %dma_start3A_61] : memref<131072x128xi32, #tpu.memory_space<hbm>> -> memref<128x128xi32, #tpu.memory_space<hbm>>
        %dma_start3A_63 = arith.constant 0 : i32
        %dma_start3A_64 = tpu.memref_slice %arg4[%multiple_of3A, %dma_start3A_63] : memref<131072x128xi32, #tpu.memory_space<hbm>> -> memref<128x128xi32, #tpu.memory_space<hbm>>
        tpu.enqueue_dma source(%arg6 : memref<128x128xi32, #tpu.memory_space<vmem>>) target(%dma_start3A_64 : memref<128x128xi32, #tpu.memory_space<hbm>>) target_semaphore(%run_scoped3A : memref<!tpu.dma_semaphore, #tpu.memory_space<semaphore_mem>>)
        %dma_wait3A_65 = arith.constant 0 : i32
        %dma_wait3A_66 = tpu.memref_slice %arg4[%multiple_of3A, %dma_wait3A_65] : memref<131072x128xi32, #tpu.memory_space<hbm>> -> memref<128x128xi32, #tpu.memory_space<hbm>>
        %dma_wait3A_67 = arith.constant 0 : i32
        %dma_wait3A_68 = tpu.memref_slice %arg4[%multiple_of3A, %dma_wait3A_67] : memref<131072x128xi32, #tpu.memory_space<hbm>> -> memref<128x128xi32, #tpu.memory_space<hbm>>
        tpu.wait_dma2 semaphore(%run_scoped3A : memref<!tpu.dma_semaphore, #tpu.memory_space<semaphore_mem>>) src(%arg6 : memref<128x128xi32, #tpu.memory_space<vmem>>) dst(%dma_wait3A_68 : memref<128x128xi32, #tpu.memory_space<hbm>>)
        tpu.yield
      }) : () -> ()
      %dma_wait3A_37 = arith.constant 0 : i32
      %dma_wait3A_38 = arith.constant 0 : i32
      %dma_wait3A_39 = tpu.memref_slice %arg3[%dma_wait3A_37, %dma_wait3A_38] : memref<4096x128xi32, #tpu.memory_space<hbm>> -> memref<4096x128xi32, #tpu.memory_space<hbm>>
      tpu.wait_indirect_dma semaphore(%arg10 : memref<!tpu.dma_semaphore, #tpu.memory_space<semaphore_mem>>) src(%dma_wait3A_39 : memref<4096x128xi32, #tpu.memory_space<hbm>>) dst(%arg9 : memref<128x128xi32, #tpu.memory_space<vmem>>)
      %add3A_40 = arith.constant 1 : i32
      %add3A_41 = arith.addi %add3A_11, %add3A_40 : i32
      %mul3A_42 = arith.constant 128 : i32
      %mul3A_43 = arith.muli %add3A_41, %mul3A_42 : i32
      %multiple_of3A_44 = tpu.assume_multiple %mul3A_43, 128 : i32
      "tpu.region"() ({
        %run_scoped3A = tpu.sem_alloc : memref<!tpu.dma_semaphore, #tpu.memory_space<semaphore_mem>>
        %dma_start3A_61 = arith.constant 0 : i32
        %dma_start3A_62 = tpu.memref_slice %arg4[%multiple_of3A_44, %dma_start3A_61] : memref<131072x128xi32, #tpu.memory_space<hbm>> -> memref<128x128xi32, #tpu.memory_space<hbm>>
        %dma_start3A_63 = arith.constant 0 : i32
        %dma_start3A_64 = tpu.memref_slice %arg4[%multiple_of3A_44, %dma_start3A_63] : memref<131072x128xi32, #tpu.memory_space<hbm>> -> memref<128x128xi32, #tpu.memory_space<hbm>>
        tpu.enqueue_dma source(%arg9 : memref<128x128xi32, #tpu.memory_space<vmem>>) target(%dma_start3A_64 : memref<128x128xi32, #tpu.memory_space<hbm>>) target_semaphore(%run_scoped3A : memref<!tpu.dma_semaphore, #tpu.memory_space<semaphore_mem>>)
        %dma_wait3A_65 = arith.constant 0 : i32
        %dma_wait3A_66 = tpu.memref_slice %arg4[%multiple_of3A_44, %dma_wait3A_65] : memref<131072x128xi32, #tpu.memory_space<hbm>> -> memref<128x128xi32, #tpu.memory_space<hbm>>
        %dma_wait3A_67 = arith.constant 0 : i32
        %dma_wait3A_68 = tpu.memref_slice %arg4[%multiple_of3A_44, %dma_wait3A_67] : memref<131072x128xi32, #tpu.memory_space<hbm>> -> memref<128x128xi32, #tpu.memory_space<hbm>>
        tpu.wait_dma2 semaphore(%run_scoped3A : memref<!tpu.dma_semaphore, #tpu.memory_space<semaphore_mem>>) src(%arg9 : memref<128x128xi32, #tpu.memory_space<vmem>>) dst(%dma_wait3A_68 : memref<128x128xi32, #tpu.memory_space<hbm>>)
        tpu.yield
      }) : () -> ()
      %dma_wait3A_45 = arith.constant 0 : i32
      %dma_wait3A_46 = arith.constant 0 : i32
      %dma_wait3A_47 = tpu.memref_slice %arg3[%dma_wait3A_45, %dma_wait3A_46] : memref<4096x128xi32, #tpu.memory_space<hbm>> -> memref<4096x128xi32, #tpu.memory_space<hbm>>
      tpu.wait_indirect_dma semaphore(%arg13 : memref<!tpu.dma_semaphore, #tpu.memory_space<semaphore_mem>>) src(%dma_wait3A_47 : memref<4096x128xi32, #tpu.memory_space<hbm>>) dst(%arg12 : memref<128x128xi32, #tpu.memory_space<vmem>>)
      %add3A_48 = arith.constant 2 : i32
      %add3A_49 = arith.addi %add3A_11, %add3A_48 : i32
      %mul3A_50 = arith.constant 128 : i32
      %mul3A_51 = arith.muli %add3A_49, %mul3A_50 : i32
      %multiple_of3A_52 = tpu.assume_multiple %mul3A_51, 128 : i32
      "tpu.region"() ({
        %run_scoped3A = tpu.sem_alloc : memref<!tpu.dma_semaphore, #tpu.memory_space<semaphore_mem>>
        %dma_start3A_61 = arith.constant 0 : i32
        %dma_start3A_62 = tpu.memref_slice %arg4[%multiple_of3A_52, %dma_start3A_61] : memref<131072x128xi32, #tpu.memory_space<hbm>> -> memref<128x128xi32, #tpu.memory_space<hbm>>
        %dma_start3A_63 = arith.constant 0 : i32
        %dma_start3A_64 = tpu.memref_slice %arg4[%multiple_of3A_52, %dma_start3A_63] : memref<131072x128xi32, #tpu.memory_space<hbm>> -> memref<128x128xi32, #tpu.memory_space<hbm>>
        tpu.enqueue_dma source(%arg12 : memref<128x128xi32, #tpu.memory_space<vmem>>) target(%dma_start3A_64 : memref<128x128xi32, #tpu.memory_space<hbm>>) target_semaphore(%run_scoped3A : memref<!tpu.dma_semaphore, #tpu.memory_space<semaphore_mem>>)
        %dma_wait3A_65 = arith.constant 0 : i32
        %dma_wait3A_66 = tpu.memref_slice %arg4[%multiple_of3A_52, %dma_wait3A_65] : memref<131072x128xi32, #tpu.memory_space<hbm>> -> memref<128x128xi32, #tpu.memory_space<hbm>>
        %dma_wait3A_67 = arith.constant 0 : i32
        %dma_wait3A_68 = tpu.memref_slice %arg4[%multiple_of3A_52, %dma_wait3A_67] : memref<131072x128xi32, #tpu.memory_space<hbm>> -> memref<128x128xi32, #tpu.memory_space<hbm>>
        tpu.wait_dma2 semaphore(%run_scoped3A : memref<!tpu.dma_semaphore, #tpu.memory_space<semaphore_mem>>) src(%arg12 : memref<128x128xi32, #tpu.memory_space<vmem>>) dst(%dma_wait3A_68 : memref<128x128xi32, #tpu.memory_space<hbm>>)
        tpu.yield
      }) : () -> ()
      %dma_wait3A_53 = arith.constant 0 : i32
      %dma_wait3A_54 = arith.constant 0 : i32
      %dma_wait3A_55 = tpu.memref_slice %arg3[%dma_wait3A_53, %dma_wait3A_54] : memref<4096x128xi32, #tpu.memory_space<hbm>> -> memref<4096x128xi32, #tpu.memory_space<hbm>>
      tpu.wait_indirect_dma semaphore(%arg16 : memref<!tpu.dma_semaphore, #tpu.memory_space<semaphore_mem>>) src(%dma_wait3A_55 : memref<4096x128xi32, #tpu.memory_space<hbm>>) dst(%arg15 : memref<128x128xi32, #tpu.memory_space<vmem>>)
      %add3A_56 = arith.constant 3 : i32
      %add3A_57 = arith.addi %add3A_11, %add3A_56 : i32
      %mul3A_58 = arith.constant 128 : i32
      %mul3A_59 = arith.muli %add3A_57, %mul3A_58 : i32
      %multiple_of3A_60 = tpu.assume_multiple %mul3A_59, 128 : i32
      "tpu.region"() ({
        %run_scoped3A = tpu.sem_alloc : memref<!tpu.dma_semaphore, #tpu.memory_space<semaphore_mem>>
        %dma_start3A_61 = arith.constant 0 : i32
        %dma_start3A_62 = tpu.memref_slice %arg4[%multiple_of3A_60, %dma_start3A_61] : memref<131072x128xi32, #tpu.memory_space<hbm>> -> memref<128x128xi32, #tpu.memory_space<hbm>>
        %dma_start3A_63 = arith.constant 0 : i32
        %dma_start3A_64 = tpu.memref_slice %arg4[%multiple_of3A_60, %dma_start3A_63] : memref<131072x128xi32, #tpu.memory_space<hbm>> -> memref<128x128xi32, #tpu.memory_space<hbm>>
        tpu.enqueue_dma source(%arg15 : memref<128x128xi32, #tpu.memory_space<vmem>>) target(%dma_start3A_64 : memref<128x128xi32, #tpu.memory_space<hbm>>) target_semaphore(%run_scoped3A : memref<!tpu.dma_semaphore, #tpu.memory_space<semaphore_mem>>)
        %dma_wait3A_65 = arith.constant 0 : i32
        %dma_wait3A_66 = tpu.memref_slice %arg4[%multiple_of3A_60, %dma_wait3A_65] : memref<131072x128xi32, #tpu.memory_space<hbm>> -> memref<128x128xi32, #tpu.memory_space<hbm>>
        %dma_wait3A_67 = arith.constant 0 : i32
        %dma_wait3A_68 = tpu.memref_slice %arg4[%multiple_of3A_60, %dma_wait3A_67] : memref<131072x128xi32, #tpu.memory_space<hbm>> -> memref<128x128xi32, #tpu.memory_space<hbm>>
        tpu.wait_dma2 semaphore(%run_scoped3A : memref<!tpu.dma_semaphore, #tpu.memory_space<semaphore_mem>>) src(%arg15 : memref<128x128xi32, #tpu.memory_space<vmem>>) dst(%dma_wait3A_68 : memref<128x128xi32, #tpu.memory_space<hbm>>)
        tpu.yield
      }) : () -> ()
    }
    %scan3A_7 = arith.constant 8 : i32
    return
  }
}

module attributes {stable_mosaic.version = 14 : i64} {
  func.func @_knn_body(%arg0: i32, %arg1: memref<256x1xf32, #tpu.memory_space<vmem>>, %arg2: memref<256x1xf32, #tpu.memory_space<vmem>>, %arg3: memref<256x1xf32, #tpu.memory_space<vmem>>, %arg4: memref<256x1xf32, #tpu.memory_space<vmem>>, %arg5: memref<256x1xf32, #tpu.memory_space<vmem>>, %arg6: memref<1024xf32, #tpu.memory_space<vmem>>, %arg7: memref<1024xf32, #tpu.memory_space<vmem>>, %arg8: memref<1024xf32, #tpu.memory_space<vmem>>, %arg9: memref<1024xf32, #tpu.memory_space<vmem>>, %arg10: memref<1024xf32, #tpu.memory_space<vmem>>, %arg11: memref<256x32xi32, #tpu.memory_space<vmem>>, %arg12: memref<256x32xf32, #tpu.memory_space<vmem>>, %arg13: memref<256x32xf32, #tpu.memory_space<vmem>>, %arg14: memref<256x32xf32, #tpu.memory_space<vmem>>) attributes {dimension_semantics = [#tpu.dimension_semantics<arbitrary>], iteration_bounds = array<i64: 16>, scalar_prefetch = 0 : i64, scratch_operands = 0 : i64, tpu.core_type = #tpu.core_type<tc>, window_params = [{transform_indices = @transform_0, window_bounds = array<i64: 256, 1>}, {transform_indices = @transform_1, window_bounds = array<i64: 256, 1>}, {transform_indices = @transform_2, window_bounds = array<i64: 256, 1>}, {transform_indices = @transform_3, window_bounds = array<i64: 256, 1>}, {transform_indices = @transform_4, window_bounds = array<i64: 256, 1>}, {transform_indices = @transform_5, window_bounds = array<i64: 1024>}, {transform_indices = @transform_6, window_bounds = array<i64: 1024>}, {transform_indices = @transform_7, window_bounds = array<i64: 1024>}, {transform_indices = @transform_8, window_bounds = array<i64: 1024>}, {transform_indices = @transform_9, window_bounds = array<i64: 1024>}, {transform_indices = @transform_10, window_bounds = array<i64: 256, 32>}, {transform_indices = @transform_11, window_bounds = array<i64: 256, 32>}, {transform_indices = @transform_12, window_bounds = array<i64: 256, 32>}, {transform_indices = @transform_13, window_bounds = array<i64: 256, 32>}]} {
    %jit3A = arith.constant 4 : i32
    %div3A = arith.divsi %arg0, %jit3A : i32
    %sign3A = arith.constant 0 : i32
    %sign3A_0 = arith.cmpi sgt, %arg0, %sign3A : i32
    %sign3A_1 = arith.extui %sign3A_0 : i1 to i32
    %sign3A_2 = arith.constant 0 : i32
    %sign3A_3 = arith.cmpi slt, %arg0, %sign3A_2 : i32
    %sign3A_4 = arith.extui %sign3A_3 : i1 to i32
    %sign3A_5 = arith.subi %sign3A_1, %sign3A_4 : i32
    %sign3A_6 = arith.constant 0 : i32
    %sign3A_7 = arith.cmpi sgt, %jit3A, %sign3A_6 : i32
    %sign3A_8 = arith.extui %sign3A_7 : i1 to i32
    %sign3A_9 = arith.constant 0 : i32
    %sign3A_10 = arith.cmpi slt, %jit3A, %sign3A_9 : i32
    %sign3A_11 = arith.extui %sign3A_10 : i1 to i32
    %sign3A_12 = arith.subi %sign3A_8, %sign3A_11 : i32
    %ne3A = arith.cmpi ne, %sign3A_5, %sign3A_12 : i32
    %rem3A = arith.remsi %arg0, %jit3A : i32
    %ne3A_13 = arith.constant 0 : i32
    %ne3A_14 = arith.cmpi ne, %rem3A, %ne3A_13 : i32
    %and3A = arith.andi %ne3A, %ne3A_14 : i1
    %sub3A = arith.constant 1 : i32
    %sub3A_15 = arith.subi %div3A, %sub3A : i32
    %select_n3A = arith.select %and3A, %sub3A_15, %div3A : i32
    %get3A = arith.constant 0 : index
    %get3A_16 = arith.constant 0 : index
    %get3A_17 = vector.load %arg1[%get3A, %get3A_16] : memref<256x1xf32, #tpu.memory_space<vmem>>, vector<256x1xf32>
    %get3A_18 = arith.constant 0 : index
    %get3A_19 = vector.load %arg6[%get3A_18] : memref<1024xf32, #tpu.memory_space<vmem>>, vector<1024xf32>
    %broadcast_in_dim3A = vector.shape_cast %get3A_19 : vector<1024xf32> to vector<1x1024xf32>
    %sub3A_20 = vector.broadcast %get3A_17 : vector<256x1xf32> to vector<256x1024xf32>
    %sub3A_21 = vector.broadcast %broadcast_in_dim3A : vector<1x1024xf32> to vector<256x1024xf32>
    %sub3A_22 = arith.subf %sub3A_20, %sub3A_21 : vector<256x1024xf32>
    %integer_pow3A = arith.mulf %sub3A_22, %sub3A_22 : vector<256x1024xf32>
    %get3A_23 = arith.constant 0 : index
    %get3A_24 = arith.constant 0 : index
    %get3A_25 = vector.load %arg2[%get3A_23, %get3A_24] : memref<256x1xf32, #tpu.memory_space<vmem>>, vector<256x1xf32>
    %get3A_26 = arith.constant 0 : index
    %get3A_27 = vector.load %arg7[%get3A_26] : memref<1024xf32, #tpu.memory_space<vmem>>, vector<1024xf32>
    %broadcast_in_dim3A_28 = vector.shape_cast %get3A_27 : vector<1024xf32> to vector<1x1024xf32>
    %sub3A_29 = vector.broadcast %get3A_25 : vector<256x1xf32> to vector<256x1024xf32>
    %sub3A_30 = vector.broadcast %broadcast_in_dim3A_28 : vector<1x1024xf32> to vector<256x1024xf32>
    %sub3A_31 = arith.subf %sub3A_29, %sub3A_30 : vector<256x1024xf32>
    %integer_pow3A_32 = arith.mulf %sub3A_31, %sub3A_31 : vector<256x1024xf32>
    %add3A = arith.addf %integer_pow3A, %integer_pow3A_32 : vector<256x1024xf32>
    %get3A_33 = arith.constant 0 : index
    %get3A_34 = arith.constant 0 : index
    %get3A_35 = vector.load %arg3[%get3A_33, %get3A_34] : memref<256x1xf32, #tpu.memory_space<vmem>>, vector<256x1xf32>
    %get3A_36 = arith.constant 0 : index
    %get3A_37 = vector.load %arg8[%get3A_36] : memref<1024xf32, #tpu.memory_space<vmem>>, vector<1024xf32>
    %broadcast_in_dim3A_38 = vector.shape_cast %get3A_37 : vector<1024xf32> to vector<1x1024xf32>
    %sub3A_39 = vector.broadcast %get3A_35 : vector<256x1xf32> to vector<256x1024xf32>
    %sub3A_40 = vector.broadcast %broadcast_in_dim3A_38 : vector<1x1024xf32> to vector<256x1024xf32>
    %sub3A_41 = arith.subf %sub3A_39, %sub3A_40 : vector<256x1024xf32>
    %integer_pow3A_42 = arith.mulf %sub3A_41, %sub3A_41 : vector<256x1024xf32>
    %add3A_43 = arith.addf %add3A, %integer_pow3A_42 : vector<256x1024xf32>
    %iota3A = tpu.iota {dimensions = array<i32: 1>} : vector<256x1024xi32>
    %iota3A_44 = tpu.iota {dimensions = array<i32: 1>} : vector<1x1024xi32>
    %get3A_45 = arith.constant 0 : index
    %get3A_46 = vector.load %arg10[%get3A_45] : memref<1024xf32, #tpu.memory_space<vmem>>, vector<1024xf32>
    %mul3A = arith.constant 4.000000e+00 : f32
    %mul3A_47 = vector.broadcast %mul3A : f32 to vector<1024xf32>
    %mul3A_48 = arith.mulf %get3A_46, %mul3A_47 : vector<1024xf32>
    %get3A_49 = arith.constant 0 : index
    %get3A_50 = vector.load %arg9[%get3A_49] : memref<1024xf32, #tpu.memory_space<vmem>>, vector<1024xf32>
    %add3A_51 = arith.addf %mul3A_48, %get3A_50 : vector<1024xf32>
    %convert_element_type3A = arith.fptosi %add3A_51 : vector<1024xf32> to vector<1024xi32>
    %broadcast_in_dim3A_52 = vector.shape_cast %convert_element_type3A : vector<1024xi32> to vector<1x1024xi32>
    %mul3A_53 = arith.constant 4096 : i32
    %mul3A_54 = vector.broadcast %mul3A_53 : i32 to vector<1x1024xi32>
    %mul3A_55 = arith.muli %iota3A_44, %mul3A_54 : vector<1x1024xi32>
    %add3A_56 = arith.addi %mul3A_55, %broadcast_in_dim3A_52 : vector<1x1024xi32>
    %get3A_57 = arith.constant 0 : index
    %get3A_58 = arith.constant 0 : index
    %get3A_59 = vector.load %arg4[%get3A_57, %get3A_58] : memref<256x1xf32, #tpu.memory_space<vmem>>, vector<256x1xf32>
    %convert_element_type3A_60 = arith.fptosi %get3A_59 : vector<256x1xf32> to vector<256x1xi32>
    %get3A_61 = arith.constant 0 : index
    %get3A_62 = arith.constant 0 : index
    %get3A_63 = vector.load %arg5[%get3A_61, %get3A_62] : memref<256x1xf32, #tpu.memory_space<vmem>>, vector<256x1xf32>
    %convert_element_type3A_64 = arith.fptosi %get3A_63 : vector<256x1xf32> to vector<256x1xi32>
    %reduce_min3A = arith.constant dense<0x7F800000> : vector<256xf32>
    %reduce_min3A_65 = vector.multi_reduction <minimumf>, %add3A_43, %reduce_min3A [1] : vector<256x1024xf32> to vector<256xf32>
    %broadcast_in_dim3A_66 = vector.shape_cast %reduce_min3A_65 : vector<256xf32> to vector<256x1xf32>
    %eq3A = vector.broadcast %broadcast_in_dim3A_66 : vector<256x1xf32> to vector<256x1024xf32>
    %eq3A_67 = arith.cmpf oeq, %add3A_43, %eq3A : vector<256x1024xf32>
    %jit3A_68 = arith.constant 1073741824 : i32
    %broadcast_in_dim3A_69 = vector.shape_cast %add3A_56 : vector<1x1024xi32> to vector<1x1024xi32>
    %broadcast_in_dim3A_70 = vector.broadcast %broadcast_in_dim3A_69 : vector<1x1024xi32> to vector<256x1024xi32>
    %broadcast_in_dim3A_71 = vector.broadcast %jit3A_68 : i32 to vector<256x1024xi32>
    %select_n3A_72 = arith.select %eq3A_67, %broadcast_in_dim3A_70, %broadcast_in_dim3A_71 : vector<256x1024xi1>, vector<256x1024xi32>
    %reduce_min3A_73 = arith.constant dense<2147483647> : vector<256xi32>
    %reduce_min3A_74 = vector.multi_reduction <minsi>, %select_n3A_72, %reduce_min3A_73 [1] : vector<256x1024xi32> to vector<256xi32>
    %broadcast_in_dim3A_75 = vector.shape_cast %reduce_min3A_74 : vector<256xi32> to vector<256x1xi32>
    %shift_right_logical3A = arith.constant 12 : i32
    %shift_right_logical3A_76 = vector.broadcast %shift_right_logical3A : i32 to vector<256x1xi32>
    %shift_right_logical3A_77 = arith.shrui %broadcast_in_dim3A_75, %shift_right_logical3A_76 : vector<256x1xi32>
    %and3A_78 = arith.constant 4095 : i32
    %and3A_79 = vector.broadcast %and3A_78 : i32 to vector<256x1xi32>
    %and3A_80 = arith.andi %broadcast_in_dim3A_75, %and3A_79 : vector<256x1xi32>
    %shift_right_logical3A_81 = arith.constant 2 : i32
    %shift_right_logical3A_82 = vector.broadcast %shift_right_logical3A_81 : i32 to vector<256x1xi32>
    %shift_right_logical3A_83 = arith.shrui %and3A_80, %shift_right_logical3A_82 : vector<256x1xi32>
    %and3A_84 = arith.constant 3 : i32
    %and3A_85 = vector.broadcast %and3A_84 : i32 to vector<256x1xi32>
    %and3A_86 = arith.andi %and3A_80, %and3A_85 : vector<256x1xi32>
    %mul3A_87 = arith.constant 1024 : i32
    %mul3A_88 = arith.muli %select_n3A, %mul3A_87 : i32
    %add3A_89 = vector.broadcast %mul3A_88 : i32 to vector<256x1xi32>
    %add3A_90 = arith.addi %shift_right_logical3A_77, %add3A_89 : vector<256x1xi32>
    %add3A_91 = arith.constant 9.99999993E-9 : f32
    %add3A_92 = vector.broadcast %add3A_91 : f32 to vector<256x1xf32>
    %add3A_93 = arith.addf %broadcast_in_dim3A_66, %add3A_92 : vector<256x1xf32>
    %sqrt3A = math.sqrt %add3A_93 : vector<256x1xf32>
    %eq3A_94 = arith.cmpi eq, %and3A_86, %convert_element_type3A_60 : vector<256x1xi32>
    %convert_element_type3A_95 = arith.extui %eq3A_94 : vector<256x1xi1> to vector<256x1xi32>
    %convert_element_type3A_96 = arith.sitofp %convert_element_type3A_95 : vector<256x1xi32> to vector<256x1xf32>
    %lt3A = arith.cmpi slt, %shift_right_logical3A_83, %convert_element_type3A_64 : vector<256x1xi32>
    %convert_element_type3A_97 = arith.extui %lt3A : vector<256x1xi1> to vector<256x1xi32>
    %convert_element_type3A_98 = arith.sitofp %convert_element_type3A_97 : vector<256x1xi32> to vector<256x1xf32>
    %eq3A_99 = vector.broadcast %shift_right_logical3A_77 : vector<256x1xi32> to vector<256x1024xi32>
    %eq3A_100 = arith.cmpi eq, %iota3A, %eq3A_99 : vector<256x1024xi32>
    %jit3A_101 = arith.constant 0x7F800000 : f32
    %broadcast_in_dim3A_102 = vector.broadcast %jit3A_101 : f32 to vector<256x1024xf32>
    %select_n3A_103 = arith.select %eq3A_100, %broadcast_in_dim3A_102, %add3A_43 : vector<256x1024xi1>, vector<256x1024xf32>
    %reduce_min3A_104 = arith.constant dense<0x7F800000> : vector<256xf32>
    %reduce_min3A_105 = vector.multi_reduction <minimumf>, %select_n3A_103, %reduce_min3A_104 [1] : vector<256x1024xf32> to vector<256xf32>
    %broadcast_in_dim3A_106 = vector.shape_cast %reduce_min3A_105 : vector<256xf32> to vector<256x1xf32>
    %eq3A_107 = vector.broadcast %broadcast_in_dim3A_106 : vector<256x1xf32> to vector<256x1024xf32>
    %eq3A_108 = arith.cmpf oeq, %select_n3A_103, %eq3A_107 : vector<256x1024xf32>
    %jit3A_109 = arith.constant 1073741824 : i32
    %broadcast_in_dim3A_110 = vector.shape_cast %add3A_56 : vector<1x1024xi32> to vector<1x1024xi32>
    %broadcast_in_dim3A_111 = vector.broadcast %broadcast_in_dim3A_110 : vector<1x1024xi32> to vector<256x1024xi32>
    %broadcast_in_dim3A_112 = vector.broadcast %jit3A_109 : i32 to vector<256x1024xi32>
    %select_n3A_113 = arith.select %eq3A_108, %broadcast_in_dim3A_111, %broadcast_in_dim3A_112 : vector<256x1024xi1>, vector<256x1024xi32>
    %reduce_min3A_114 = arith.constant dense<2147483647> : vector<256xi32>
    %reduce_min3A_115 = vector.multi_reduction <minsi>, %select_n3A_113, %reduce_min3A_114 [1] : vector<256x1024xi32> to vector<256xi32>
    %broadcast_in_dim3A_116 = vector.shape_cast %reduce_min3A_115 : vector<256xi32> to vector<256x1xi32>
    %shift_right_logical3A_117 = arith.constant 12 : i32
    %shift_right_logical3A_118 = vector.broadcast %shift_right_logical3A_117 : i32 to vector<256x1xi32>
    %shift_right_logical3A_119 = arith.shrui %broadcast_in_dim3A_116, %shift_right_logical3A_118 : vector<256x1xi32>
    %and3A_120 = arith.constant 4095 : i32
    %and3A_121 = vector.broadcast %and3A_120 : i32 to vector<256x1xi32>
    %and3A_122 = arith.andi %broadcast_in_dim3A_116, %and3A_121 : vector<256x1xi32>
    %shift_right_logical3A_123 = arith.constant 2 : i32
    %shift_right_logical3A_124 = vector.broadcast %shift_right_logical3A_123 : i32 to vector<256x1xi32>
    %shift_right_logical3A_125 = arith.shrui %and3A_122, %shift_right_logical3A_124 : vector<256x1xi32>
    %and3A_126 = arith.constant 3 : i32
    %and3A_127 = vector.broadcast %and3A_126 : i32 to vector<256x1xi32>
    %and3A_128 = arith.andi %and3A_122, %and3A_127 : vector<256x1xi32>
    %mul3A_129 = arith.constant 1024 : i32
    %mul3A_130 = arith.muli %select_n3A, %mul3A_129 : i32
    %add3A_131 = vector.broadcast %mul3A_130 : i32 to vector<256x1xi32>
    %add3A_132 = arith.addi %shift_right_logical3A_119, %add3A_131 : vector<256x1xi32>
    %add3A_133 = arith.constant 9.99999993E-9 : f32
    %add3A_134 = vector.broadcast %add3A_133 : f32 to vector<256x1xf32>
    %add3A_135 = arith.addf %broadcast_in_dim3A_106, %add3A_134 : vector<256x1xf32>
    %sqrt3A_136 = math.sqrt %add3A_135 : vector<256x1xf32>
    %eq3A_137 = arith.cmpi eq, %and3A_128, %convert_element_type3A_60 : vector<256x1xi32>
    %convert_element_type3A_138 = arith.extui %eq3A_137 : vector<256x1xi1> to vector<256x1xi32>
    %convert_element_type3A_139 = arith.sitofp %convert_element_type3A_138 : vector<256x1xi32> to vector<256x1xf32>
    %lt3A_140 = arith.cmpi slt, %shift_right_logical3A_125, %convert_element_type3A_64 : vector<256x1xi32>
    %convert_element_type3A_141 = arith.extui %lt3A_140 : vector<256x1xi1> to vector<256x1xi32>
    %convert_element_type3A_142 = arith.sitofp %convert_element_type3A_141 : vector<256x1xi32> to vector<256x1xf32>
    %eq3A_143 = vector.broadcast %shift_right_logical3A_119 : vector<256x1xi32> to vector<256x1024xi32>
    %eq3A_144 = arith.cmpi eq, %iota3A, %eq3A_143 : vector<256x1024xi32>
    %jit3A_145 = arith.constant 0x7F800000 : f32
    %broadcast_in_dim3A_146 = vector.broadcast %jit3A_145 : f32 to vector<256x1024xf32>
    %select_n3A_147 = arith.select %eq3A_144, %broadcast_in_dim3A_146, %select_n3A_103 : vector<256x1024xi1>, vector<256x1024xf32>
    %reduce_min3A_148 = arith.constant dense<0x7F800000> : vector<256xf32>
    %reduce_min3A_149 = vector.multi_reduction <minimumf>, %select_n3A_147, %reduce_min3A_148 [1] : vector<256x1024xf32> to vector<256xf32>
    %broadcast_in_dim3A_150 = vector.shape_cast %reduce_min3A_149 : vector<256xf32> to vector<256x1xf32>
    %eq3A_151 = vector.broadcast %broadcast_in_dim3A_150 : vector<256x1xf32> to vector<256x1024xf32>
    %eq3A_152 = arith.cmpf oeq, %select_n3A_147, %eq3A_151 : vector<256x1024xf32>
    %jit3A_153 = arith.constant 1073741824 : i32
    %broadcast_in_dim3A_154 = vector.shape_cast %add3A_56 : vector<1x1024xi32> to vector<1x1024xi32>
    %broadcast_in_dim3A_155 = vector.broadcast %broadcast_in_dim3A_154 : vector<1x1024xi32> to vector<256x1024xi32>
    %broadcast_in_dim3A_156 = vector.broadcast %jit3A_153 : i32 to vector<256x1024xi32>
    %select_n3A_157 = arith.select %eq3A_152, %broadcast_in_dim3A_155, %broadcast_in_dim3A_156 : vector<256x1024xi1>, vector<256x1024xi32>
    %reduce_min3A_158 = arith.constant dense<2147483647> : vector<256xi32>
    %reduce_min3A_159 = vector.multi_reduction <minsi>, %select_n3A_157, %reduce_min3A_158 [1] : vector<256x1024xi32> to vector<256xi32>
    %broadcast_in_dim3A_160 = vector.shape_cast %reduce_min3A_159 : vector<256xi32> to vector<256x1xi32>
    %shift_right_logical3A_161 = arith.constant 12 : i32
    %shift_right_logical3A_162 = vector.broadcast %shift_right_logical3A_161 : i32 to vector<256x1xi32>
    %shift_right_logical3A_163 = arith.shrui %broadcast_in_dim3A_160, %shift_right_logical3A_162 : vector<256x1xi32>
    %and3A_164 = arith.constant 4095 : i32
    %and3A_165 = vector.broadcast %and3A_164 : i32 to vector<256x1xi32>
    %and3A_166 = arith.andi %broadcast_in_dim3A_160, %and3A_165 : vector<256x1xi32>
    %shift_right_logical3A_167 = arith.constant 2 : i32
    %shift_right_logical3A_168 = vector.broadcast %shift_right_logical3A_167 : i32 to vector<256x1xi32>
    %shift_right_logical3A_169 = arith.shrui %and3A_166, %shift_right_logical3A_168 : vector<256x1xi32>
    %and3A_170 = arith.constant 3 : i32
    %and3A_171 = vector.broadcast %and3A_170 : i32 to vector<256x1xi32>
    %and3A_172 = arith.andi %and3A_166, %and3A_171 : vector<256x1xi32>
    %mul3A_173 = arith.constant 1024 : i32
    %mul3A_174 = arith.muli %select_n3A, %mul3A_173 : i32
    %add3A_175 = vector.broadcast %mul3A_174 : i32 to vector<256x1xi32>
    %add3A_176 = arith.addi %shift_right_logical3A_163, %add3A_175 : vector<256x1xi32>
    %add3A_177 = arith.constant 9.99999993E-9 : f32
    %add3A_178 = vector.broadcast %add3A_177 : f32 to vector<256x1xf32>
    %add3A_179 = arith.addf %broadcast_in_dim3A_150, %add3A_178 : vector<256x1xf32>
    %sqrt3A_180 = math.sqrt %add3A_179 : vector<256x1xf32>
    %eq3A_181 = arith.cmpi eq, %and3A_172, %convert_element_type3A_60 : vector<256x1xi32>
    %convert_element_type3A_182 = arith.extui %eq3A_181 : vector<256x1xi1> to vector<256x1xi32>
    %convert_element_type3A_183 = arith.sitofp %convert_element_type3A_182 : vector<256x1xi32> to vector<256x1xf32>
    %lt3A_184 = arith.cmpi slt, %shift_right_logical3A_169, %convert_element_type3A_64 : vector<256x1xi32>
    %convert_element_type3A_185 = arith.extui %lt3A_184 : vector<256x1xi1> to vector<256x1xi32>
    %convert_element_type3A_186 = arith.sitofp %convert_element_type3A_185 : vector<256x1xi32> to vector<256x1xf32>
    %eq3A_187 = vector.broadcast %shift_right_logical3A_163 : vector<256x1xi32> to vector<256x1024xi32>
    %eq3A_188 = arith.cmpi eq, %iota3A, %eq3A_187 : vector<256x1024xi32>
    %jit3A_189 = arith.constant 0x7F800000 : f32
    %broadcast_in_dim3A_190 = vector.broadcast %jit3A_189 : f32 to vector<256x1024xf32>
    %select_n3A_191 = arith.select %eq3A_188, %broadcast_in_dim3A_190, %select_n3A_147 : vector<256x1024xi1>, vector<256x1024xf32>
    %reduce_min3A_192 = arith.constant dense<0x7F800000> : vector<256xf32>
    %reduce_min3A_193 = vector.multi_reduction <minimumf>, %select_n3A_191, %reduce_min3A_192 [1] : vector<256x1024xf32> to vector<256xf32>
    %broadcast_in_dim3A_194 = vector.shape_cast %reduce_min3A_193 : vector<256xf32> to vector<256x1xf32>
    %eq3A_195 = vector.broadcast %broadcast_in_dim3A_194 : vector<256x1xf32> to vector<256x1024xf32>
    %eq3A_196 = arith.cmpf oeq, %select_n3A_191, %eq3A_195 : vector<256x1024xf32>
    %jit3A_197 = arith.constant 1073741824 : i32
    %broadcast_in_dim3A_198 = vector.shape_cast %add3A_56 : vector<1x1024xi32> to vector<1x1024xi32>
    %broadcast_in_dim3A_199 = vector.broadcast %broadcast_in_dim3A_198 : vector<1x1024xi32> to vector<256x1024xi32>
    %broadcast_in_dim3A_200 = vector.broadcast %jit3A_197 : i32 to vector<256x1024xi32>
    %select_n3A_201 = arith.select %eq3A_196, %broadcast_in_dim3A_199, %broadcast_in_dim3A_200 : vector<256x1024xi1>, vector<256x1024xi32>
    %reduce_min3A_202 = arith.constant dense<2147483647> : vector<256xi32>
    %reduce_min3A_203 = vector.multi_reduction <minsi>, %select_n3A_201, %reduce_min3A_202 [1] : vector<256x1024xi32> to vector<256xi32>
    %broadcast_in_dim3A_204 = vector.shape_cast %reduce_min3A_203 : vector<256xi32> to vector<256x1xi32>
    %shift_right_logical3A_205 = arith.constant 12 : i32
    %shift_right_logical3A_206 = vector.broadcast %shift_right_logical3A_205 : i32 to vector<256x1xi32>
    %shift_right_logical3A_207 = arith.shrui %broadcast_in_dim3A_204, %shift_right_logical3A_206 : vector<256x1xi32>
    %and3A_208 = arith.constant 4095 : i32
    %and3A_209 = vector.broadcast %and3A_208 : i32 to vector<256x1xi32>
    %and3A_210 = arith.andi %broadcast_in_dim3A_204, %and3A_209 : vector<256x1xi32>
    %shift_right_logical3A_211 = arith.constant 2 : i32
    %shift_right_logical3A_212 = vector.broadcast %shift_right_logical3A_211 : i32 to vector<256x1xi32>
    %shift_right_logical3A_213 = arith.shrui %and3A_210, %shift_right_logical3A_212 : vector<256x1xi32>
    %and3A_214 = arith.constant 3 : i32
    %and3A_215 = vector.broadcast %and3A_214 : i32 to vector<256x1xi32>
    %and3A_216 = arith.andi %and3A_210, %and3A_215 : vector<256x1xi32>
    %mul3A_217 = arith.constant 1024 : i32
    %mul3A_218 = arith.muli %select_n3A, %mul3A_217 : i32
    %add3A_219 = vector.broadcast %mul3A_218 : i32 to vector<256x1xi32>
    %add3A_220 = arith.addi %shift_right_logical3A_207, %add3A_219 : vector<256x1xi32>
    %add3A_221 = arith.constant 9.99999993E-9 : f32
    %add3A_222 = vector.broadcast %add3A_221 : f32 to vector<256x1xf32>
    %add3A_223 = arith.addf %broadcast_in_dim3A_194, %add3A_222 : vector<256x1xf32>
    %sqrt3A_224 = math.sqrt %add3A_223 : vector<256x1xf32>
    %eq3A_225 = arith.cmpi eq, %and3A_216, %convert_element_type3A_60 : vector<256x1xi32>
    %convert_element_type3A_226 = arith.extui %eq3A_225 : vector<256x1xi1> to vector<256x1xi32>
    %convert_element_type3A_227 = arith.sitofp %convert_element_type3A_226 : vector<256x1xi32> to vector<256x1xf32>
    %lt3A_228 = arith.cmpi slt, %shift_right_logical3A_213, %convert_element_type3A_64 : vector<256x1xi32>
    %convert_element_type3A_229 = arith.extui %lt3A_228 : vector<256x1xi1> to vector<256x1xi32>
    %convert_element_type3A_230 = arith.sitofp %convert_element_type3A_229 : vector<256x1xi32> to vector<256x1xf32>
    %eq3A_231 = vector.broadcast %shift_right_logical3A_207 : vector<256x1xi32> to vector<256x1024xi32>
    %eq3A_232 = arith.cmpi eq, %iota3A, %eq3A_231 : vector<256x1024xi32>
    %jit3A_233 = arith.constant 0x7F800000 : f32
    %broadcast_in_dim3A_234 = vector.broadcast %jit3A_233 : f32 to vector<256x1024xf32>
    %select_n3A_235 = arith.select %eq3A_232, %broadcast_in_dim3A_234, %select_n3A_191 : vector<256x1024xi1>, vector<256x1024xf32>
    %reduce_min3A_236 = arith.constant dense<0x7F800000> : vector<256xf32>
    %reduce_min3A_237 = vector.multi_reduction <minimumf>, %select_n3A_235, %reduce_min3A_236 [1] : vector<256x1024xf32> to vector<256xf32>
    %broadcast_in_dim3A_238 = vector.shape_cast %reduce_min3A_237 : vector<256xf32> to vector<256x1xf32>
    %eq3A_239 = vector.broadcast %broadcast_in_dim3A_238 : vector<256x1xf32> to vector<256x1024xf32>
    %eq3A_240 = arith.cmpf oeq, %select_n3A_235, %eq3A_239 : vector<256x1024xf32>
    %jit3A_241 = arith.constant 1073741824 : i32
    %broadcast_in_dim3A_242 = vector.shape_cast %add3A_56 : vector<1x1024xi32> to vector<1x1024xi32>
    %broadcast_in_dim3A_243 = vector.broadcast %broadcast_in_dim3A_242 : vector<1x1024xi32> to vector<256x1024xi32>
    %broadcast_in_dim3A_244 = vector.broadcast %jit3A_241 : i32 to vector<256x1024xi32>
    %select_n3A_245 = arith.select %eq3A_240, %broadcast_in_dim3A_243, %broadcast_in_dim3A_244 : vector<256x1024xi1>, vector<256x1024xi32>
    %reduce_min3A_246 = arith.constant dense<2147483647> : vector<256xi32>
    %reduce_min3A_247 = vector.multi_reduction <minsi>, %select_n3A_245, %reduce_min3A_246 [1] : vector<256x1024xi32> to vector<256xi32>
    %broadcast_in_dim3A_248 = vector.shape_cast %reduce_min3A_247 : vector<256xi32> to vector<256x1xi32>
    %shift_right_logical3A_249 = arith.constant 12 : i32
    %shift_right_logical3A_250 = vector.broadcast %shift_right_logical3A_249 : i32 to vector<256x1xi32>
    %shift_right_logical3A_251 = arith.shrui %broadcast_in_dim3A_248, %shift_right_logical3A_250 : vector<256x1xi32>
    %and3A_252 = arith.constant 4095 : i32
    %and3A_253 = vector.broadcast %and3A_252 : i32 to vector<256x1xi32>
    %and3A_254 = arith.andi %broadcast_in_dim3A_248, %and3A_253 : vector<256x1xi32>
    %shift_right_logical3A_255 = arith.constant 2 : i32
    %shift_right_logical3A_256 = vector.broadcast %shift_right_logical3A_255 : i32 to vector<256x1xi32>
    %shift_right_logical3A_257 = arith.shrui %and3A_254, %shift_right_logical3A_256 : vector<256x1xi32>
    %and3A_258 = arith.constant 3 : i32
    %and3A_259 = vector.broadcast %and3A_258 : i32 to vector<256x1xi32>
    %and3A_260 = arith.andi %and3A_254, %and3A_259 : vector<256x1xi32>
    %mul3A_261 = arith.constant 1024 : i32
    %mul3A_262 = arith.muli %select_n3A, %mul3A_261 : i32
    %add3A_263 = vector.broadcast %mul3A_262 : i32 to vector<256x1xi32>
    %add3A_264 = arith.addi %shift_right_logical3A_251, %add3A_263 : vector<256x1xi32>
    %add3A_265 = arith.constant 9.99999993E-9 : f32
    %add3A_266 = vector.broadcast %add3A_265 : f32 to vector<256x1xf32>
    %add3A_267 = arith.addf %broadcast_in_dim3A_238, %add3A_266 : vector<256x1xf32>
    %sqrt3A_268 = math.sqrt %add3A_267 : vector<256x1xf32>
    %eq3A_269 = arith.cmpi eq, %and3A_260, %convert_element_type3A_60 : vector<256x1xi32>
    %convert_element_type3A_270 = arith.extui %eq3A_269 : vector<256x1xi1> to vector<256x1xi32>
    %convert_element_type3A_271 = arith.sitofp %convert_element_type3A_270 : vector<256x1xi32> to vector<256x1xf32>
    %lt3A_272 = arith.cmpi slt, %shift_right_logical3A_257, %convert_element_type3A_64 : vector<256x1xi32>
    %convert_element_type3A_273 = arith.extui %lt3A_272 : vector<256x1xi1> to vector<256x1xi32>
    %convert_element_type3A_274 = arith.sitofp %convert_element_type3A_273 : vector<256x1xi32> to vector<256x1xf32>
    %eq3A_275 = vector.broadcast %shift_right_logical3A_251 : vector<256x1xi32> to vector<256x1024xi32>
    %eq3A_276 = arith.cmpi eq, %iota3A, %eq3A_275 : vector<256x1024xi32>
    %jit3A_277 = arith.constant 0x7F800000 : f32
    %broadcast_in_dim3A_278 = vector.broadcast %jit3A_277 : f32 to vector<256x1024xf32>
    %select_n3A_279 = arith.select %eq3A_276, %broadcast_in_dim3A_278, %select_n3A_235 : vector<256x1024xi1>, vector<256x1024xf32>
    %reduce_min3A_280 = arith.constant dense<0x7F800000> : vector<256xf32>
    %reduce_min3A_281 = vector.multi_reduction <minimumf>, %select_n3A_279, %reduce_min3A_280 [1] : vector<256x1024xf32> to vector<256xf32>
    %broadcast_in_dim3A_282 = vector.shape_cast %reduce_min3A_281 : vector<256xf32> to vector<256x1xf32>
    %eq3A_283 = vector.broadcast %broadcast_in_dim3A_282 : vector<256x1xf32> to vector<256x1024xf32>
    %eq3A_284 = arith.cmpf oeq, %select_n3A_279, %eq3A_283 : vector<256x1024xf32>
    %jit3A_285 = arith.constant 1073741824 : i32
    %broadcast_in_dim3A_286 = vector.shape_cast %add3A_56 : vector<1x1024xi32> to vector<1x1024xi32>
    %broadcast_in_dim3A_287 = vector.broadcast %broadcast_in_dim3A_286 : vector<1x1024xi32> to vector<256x1024xi32>
    %broadcast_in_dim3A_288 = vector.broadcast %jit3A_285 : i32 to vector<256x1024xi32>
    %select_n3A_289 = arith.select %eq3A_284, %broadcast_in_dim3A_287, %broadcast_in_dim3A_288 : vector<256x1024xi1>, vector<256x1024xi32>
    %reduce_min3A_290 = arith.constant dense<2147483647> : vector<256xi32>
    %reduce_min3A_291 = vector.multi_reduction <minsi>, %select_n3A_289, %reduce_min3A_290 [1] : vector<256x1024xi32> to vector<256xi32>
    %broadcast_in_dim3A_292 = vector.shape_cast %reduce_min3A_291 : vector<256xi32> to vector<256x1xi32>
    %shift_right_logical3A_293 = arith.constant 12 : i32
    %shift_right_logical3A_294 = vector.broadcast %shift_right_logical3A_293 : i32 to vector<256x1xi32>
    %shift_right_logical3A_295 = arith.shrui %broadcast_in_dim3A_292, %shift_right_logical3A_294 : vector<256x1xi32>
    %and3A_296 = arith.constant 4095 : i32
    %and3A_297 = vector.broadcast %and3A_296 : i32 to vector<256x1xi32>
    %and3A_298 = arith.andi %broadcast_in_dim3A_292, %and3A_297 : vector<256x1xi32>
    %shift_right_logical3A_299 = arith.constant 2 : i32
    %shift_right_logical3A_300 = vector.broadcast %shift_right_logical3A_299 : i32 to vector<256x1xi32>
    %shift_right_logical3A_301 = arith.shrui %and3A_298, %shift_right_logical3A_300 : vector<256x1xi32>
    %and3A_302 = arith.constant 3 : i32
    %and3A_303 = vector.broadcast %and3A_302 : i32 to vector<256x1xi32>
    %and3A_304 = arith.andi %and3A_298, %and3A_303 : vector<256x1xi32>
    %mul3A_305 = arith.constant 1024 : i32
    %mul3A_306 = arith.muli %select_n3A, %mul3A_305 : i32
    %add3A_307 = vector.broadcast %mul3A_306 : i32 to vector<256x1xi32>
    %add3A_308 = arith.addi %shift_right_logical3A_295, %add3A_307 : vector<256x1xi32>
    %add3A_309 = arith.constant 9.99999993E-9 : f32
    %add3A_310 = vector.broadcast %add3A_309 : f32 to vector<256x1xf32>
    %add3A_311 = arith.addf %broadcast_in_dim3A_282, %add3A_310 : vector<256x1xf32>
    %sqrt3A_312 = math.sqrt %add3A_311 : vector<256x1xf32>
    %eq3A_313 = arith.cmpi eq, %and3A_304, %convert_element_type3A_60 : vector<256x1xi32>
    %convert_element_type3A_314 = arith.extui %eq3A_313 : vector<256x1xi1> to vector<256x1xi32>
    %convert_element_type3A_315 = arith.sitofp %convert_element_type3A_314 : vector<256x1xi32> to vector<256x1xf32>
    %lt3A_316 = arith.cmpi slt, %shift_right_logical3A_301, %convert_element_type3A_64 : vector<256x1xi32>
    %convert_element_type3A_317 = arith.extui %lt3A_316 : vector<256x1xi1> to vector<256x1xi32>
    %convert_element_type3A_318 = arith.sitofp %convert_element_type3A_317 : vector<256x1xi32> to vector<256x1xf32>
    %eq3A_319 = vector.broadcast %shift_right_logical3A_295 : vector<256x1xi32> to vector<256x1024xi32>
    %eq3A_320 = arith.cmpi eq, %iota3A, %eq3A_319 : vector<256x1024xi32>
    %jit3A_321 = arith.constant 0x7F800000 : f32
    %broadcast_in_dim3A_322 = vector.broadcast %jit3A_321 : f32 to vector<256x1024xf32>
    %select_n3A_323 = arith.select %eq3A_320, %broadcast_in_dim3A_322, %select_n3A_279 : vector<256x1024xi1>, vector<256x1024xf32>
    %reduce_min3A_324 = arith.constant dense<0x7F800000> : vector<256xf32>
    %reduce_min3A_325 = vector.multi_reduction <minimumf>, %select_n3A_323, %reduce_min3A_324 [1] : vector<256x1024xf32> to vector<256xf32>
    %broadcast_in_dim3A_326 = vector.shape_cast %reduce_min3A_325 : vector<256xf32> to vector<256x1xf32>
    %eq3A_327 = vector.broadcast %broadcast_in_dim3A_326 : vector<256x1xf32> to vector<256x1024xf32>
    %eq3A_328 = arith.cmpf oeq, %select_n3A_323, %eq3A_327 : vector<256x1024xf32>
    %jit3A_329 = arith.constant 1073741824 : i32
    %broadcast_in_dim3A_330 = vector.shape_cast %add3A_56 : vector<1x1024xi32> to vector<1x1024xi32>
    %broadcast_in_dim3A_331 = vector.broadcast %broadcast_in_dim3A_330 : vector<1x1024xi32> to vector<256x1024xi32>
    %broadcast_in_dim3A_332 = vector.broadcast %jit3A_329 : i32 to vector<256x1024xi32>
    %select_n3A_333 = arith.select %eq3A_328, %broadcast_in_dim3A_331, %broadcast_in_dim3A_332 : vector<256x1024xi1>, vector<256x1024xi32>
    %reduce_min3A_334 = arith.constant dense<2147483647> : vector<256xi32>
    %reduce_min3A_335 = vector.multi_reduction <minsi>, %select_n3A_333, %reduce_min3A_334 [1] : vector<256x1024xi32> to vector<256xi32>
    %broadcast_in_dim3A_336 = vector.shape_cast %reduce_min3A_335 : vector<256xi32> to vector<256x1xi32>
    %shift_right_logical3A_337 = arith.constant 12 : i32
    %shift_right_logical3A_338 = vector.broadcast %shift_right_logical3A_337 : i32 to vector<256x1xi32>
    %shift_right_logical3A_339 = arith.shrui %broadcast_in_dim3A_336, %shift_right_logical3A_338 : vector<256x1xi32>
    %and3A_340 = arith.constant 4095 : i32
    %and3A_341 = vector.broadcast %and3A_340 : i32 to vector<256x1xi32>
    %and3A_342 = arith.andi %broadcast_in_dim3A_336, %and3A_341 : vector<256x1xi32>
    %shift_right_logical3A_343 = arith.constant 2 : i32
    %shift_right_logical3A_344 = vector.broadcast %shift_right_logical3A_343 : i32 to vector<256x1xi32>
    %shift_right_logical3A_345 = arith.shrui %and3A_342, %shift_right_logical3A_344 : vector<256x1xi32>
    %and3A_346 = arith.constant 3 : i32
    %and3A_347 = vector.broadcast %and3A_346 : i32 to vector<256x1xi32>
    %and3A_348 = arith.andi %and3A_342, %and3A_347 : vector<256x1xi32>
    %mul3A_349 = arith.constant 1024 : i32
    %mul3A_350 = arith.muli %select_n3A, %mul3A_349 : i32
    %add3A_351 = vector.broadcast %mul3A_350 : i32 to vector<256x1xi32>
    %add3A_352 = arith.addi %shift_right_logical3A_339, %add3A_351 : vector<256x1xi32>
    %add3A_353 = arith.constant 9.99999993E-9 : f32
    %add3A_354 = vector.broadcast %add3A_353 : f32 to vector<256x1xf32>
    %add3A_355 = arith.addf %broadcast_in_dim3A_326, %add3A_354 : vector<256x1xf32>
    %sqrt3A_356 = math.sqrt %add3A_355 : vector<256x1xf32>
    %eq3A_357 = arith.cmpi eq, %and3A_348, %convert_element_type3A_60 : vector<256x1xi32>
    %convert_element_type3A_358 = arith.extui %eq3A_357 : vector<256x1xi1> to vector<256x1xi32>
    %convert_element_type3A_359 = arith.sitofp %convert_element_type3A_358 : vector<256x1xi32> to vector<256x1xf32>
    %lt3A_360 = arith.cmpi slt, %shift_right_logical3A_345, %convert_element_type3A_64 : vector<256x1xi32>
    %convert_element_type3A_361 = arith.extui %lt3A_360 : vector<256x1xi1> to vector<256x1xi32>
    %convert_element_type3A_362 = arith.sitofp %convert_element_type3A_361 : vector<256x1xi32> to vector<256x1xf32>
    %eq3A_363 = vector.broadcast %shift_right_logical3A_339 : vector<256x1xi32> to vector<256x1024xi32>
    %eq3A_364 = arith.cmpi eq, %iota3A, %eq3A_363 : vector<256x1024xi32>
    %jit3A_365 = arith.constant 0x7F800000 : f32
    %broadcast_in_dim3A_366 = vector.broadcast %jit3A_365 : f32 to vector<256x1024xf32>
    %select_n3A_367 = arith.select %eq3A_364, %broadcast_in_dim3A_366, %select_n3A_323 : vector<256x1024xi1>, vector<256x1024xf32>
    %reduce_min3A_368 = arith.constant dense<0x7F800000> : vector<256xf32>
    %reduce_min3A_369 = vector.multi_reduction <minimumf>, %select_n3A_367, %reduce_min3A_368 [1] : vector<256x1024xf32> to vector<256xf32>
    %broadcast_in_dim3A_370 = vector.shape_cast %reduce_min3A_369 : vector<256xf32> to vector<256x1xf32>
    %eq3A_371 = vector.broadcast %broadcast_in_dim3A_370 : vector<256x1xf32> to vector<256x1024xf32>
    %eq3A_372 = arith.cmpf oeq, %select_n3A_367, %eq3A_371 : vector<256x1024xf32>
    %jit3A_373 = arith.constant 1073741824 : i32
    %broadcast_in_dim3A_374 = vector.shape_cast %add3A_56 : vector<1x1024xi32> to vector<1x1024xi32>
    %broadcast_in_dim3A_375 = vector.broadcast %broadcast_in_dim3A_374 : vector<1x1024xi32> to vector<256x1024xi32>
    %broadcast_in_dim3A_376 = vector.broadcast %jit3A_373 : i32 to vector<256x1024xi32>
    %select_n3A_377 = arith.select %eq3A_372, %broadcast_in_dim3A_375, %broadcast_in_dim3A_376 : vector<256x1024xi1>, vector<256x1024xi32>
    %reduce_min3A_378 = arith.constant dense<2147483647> : vector<256xi32>
    %reduce_min3A_379 = vector.multi_reduction <minsi>, %select_n3A_377, %reduce_min3A_378 [1] : vector<256x1024xi32> to vector<256xi32>
    %broadcast_in_dim3A_380 = vector.shape_cast %reduce_min3A_379 : vector<256xi32> to vector<256x1xi32>
    %shift_right_logical3A_381 = arith.constant 12 : i32
    %shift_right_logical3A_382 = vector.broadcast %shift_right_logical3A_381 : i32 to vector<256x1xi32>
    %shift_right_logical3A_383 = arith.shrui %broadcast_in_dim3A_380, %shift_right_logical3A_382 : vector<256x1xi32>
    %and3A_384 = arith.constant 4095 : i32
    %and3A_385 = vector.broadcast %and3A_384 : i32 to vector<256x1xi32>
    %and3A_386 = arith.andi %broadcast_in_dim3A_380, %and3A_385 : vector<256x1xi32>
    %shift_right_logical3A_387 = arith.constant 2 : i32
    %shift_right_logical3A_388 = vector.broadcast %shift_right_logical3A_387 : i32 to vector<256x1xi32>
    %shift_right_logical3A_389 = arith.shrui %and3A_386, %shift_right_logical3A_388 : vector<256x1xi32>
    %and3A_390 = arith.constant 3 : i32
    %and3A_391 = vector.broadcast %and3A_390 : i32 to vector<256x1xi32>
    %and3A_392 = arith.andi %and3A_386, %and3A_391 : vector<256x1xi32>
    %mul3A_393 = arith.constant 1024 : i32
    %mul3A_394 = arith.muli %select_n3A, %mul3A_393 : i32
    %add3A_395 = vector.broadcast %mul3A_394 : i32 to vector<256x1xi32>
    %add3A_396 = arith.addi %shift_right_logical3A_383, %add3A_395 : vector<256x1xi32>
    %add3A_397 = arith.constant 9.99999993E-9 : f32
    %add3A_398 = vector.broadcast %add3A_397 : f32 to vector<256x1xf32>
    %add3A_399 = arith.addf %broadcast_in_dim3A_370, %add3A_398 : vector<256x1xf32>
    %sqrt3A_400 = math.sqrt %add3A_399 : vector<256x1xf32>
    %eq3A_401 = arith.cmpi eq, %and3A_392, %convert_element_type3A_60 : vector<256x1xi32>
    %convert_element_type3A_402 = arith.extui %eq3A_401 : vector<256x1xi1> to vector<256x1xi32>
    %convert_element_type3A_403 = arith.sitofp %convert_element_type3A_402 : vector<256x1xi32> to vector<256x1xf32>
    %lt3A_404 = arith.cmpi slt, %shift_right_logical3A_389, %convert_element_type3A_64 : vector<256x1xi32>
    %convert_element_type3A_405 = arith.extui %lt3A_404 : vector<256x1xi1> to vector<256x1xi32>
    %convert_element_type3A_406 = arith.sitofp %convert_element_type3A_405 : vector<256x1xi32> to vector<256x1xf32>
    %eq3A_407 = vector.broadcast %shift_right_logical3A_383 : vector<256x1xi32> to vector<256x1024xi32>
    %eq3A_408 = arith.cmpi eq, %iota3A, %eq3A_407 : vector<256x1024xi32>
    %jit3A_409 = arith.constant 0x7F800000 : f32
    %broadcast_in_dim3A_410 = vector.broadcast %jit3A_409 : f32 to vector<256x1024xf32>
    %select_n3A_411 = arith.select %eq3A_408, %broadcast_in_dim3A_410, %select_n3A_367 : vector<256x1024xi1>, vector<256x1024xf32>
    %reduce_min3A_412 = arith.constant dense<0x7F800000> : vector<256xf32>
    %reduce_min3A_413 = vector.multi_reduction <minimumf>, %select_n3A_411, %reduce_min3A_412 [1] : vector<256x1024xf32> to vector<256xf32>
    %broadcast_in_dim3A_414 = vector.shape_cast %reduce_min3A_413 : vector<256xf32> to vector<256x1xf32>
    %eq3A_415 = vector.broadcast %broadcast_in_dim3A_414 : vector<256x1xf32> to vector<256x1024xf32>
    %eq3A_416 = arith.cmpf oeq, %select_n3A_411, %eq3A_415 : vector<256x1024xf32>
    %jit3A_417 = arith.constant 1073741824 : i32
    %broadcast_in_dim3A_418 = vector.shape_cast %add3A_56 : vector<1x1024xi32> to vector<1x1024xi32>
    %broadcast_in_dim3A_419 = vector.broadcast %broadcast_in_dim3A_418 : vector<1x1024xi32> to vector<256x1024xi32>
    %broadcast_in_dim3A_420 = vector.broadcast %jit3A_417 : i32 to vector<256x1024xi32>
    %select_n3A_421 = arith.select %eq3A_416, %broadcast_in_dim3A_419, %broadcast_in_dim3A_420 : vector<256x1024xi1>, vector<256x1024xi32>
    %reduce_min3A_422 = arith.constant dense<2147483647> : vector<256xi32>
    %reduce_min3A_423 = vector.multi_reduction <minsi>, %select_n3A_421, %reduce_min3A_422 [1] : vector<256x1024xi32> to vector<256xi32>
    %broadcast_in_dim3A_424 = vector.shape_cast %reduce_min3A_423 : vector<256xi32> to vector<256x1xi32>
    %shift_right_logical3A_425 = arith.constant 12 : i32
    %shift_right_logical3A_426 = vector.broadcast %shift_right_logical3A_425 : i32 to vector<256x1xi32>
    %shift_right_logical3A_427 = arith.shrui %broadcast_in_dim3A_424, %shift_right_logical3A_426 : vector<256x1xi32>
    %and3A_428 = arith.constant 4095 : i32
    %and3A_429 = vector.broadcast %and3A_428 : i32 to vector<256x1xi32>
    %and3A_430 = arith.andi %broadcast_in_dim3A_424, %and3A_429 : vector<256x1xi32>
    %shift_right_logical3A_431 = arith.constant 2 : i32
    %shift_right_logical3A_432 = vector.broadcast %shift_right_logical3A_431 : i32 to vector<256x1xi32>
    %shift_right_logical3A_433 = arith.shrui %and3A_430, %shift_right_logical3A_432 : vector<256x1xi32>
    %and3A_434 = arith.constant 3 : i32
    %and3A_435 = vector.broadcast %and3A_434 : i32 to vector<256x1xi32>
    %and3A_436 = arith.andi %and3A_430, %and3A_435 : vector<256x1xi32>
    %mul3A_437 = arith.constant 1024 : i32
    %mul3A_438 = arith.muli %select_n3A, %mul3A_437 : i32
    %add3A_439 = vector.broadcast %mul3A_438 : i32 to vector<256x1xi32>
    %add3A_440 = arith.addi %shift_right_logical3A_427, %add3A_439 : vector<256x1xi32>
    %add3A_441 = arith.constant 9.99999993E-9 : f32
    %add3A_442 = vector.broadcast %add3A_441 : f32 to vector<256x1xf32>
    %add3A_443 = arith.addf %broadcast_in_dim3A_414, %add3A_442 : vector<256x1xf32>
    %sqrt3A_444 = math.sqrt %add3A_443 : vector<256x1xf32>
    %eq3A_445 = arith.cmpi eq, %and3A_436, %convert_element_type3A_60 : vector<256x1xi32>
    %convert_element_type3A_446 = arith.extui %eq3A_445 : vector<256x1xi1> to vector<256x1xi32>
    %convert_element_type3A_447 = arith.sitofp %convert_element_type3A_446 : vector<256x1xi32> to vector<256x1xf32>
    %lt3A_448 = arith.cmpi slt, %shift_right_logical3A_433, %convert_element_type3A_64 : vector<256x1xi32>
    %convert_element_type3A_449 = arith.extui %lt3A_448 : vector<256x1xi1> to vector<256x1xi32>
    %convert_element_type3A_450 = arith.sitofp %convert_element_type3A_449 : vector<256x1xi32> to vector<256x1xf32>
    %eq3A_451 = vector.broadcast %shift_right_logical3A_427 : vector<256x1xi32> to vector<256x1024xi32>
    %eq3A_452 = arith.cmpi eq, %iota3A, %eq3A_451 : vector<256x1024xi32>
    %jit3A_453 = arith.constant 0x7F800000 : f32
    %broadcast_in_dim3A_454 = vector.broadcast %jit3A_453 : f32 to vector<256x1024xf32>
    %select_n3A_455 = arith.select %eq3A_452, %broadcast_in_dim3A_454, %select_n3A_411 : vector<256x1024xi1>, vector<256x1024xf32>
    %reduce_min3A_456 = arith.constant dense<0x7F800000> : vector<256xf32>
    %reduce_min3A_457 = vector.multi_reduction <minimumf>, %select_n3A_455, %reduce_min3A_456 [1] : vector<256x1024xf32> to vector<256xf32>
    %broadcast_in_dim3A_458 = vector.shape_cast %reduce_min3A_457 : vector<256xf32> to vector<256x1xf32>
    %eq3A_459 = vector.broadcast %broadcast_in_dim3A_458 : vector<256x1xf32> to vector<256x1024xf32>
    %eq3A_460 = arith.cmpf oeq, %select_n3A_455, %eq3A_459 : vector<256x1024xf32>
    %jit3A_461 = arith.constant 1073741824 : i32
    %broadcast_in_dim3A_462 = vector.shape_cast %add3A_56 : vector<1x1024xi32> to vector<1x1024xi32>
    %broadcast_in_dim3A_463 = vector.broadcast %broadcast_in_dim3A_462 : vector<1x1024xi32> to vector<256x1024xi32>
    %broadcast_in_dim3A_464 = vector.broadcast %jit3A_461 : i32 to vector<256x1024xi32>
    %select_n3A_465 = arith.select %eq3A_460, %broadcast_in_dim3A_463, %broadcast_in_dim3A_464 : vector<256x1024xi1>, vector<256x1024xi32>
    %reduce_min3A_466 = arith.constant dense<2147483647> : vector<256xi32>
    %reduce_min3A_467 = vector.multi_reduction <minsi>, %select_n3A_465, %reduce_min3A_466 [1] : vector<256x1024xi32> to vector<256xi32>
    %broadcast_in_dim3A_468 = vector.shape_cast %reduce_min3A_467 : vector<256xi32> to vector<256x1xi32>
    %shift_right_logical3A_469 = arith.constant 12 : i32
    %shift_right_logical3A_470 = vector.broadcast %shift_right_logical3A_469 : i32 to vector<256x1xi32>
    %shift_right_logical3A_471 = arith.shrui %broadcast_in_dim3A_468, %shift_right_logical3A_470 : vector<256x1xi32>
    %and3A_472 = arith.constant 4095 : i32
    %and3A_473 = vector.broadcast %and3A_472 : i32 to vector<256x1xi32>
    %and3A_474 = arith.andi %broadcast_in_dim3A_468, %and3A_473 : vector<256x1xi32>
    %shift_right_logical3A_475 = arith.constant 2 : i32
    %shift_right_logical3A_476 = vector.broadcast %shift_right_logical3A_475 : i32 to vector<256x1xi32>
    %shift_right_logical3A_477 = arith.shrui %and3A_474, %shift_right_logical3A_476 : vector<256x1xi32>
    %and3A_478 = arith.constant 3 : i32
    %and3A_479 = vector.broadcast %and3A_478 : i32 to vector<256x1xi32>
    %and3A_480 = arith.andi %and3A_474, %and3A_479 : vector<256x1xi32>
    %mul3A_481 = arith.constant 1024 : i32
    %mul3A_482 = arith.muli %select_n3A, %mul3A_481 : i32
    %add3A_483 = vector.broadcast %mul3A_482 : i32 to vector<256x1xi32>
    %add3A_484 = arith.addi %shift_right_logical3A_471, %add3A_483 : vector<256x1xi32>
    %add3A_485 = arith.constant 9.99999993E-9 : f32
    %add3A_486 = vector.broadcast %add3A_485 : f32 to vector<256x1xf32>
    %add3A_487 = arith.addf %broadcast_in_dim3A_458, %add3A_486 : vector<256x1xf32>
    %sqrt3A_488 = math.sqrt %add3A_487 : vector<256x1xf32>
    %eq3A_489 = arith.cmpi eq, %and3A_480, %convert_element_type3A_60 : vector<256x1xi32>
    %convert_element_type3A_490 = arith.extui %eq3A_489 : vector<256x1xi1> to vector<256x1xi32>
    %convert_element_type3A_491 = arith.sitofp %convert_element_type3A_490 : vector<256x1xi32> to vector<256x1xf32>
    %lt3A_492 = arith.cmpi slt, %shift_right_logical3A_477, %convert_element_type3A_64 : vector<256x1xi32>
    %convert_element_type3A_493 = arith.extui %lt3A_492 : vector<256x1xi1> to vector<256x1xi32>
    %convert_element_type3A_494 = arith.sitofp %convert_element_type3A_493 : vector<256x1xi32> to vector<256x1xf32>
    %eq3A_495 = vector.broadcast %shift_right_logical3A_471 : vector<256x1xi32> to vector<256x1024xi32>
    %eq3A_496 = arith.cmpi eq, %iota3A, %eq3A_495 : vector<256x1024xi32>
    %jit3A_497 = arith.constant 0x7F800000 : f32
    %broadcast_in_dim3A_498 = vector.broadcast %jit3A_497 : f32 to vector<256x1024xf32>
    %select_n3A_499 = arith.select %eq3A_496, %broadcast_in_dim3A_498, %select_n3A_455 : vector<256x1024xi1>, vector<256x1024xf32>
    %reduce_min3A_500 = arith.constant dense<0x7F800000> : vector<256xf32>
    %reduce_min3A_501 = vector.multi_reduction <minimumf>, %select_n3A_499, %reduce_min3A_500 [1] : vector<256x1024xf32> to vector<256xf32>
    %broadcast_in_dim3A_502 = vector.shape_cast %reduce_min3A_501 : vector<256xf32> to vector<256x1xf32>
    %eq3A_503 = vector.broadcast %broadcast_in_dim3A_502 : vector<256x1xf32> to vector<256x1024xf32>
    %eq3A_504 = arith.cmpf oeq, %select_n3A_499, %eq3A_503 : vector<256x1024xf32>
    %jit3A_505 = arith.constant 1073741824 : i32
    %broadcast_in_dim3A_506 = vector.shape_cast %add3A_56 : vector<1x1024xi32> to vector<1x1024xi32>
    %broadcast_in_dim3A_507 = vector.broadcast %broadcast_in_dim3A_506 : vector<1x1024xi32> to vector<256x1024xi32>
    %broadcast_in_dim3A_508 = vector.broadcast %jit3A_505 : i32 to vector<256x1024xi32>
    %select_n3A_509 = arith.select %eq3A_504, %broadcast_in_dim3A_507, %broadcast_in_dim3A_508 : vector<256x1024xi1>, vector<256x1024xi32>
    %reduce_min3A_510 = arith.constant dense<2147483647> : vector<256xi32>
    %reduce_min3A_511 = vector.multi_reduction <minsi>, %select_n3A_509, %reduce_min3A_510 [1] : vector<256x1024xi32> to vector<256xi32>
    %broadcast_in_dim3A_512 = vector.shape_cast %reduce_min3A_511 : vector<256xi32> to vector<256x1xi32>
    %shift_right_logical3A_513 = arith.constant 12 : i32
    %shift_right_logical3A_514 = vector.broadcast %shift_right_logical3A_513 : i32 to vector<256x1xi32>
    %shift_right_logical3A_515 = arith.shrui %broadcast_in_dim3A_512, %shift_right_logical3A_514 : vector<256x1xi32>
    %and3A_516 = arith.constant 4095 : i32
    %and3A_517 = vector.broadcast %and3A_516 : i32 to vector<256x1xi32>
    %and3A_518 = arith.andi %broadcast_in_dim3A_512, %and3A_517 : vector<256x1xi32>
    %shift_right_logical3A_519 = arith.constant 2 : i32
    %shift_right_logical3A_520 = vector.broadcast %shift_right_logical3A_519 : i32 to vector<256x1xi32>
    %shift_right_logical3A_521 = arith.shrui %and3A_518, %shift_right_logical3A_520 : vector<256x1xi32>
    %and3A_522 = arith.constant 3 : i32
    %and3A_523 = vector.broadcast %and3A_522 : i32 to vector<256x1xi32>
    %and3A_524 = arith.andi %and3A_518, %and3A_523 : vector<256x1xi32>
    %mul3A_525 = arith.constant 1024 : i32
    %mul3A_526 = arith.muli %select_n3A, %mul3A_525 : i32
    %add3A_527 = vector.broadcast %mul3A_526 : i32 to vector<256x1xi32>
    %add3A_528 = arith.addi %shift_right_logical3A_515, %add3A_527 : vector<256x1xi32>
    %add3A_529 = arith.constant 9.99999993E-9 : f32
    %add3A_530 = vector.broadcast %add3A_529 : f32 to vector<256x1xf32>
    %add3A_531 = arith.addf %broadcast_in_dim3A_502, %add3A_530 : vector<256x1xf32>
    %sqrt3A_532 = math.sqrt %add3A_531 : vector<256x1xf32>
    %eq3A_533 = arith.cmpi eq, %and3A_524, %convert_element_type3A_60 : vector<256x1xi32>
    %convert_element_type3A_534 = arith.extui %eq3A_533 : vector<256x1xi1> to vector<256x1xi32>
    %convert_element_type3A_535 = arith.sitofp %convert_element_type3A_534 : vector<256x1xi32> to vector<256x1xf32>
    %lt3A_536 = arith.cmpi slt, %shift_right_logical3A_521, %convert_element_type3A_64 : vector<256x1xi32>
    %convert_element_type3A_537 = arith.extui %lt3A_536 : vector<256x1xi1> to vector<256x1xi32>
    %convert_element_type3A_538 = arith.sitofp %convert_element_type3A_537 : vector<256x1xi32> to vector<256x1xf32>
    %eq3A_539 = vector.broadcast %shift_right_logical3A_515 : vector<256x1xi32> to vector<256x1024xi32>
    %eq3A_540 = arith.cmpi eq, %iota3A, %eq3A_539 : vector<256x1024xi32>
    %jit3A_541 = arith.constant 0x7F800000 : f32
    %broadcast_in_dim3A_542 = vector.broadcast %jit3A_541 : f32 to vector<256x1024xf32>
    %select_n3A_543 = arith.select %eq3A_540, %broadcast_in_dim3A_542, %select_n3A_499 : vector<256x1024xi1>, vector<256x1024xf32>
    %reduce_min3A_544 = arith.constant dense<0x7F800000> : vector<256xf32>
    %reduce_min3A_545 = vector.multi_reduction <minimumf>, %select_n3A_543, %reduce_min3A_544 [1] : vector<256x1024xf32> to vector<256xf32>
    %broadcast_in_dim3A_546 = vector.shape_cast %reduce_min3A_545 : vector<256xf32> to vector<256x1xf32>
    %eq3A_547 = vector.broadcast %broadcast_in_dim3A_546 : vector<256x1xf32> to vector<256x1024xf32>
    %eq3A_548 = arith.cmpf oeq, %select_n3A_543, %eq3A_547 : vector<256x1024xf32>
    %jit3A_549 = arith.constant 1073741824 : i32
    %broadcast_in_dim3A_550 = vector.shape_cast %add3A_56 : vector<1x1024xi32> to vector<1x1024xi32>
    %broadcast_in_dim3A_551 = vector.broadcast %broadcast_in_dim3A_550 : vector<1x1024xi32> to vector<256x1024xi32>
    %broadcast_in_dim3A_552 = vector.broadcast %jit3A_549 : i32 to vector<256x1024xi32>
    %select_n3A_553 = arith.select %eq3A_548, %broadcast_in_dim3A_551, %broadcast_in_dim3A_552 : vector<256x1024xi1>, vector<256x1024xi32>
    %reduce_min3A_554 = arith.constant dense<2147483647> : vector<256xi32>
    %reduce_min3A_555 = vector.multi_reduction <minsi>, %select_n3A_553, %reduce_min3A_554 [1] : vector<256x1024xi32> to vector<256xi32>
    %broadcast_in_dim3A_556 = vector.shape_cast %reduce_min3A_555 : vector<256xi32> to vector<256x1xi32>
    %shift_right_logical3A_557 = arith.constant 12 : i32
    %shift_right_logical3A_558 = vector.broadcast %shift_right_logical3A_557 : i32 to vector<256x1xi32>
    %shift_right_logical3A_559 = arith.shrui %broadcast_in_dim3A_556, %shift_right_logical3A_558 : vector<256x1xi32>
    %and3A_560 = arith.constant 4095 : i32
    %and3A_561 = vector.broadcast %and3A_560 : i32 to vector<256x1xi32>
    %and3A_562 = arith.andi %broadcast_in_dim3A_556, %and3A_561 : vector<256x1xi32>
    %shift_right_logical3A_563 = arith.constant 2 : i32
    %shift_right_logical3A_564 = vector.broadcast %shift_right_logical3A_563 : i32 to vector<256x1xi32>
    %shift_right_logical3A_565 = arith.shrui %and3A_562, %shift_right_logical3A_564 : vector<256x1xi32>
    %and3A_566 = arith.constant 3 : i32
    %and3A_567 = vector.broadcast %and3A_566 : i32 to vector<256x1xi32>
    %and3A_568 = arith.andi %and3A_562, %and3A_567 : vector<256x1xi32>
    %mul3A_569 = arith.constant 1024 : i32
    %mul3A_570 = arith.muli %select_n3A, %mul3A_569 : i32
    %add3A_571 = vector.broadcast %mul3A_570 : i32 to vector<256x1xi32>
    %add3A_572 = arith.addi %shift_right_logical3A_559, %add3A_571 : vector<256x1xi32>
    %add3A_573 = arith.constant 9.99999993E-9 : f32
    %add3A_574 = vector.broadcast %add3A_573 : f32 to vector<256x1xf32>
    %add3A_575 = arith.addf %broadcast_in_dim3A_546, %add3A_574 : vector<256x1xf32>
    %sqrt3A_576 = math.sqrt %add3A_575 : vector<256x1xf32>
    %eq3A_577 = arith.cmpi eq, %and3A_568, %convert_element_type3A_60 : vector<256x1xi32>
    %convert_element_type3A_578 = arith.extui %eq3A_577 : vector<256x1xi1> to vector<256x1xi32>
    %convert_element_type3A_579 = arith.sitofp %convert_element_type3A_578 : vector<256x1xi32> to vector<256x1xf32>
    %lt3A_580 = arith.cmpi slt, %shift_right_logical3A_565, %convert_element_type3A_64 : vector<256x1xi32>
    %convert_element_type3A_581 = arith.extui %lt3A_580 : vector<256x1xi1> to vector<256x1xi32>
    %convert_element_type3A_582 = arith.sitofp %convert_element_type3A_581 : vector<256x1xi32> to vector<256x1xf32>
    %eq3A_583 = vector.broadcast %shift_right_logical3A_559 : vector<256x1xi32> to vector<256x1024xi32>
    %eq3A_584 = arith.cmpi eq, %iota3A, %eq3A_583 : vector<256x1024xi32>
    %jit3A_585 = arith.constant 0x7F800000 : f32
    %broadcast_in_dim3A_586 = vector.broadcast %jit3A_585 : f32 to vector<256x1024xf32>
    %select_n3A_587 = arith.select %eq3A_584, %broadcast_in_dim3A_586, %select_n3A_543 : vector<256x1024xi1>, vector<256x1024xf32>
    %reduce_min3A_588 = arith.constant dense<0x7F800000> : vector<256xf32>
    %reduce_min3A_589 = vector.multi_reduction <minimumf>, %select_n3A_587, %reduce_min3A_588 [1] : vector<256x1024xf32> to vector<256xf32>
    %broadcast_in_dim3A_590 = vector.shape_cast %reduce_min3A_589 : vector<256xf32> to vector<256x1xf32>
    %eq3A_591 = vector.broadcast %broadcast_in_dim3A_590 : vector<256x1xf32> to vector<256x1024xf32>
    %eq3A_592 = arith.cmpf oeq, %select_n3A_587, %eq3A_591 : vector<256x1024xf32>
    %jit3A_593 = arith.constant 1073741824 : i32
    %broadcast_in_dim3A_594 = vector.shape_cast %add3A_56 : vector<1x1024xi32> to vector<1x1024xi32>
    %broadcast_in_dim3A_595 = vector.broadcast %broadcast_in_dim3A_594 : vector<1x1024xi32> to vector<256x1024xi32>
    %broadcast_in_dim3A_596 = vector.broadcast %jit3A_593 : i32 to vector<256x1024xi32>
    %select_n3A_597 = arith.select %eq3A_592, %broadcast_in_dim3A_595, %broadcast_in_dim3A_596 : vector<256x1024xi1>, vector<256x1024xi32>
    %reduce_min3A_598 = arith.constant dense<2147483647> : vector<256xi32>
    %reduce_min3A_599 = vector.multi_reduction <minsi>, %select_n3A_597, %reduce_min3A_598 [1] : vector<256x1024xi32> to vector<256xi32>
    %broadcast_in_dim3A_600 = vector.shape_cast %reduce_min3A_599 : vector<256xi32> to vector<256x1xi32>
    %shift_right_logical3A_601 = arith.constant 12 : i32
    %shift_right_logical3A_602 = vector.broadcast %shift_right_logical3A_601 : i32 to vector<256x1xi32>
    %shift_right_logical3A_603 = arith.shrui %broadcast_in_dim3A_600, %shift_right_logical3A_602 : vector<256x1xi32>
    %and3A_604 = arith.constant 4095 : i32
    %and3A_605 = vector.broadcast %and3A_604 : i32 to vector<256x1xi32>
    %and3A_606 = arith.andi %broadcast_in_dim3A_600, %and3A_605 : vector<256x1xi32>
    %shift_right_logical3A_607 = arith.constant 2 : i32
    %shift_right_logical3A_608 = vector.broadcast %shift_right_logical3A_607 : i32 to vector<256x1xi32>
    %shift_right_logical3A_609 = arith.shrui %and3A_606, %shift_right_logical3A_608 : vector<256x1xi32>
    %and3A_610 = arith.constant 3 : i32
    %and3A_611 = vector.broadcast %and3A_610 : i32 to vector<256x1xi32>
    %and3A_612 = arith.andi %and3A_606, %and3A_611 : vector<256x1xi32>
    %mul3A_613 = arith.constant 1024 : i32
    %mul3A_614 = arith.muli %select_n3A, %mul3A_613 : i32
    %add3A_615 = vector.broadcast %mul3A_614 : i32 to vector<256x1xi32>
    %add3A_616 = arith.addi %shift_right_logical3A_603, %add3A_615 : vector<256x1xi32>
    %add3A_617 = arith.constant 9.99999993E-9 : f32
    %add3A_618 = vector.broadcast %add3A_617 : f32 to vector<256x1xf32>
    %add3A_619 = arith.addf %broadcast_in_dim3A_590, %add3A_618 : vector<256x1xf32>
    %sqrt3A_620 = math.sqrt %add3A_619 : vector<256x1xf32>
    %eq3A_621 = arith.cmpi eq, %and3A_612, %convert_element_type3A_60 : vector<256x1xi32>
    %convert_element_type3A_622 = arith.extui %eq3A_621 : vector<256x1xi1> to vector<256x1xi32>
    %convert_element_type3A_623 = arith.sitofp %convert_element_type3A_622 : vector<256x1xi32> to vector<256x1xf32>
    %lt3A_624 = arith.cmpi slt, %shift_right_logical3A_609, %convert_element_type3A_64 : vector<256x1xi32>
    %convert_element_type3A_625 = arith.extui %lt3A_624 : vector<256x1xi1> to vector<256x1xi32>
    %convert_element_type3A_626 = arith.sitofp %convert_element_type3A_625 : vector<256x1xi32> to vector<256x1xf32>
    %eq3A_627 = vector.broadcast %shift_right_logical3A_603 : vector<256x1xi32> to vector<256x1024xi32>
    %eq3A_628 = arith.cmpi eq, %iota3A, %eq3A_627 : vector<256x1024xi32>
    %jit3A_629 = arith.constant 0x7F800000 : f32
    %broadcast_in_dim3A_630 = vector.broadcast %jit3A_629 : f32 to vector<256x1024xf32>
    %select_n3A_631 = arith.select %eq3A_628, %broadcast_in_dim3A_630, %select_n3A_587 : vector<256x1024xi1>, vector<256x1024xf32>
    %reduce_min3A_632 = arith.constant dense<0x7F800000> : vector<256xf32>
    %reduce_min3A_633 = vector.multi_reduction <minimumf>, %select_n3A_631, %reduce_min3A_632 [1] : vector<256x1024xf32> to vector<256xf32>
    %broadcast_in_dim3A_634 = vector.shape_cast %reduce_min3A_633 : vector<256xf32> to vector<256x1xf32>
    %eq3A_635 = vector.broadcast %broadcast_in_dim3A_634 : vector<256x1xf32> to vector<256x1024xf32>
    %eq3A_636 = arith.cmpf oeq, %select_n3A_631, %eq3A_635 : vector<256x1024xf32>
    %jit3A_637 = arith.constant 1073741824 : i32
    %broadcast_in_dim3A_638 = vector.shape_cast %add3A_56 : vector<1x1024xi32> to vector<1x1024xi32>
    %broadcast_in_dim3A_639 = vector.broadcast %broadcast_in_dim3A_638 : vector<1x1024xi32> to vector<256x1024xi32>
    %broadcast_in_dim3A_640 = vector.broadcast %jit3A_637 : i32 to vector<256x1024xi32>
    %select_n3A_641 = arith.select %eq3A_636, %broadcast_in_dim3A_639, %broadcast_in_dim3A_640 : vector<256x1024xi1>, vector<256x1024xi32>
    %reduce_min3A_642 = arith.constant dense<2147483647> : vector<256xi32>
    %reduce_min3A_643 = vector.multi_reduction <minsi>, %select_n3A_641, %reduce_min3A_642 [1] : vector<256x1024xi32> to vector<256xi32>
    %broadcast_in_dim3A_644 = vector.shape_cast %reduce_min3A_643 : vector<256xi32> to vector<256x1xi32>
    %shift_right_logical3A_645 = arith.constant 12 : i32
    %shift_right_logical3A_646 = vector.broadcast %shift_right_logical3A_645 : i32 to vector<256x1xi32>
    %shift_right_logical3A_647 = arith.shrui %broadcast_in_dim3A_644, %shift_right_logical3A_646 : vector<256x1xi32>
    %and3A_648 = arith.constant 4095 : i32
    %and3A_649 = vector.broadcast %and3A_648 : i32 to vector<256x1xi32>
    %and3A_650 = arith.andi %broadcast_in_dim3A_644, %and3A_649 : vector<256x1xi32>
    %shift_right_logical3A_651 = arith.constant 2 : i32
    %shift_right_logical3A_652 = vector.broadcast %shift_right_logical3A_651 : i32 to vector<256x1xi32>
    %shift_right_logical3A_653 = arith.shrui %and3A_650, %shift_right_logical3A_652 : vector<256x1xi32>
    %and3A_654 = arith.constant 3 : i32
    %and3A_655 = vector.broadcast %and3A_654 : i32 to vector<256x1xi32>
    %and3A_656 = arith.andi %and3A_650, %and3A_655 : vector<256x1xi32>
    %mul3A_657 = arith.constant 1024 : i32
    %mul3A_658 = arith.muli %select_n3A, %mul3A_657 : i32
    %add3A_659 = vector.broadcast %mul3A_658 : i32 to vector<256x1xi32>
    %add3A_660 = arith.addi %shift_right_logical3A_647, %add3A_659 : vector<256x1xi32>
    %add3A_661 = arith.constant 9.99999993E-9 : f32
    %add3A_662 = vector.broadcast %add3A_661 : f32 to vector<256x1xf32>
    %add3A_663 = arith.addf %broadcast_in_dim3A_634, %add3A_662 : vector<256x1xf32>
    %sqrt3A_664 = math.sqrt %add3A_663 : vector<256x1xf32>
    %eq3A_665 = arith.cmpi eq, %and3A_656, %convert_element_type3A_60 : vector<256x1xi32>
    %convert_element_type3A_666 = arith.extui %eq3A_665 : vector<256x1xi1> to vector<256x1xi32>
    %convert_element_type3A_667 = arith.sitofp %convert_element_type3A_666 : vector<256x1xi32> to vector<256x1xf32>
    %lt3A_668 = arith.cmpi slt, %shift_right_logical3A_653, %convert_element_type3A_64 : vector<256x1xi32>
    %convert_element_type3A_669 = arith.extui %lt3A_668 : vector<256x1xi1> to vector<256x1xi32>
    %convert_element_type3A_670 = arith.sitofp %convert_element_type3A_669 : vector<256x1xi32> to vector<256x1xf32>
    %eq3A_671 = vector.broadcast %shift_right_logical3A_647 : vector<256x1xi32> to vector<256x1024xi32>
    %eq3A_672 = arith.cmpi eq, %iota3A, %eq3A_671 : vector<256x1024xi32>
    %jit3A_673 = arith.constant 0x7F800000 : f32
    %broadcast_in_dim3A_674 = vector.broadcast %jit3A_673 : f32 to vector<256x1024xf32>
    %select_n3A_675 = arith.select %eq3A_672, %broadcast_in_dim3A_674, %select_n3A_631 : vector<256x1024xi1>, vector<256x1024xf32>
    %reduce_min3A_676 = arith.constant dense<0x7F800000> : vector<256xf32>
    %reduce_min3A_677 = vector.multi_reduction <minimumf>, %select_n3A_675, %reduce_min3A_676 [1] : vector<256x1024xf32> to vector<256xf32>
    %broadcast_in_dim3A_678 = vector.shape_cast %reduce_min3A_677 : vector<256xf32> to vector<256x1xf32>
    %eq3A_679 = vector.broadcast %broadcast_in_dim3A_678 : vector<256x1xf32> to vector<256x1024xf32>
    %eq3A_680 = arith.cmpf oeq, %select_n3A_675, %eq3A_679 : vector<256x1024xf32>
    %jit3A_681 = arith.constant 1073741824 : i32
    %broadcast_in_dim3A_682 = vector.shape_cast %add3A_56 : vector<1x1024xi32> to vector<1x1024xi32>
    %broadcast_in_dim3A_683 = vector.broadcast %broadcast_in_dim3A_682 : vector<1x1024xi32> to vector<256x1024xi32>
    %broadcast_in_dim3A_684 = vector.broadcast %jit3A_681 : i32 to vector<256x1024xi32>
    %select_n3A_685 = arith.select %eq3A_680, %broadcast_in_dim3A_683, %broadcast_in_dim3A_684 : vector<256x1024xi1>, vector<256x1024xi32>
    %reduce_min3A_686 = arith.constant dense<2147483647> : vector<256xi32>
    %reduce_min3A_687 = vector.multi_reduction <minsi>, %select_n3A_685, %reduce_min3A_686 [1] : vector<256x1024xi32> to vector<256xi32>
    %broadcast_in_dim3A_688 = vector.shape_cast %reduce_min3A_687 : vector<256xi32> to vector<256x1xi32>
    %shift_right_logical3A_689 = arith.constant 12 : i32
    %shift_right_logical3A_690 = vector.broadcast %shift_right_logical3A_689 : i32 to vector<256x1xi32>
    %shift_right_logical3A_691 = arith.shrui %broadcast_in_dim3A_688, %shift_right_logical3A_690 : vector<256x1xi32>
    %and3A_692 = arith.constant 4095 : i32
    %and3A_693 = vector.broadcast %and3A_692 : i32 to vector<256x1xi32>
    %and3A_694 = arith.andi %broadcast_in_dim3A_688, %and3A_693 : vector<256x1xi32>
    %shift_right_logical3A_695 = arith.constant 2 : i32
    %shift_right_logical3A_696 = vector.broadcast %shift_right_logical3A_695 : i32 to vector<256x1xi32>
    %shift_right_logical3A_697 = arith.shrui %and3A_694, %shift_right_logical3A_696 : vector<256x1xi32>
    %and3A_698 = arith.constant 3 : i32
    %and3A_699 = vector.broadcast %and3A_698 : i32 to vector<256x1xi32>
    %and3A_700 = arith.andi %and3A_694, %and3A_699 : vector<256x1xi32>
    %mul3A_701 = arith.constant 1024 : i32
    %mul3A_702 = arith.muli %select_n3A, %mul3A_701 : i32
    %add3A_703 = vector.broadcast %mul3A_702 : i32 to vector<256x1xi32>
    %add3A_704 = arith.addi %shift_right_logical3A_691, %add3A_703 : vector<256x1xi32>
    %add3A_705 = arith.constant 9.99999993E-9 : f32
    %add3A_706 = vector.broadcast %add3A_705 : f32 to vector<256x1xf32>
    %add3A_707 = arith.addf %broadcast_in_dim3A_678, %add3A_706 : vector<256x1xf32>
    %sqrt3A_708 = math.sqrt %add3A_707 : vector<256x1xf32>
    %eq3A_709 = arith.cmpi eq, %and3A_700, %convert_element_type3A_60 : vector<256x1xi32>
    %convert_element_type3A_710 = arith.extui %eq3A_709 : vector<256x1xi1> to vector<256x1xi32>
    %convert_element_type3A_711 = arith.sitofp %convert_element_type3A_710 : vector<256x1xi32> to vector<256x1xf32>
    %lt3A_712 = arith.cmpi slt, %shift_right_logical3A_697, %convert_element_type3A_64 : vector<256x1xi32>
    %convert_element_type3A_713 = arith.extui %lt3A_712 : vector<256x1xi1> to vector<256x1xi32>
    %convert_element_type3A_714 = arith.sitofp %convert_element_type3A_713 : vector<256x1xi32> to vector<256x1xf32>
    %eq3A_715 = vector.broadcast %shift_right_logical3A_691 : vector<256x1xi32> to vector<256x1024xi32>
    %eq3A_716 = arith.cmpi eq, %iota3A, %eq3A_715 : vector<256x1024xi32>
    %jit3A_717 = arith.constant 0x7F800000 : f32
    %broadcast_in_dim3A_718 = vector.broadcast %jit3A_717 : f32 to vector<256x1024xf32>
    %select_n3A_719 = arith.select %eq3A_716, %broadcast_in_dim3A_718, %select_n3A_675 : vector<256x1024xi1>, vector<256x1024xf32>
    %reduce_min3A_720 = arith.constant dense<0x7F800000> : vector<256xf32>
    %reduce_min3A_721 = vector.multi_reduction <minimumf>, %select_n3A_719, %reduce_min3A_720 [1] : vector<256x1024xf32> to vector<256xf32>
    %broadcast_in_dim3A_722 = vector.shape_cast %reduce_min3A_721 : vector<256xf32> to vector<256x1xf32>
    %eq3A_723 = vector.broadcast %broadcast_in_dim3A_722 : vector<256x1xf32> to vector<256x1024xf32>
    %eq3A_724 = arith.cmpf oeq, %select_n3A_719, %eq3A_723 : vector<256x1024xf32>
    %jit3A_725 = arith.constant 1073741824 : i32
    %broadcast_in_dim3A_726 = vector.shape_cast %add3A_56 : vector<1x1024xi32> to vector<1x1024xi32>
    %broadcast_in_dim3A_727 = vector.broadcast %broadcast_in_dim3A_726 : vector<1x1024xi32> to vector<256x1024xi32>
    %broadcast_in_dim3A_728 = vector.broadcast %jit3A_725 : i32 to vector<256x1024xi32>
    %select_n3A_729 = arith.select %eq3A_724, %broadcast_in_dim3A_727, %broadcast_in_dim3A_728 : vector<256x1024xi1>, vector<256x1024xi32>
    %reduce_min3A_730 = arith.constant dense<2147483647> : vector<256xi32>
    %reduce_min3A_731 = vector.multi_reduction <minsi>, %select_n3A_729, %reduce_min3A_730 [1] : vector<256x1024xi32> to vector<256xi32>
    %broadcast_in_dim3A_732 = vector.shape_cast %reduce_min3A_731 : vector<256xi32> to vector<256x1xi32>
    %shift_right_logical3A_733 = arith.constant 12 : i32
    %shift_right_logical3A_734 = vector.broadcast %shift_right_logical3A_733 : i32 to vector<256x1xi32>
    %shift_right_logical3A_735 = arith.shrui %broadcast_in_dim3A_732, %shift_right_logical3A_734 : vector<256x1xi32>
    %and3A_736 = arith.constant 4095 : i32
    %and3A_737 = vector.broadcast %and3A_736 : i32 to vector<256x1xi32>
    %and3A_738 = arith.andi %broadcast_in_dim3A_732, %and3A_737 : vector<256x1xi32>
    %shift_right_logical3A_739 = arith.constant 2 : i32
    %shift_right_logical3A_740 = vector.broadcast %shift_right_logical3A_739 : i32 to vector<256x1xi32>
    %shift_right_logical3A_741 = arith.shrui %and3A_738, %shift_right_logical3A_740 : vector<256x1xi32>
    %and3A_742 = arith.constant 3 : i32
    %and3A_743 = vector.broadcast %and3A_742 : i32 to vector<256x1xi32>
    %and3A_744 = arith.andi %and3A_738, %and3A_743 : vector<256x1xi32>
    %mul3A_745 = arith.constant 1024 : i32
    %mul3A_746 = arith.muli %select_n3A, %mul3A_745 : i32
    %add3A_747 = vector.broadcast %mul3A_746 : i32 to vector<256x1xi32>
    %add3A_748 = arith.addi %shift_right_logical3A_735, %add3A_747 : vector<256x1xi32>
    %add3A_749 = arith.constant 9.99999993E-9 : f32
    %add3A_750 = vector.broadcast %add3A_749 : f32 to vector<256x1xf32>
    %add3A_751 = arith.addf %broadcast_in_dim3A_722, %add3A_750 : vector<256x1xf32>
    %sqrt3A_752 = math.sqrt %add3A_751 : vector<256x1xf32>
    %eq3A_753 = arith.cmpi eq, %and3A_744, %convert_element_type3A_60 : vector<256x1xi32>
    %convert_element_type3A_754 = arith.extui %eq3A_753 : vector<256x1xi1> to vector<256x1xi32>
    %convert_element_type3A_755 = arith.sitofp %convert_element_type3A_754 : vector<256x1xi32> to vector<256x1xf32>
    %lt3A_756 = arith.cmpi slt, %shift_right_logical3A_741, %convert_element_type3A_64 : vector<256x1xi32>
    %convert_element_type3A_757 = arith.extui %lt3A_756 : vector<256x1xi1> to vector<256x1xi32>
    %convert_element_type3A_758 = arith.sitofp %convert_element_type3A_757 : vector<256x1xi32> to vector<256x1xf32>
    %eq3A_759 = vector.broadcast %shift_right_logical3A_735 : vector<256x1xi32> to vector<256x1024xi32>
    %eq3A_760 = arith.cmpi eq, %iota3A, %eq3A_759 : vector<256x1024xi32>
    %jit3A_761 = arith.constant 0x7F800000 : f32
    %broadcast_in_dim3A_762 = vector.broadcast %jit3A_761 : f32 to vector<256x1024xf32>
    %select_n3A_763 = arith.select %eq3A_760, %broadcast_in_dim3A_762, %select_n3A_719 : vector<256x1024xi1>, vector<256x1024xf32>
    %reduce_min3A_764 = arith.constant dense<0x7F800000> : vector<256xf32>
    %reduce_min3A_765 = vector.multi_reduction <minimumf>, %select_n3A_763, %reduce_min3A_764 [1] : vector<256x1024xf32> to vector<256xf32>
    %broadcast_in_dim3A_766 = vector.shape_cast %reduce_min3A_765 : vector<256xf32> to vector<256x1xf32>
    %eq3A_767 = vector.broadcast %broadcast_in_dim3A_766 : vector<256x1xf32> to vector<256x1024xf32>
    %eq3A_768 = arith.cmpf oeq, %select_n3A_763, %eq3A_767 : vector<256x1024xf32>
    %jit3A_769 = arith.constant 1073741824 : i32
    %broadcast_in_dim3A_770 = vector.shape_cast %add3A_56 : vector<1x1024xi32> to vector<1x1024xi32>
    %broadcast_in_dim3A_771 = vector.broadcast %broadcast_in_dim3A_770 : vector<1x1024xi32> to vector<256x1024xi32>
    %broadcast_in_dim3A_772 = vector.broadcast %jit3A_769 : i32 to vector<256x1024xi32>
    %select_n3A_773 = arith.select %eq3A_768, %broadcast_in_dim3A_771, %broadcast_in_dim3A_772 : vector<256x1024xi1>, vector<256x1024xi32>
    %reduce_min3A_774 = arith.constant dense<2147483647> : vector<256xi32>
    %reduce_min3A_775 = vector.multi_reduction <minsi>, %select_n3A_773, %reduce_min3A_774 [1] : vector<256x1024xi32> to vector<256xi32>
    %broadcast_in_dim3A_776 = vector.shape_cast %reduce_min3A_775 : vector<256xi32> to vector<256x1xi32>
    %shift_right_logical3A_777 = arith.constant 12 : i32
    %shift_right_logical3A_778 = vector.broadcast %shift_right_logical3A_777 : i32 to vector<256x1xi32>
    %shift_right_logical3A_779 = arith.shrui %broadcast_in_dim3A_776, %shift_right_logical3A_778 : vector<256x1xi32>
    %and3A_780 = arith.constant 4095 : i32
    %and3A_781 = vector.broadcast %and3A_780 : i32 to vector<256x1xi32>
    %and3A_782 = arith.andi %broadcast_in_dim3A_776, %and3A_781 : vector<256x1xi32>
    %shift_right_logical3A_783 = arith.constant 2 : i32
    %shift_right_logical3A_784 = vector.broadcast %shift_right_logical3A_783 : i32 to vector<256x1xi32>
    %shift_right_logical3A_785 = arith.shrui %and3A_782, %shift_right_logical3A_784 : vector<256x1xi32>
    %and3A_786 = arith.constant 3 : i32
    %and3A_787 = vector.broadcast %and3A_786 : i32 to vector<256x1xi32>
    %and3A_788 = arith.andi %and3A_782, %and3A_787 : vector<256x1xi32>
    %mul3A_789 = arith.constant 1024 : i32
    %mul3A_790 = arith.muli %select_n3A, %mul3A_789 : i32
    %add3A_791 = vector.broadcast %mul3A_790 : i32 to vector<256x1xi32>
    %add3A_792 = arith.addi %shift_right_logical3A_779, %add3A_791 : vector<256x1xi32>
    %add3A_793 = arith.constant 9.99999993E-9 : f32
    %add3A_794 = vector.broadcast %add3A_793 : f32 to vector<256x1xf32>
    %add3A_795 = arith.addf %broadcast_in_dim3A_766, %add3A_794 : vector<256x1xf32>
    %sqrt3A_796 = math.sqrt %add3A_795 : vector<256x1xf32>
    %eq3A_797 = arith.cmpi eq, %and3A_788, %convert_element_type3A_60 : vector<256x1xi32>
    %convert_element_type3A_798 = arith.extui %eq3A_797 : vector<256x1xi1> to vector<256x1xi32>
    %convert_element_type3A_799 = arith.sitofp %convert_element_type3A_798 : vector<256x1xi32> to vector<256x1xf32>
    %lt3A_800 = arith.cmpi slt, %shift_right_logical3A_785, %convert_element_type3A_64 : vector<256x1xi32>
    %convert_element_type3A_801 = arith.extui %lt3A_800 : vector<256x1xi1> to vector<256x1xi32>
    %convert_element_type3A_802 = arith.sitofp %convert_element_type3A_801 : vector<256x1xi32> to vector<256x1xf32>
    %eq3A_803 = vector.broadcast %shift_right_logical3A_779 : vector<256x1xi32> to vector<256x1024xi32>
    %eq3A_804 = arith.cmpi eq, %iota3A, %eq3A_803 : vector<256x1024xi32>
    %jit3A_805 = arith.constant 0x7F800000 : f32
    %broadcast_in_dim3A_806 = vector.broadcast %jit3A_805 : f32 to vector<256x1024xf32>
    %select_n3A_807 = arith.select %eq3A_804, %broadcast_in_dim3A_806, %select_n3A_763 : vector<256x1024xi1>, vector<256x1024xf32>
    %reduce_min3A_808 = arith.constant dense<0x7F800000> : vector<256xf32>
    %reduce_min3A_809 = vector.multi_reduction <minimumf>, %select_n3A_807, %reduce_min3A_808 [1] : vector<256x1024xf32> to vector<256xf32>
    %broadcast_in_dim3A_810 = vector.shape_cast %reduce_min3A_809 : vector<256xf32> to vector<256x1xf32>
    %eq3A_811 = vector.broadcast %broadcast_in_dim3A_810 : vector<256x1xf32> to vector<256x1024xf32>
    %eq3A_812 = arith.cmpf oeq, %select_n3A_807, %eq3A_811 : vector<256x1024xf32>
    %jit3A_813 = arith.constant 1073741824 : i32
    %broadcast_in_dim3A_814 = vector.shape_cast %add3A_56 : vector<1x1024xi32> to vector<1x1024xi32>
    %broadcast_in_dim3A_815 = vector.broadcast %broadcast_in_dim3A_814 : vector<1x1024xi32> to vector<256x1024xi32>
    %broadcast_in_dim3A_816 = vector.broadcast %jit3A_813 : i32 to vector<256x1024xi32>
    %select_n3A_817 = arith.select %eq3A_812, %broadcast_in_dim3A_815, %broadcast_in_dim3A_816 : vector<256x1024xi1>, vector<256x1024xi32>
    %reduce_min3A_818 = arith.constant dense<2147483647> : vector<256xi32>
    %reduce_min3A_819 = vector.multi_reduction <minsi>, %select_n3A_817, %reduce_min3A_818 [1] : vector<256x1024xi32> to vector<256xi32>
    %broadcast_in_dim3A_820 = vector.shape_cast %reduce_min3A_819 : vector<256xi32> to vector<256x1xi32>
    %shift_right_logical3A_821 = arith.constant 12 : i32
    %shift_right_logical3A_822 = vector.broadcast %shift_right_logical3A_821 : i32 to vector<256x1xi32>
    %shift_right_logical3A_823 = arith.shrui %broadcast_in_dim3A_820, %shift_right_logical3A_822 : vector<256x1xi32>
    %and3A_824 = arith.constant 4095 : i32
    %and3A_825 = vector.broadcast %and3A_824 : i32 to vector<256x1xi32>
    %and3A_826 = arith.andi %broadcast_in_dim3A_820, %and3A_825 : vector<256x1xi32>
    %shift_right_logical3A_827 = arith.constant 2 : i32
    %shift_right_logical3A_828 = vector.broadcast %shift_right_logical3A_827 : i32 to vector<256x1xi32>
    %shift_right_logical3A_829 = arith.shrui %and3A_826, %shift_right_logical3A_828 : vector<256x1xi32>
    %and3A_830 = arith.constant 3 : i32
    %and3A_831 = vector.broadcast %and3A_830 : i32 to vector<256x1xi32>
    %and3A_832 = arith.andi %and3A_826, %and3A_831 : vector<256x1xi32>
    %mul3A_833 = arith.constant 1024 : i32
    %mul3A_834 = arith.muli %select_n3A, %mul3A_833 : i32
    %add3A_835 = vector.broadcast %mul3A_834 : i32 to vector<256x1xi32>
    %add3A_836 = arith.addi %shift_right_logical3A_823, %add3A_835 : vector<256x1xi32>
    %add3A_837 = arith.constant 9.99999993E-9 : f32
    %add3A_838 = vector.broadcast %add3A_837 : f32 to vector<256x1xf32>
    %add3A_839 = arith.addf %broadcast_in_dim3A_810, %add3A_838 : vector<256x1xf32>
    %sqrt3A_840 = math.sqrt %add3A_839 : vector<256x1xf32>
    %eq3A_841 = arith.cmpi eq, %and3A_832, %convert_element_type3A_60 : vector<256x1xi32>
    %convert_element_type3A_842 = arith.extui %eq3A_841 : vector<256x1xi1> to vector<256x1xi32>
    %convert_element_type3A_843 = arith.sitofp %convert_element_type3A_842 : vector<256x1xi32> to vector<256x1xf32>
    %lt3A_844 = arith.cmpi slt, %shift_right_logical3A_829, %convert_element_type3A_64 : vector<256x1xi32>
    %convert_element_type3A_845 = arith.extui %lt3A_844 : vector<256x1xi1> to vector<256x1xi32>
    %convert_element_type3A_846 = arith.sitofp %convert_element_type3A_845 : vector<256x1xi32> to vector<256x1xf32>
    %eq3A_847 = vector.broadcast %shift_right_logical3A_823 : vector<256x1xi32> to vector<256x1024xi32>
    %eq3A_848 = arith.cmpi eq, %iota3A, %eq3A_847 : vector<256x1024xi32>
    %jit3A_849 = arith.constant 0x7F800000 : f32
    %broadcast_in_dim3A_850 = vector.broadcast %jit3A_849 : f32 to vector<256x1024xf32>
    %select_n3A_851 = arith.select %eq3A_848, %broadcast_in_dim3A_850, %select_n3A_807 : vector<256x1024xi1>, vector<256x1024xf32>
    %reduce_min3A_852 = arith.constant dense<0x7F800000> : vector<256xf32>
    %reduce_min3A_853 = vector.multi_reduction <minimumf>, %select_n3A_851, %reduce_min3A_852 [1] : vector<256x1024xf32> to vector<256xf32>
    %broadcast_in_dim3A_854 = vector.shape_cast %reduce_min3A_853 : vector<256xf32> to vector<256x1xf32>
    %eq3A_855 = vector.broadcast %broadcast_in_dim3A_854 : vector<256x1xf32> to vector<256x1024xf32>
    %eq3A_856 = arith.cmpf oeq, %select_n3A_851, %eq3A_855 : vector<256x1024xf32>
    %jit3A_857 = arith.constant 1073741824 : i32
    %broadcast_in_dim3A_858 = vector.shape_cast %add3A_56 : vector<1x1024xi32> to vector<1x1024xi32>
    %broadcast_in_dim3A_859 = vector.broadcast %broadcast_in_dim3A_858 : vector<1x1024xi32> to vector<256x1024xi32>
    %broadcast_in_dim3A_860 = vector.broadcast %jit3A_857 : i32 to vector<256x1024xi32>
    %select_n3A_861 = arith.select %eq3A_856, %broadcast_in_dim3A_859, %broadcast_in_dim3A_860 : vector<256x1024xi1>, vector<256x1024xi32>
    %reduce_min3A_862 = arith.constant dense<2147483647> : vector<256xi32>
    %reduce_min3A_863 = vector.multi_reduction <minsi>, %select_n3A_861, %reduce_min3A_862 [1] : vector<256x1024xi32> to vector<256xi32>
    %broadcast_in_dim3A_864 = vector.shape_cast %reduce_min3A_863 : vector<256xi32> to vector<256x1xi32>
    %shift_right_logical3A_865 = arith.constant 12 : i32
    %shift_right_logical3A_866 = vector.broadcast %shift_right_logical3A_865 : i32 to vector<256x1xi32>
    %shift_right_logical3A_867 = arith.shrui %broadcast_in_dim3A_864, %shift_right_logical3A_866 : vector<256x1xi32>
    %and3A_868 = arith.constant 4095 : i32
    %and3A_869 = vector.broadcast %and3A_868 : i32 to vector<256x1xi32>
    %and3A_870 = arith.andi %broadcast_in_dim3A_864, %and3A_869 : vector<256x1xi32>
    %shift_right_logical3A_871 = arith.constant 2 : i32
    %shift_right_logical3A_872 = vector.broadcast %shift_right_logical3A_871 : i32 to vector<256x1xi32>
    %shift_right_logical3A_873 = arith.shrui %and3A_870, %shift_right_logical3A_872 : vector<256x1xi32>
    %and3A_874 = arith.constant 3 : i32
    %and3A_875 = vector.broadcast %and3A_874 : i32 to vector<256x1xi32>
    %and3A_876 = arith.andi %and3A_870, %and3A_875 : vector<256x1xi32>
    %mul3A_877 = arith.constant 1024 : i32
    %mul3A_878 = arith.muli %select_n3A, %mul3A_877 : i32
    %add3A_879 = vector.broadcast %mul3A_878 : i32 to vector<256x1xi32>
    %add3A_880 = arith.addi %shift_right_logical3A_867, %add3A_879 : vector<256x1xi32>
    %add3A_881 = arith.constant 9.99999993E-9 : f32
    %add3A_882 = vector.broadcast %add3A_881 : f32 to vector<256x1xf32>
    %add3A_883 = arith.addf %broadcast_in_dim3A_854, %add3A_882 : vector<256x1xf32>
    %sqrt3A_884 = math.sqrt %add3A_883 : vector<256x1xf32>
    %eq3A_885 = arith.cmpi eq, %and3A_876, %convert_element_type3A_60 : vector<256x1xi32>
    %convert_element_type3A_886 = arith.extui %eq3A_885 : vector<256x1xi1> to vector<256x1xi32>
    %convert_element_type3A_887 = arith.sitofp %convert_element_type3A_886 : vector<256x1xi32> to vector<256x1xf32>
    %lt3A_888 = arith.cmpi slt, %shift_right_logical3A_873, %convert_element_type3A_64 : vector<256x1xi32>
    %convert_element_type3A_889 = arith.extui %lt3A_888 : vector<256x1xi1> to vector<256x1xi32>
    %convert_element_type3A_890 = arith.sitofp %convert_element_type3A_889 : vector<256x1xi32> to vector<256x1xf32>
    %eq3A_891 = vector.broadcast %shift_right_logical3A_867 : vector<256x1xi32> to vector<256x1024xi32>
    %eq3A_892 = arith.cmpi eq, %iota3A, %eq3A_891 : vector<256x1024xi32>
    %jit3A_893 = arith.constant 0x7F800000 : f32
    %broadcast_in_dim3A_894 = vector.broadcast %jit3A_893 : f32 to vector<256x1024xf32>
    %select_n3A_895 = arith.select %eq3A_892, %broadcast_in_dim3A_894, %select_n3A_851 : vector<256x1024xi1>, vector<256x1024xf32>
    %reduce_min3A_896 = arith.constant dense<0x7F800000> : vector<256xf32>
    %reduce_min3A_897 = vector.multi_reduction <minimumf>, %select_n3A_895, %reduce_min3A_896 [1] : vector<256x1024xf32> to vector<256xf32>
    %broadcast_in_dim3A_898 = vector.shape_cast %reduce_min3A_897 : vector<256xf32> to vector<256x1xf32>
    %eq3A_899 = vector.broadcast %broadcast_in_dim3A_898 : vector<256x1xf32> to vector<256x1024xf32>
    %eq3A_900 = arith.cmpf oeq, %select_n3A_895, %eq3A_899 : vector<256x1024xf32>
    %jit3A_901 = arith.constant 1073741824 : i32
    %broadcast_in_dim3A_902 = vector.shape_cast %add3A_56 : vector<1x1024xi32> to vector<1x1024xi32>
    %broadcast_in_dim3A_903 = vector.broadcast %broadcast_in_dim3A_902 : vector<1x1024xi32> to vector<256x1024xi32>
    %broadcast_in_dim3A_904 = vector.broadcast %jit3A_901 : i32 to vector<256x1024xi32>
    %select_n3A_905 = arith.select %eq3A_900, %broadcast_in_dim3A_903, %broadcast_in_dim3A_904 : vector<256x1024xi1>, vector<256x1024xi32>
    %reduce_min3A_906 = arith.constant dense<2147483647> : vector<256xi32>
    %reduce_min3A_907 = vector.multi_reduction <minsi>, %select_n3A_905, %reduce_min3A_906 [1] : vector<256x1024xi32> to vector<256xi32>
    %broadcast_in_dim3A_908 = vector.shape_cast %reduce_min3A_907 : vector<256xi32> to vector<256x1xi32>
    %shift_right_logical3A_909 = arith.constant 12 : i32
    %shift_right_logical3A_910 = vector.broadcast %shift_right_logical3A_909 : i32 to vector<256x1xi32>
    %shift_right_logical3A_911 = arith.shrui %broadcast_in_dim3A_908, %shift_right_logical3A_910 : vector<256x1xi32>
    %and3A_912 = arith.constant 4095 : i32
    %and3A_913 = vector.broadcast %and3A_912 : i32 to vector<256x1xi32>
    %and3A_914 = arith.andi %broadcast_in_dim3A_908, %and3A_913 : vector<256x1xi32>
    %shift_right_logical3A_915 = arith.constant 2 : i32
    %shift_right_logical3A_916 = vector.broadcast %shift_right_logical3A_915 : i32 to vector<256x1xi32>
    %shift_right_logical3A_917 = arith.shrui %and3A_914, %shift_right_logical3A_916 : vector<256x1xi32>
    %and3A_918 = arith.constant 3 : i32
    %and3A_919 = vector.broadcast %and3A_918 : i32 to vector<256x1xi32>
    %and3A_920 = arith.andi %and3A_914, %and3A_919 : vector<256x1xi32>
    %mul3A_921 = arith.constant 1024 : i32
    %mul3A_922 = arith.muli %select_n3A, %mul3A_921 : i32
    %add3A_923 = vector.broadcast %mul3A_922 : i32 to vector<256x1xi32>
    %add3A_924 = arith.addi %shift_right_logical3A_911, %add3A_923 : vector<256x1xi32>
    %add3A_925 = arith.constant 9.99999993E-9 : f32
    %add3A_926 = vector.broadcast %add3A_925 : f32 to vector<256x1xf32>
    %add3A_927 = arith.addf %broadcast_in_dim3A_898, %add3A_926 : vector<256x1xf32>
    %sqrt3A_928 = math.sqrt %add3A_927 : vector<256x1xf32>
    %eq3A_929 = arith.cmpi eq, %and3A_920, %convert_element_type3A_60 : vector<256x1xi32>
    %convert_element_type3A_930 = arith.extui %eq3A_929 : vector<256x1xi1> to vector<256x1xi32>
    %convert_element_type3A_931 = arith.sitofp %convert_element_type3A_930 : vector<256x1xi32> to vector<256x1xf32>
    %lt3A_932 = arith.cmpi slt, %shift_right_logical3A_917, %convert_element_type3A_64 : vector<256x1xi32>
    %convert_element_type3A_933 = arith.extui %lt3A_932 : vector<256x1xi1> to vector<256x1xi32>
    %convert_element_type3A_934 = arith.sitofp %convert_element_type3A_933 : vector<256x1xi32> to vector<256x1xf32>
    %eq3A_935 = vector.broadcast %shift_right_logical3A_911 : vector<256x1xi32> to vector<256x1024xi32>
    %eq3A_936 = arith.cmpi eq, %iota3A, %eq3A_935 : vector<256x1024xi32>
    %jit3A_937 = arith.constant 0x7F800000 : f32
    %broadcast_in_dim3A_938 = vector.broadcast %jit3A_937 : f32 to vector<256x1024xf32>
    %select_n3A_939 = arith.select %eq3A_936, %broadcast_in_dim3A_938, %select_n3A_895 : vector<256x1024xi1>, vector<256x1024xf32>
    %reduce_min3A_940 = arith.constant dense<0x7F800000> : vector<256xf32>
    %reduce_min3A_941 = vector.multi_reduction <minimumf>, %select_n3A_939, %reduce_min3A_940 [1] : vector<256x1024xf32> to vector<256xf32>
    %broadcast_in_dim3A_942 = vector.shape_cast %reduce_min3A_941 : vector<256xf32> to vector<256x1xf32>
    %eq3A_943 = vector.broadcast %broadcast_in_dim3A_942 : vector<256x1xf32> to vector<256x1024xf32>
    %eq3A_944 = arith.cmpf oeq, %select_n3A_939, %eq3A_943 : vector<256x1024xf32>
    %jit3A_945 = arith.constant 1073741824 : i32
    %broadcast_in_dim3A_946 = vector.shape_cast %add3A_56 : vector<1x1024xi32> to vector<1x1024xi32>
    %broadcast_in_dim3A_947 = vector.broadcast %broadcast_in_dim3A_946 : vector<1x1024xi32> to vector<256x1024xi32>
    %broadcast_in_dim3A_948 = vector.broadcast %jit3A_945 : i32 to vector<256x1024xi32>
    %select_n3A_949 = arith.select %eq3A_944, %broadcast_in_dim3A_947, %broadcast_in_dim3A_948 : vector<256x1024xi1>, vector<256x1024xi32>
    %reduce_min3A_950 = arith.constant dense<2147483647> : vector<256xi32>
    %reduce_min3A_951 = vector.multi_reduction <minsi>, %select_n3A_949, %reduce_min3A_950 [1] : vector<256x1024xi32> to vector<256xi32>
    %broadcast_in_dim3A_952 = vector.shape_cast %reduce_min3A_951 : vector<256xi32> to vector<256x1xi32>
    %shift_right_logical3A_953 = arith.constant 12 : i32
    %shift_right_logical3A_954 = vector.broadcast %shift_right_logical3A_953 : i32 to vector<256x1xi32>
    %shift_right_logical3A_955 = arith.shrui %broadcast_in_dim3A_952, %shift_right_logical3A_954 : vector<256x1xi32>
    %and3A_956 = arith.constant 4095 : i32
    %and3A_957 = vector.broadcast %and3A_956 : i32 to vector<256x1xi32>
    %and3A_958 = arith.andi %broadcast_in_dim3A_952, %and3A_957 : vector<256x1xi32>
    %shift_right_logical3A_959 = arith.constant 2 : i32
    %shift_right_logical3A_960 = vector.broadcast %shift_right_logical3A_959 : i32 to vector<256x1xi32>
    %shift_right_logical3A_961 = arith.shrui %and3A_958, %shift_right_logical3A_960 : vector<256x1xi32>
    %and3A_962 = arith.constant 3 : i32
    %and3A_963 = vector.broadcast %and3A_962 : i32 to vector<256x1xi32>
    %and3A_964 = arith.andi %and3A_958, %and3A_963 : vector<256x1xi32>
    %mul3A_965 = arith.constant 1024 : i32
    %mul3A_966 = arith.muli %select_n3A, %mul3A_965 : i32
    %add3A_967 = vector.broadcast %mul3A_966 : i32 to vector<256x1xi32>
    %add3A_968 = arith.addi %shift_right_logical3A_955, %add3A_967 : vector<256x1xi32>
    %add3A_969 = arith.constant 9.99999993E-9 : f32
    %add3A_970 = vector.broadcast %add3A_969 : f32 to vector<256x1xf32>
    %add3A_971 = arith.addf %broadcast_in_dim3A_942, %add3A_970 : vector<256x1xf32>
    %sqrt3A_972 = math.sqrt %add3A_971 : vector<256x1xf32>
    %eq3A_973 = arith.cmpi eq, %and3A_964, %convert_element_type3A_60 : vector<256x1xi32>
    %convert_element_type3A_974 = arith.extui %eq3A_973 : vector<256x1xi1> to vector<256x1xi32>
    %convert_element_type3A_975 = arith.sitofp %convert_element_type3A_974 : vector<256x1xi32> to vector<256x1xf32>
    %lt3A_976 = arith.cmpi slt, %shift_right_logical3A_961, %convert_element_type3A_64 : vector<256x1xi32>
    %convert_element_type3A_977 = arith.extui %lt3A_976 : vector<256x1xi1> to vector<256x1xi32>
    %convert_element_type3A_978 = arith.sitofp %convert_element_type3A_977 : vector<256x1xi32> to vector<256x1xf32>
    %eq3A_979 = vector.broadcast %shift_right_logical3A_955 : vector<256x1xi32> to vector<256x1024xi32>
    %eq3A_980 = arith.cmpi eq, %iota3A, %eq3A_979 : vector<256x1024xi32>
    %jit3A_981 = arith.constant 0x7F800000 : f32
    %broadcast_in_dim3A_982 = vector.broadcast %jit3A_981 : f32 to vector<256x1024xf32>
    %select_n3A_983 = arith.select %eq3A_980, %broadcast_in_dim3A_982, %select_n3A_939 : vector<256x1024xi1>, vector<256x1024xf32>
    %reduce_min3A_984 = arith.constant dense<0x7F800000> : vector<256xf32>
    %reduce_min3A_985 = vector.multi_reduction <minimumf>, %select_n3A_983, %reduce_min3A_984 [1] : vector<256x1024xf32> to vector<256xf32>
    %broadcast_in_dim3A_986 = vector.shape_cast %reduce_min3A_985 : vector<256xf32> to vector<256x1xf32>
    %eq3A_987 = vector.broadcast %broadcast_in_dim3A_986 : vector<256x1xf32> to vector<256x1024xf32>
    %eq3A_988 = arith.cmpf oeq, %select_n3A_983, %eq3A_987 : vector<256x1024xf32>
    %jit3A_989 = arith.constant 1073741824 : i32
    %broadcast_in_dim3A_990 = vector.shape_cast %add3A_56 : vector<1x1024xi32> to vector<1x1024xi32>
    %broadcast_in_dim3A_991 = vector.broadcast %broadcast_in_dim3A_990 : vector<1x1024xi32> to vector<256x1024xi32>
    %broadcast_in_dim3A_992 = vector.broadcast %jit3A_989 : i32 to vector<256x1024xi32>
    %select_n3A_993 = arith.select %eq3A_988, %broadcast_in_dim3A_991, %broadcast_in_dim3A_992 : vector<256x1024xi1>, vector<256x1024xi32>
    %reduce_min3A_994 = arith.constant dense<2147483647> : vector<256xi32>
    %reduce_min3A_995 = vector.multi_reduction <minsi>, %select_n3A_993, %reduce_min3A_994 [1] : vector<256x1024xi32> to vector<256xi32>
    %broadcast_in_dim3A_996 = vector.shape_cast %reduce_min3A_995 : vector<256xi32> to vector<256x1xi32>
    %shift_right_logical3A_997 = arith.constant 12 : i32
    %shift_right_logical3A_998 = vector.broadcast %shift_right_logical3A_997 : i32 to vector<256x1xi32>
    %shift_right_logical3A_999 = arith.shrui %broadcast_in_dim3A_996, %shift_right_logical3A_998 : vector<256x1xi32>
    %and3A_1000 = arith.constant 4095 : i32
    %and3A_1001 = vector.broadcast %and3A_1000 : i32 to vector<256x1xi32>
    %and3A_1002 = arith.andi %broadcast_in_dim3A_996, %and3A_1001 : vector<256x1xi32>
    %shift_right_logical3A_1003 = arith.constant 2 : i32
    %shift_right_logical3A_1004 = vector.broadcast %shift_right_logical3A_1003 : i32 to vector<256x1xi32>
    %shift_right_logical3A_1005 = arith.shrui %and3A_1002, %shift_right_logical3A_1004 : vector<256x1xi32>
    %and3A_1006 = arith.constant 3 : i32
    %and3A_1007 = vector.broadcast %and3A_1006 : i32 to vector<256x1xi32>
    %and3A_1008 = arith.andi %and3A_1002, %and3A_1007 : vector<256x1xi32>
    %mul3A_1009 = arith.constant 1024 : i32
    %mul3A_1010 = arith.muli %select_n3A, %mul3A_1009 : i32
    %add3A_1011 = vector.broadcast %mul3A_1010 : i32 to vector<256x1xi32>
    %add3A_1012 = arith.addi %shift_right_logical3A_999, %add3A_1011 : vector<256x1xi32>
    %add3A_1013 = arith.constant 9.99999993E-9 : f32
    %add3A_1014 = vector.broadcast %add3A_1013 : f32 to vector<256x1xf32>
    %add3A_1015 = arith.addf %broadcast_in_dim3A_986, %add3A_1014 : vector<256x1xf32>
    %sqrt3A_1016 = math.sqrt %add3A_1015 : vector<256x1xf32>
    %eq3A_1017 = arith.cmpi eq, %and3A_1008, %convert_element_type3A_60 : vector<256x1xi32>
    %convert_element_type3A_1018 = arith.extui %eq3A_1017 : vector<256x1xi1> to vector<256x1xi32>
    %convert_element_type3A_1019 = arith.sitofp %convert_element_type3A_1018 : vector<256x1xi32> to vector<256x1xf32>
    %lt3A_1020 = arith.cmpi slt, %shift_right_logical3A_1005, %convert_element_type3A_64 : vector<256x1xi32>
    %convert_element_type3A_1021 = arith.extui %lt3A_1020 : vector<256x1xi1> to vector<256x1xi32>
    %convert_element_type3A_1022 = arith.sitofp %convert_element_type3A_1021 : vector<256x1xi32> to vector<256x1xf32>
    %eq3A_1023 = vector.broadcast %shift_right_logical3A_999 : vector<256x1xi32> to vector<256x1024xi32>
    %eq3A_1024 = arith.cmpi eq, %iota3A, %eq3A_1023 : vector<256x1024xi32>
    %jit3A_1025 = arith.constant 0x7F800000 : f32
    %broadcast_in_dim3A_1026 = vector.broadcast %jit3A_1025 : f32 to vector<256x1024xf32>
    %select_n3A_1027 = arith.select %eq3A_1024, %broadcast_in_dim3A_1026, %select_n3A_983 : vector<256x1024xi1>, vector<256x1024xf32>
    %reduce_min3A_1028 = arith.constant dense<0x7F800000> : vector<256xf32>
    %reduce_min3A_1029 = vector.multi_reduction <minimumf>, %select_n3A_1027, %reduce_min3A_1028 [1] : vector<256x1024xf32> to vector<256xf32>
    %broadcast_in_dim3A_1030 = vector.shape_cast %reduce_min3A_1029 : vector<256xf32> to vector<256x1xf32>
    %eq3A_1031 = vector.broadcast %broadcast_in_dim3A_1030 : vector<256x1xf32> to vector<256x1024xf32>
    %eq3A_1032 = arith.cmpf oeq, %select_n3A_1027, %eq3A_1031 : vector<256x1024xf32>
    %jit3A_1033 = arith.constant 1073741824 : i32
    %broadcast_in_dim3A_1034 = vector.shape_cast %add3A_56 : vector<1x1024xi32> to vector<1x1024xi32>
    %broadcast_in_dim3A_1035 = vector.broadcast %broadcast_in_dim3A_1034 : vector<1x1024xi32> to vector<256x1024xi32>
    %broadcast_in_dim3A_1036 = vector.broadcast %jit3A_1033 : i32 to vector<256x1024xi32>
    %select_n3A_1037 = arith.select %eq3A_1032, %broadcast_in_dim3A_1035, %broadcast_in_dim3A_1036 : vector<256x1024xi1>, vector<256x1024xi32>
    %reduce_min3A_1038 = arith.constant dense<2147483647> : vector<256xi32>
    %reduce_min3A_1039 = vector.multi_reduction <minsi>, %select_n3A_1037, %reduce_min3A_1038 [1] : vector<256x1024xi32> to vector<256xi32>
    %broadcast_in_dim3A_1040 = vector.shape_cast %reduce_min3A_1039 : vector<256xi32> to vector<256x1xi32>
    %shift_right_logical3A_1041 = arith.constant 12 : i32
    %shift_right_logical3A_1042 = vector.broadcast %shift_right_logical3A_1041 : i32 to vector<256x1xi32>
    %shift_right_logical3A_1043 = arith.shrui %broadcast_in_dim3A_1040, %shift_right_logical3A_1042 : vector<256x1xi32>
    %and3A_1044 = arith.constant 4095 : i32
    %and3A_1045 = vector.broadcast %and3A_1044 : i32 to vector<256x1xi32>
    %and3A_1046 = arith.andi %broadcast_in_dim3A_1040, %and3A_1045 : vector<256x1xi32>
    %shift_right_logical3A_1047 = arith.constant 2 : i32
    %shift_right_logical3A_1048 = vector.broadcast %shift_right_logical3A_1047 : i32 to vector<256x1xi32>
    %shift_right_logical3A_1049 = arith.shrui %and3A_1046, %shift_right_logical3A_1048 : vector<256x1xi32>
    %and3A_1050 = arith.constant 3 : i32
    %and3A_1051 = vector.broadcast %and3A_1050 : i32 to vector<256x1xi32>
    %and3A_1052 = arith.andi %and3A_1046, %and3A_1051 : vector<256x1xi32>
    %mul3A_1053 = arith.constant 1024 : i32
    %mul3A_1054 = arith.muli %select_n3A, %mul3A_1053 : i32
    %add3A_1055 = vector.broadcast %mul3A_1054 : i32 to vector<256x1xi32>
    %add3A_1056 = arith.addi %shift_right_logical3A_1043, %add3A_1055 : vector<256x1xi32>
    %add3A_1057 = arith.constant 9.99999993E-9 : f32
    %add3A_1058 = vector.broadcast %add3A_1057 : f32 to vector<256x1xf32>
    %add3A_1059 = arith.addf %broadcast_in_dim3A_1030, %add3A_1058 : vector<256x1xf32>
    %sqrt3A_1060 = math.sqrt %add3A_1059 : vector<256x1xf32>
    %eq3A_1061 = arith.cmpi eq, %and3A_1052, %convert_element_type3A_60 : vector<256x1xi32>
    %convert_element_type3A_1062 = arith.extui %eq3A_1061 : vector<256x1xi1> to vector<256x1xi32>
    %convert_element_type3A_1063 = arith.sitofp %convert_element_type3A_1062 : vector<256x1xi32> to vector<256x1xf32>
    %lt3A_1064 = arith.cmpi slt, %shift_right_logical3A_1049, %convert_element_type3A_64 : vector<256x1xi32>
    %convert_element_type3A_1065 = arith.extui %lt3A_1064 : vector<256x1xi1> to vector<256x1xi32>
    %convert_element_type3A_1066 = arith.sitofp %convert_element_type3A_1065 : vector<256x1xi32> to vector<256x1xf32>
    %eq3A_1067 = vector.broadcast %shift_right_logical3A_1043 : vector<256x1xi32> to vector<256x1024xi32>
    %eq3A_1068 = arith.cmpi eq, %iota3A, %eq3A_1067 : vector<256x1024xi32>
    %jit3A_1069 = arith.constant 0x7F800000 : f32
    %broadcast_in_dim3A_1070 = vector.broadcast %jit3A_1069 : f32 to vector<256x1024xf32>
    %select_n3A_1071 = arith.select %eq3A_1068, %broadcast_in_dim3A_1070, %select_n3A_1027 : vector<256x1024xi1>, vector<256x1024xf32>
    %reduce_min3A_1072 = arith.constant dense<0x7F800000> : vector<256xf32>
    %reduce_min3A_1073 = vector.multi_reduction <minimumf>, %select_n3A_1071, %reduce_min3A_1072 [1] : vector<256x1024xf32> to vector<256xf32>
    %broadcast_in_dim3A_1074 = vector.shape_cast %reduce_min3A_1073 : vector<256xf32> to vector<256x1xf32>
    %eq3A_1075 = vector.broadcast %broadcast_in_dim3A_1074 : vector<256x1xf32> to vector<256x1024xf32>
    %eq3A_1076 = arith.cmpf oeq, %select_n3A_1071, %eq3A_1075 : vector<256x1024xf32>
    %jit3A_1077 = arith.constant 1073741824 : i32
    %broadcast_in_dim3A_1078 = vector.shape_cast %add3A_56 : vector<1x1024xi32> to vector<1x1024xi32>
    %broadcast_in_dim3A_1079 = vector.broadcast %broadcast_in_dim3A_1078 : vector<1x1024xi32> to vector<256x1024xi32>
    %broadcast_in_dim3A_1080 = vector.broadcast %jit3A_1077 : i32 to vector<256x1024xi32>
    %select_n3A_1081 = arith.select %eq3A_1076, %broadcast_in_dim3A_1079, %broadcast_in_dim3A_1080 : vector<256x1024xi1>, vector<256x1024xi32>
    %reduce_min3A_1082 = arith.constant dense<2147483647> : vector<256xi32>
    %reduce_min3A_1083 = vector.multi_reduction <minsi>, %select_n3A_1081, %reduce_min3A_1082 [1] : vector<256x1024xi32> to vector<256xi32>
    %broadcast_in_dim3A_1084 = vector.shape_cast %reduce_min3A_1083 : vector<256xi32> to vector<256x1xi32>
    %shift_right_logical3A_1085 = arith.constant 12 : i32
    %shift_right_logical3A_1086 = vector.broadcast %shift_right_logical3A_1085 : i32 to vector<256x1xi32>
    %shift_right_logical3A_1087 = arith.shrui %broadcast_in_dim3A_1084, %shift_right_logical3A_1086 : vector<256x1xi32>
    %and3A_1088 = arith.constant 4095 : i32
    %and3A_1089 = vector.broadcast %and3A_1088 : i32 to vector<256x1xi32>
    %and3A_1090 = arith.andi %broadcast_in_dim3A_1084, %and3A_1089 : vector<256x1xi32>
    %shift_right_logical3A_1091 = arith.constant 2 : i32
    %shift_right_logical3A_1092 = vector.broadcast %shift_right_logical3A_1091 : i32 to vector<256x1xi32>
    %shift_right_logical3A_1093 = arith.shrui %and3A_1090, %shift_right_logical3A_1092 : vector<256x1xi32>
    %and3A_1094 = arith.constant 3 : i32
    %and3A_1095 = vector.broadcast %and3A_1094 : i32 to vector<256x1xi32>
    %and3A_1096 = arith.andi %and3A_1090, %and3A_1095 : vector<256x1xi32>
    %mul3A_1097 = arith.constant 1024 : i32
    %mul3A_1098 = arith.muli %select_n3A, %mul3A_1097 : i32
    %add3A_1099 = vector.broadcast %mul3A_1098 : i32 to vector<256x1xi32>
    %add3A_1100 = arith.addi %shift_right_logical3A_1087, %add3A_1099 : vector<256x1xi32>
    %add3A_1101 = arith.constant 9.99999993E-9 : f32
    %add3A_1102 = vector.broadcast %add3A_1101 : f32 to vector<256x1xf32>
    %add3A_1103 = arith.addf %broadcast_in_dim3A_1074, %add3A_1102 : vector<256x1xf32>
    %sqrt3A_1104 = math.sqrt %add3A_1103 : vector<256x1xf32>
    %eq3A_1105 = arith.cmpi eq, %and3A_1096, %convert_element_type3A_60 : vector<256x1xi32>
    %convert_element_type3A_1106 = arith.extui %eq3A_1105 : vector<256x1xi1> to vector<256x1xi32>
    %convert_element_type3A_1107 = arith.sitofp %convert_element_type3A_1106 : vector<256x1xi32> to vector<256x1xf32>
    %lt3A_1108 = arith.cmpi slt, %shift_right_logical3A_1093, %convert_element_type3A_64 : vector<256x1xi32>
    %convert_element_type3A_1109 = arith.extui %lt3A_1108 : vector<256x1xi1> to vector<256x1xi32>
    %convert_element_type3A_1110 = arith.sitofp %convert_element_type3A_1109 : vector<256x1xi32> to vector<256x1xf32>
    %eq3A_1111 = vector.broadcast %shift_right_logical3A_1087 : vector<256x1xi32> to vector<256x1024xi32>
    %eq3A_1112 = arith.cmpi eq, %iota3A, %eq3A_1111 : vector<256x1024xi32>
    %jit3A_1113 = arith.constant 0x7F800000 : f32
    %broadcast_in_dim3A_1114 = vector.broadcast %jit3A_1113 : f32 to vector<256x1024xf32>
    %select_n3A_1115 = arith.select %eq3A_1112, %broadcast_in_dim3A_1114, %select_n3A_1071 : vector<256x1024xi1>, vector<256x1024xf32>
    %reduce_min3A_1116 = arith.constant dense<0x7F800000> : vector<256xf32>
    %reduce_min3A_1117 = vector.multi_reduction <minimumf>, %select_n3A_1115, %reduce_min3A_1116 [1] : vector<256x1024xf32> to vector<256xf32>
    %broadcast_in_dim3A_1118 = vector.shape_cast %reduce_min3A_1117 : vector<256xf32> to vector<256x1xf32>
    %eq3A_1119 = vector.broadcast %broadcast_in_dim3A_1118 : vector<256x1xf32> to vector<256x1024xf32>
    %eq3A_1120 = arith.cmpf oeq, %select_n3A_1115, %eq3A_1119 : vector<256x1024xf32>
    %jit3A_1121 = arith.constant 1073741824 : i32
    %broadcast_in_dim3A_1122 = vector.shape_cast %add3A_56 : vector<1x1024xi32> to vector<1x1024xi32>
    %broadcast_in_dim3A_1123 = vector.broadcast %broadcast_in_dim3A_1122 : vector<1x1024xi32> to vector<256x1024xi32>
    %broadcast_in_dim3A_1124 = vector.broadcast %jit3A_1121 : i32 to vector<256x1024xi32>
    %select_n3A_1125 = arith.select %eq3A_1120, %broadcast_in_dim3A_1123, %broadcast_in_dim3A_1124 : vector<256x1024xi1>, vector<256x1024xi32>
    %reduce_min3A_1126 = arith.constant dense<2147483647> : vector<256xi32>
    %reduce_min3A_1127 = vector.multi_reduction <minsi>, %select_n3A_1125, %reduce_min3A_1126 [1] : vector<256x1024xi32> to vector<256xi32>
    %broadcast_in_dim3A_1128 = vector.shape_cast %reduce_min3A_1127 : vector<256xi32> to vector<256x1xi32>
    %shift_right_logical3A_1129 = arith.constant 12 : i32
    %shift_right_logical3A_1130 = vector.broadcast %shift_right_logical3A_1129 : i32 to vector<256x1xi32>
    %shift_right_logical3A_1131 = arith.shrui %broadcast_in_dim3A_1128, %shift_right_logical3A_1130 : vector<256x1xi32>
    %and3A_1132 = arith.constant 4095 : i32
    %and3A_1133 = vector.broadcast %and3A_1132 : i32 to vector<256x1xi32>
    %and3A_1134 = arith.andi %broadcast_in_dim3A_1128, %and3A_1133 : vector<256x1xi32>
    %shift_right_logical3A_1135 = arith.constant 2 : i32
    %shift_right_logical3A_1136 = vector.broadcast %shift_right_logical3A_1135 : i32 to vector<256x1xi32>
    %shift_right_logical3A_1137 = arith.shrui %and3A_1134, %shift_right_logical3A_1136 : vector<256x1xi32>
    %and3A_1138 = arith.constant 3 : i32
    %and3A_1139 = vector.broadcast %and3A_1138 : i32 to vector<256x1xi32>
    %and3A_1140 = arith.andi %and3A_1134, %and3A_1139 : vector<256x1xi32>
    %mul3A_1141 = arith.constant 1024 : i32
    %mul3A_1142 = arith.muli %select_n3A, %mul3A_1141 : i32
    %add3A_1143 = vector.broadcast %mul3A_1142 : i32 to vector<256x1xi32>
    %add3A_1144 = arith.addi %shift_right_logical3A_1131, %add3A_1143 : vector<256x1xi32>
    %add3A_1145 = arith.constant 9.99999993E-9 : f32
    %add3A_1146 = vector.broadcast %add3A_1145 : f32 to vector<256x1xf32>
    %add3A_1147 = arith.addf %broadcast_in_dim3A_1118, %add3A_1146 : vector<256x1xf32>
    %sqrt3A_1148 = math.sqrt %add3A_1147 : vector<256x1xf32>
    %eq3A_1149 = arith.cmpi eq, %and3A_1140, %convert_element_type3A_60 : vector<256x1xi32>
    %convert_element_type3A_1150 = arith.extui %eq3A_1149 : vector<256x1xi1> to vector<256x1xi32>
    %convert_element_type3A_1151 = arith.sitofp %convert_element_type3A_1150 : vector<256x1xi32> to vector<256x1xf32>
    %lt3A_1152 = arith.cmpi slt, %shift_right_logical3A_1137, %convert_element_type3A_64 : vector<256x1xi32>
    %convert_element_type3A_1153 = arith.extui %lt3A_1152 : vector<256x1xi1> to vector<256x1xi32>
    %convert_element_type3A_1154 = arith.sitofp %convert_element_type3A_1153 : vector<256x1xi32> to vector<256x1xf32>
    %eq3A_1155 = vector.broadcast %shift_right_logical3A_1131 : vector<256x1xi32> to vector<256x1024xi32>
    %eq3A_1156 = arith.cmpi eq, %iota3A, %eq3A_1155 : vector<256x1024xi32>
    %jit3A_1157 = arith.constant 0x7F800000 : f32
    %broadcast_in_dim3A_1158 = vector.broadcast %jit3A_1157 : f32 to vector<256x1024xf32>
    %select_n3A_1159 = arith.select %eq3A_1156, %broadcast_in_dim3A_1158, %select_n3A_1115 : vector<256x1024xi1>, vector<256x1024xf32>
    %reduce_min3A_1160 = arith.constant dense<0x7F800000> : vector<256xf32>
    %reduce_min3A_1161 = vector.multi_reduction <minimumf>, %select_n3A_1159, %reduce_min3A_1160 [1] : vector<256x1024xf32> to vector<256xf32>
    %broadcast_in_dim3A_1162 = vector.shape_cast %reduce_min3A_1161 : vector<256xf32> to vector<256x1xf32>
    %eq3A_1163 = vector.broadcast %broadcast_in_dim3A_1162 : vector<256x1xf32> to vector<256x1024xf32>
    %eq3A_1164 = arith.cmpf oeq, %select_n3A_1159, %eq3A_1163 : vector<256x1024xf32>
    %jit3A_1165 = arith.constant 1073741824 : i32
    %broadcast_in_dim3A_1166 = vector.shape_cast %add3A_56 : vector<1x1024xi32> to vector<1x1024xi32>
    %broadcast_in_dim3A_1167 = vector.broadcast %broadcast_in_dim3A_1166 : vector<1x1024xi32> to vector<256x1024xi32>
    %broadcast_in_dim3A_1168 = vector.broadcast %jit3A_1165 : i32 to vector<256x1024xi32>
    %select_n3A_1169 = arith.select %eq3A_1164, %broadcast_in_dim3A_1167, %broadcast_in_dim3A_1168 : vector<256x1024xi1>, vector<256x1024xi32>
    %reduce_min3A_1170 = arith.constant dense<2147483647> : vector<256xi32>
    %reduce_min3A_1171 = vector.multi_reduction <minsi>, %select_n3A_1169, %reduce_min3A_1170 [1] : vector<256x1024xi32> to vector<256xi32>
    %broadcast_in_dim3A_1172 = vector.shape_cast %reduce_min3A_1171 : vector<256xi32> to vector<256x1xi32>
    %shift_right_logical3A_1173 = arith.constant 12 : i32
    %shift_right_logical3A_1174 = vector.broadcast %shift_right_logical3A_1173 : i32 to vector<256x1xi32>
    %shift_right_logical3A_1175 = arith.shrui %broadcast_in_dim3A_1172, %shift_right_logical3A_1174 : vector<256x1xi32>
    %and3A_1176 = arith.constant 4095 : i32
    %and3A_1177 = vector.broadcast %and3A_1176 : i32 to vector<256x1xi32>
    %and3A_1178 = arith.andi %broadcast_in_dim3A_1172, %and3A_1177 : vector<256x1xi32>
    %shift_right_logical3A_1179 = arith.constant 2 : i32
    %shift_right_logical3A_1180 = vector.broadcast %shift_right_logical3A_1179 : i32 to vector<256x1xi32>
    %shift_right_logical3A_1181 = arith.shrui %and3A_1178, %shift_right_logical3A_1180 : vector<256x1xi32>
    %and3A_1182 = arith.constant 3 : i32
    %and3A_1183 = vector.broadcast %and3A_1182 : i32 to vector<256x1xi32>
    %and3A_1184 = arith.andi %and3A_1178, %and3A_1183 : vector<256x1xi32>
    %mul3A_1185 = arith.constant 1024 : i32
    %mul3A_1186 = arith.muli %select_n3A, %mul3A_1185 : i32
    %add3A_1187 = vector.broadcast %mul3A_1186 : i32 to vector<256x1xi32>
    %add3A_1188 = arith.addi %shift_right_logical3A_1175, %add3A_1187 : vector<256x1xi32>
    %add3A_1189 = arith.constant 9.99999993E-9 : f32
    %add3A_1190 = vector.broadcast %add3A_1189 : f32 to vector<256x1xf32>
    %add3A_1191 = arith.addf %broadcast_in_dim3A_1162, %add3A_1190 : vector<256x1xf32>
    %sqrt3A_1192 = math.sqrt %add3A_1191 : vector<256x1xf32>
    %eq3A_1193 = arith.cmpi eq, %and3A_1184, %convert_element_type3A_60 : vector<256x1xi32>
    %convert_element_type3A_1194 = arith.extui %eq3A_1193 : vector<256x1xi1> to vector<256x1xi32>
    %convert_element_type3A_1195 = arith.sitofp %convert_element_type3A_1194 : vector<256x1xi32> to vector<256x1xf32>
    %lt3A_1196 = arith.cmpi slt, %shift_right_logical3A_1181, %convert_element_type3A_64 : vector<256x1xi32>
    %convert_element_type3A_1197 = arith.extui %lt3A_1196 : vector<256x1xi1> to vector<256x1xi32>
    %convert_element_type3A_1198 = arith.sitofp %convert_element_type3A_1197 : vector<256x1xi32> to vector<256x1xf32>
    %eq3A_1199 = vector.broadcast %shift_right_logical3A_1175 : vector<256x1xi32> to vector<256x1024xi32>
    %eq3A_1200 = arith.cmpi eq, %iota3A, %eq3A_1199 : vector<256x1024xi32>
    %jit3A_1201 = arith.constant 0x7F800000 : f32
    %broadcast_in_dim3A_1202 = vector.broadcast %jit3A_1201 : f32 to vector<256x1024xf32>
    %select_n3A_1203 = arith.select %eq3A_1200, %broadcast_in_dim3A_1202, %select_n3A_1159 : vector<256x1024xi1>, vector<256x1024xf32>
    %reduce_min3A_1204 = arith.constant dense<0x7F800000> : vector<256xf32>
    %reduce_min3A_1205 = vector.multi_reduction <minimumf>, %select_n3A_1203, %reduce_min3A_1204 [1] : vector<256x1024xf32> to vector<256xf32>
    %broadcast_in_dim3A_1206 = vector.shape_cast %reduce_min3A_1205 : vector<256xf32> to vector<256x1xf32>
    %eq3A_1207 = vector.broadcast %broadcast_in_dim3A_1206 : vector<256x1xf32> to vector<256x1024xf32>
    %eq3A_1208 = arith.cmpf oeq, %select_n3A_1203, %eq3A_1207 : vector<256x1024xf32>
    %jit3A_1209 = arith.constant 1073741824 : i32
    %broadcast_in_dim3A_1210 = vector.shape_cast %add3A_56 : vector<1x1024xi32> to vector<1x1024xi32>
    %broadcast_in_dim3A_1211 = vector.broadcast %broadcast_in_dim3A_1210 : vector<1x1024xi32> to vector<256x1024xi32>
    %broadcast_in_dim3A_1212 = vector.broadcast %jit3A_1209 : i32 to vector<256x1024xi32>
    %select_n3A_1213 = arith.select %eq3A_1208, %broadcast_in_dim3A_1211, %broadcast_in_dim3A_1212 : vector<256x1024xi1>, vector<256x1024xi32>
    %reduce_min3A_1214 = arith.constant dense<2147483647> : vector<256xi32>
    %reduce_min3A_1215 = vector.multi_reduction <minsi>, %select_n3A_1213, %reduce_min3A_1214 [1] : vector<256x1024xi32> to vector<256xi32>
    %broadcast_in_dim3A_1216 = vector.shape_cast %reduce_min3A_1215 : vector<256xi32> to vector<256x1xi32>
    %shift_right_logical3A_1217 = arith.constant 12 : i32
    %shift_right_logical3A_1218 = vector.broadcast %shift_right_logical3A_1217 : i32 to vector<256x1xi32>
    %shift_right_logical3A_1219 = arith.shrui %broadcast_in_dim3A_1216, %shift_right_logical3A_1218 : vector<256x1xi32>
    %and3A_1220 = arith.constant 4095 : i32
    %and3A_1221 = vector.broadcast %and3A_1220 : i32 to vector<256x1xi32>
    %and3A_1222 = arith.andi %broadcast_in_dim3A_1216, %and3A_1221 : vector<256x1xi32>
    %shift_right_logical3A_1223 = arith.constant 2 : i32
    %shift_right_logical3A_1224 = vector.broadcast %shift_right_logical3A_1223 : i32 to vector<256x1xi32>
    %shift_right_logical3A_1225 = arith.shrui %and3A_1222, %shift_right_logical3A_1224 : vector<256x1xi32>
    %and3A_1226 = arith.constant 3 : i32
    %and3A_1227 = vector.broadcast %and3A_1226 : i32 to vector<256x1xi32>
    %and3A_1228 = arith.andi %and3A_1222, %and3A_1227 : vector<256x1xi32>
    %mul3A_1229 = arith.constant 1024 : i32
    %mul3A_1230 = arith.muli %select_n3A, %mul3A_1229 : i32
    %add3A_1231 = vector.broadcast %mul3A_1230 : i32 to vector<256x1xi32>
    %add3A_1232 = arith.addi %shift_right_logical3A_1219, %add3A_1231 : vector<256x1xi32>
    %add3A_1233 = arith.constant 9.99999993E-9 : f32
    %add3A_1234 = vector.broadcast %add3A_1233 : f32 to vector<256x1xf32>
    %add3A_1235 = arith.addf %broadcast_in_dim3A_1206, %add3A_1234 : vector<256x1xf32>
    %sqrt3A_1236 = math.sqrt %add3A_1235 : vector<256x1xf32>
    %eq3A_1237 = arith.cmpi eq, %and3A_1228, %convert_element_type3A_60 : vector<256x1xi32>
    %convert_element_type3A_1238 = arith.extui %eq3A_1237 : vector<256x1xi1> to vector<256x1xi32>
    %convert_element_type3A_1239 = arith.sitofp %convert_element_type3A_1238 : vector<256x1xi32> to vector<256x1xf32>
    %lt3A_1240 = arith.cmpi slt, %shift_right_logical3A_1225, %convert_element_type3A_64 : vector<256x1xi32>
    %convert_element_type3A_1241 = arith.extui %lt3A_1240 : vector<256x1xi1> to vector<256x1xi32>
    %convert_element_type3A_1242 = arith.sitofp %convert_element_type3A_1241 : vector<256x1xi32> to vector<256x1xf32>
    %eq3A_1243 = vector.broadcast %shift_right_logical3A_1219 : vector<256x1xi32> to vector<256x1024xi32>
    %eq3A_1244 = arith.cmpi eq, %iota3A, %eq3A_1243 : vector<256x1024xi32>
    %jit3A_1245 = arith.constant 0x7F800000 : f32
    %broadcast_in_dim3A_1246 = vector.broadcast %jit3A_1245 : f32 to vector<256x1024xf32>
    %select_n3A_1247 = arith.select %eq3A_1244, %broadcast_in_dim3A_1246, %select_n3A_1203 : vector<256x1024xi1>, vector<256x1024xf32>
    %reduce_min3A_1248 = arith.constant dense<0x7F800000> : vector<256xf32>
    %reduce_min3A_1249 = vector.multi_reduction <minimumf>, %select_n3A_1247, %reduce_min3A_1248 [1] : vector<256x1024xf32> to vector<256xf32>
    %broadcast_in_dim3A_1250 = vector.shape_cast %reduce_min3A_1249 : vector<256xf32> to vector<256x1xf32>
    %eq3A_1251 = vector.broadcast %broadcast_in_dim3A_1250 : vector<256x1xf32> to vector<256x1024xf32>
    %eq3A_1252 = arith.cmpf oeq, %select_n3A_1247, %eq3A_1251 : vector<256x1024xf32>
    %jit3A_1253 = arith.constant 1073741824 : i32
    %broadcast_in_dim3A_1254 = vector.shape_cast %add3A_56 : vector<1x1024xi32> to vector<1x1024xi32>
    %broadcast_in_dim3A_1255 = vector.broadcast %broadcast_in_dim3A_1254 : vector<1x1024xi32> to vector<256x1024xi32>
    %broadcast_in_dim3A_1256 = vector.broadcast %jit3A_1253 : i32 to vector<256x1024xi32>
    %select_n3A_1257 = arith.select %eq3A_1252, %broadcast_in_dim3A_1255, %broadcast_in_dim3A_1256 : vector<256x1024xi1>, vector<256x1024xi32>
    %reduce_min3A_1258 = arith.constant dense<2147483647> : vector<256xi32>
    %reduce_min3A_1259 = vector.multi_reduction <minsi>, %select_n3A_1257, %reduce_min3A_1258 [1] : vector<256x1024xi32> to vector<256xi32>
    %broadcast_in_dim3A_1260 = vector.shape_cast %reduce_min3A_1259 : vector<256xi32> to vector<256x1xi32>
    %shift_right_logical3A_1261 = arith.constant 12 : i32
    %shift_right_logical3A_1262 = vector.broadcast %shift_right_logical3A_1261 : i32 to vector<256x1xi32>
    %shift_right_logical3A_1263 = arith.shrui %broadcast_in_dim3A_1260, %shift_right_logical3A_1262 : vector<256x1xi32>
    %and3A_1264 = arith.constant 4095 : i32
    %and3A_1265 = vector.broadcast %and3A_1264 : i32 to vector<256x1xi32>
    %and3A_1266 = arith.andi %broadcast_in_dim3A_1260, %and3A_1265 : vector<256x1xi32>
    %shift_right_logical3A_1267 = arith.constant 2 : i32
    %shift_right_logical3A_1268 = vector.broadcast %shift_right_logical3A_1267 : i32 to vector<256x1xi32>
    %shift_right_logical3A_1269 = arith.shrui %and3A_1266, %shift_right_logical3A_1268 : vector<256x1xi32>
    %and3A_1270 = arith.constant 3 : i32
    %and3A_1271 = vector.broadcast %and3A_1270 : i32 to vector<256x1xi32>
    %and3A_1272 = arith.andi %and3A_1266, %and3A_1271 : vector<256x1xi32>
    %mul3A_1273 = arith.constant 1024 : i32
    %mul3A_1274 = arith.muli %select_n3A, %mul3A_1273 : i32
    %add3A_1275 = vector.broadcast %mul3A_1274 : i32 to vector<256x1xi32>
    %add3A_1276 = arith.addi %shift_right_logical3A_1263, %add3A_1275 : vector<256x1xi32>
    %add3A_1277 = arith.constant 9.99999993E-9 : f32
    %add3A_1278 = vector.broadcast %add3A_1277 : f32 to vector<256x1xf32>
    %add3A_1279 = arith.addf %broadcast_in_dim3A_1250, %add3A_1278 : vector<256x1xf32>
    %sqrt3A_1280 = math.sqrt %add3A_1279 : vector<256x1xf32>
    %eq3A_1281 = arith.cmpi eq, %and3A_1272, %convert_element_type3A_60 : vector<256x1xi32>
    %convert_element_type3A_1282 = arith.extui %eq3A_1281 : vector<256x1xi1> to vector<256x1xi32>
    %convert_element_type3A_1283 = arith.sitofp %convert_element_type3A_1282 : vector<256x1xi32> to vector<256x1xf32>
    %lt3A_1284 = arith.cmpi slt, %shift_right_logical3A_1269, %convert_element_type3A_64 : vector<256x1xi32>
    %convert_element_type3A_1285 = arith.extui %lt3A_1284 : vector<256x1xi1> to vector<256x1xi32>
    %convert_element_type3A_1286 = arith.sitofp %convert_element_type3A_1285 : vector<256x1xi32> to vector<256x1xf32>
    %eq3A_1287 = vector.broadcast %shift_right_logical3A_1263 : vector<256x1xi32> to vector<256x1024xi32>
    %eq3A_1288 = arith.cmpi eq, %iota3A, %eq3A_1287 : vector<256x1024xi32>
    %jit3A_1289 = arith.constant 0x7F800000 : f32
    %broadcast_in_dim3A_1290 = vector.broadcast %jit3A_1289 : f32 to vector<256x1024xf32>
    %select_n3A_1291 = arith.select %eq3A_1288, %broadcast_in_dim3A_1290, %select_n3A_1247 : vector<256x1024xi1>, vector<256x1024xf32>
    %reduce_min3A_1292 = arith.constant dense<0x7F800000> : vector<256xf32>
    %reduce_min3A_1293 = vector.multi_reduction <minimumf>, %select_n3A_1291, %reduce_min3A_1292 [1] : vector<256x1024xf32> to vector<256xf32>
    %broadcast_in_dim3A_1294 = vector.shape_cast %reduce_min3A_1293 : vector<256xf32> to vector<256x1xf32>
    %eq3A_1295 = vector.broadcast %broadcast_in_dim3A_1294 : vector<256x1xf32> to vector<256x1024xf32>
    %eq3A_1296 = arith.cmpf oeq, %select_n3A_1291, %eq3A_1295 : vector<256x1024xf32>
    %jit3A_1297 = arith.constant 1073741824 : i32
    %broadcast_in_dim3A_1298 = vector.shape_cast %add3A_56 : vector<1x1024xi32> to vector<1x1024xi32>
    %broadcast_in_dim3A_1299 = vector.broadcast %broadcast_in_dim3A_1298 : vector<1x1024xi32> to vector<256x1024xi32>
    %broadcast_in_dim3A_1300 = vector.broadcast %jit3A_1297 : i32 to vector<256x1024xi32>
    %select_n3A_1301 = arith.select %eq3A_1296, %broadcast_in_dim3A_1299, %broadcast_in_dim3A_1300 : vector<256x1024xi1>, vector<256x1024xi32>
    %reduce_min3A_1302 = arith.constant dense<2147483647> : vector<256xi32>
    %reduce_min3A_1303 = vector.multi_reduction <minsi>, %select_n3A_1301, %reduce_min3A_1302 [1] : vector<256x1024xi32> to vector<256xi32>
    %broadcast_in_dim3A_1304 = vector.shape_cast %reduce_min3A_1303 : vector<256xi32> to vector<256x1xi32>
    %shift_right_logical3A_1305 = arith.constant 12 : i32
    %shift_right_logical3A_1306 = vector.broadcast %shift_right_logical3A_1305 : i32 to vector<256x1xi32>
    %shift_right_logical3A_1307 = arith.shrui %broadcast_in_dim3A_1304, %shift_right_logical3A_1306 : vector<256x1xi32>
    %and3A_1308 = arith.constant 4095 : i32
    %and3A_1309 = vector.broadcast %and3A_1308 : i32 to vector<256x1xi32>
    %and3A_1310 = arith.andi %broadcast_in_dim3A_1304, %and3A_1309 : vector<256x1xi32>
    %shift_right_logical3A_1311 = arith.constant 2 : i32
    %shift_right_logical3A_1312 = vector.broadcast %shift_right_logical3A_1311 : i32 to vector<256x1xi32>
    %shift_right_logical3A_1313 = arith.shrui %and3A_1310, %shift_right_logical3A_1312 : vector<256x1xi32>
    %and3A_1314 = arith.constant 3 : i32
    %and3A_1315 = vector.broadcast %and3A_1314 : i32 to vector<256x1xi32>
    %and3A_1316 = arith.andi %and3A_1310, %and3A_1315 : vector<256x1xi32>
    %mul3A_1317 = arith.constant 1024 : i32
    %mul3A_1318 = arith.muli %select_n3A, %mul3A_1317 : i32
    %add3A_1319 = vector.broadcast %mul3A_1318 : i32 to vector<256x1xi32>
    %add3A_1320 = arith.addi %shift_right_logical3A_1307, %add3A_1319 : vector<256x1xi32>
    %add3A_1321 = arith.constant 9.99999993E-9 : f32
    %add3A_1322 = vector.broadcast %add3A_1321 : f32 to vector<256x1xf32>
    %add3A_1323 = arith.addf %broadcast_in_dim3A_1294, %add3A_1322 : vector<256x1xf32>
    %sqrt3A_1324 = math.sqrt %add3A_1323 : vector<256x1xf32>
    %eq3A_1325 = arith.cmpi eq, %and3A_1316, %convert_element_type3A_60 : vector<256x1xi32>
    %convert_element_type3A_1326 = arith.extui %eq3A_1325 : vector<256x1xi1> to vector<256x1xi32>
    %convert_element_type3A_1327 = arith.sitofp %convert_element_type3A_1326 : vector<256x1xi32> to vector<256x1xf32>
    %lt3A_1328 = arith.cmpi slt, %shift_right_logical3A_1313, %convert_element_type3A_64 : vector<256x1xi32>
    %convert_element_type3A_1329 = arith.extui %lt3A_1328 : vector<256x1xi1> to vector<256x1xi32>
    %convert_element_type3A_1330 = arith.sitofp %convert_element_type3A_1329 : vector<256x1xi32> to vector<256x1xf32>
    %eq3A_1331 = vector.broadcast %shift_right_logical3A_1307 : vector<256x1xi32> to vector<256x1024xi32>
    %eq3A_1332 = arith.cmpi eq, %iota3A, %eq3A_1331 : vector<256x1024xi32>
    %jit3A_1333 = arith.constant 0x7F800000 : f32
    %broadcast_in_dim3A_1334 = vector.broadcast %jit3A_1333 : f32 to vector<256x1024xf32>
    %select_n3A_1335 = arith.select %eq3A_1332, %broadcast_in_dim3A_1334, %select_n3A_1291 : vector<256x1024xi1>, vector<256x1024xf32>
    %reduce_min3A_1336 = arith.constant dense<0x7F800000> : vector<256xf32>
    %reduce_min3A_1337 = vector.multi_reduction <minimumf>, %select_n3A_1335, %reduce_min3A_1336 [1] : vector<256x1024xf32> to vector<256xf32>
    %broadcast_in_dim3A_1338 = vector.shape_cast %reduce_min3A_1337 : vector<256xf32> to vector<256x1xf32>
    %eq3A_1339 = vector.broadcast %broadcast_in_dim3A_1338 : vector<256x1xf32> to vector<256x1024xf32>
    %eq3A_1340 = arith.cmpf oeq, %select_n3A_1335, %eq3A_1339 : vector<256x1024xf32>
    %jit3A_1341 = arith.constant 1073741824 : i32
    %broadcast_in_dim3A_1342 = vector.shape_cast %add3A_56 : vector<1x1024xi32> to vector<1x1024xi32>
    %broadcast_in_dim3A_1343 = vector.broadcast %broadcast_in_dim3A_1342 : vector<1x1024xi32> to vector<256x1024xi32>
    %broadcast_in_dim3A_1344 = vector.broadcast %jit3A_1341 : i32 to vector<256x1024xi32>
    %select_n3A_1345 = arith.select %eq3A_1340, %broadcast_in_dim3A_1343, %broadcast_in_dim3A_1344 : vector<256x1024xi1>, vector<256x1024xi32>
    %reduce_min3A_1346 = arith.constant dense<2147483647> : vector<256xi32>
    %reduce_min3A_1347 = vector.multi_reduction <minsi>, %select_n3A_1345, %reduce_min3A_1346 [1] : vector<256x1024xi32> to vector<256xi32>
    %broadcast_in_dim3A_1348 = vector.shape_cast %reduce_min3A_1347 : vector<256xi32> to vector<256x1xi32>
    %shift_right_logical3A_1349 = arith.constant 12 : i32
    %shift_right_logical3A_1350 = vector.broadcast %shift_right_logical3A_1349 : i32 to vector<256x1xi32>
    %shift_right_logical3A_1351 = arith.shrui %broadcast_in_dim3A_1348, %shift_right_logical3A_1350 : vector<256x1xi32>
    %and3A_1352 = arith.constant 4095 : i32
    %and3A_1353 = vector.broadcast %and3A_1352 : i32 to vector<256x1xi32>
    %and3A_1354 = arith.andi %broadcast_in_dim3A_1348, %and3A_1353 : vector<256x1xi32>
    %shift_right_logical3A_1355 = arith.constant 2 : i32
    %shift_right_logical3A_1356 = vector.broadcast %shift_right_logical3A_1355 : i32 to vector<256x1xi32>
    %shift_right_logical3A_1357 = arith.shrui %and3A_1354, %shift_right_logical3A_1356 : vector<256x1xi32>
    %and3A_1358 = arith.constant 3 : i32
    %and3A_1359 = vector.broadcast %and3A_1358 : i32 to vector<256x1xi32>
    %and3A_1360 = arith.andi %and3A_1354, %and3A_1359 : vector<256x1xi32>
    %mul3A_1361 = arith.constant 1024 : i32
    %mul3A_1362 = arith.muli %select_n3A, %mul3A_1361 : i32
    %add3A_1363 = vector.broadcast %mul3A_1362 : i32 to vector<256x1xi32>
    %add3A_1364 = arith.addi %shift_right_logical3A_1351, %add3A_1363 : vector<256x1xi32>
    %add3A_1365 = arith.constant 9.99999993E-9 : f32
    %add3A_1366 = vector.broadcast %add3A_1365 : f32 to vector<256x1xf32>
    %add3A_1367 = arith.addf %broadcast_in_dim3A_1338, %add3A_1366 : vector<256x1xf32>
    %sqrt3A_1368 = math.sqrt %add3A_1367 : vector<256x1xf32>
    %eq3A_1369 = arith.cmpi eq, %and3A_1360, %convert_element_type3A_60 : vector<256x1xi32>
    %convert_element_type3A_1370 = arith.extui %eq3A_1369 : vector<256x1xi1> to vector<256x1xi32>
    %convert_element_type3A_1371 = arith.sitofp %convert_element_type3A_1370 : vector<256x1xi32> to vector<256x1xf32>
    %lt3A_1372 = arith.cmpi slt, %shift_right_logical3A_1357, %convert_element_type3A_64 : vector<256x1xi32>
    %convert_element_type3A_1373 = arith.extui %lt3A_1372 : vector<256x1xi1> to vector<256x1xi32>
    %convert_element_type3A_1374 = arith.sitofp %convert_element_type3A_1373 : vector<256x1xi32> to vector<256x1xf32>
    %mul3A_1375 = arith.constant 256 : i32
    %mul3A_1376 = arith.muli %arg0, %mul3A_1375 : i32
    %iota3A_1377 = tpu.iota {dimensions = array<i32: 0>} : vector<256x1xi32>
    %add3A_1378 = vector.broadcast %mul3A_1376 : i32 to vector<256x1xi32>
    %add3A_1379 = arith.addi %add3A_1378, %iota3A_1377 : vector<256x1xi32>
    %broadcast_in_dim3A_1380 = arith.constant 0.000000e+00 : f32
    %broadcast_in_dim3A_1381 = vector.broadcast %broadcast_in_dim3A_1380 : f32 to vector<256x1xf32>
    %add3A_1382 = arith.constant 9.99999974E-5 : f32
    %add3A_1383 = vector.broadcast %add3A_1382 : f32 to vector<256x1xf32>
    %add3A_1384 = arith.addf %broadcast_in_dim3A_1381, %add3A_1383 : vector<256x1xf32>
    %add3A_1385 = arith.constant 1.000000e+00 : f32
    %add3A_1386 = vector.broadcast %add3A_1385 : f32 to vector<256x1xf32>
    %add3A_1387 = arith.addf %broadcast_in_dim3A_1381, %add3A_1386 : vector<256x1xf32>
    %add3A_1388 = arith.constant 9.99999974E-5 : f32
    %add3A_1389 = vector.broadcast %add3A_1388 : f32 to vector<256x1xf32>
    %add3A_1390 = arith.addf %broadcast_in_dim3A_1381, %add3A_1389 : vector<256x1xf32>
    %add3A_1391 = arith.constant 1.000000e+00 : f32
    %add3A_1392 = vector.broadcast %add3A_1391 : f32 to vector<256x1xf32>
    %add3A_1393 = arith.addf %broadcast_in_dim3A_1381, %add3A_1392 : vector<256x1xf32>
    %concatenate3A = tpu.concatenate %add3A_90, %add3A_132, %add3A_176, %add3A_220, %add3A_264, %add3A_308, %add3A_352, %add3A_396, %add3A_440, %add3A_484, %add3A_528, %add3A_572, %add3A_616, %add3A_660, %add3A_704, %add3A_748, %add3A_792, %add3A_836, %add3A_880, %add3A_924, %add3A_968, %add3A_1012, %add3A_1056, %add3A_1100, %add3A_1144, %add3A_1188, %add3A_1232, %add3A_1276, %add3A_1320, %add3A_1364, %add3A_1379, %add3A_1379 in 1 : vector<256x1xi32>, vector<256x1xi32>, vector<256x1xi32>, vector<256x1xi32>, vector<256x1xi32>, vector<256x1xi32>, vector<256x1xi32>, vector<256x1xi32>, vector<256x1xi32>, vector<256x1xi32>, vector<256x1xi32>, vector<256x1xi32>, vector<256x1xi32>, vector<256x1xi32>, vector<256x1xi32>, vector<256x1xi32>, vector<256x1xi32>, vector<256x1xi32>, vector<256x1xi32>, vector<256x1xi32>, vector<256x1xi32>, vector<256x1xi32>, vector<256x1xi32>, vector<256x1xi32>, vector<256x1xi32>, vector<256x1xi32>, vector<256x1xi32>, vector<256x1xi32>, vector<256x1xi32>, vector<256x1xi32>, vector<256x1xi32>, vector<256x1xi32> -> vector<256x32xi32>
    %swap3A = arith.constant 0 : index
    %swap3A_1394 = arith.constant 0 : index
    %swap3A_1395 = vector.load %arg11[%swap3A, %swap3A_1394] : memref<256x32xi32, #tpu.memory_space<vmem>>, vector<256x32xi32>
    tpu.vector_store %arg11[%swap3A, %swap3A_1394], %concatenate3A {strides = array<i32>} : memref<256x32xi32, #tpu.memory_space<vmem>>, vector<256x32xi32>,
    %concatenate3A_1396 = tpu.concatenate %sqrt3A, %sqrt3A_136, %sqrt3A_180, %sqrt3A_224, %sqrt3A_268, %sqrt3A_312, %sqrt3A_356, %sqrt3A_400, %sqrt3A_444, %sqrt3A_488, %sqrt3A_532, %sqrt3A_576, %sqrt3A_620, %sqrt3A_664, %sqrt3A_708, %sqrt3A_752, %sqrt3A_796, %sqrt3A_840, %sqrt3A_884, %sqrt3A_928, %sqrt3A_972, %sqrt3A_1016, %sqrt3A_1060, %sqrt3A_1104, %sqrt3A_1148, %sqrt3A_1192, %sqrt3A_1236, %sqrt3A_1280, %sqrt3A_1324, %sqrt3A_1368, %add3A_1384, %add3A_1390 in 1 : vector<256x1xf32>, vector<256x1xf32>, vector<256x1xf32>, vector<256x1xf32>, vector<256x1xf32>, vector<256x1xf32>, vector<256x1xf32>, vector<256x1xf32>, vector<256x1xf32>, vector<256x1xf32>, vector<256x1xf32>, vector<256x1xf32>, vector<256x1xf32>, vector<256x1xf32>, vector<256x1xf32>, vector<256x1xf32>, vector<256x1xf32>, vector<256x1xf32>, vector<256x1xf32>, vector<256x1xf32>, vector<256x1xf32>, vector<256x1xf32>, vector<256x1xf32>, vector<256x1xf32>, vector<256x1xf32>, vector<256x1xf32>, vector<256x1xf32>, vector<256x1xf32>, vector<256x1xf32>, vector<256x1xf32>, vector<256x1xf32>, vector<256x1xf32> -> vector<256x32xf32>
    %swap3A_1397 = arith.constant 0 : index
    %swap3A_1398 = arith.constant 0 : index
    %swap3A_1399 = vector.load %arg12[%swap3A_1397, %swap3A_1398] : memref<256x32xf32, #tpu.memory_space<vmem>>, vector<256x32xf32>
    tpu.vector_store %arg12[%swap3A_1397, %swap3A_1398], %concatenate3A_1396 {strides = array<i32>} : memref<256x32xf32, #tpu.memory_space<vmem>>, vector<256x32xf32>,
    %concatenate3A_1400 = tpu.concatenate %convert_element_type3A_96, %convert_element_type3A_139, %convert_element_type3A_183, %convert_element_type3A_227, %convert_element_type3A_271, %convert_element_type3A_315, %convert_element_type3A_359, %convert_element_type3A_403, %convert_element_type3A_447, %convert_element_type3A_491, %convert_element_type3A_535, %convert_element_type3A_579, %convert_element_type3A_623, %convert_element_type3A_667, %convert_element_type3A_711, %convert_element_type3A_755, %convert_element_type3A_799, %convert_element_type3A_843, %convert_element_type3A_887, %convert_element_type3A_931, %convert_element_type3A_975, %convert_element_type3A_1019, %convert_element_type3A_1063, %convert_element_type3A_1107, %convert_element_type3A_1151, %convert_element_type3A_1195, %convert_element_type3A_1239, %convert_element_type3A_1283, %convert_element_type3A_1327, %convert_element_type3A_1371, %add3A_1387, %add3A_1393 in 1 : vector<256x1xf32>, vector<256x1xf32>, vector<256x1xf32>, vector<256x1xf32>, vector<256x1xf32>, vector<256x1xf32>, vector<256x1xf32>, vector<256x1xf32>, vector<256x1xf32>, vector<256x1xf32>, vector<256x1xf32>, vector<256x1xf32>, vector<256x1xf32>, vector<256x1xf32>, vector<256x1xf32>, vector<256x1xf32>, vector<256x1xf32>, vector<256x1xf32>, vector<256x1xf32>, vector<256x1xf32>, vector<256x1xf32>, vector<256x1xf32>, vector<256x1xf32>, vector<256x1xf32>, vector<256x1xf32>, vector<256x1xf32>, vector<256x1xf32>, vector<256x1xf32>, vector<256x1xf32>, vector<256x1xf32>, vector<256x1xf32>, vector<256x1xf32> -> vector<256x32xf32>
    %swap3A_1401 = arith.constant 0 : index
    %swap3A_1402 = arith.constant 0 : index
    %swap3A_1403 = vector.load %arg13[%swap3A_1401, %swap3A_1402] : memref<256x32xf32, #tpu.memory_space<vmem>>, vector<256x32xf32>
    tpu.vector_store %arg13[%swap3A_1401, %swap3A_1402], %concatenate3A_1400 {strides = array<i32>} : memref<256x32xf32, #tpu.memory_space<vmem>>, vector<256x32xf32>,
    %concatenate3A_1404 = tpu.concatenate %convert_element_type3A_98, %convert_element_type3A_142, %convert_element_type3A_186, %convert_element_type3A_230, %convert_element_type3A_274, %convert_element_type3A_318, %convert_element_type3A_362, %convert_element_type3A_406, %convert_element_type3A_450, %convert_element_type3A_494, %convert_element_type3A_538, %convert_element_type3A_582, %convert_element_type3A_626, %convert_element_type3A_670, %convert_element_type3A_714, %convert_element_type3A_758, %convert_element_type3A_802, %convert_element_type3A_846, %convert_element_type3A_890, %convert_element_type3A_934, %convert_element_type3A_978, %convert_element_type3A_1022, %convert_element_type3A_1066, %convert_element_type3A_1110, %convert_element_type3A_1154, %convert_element_type3A_1198, %convert_element_type3A_1242, %convert_element_type3A_1286, %convert_element_type3A_1330, %convert_element_type3A_1374, %broadcast_in_dim3A_1381, %broadcast_in_dim3A_1381 in 1 : vector<256x1xf32>, vector<256x1xf32>, vector<256x1xf32>, vector<256x1xf32>, vector<256x1xf32>, vector<256x1xf32>, vector<256x1xf32>, vector<256x1xf32>, vector<256x1xf32>, vector<256x1xf32>, vector<256x1xf32>, vector<256x1xf32>, vector<256x1xf32>, vector<256x1xf32>, vector<256x1xf32>, vector<256x1xf32>, vector<256x1xf32>, vector<256x1xf32>, vector<256x1xf32>, vector<256x1xf32>, vector<256x1xf32>, vector<256x1xf32>, vector<256x1xf32>, vector<256x1xf32>, vector<256x1xf32>, vector<256x1xf32>, vector<256x1xf32>, vector<256x1xf32>, vector<256x1xf32>, vector<256x1xf32>, vector<256x1xf32>, vector<256x1xf32> -> vector<256x32xf32>
    %swap3A_1405 = arith.constant 0 : index
    %swap3A_1406 = arith.constant 0 : index
    %swap3A_1407 = vector.load %arg14[%swap3A_1405, %swap3A_1406] : memref<256x32xf32, #tpu.memory_space<vmem>>, vector<256x32xf32>
    tpu.vector_store %arg14[%swap3A_1405, %swap3A_1406], %concatenate3A_1404 {strides = array<i32>} : memref<256x32xf32, #tpu.memory_space<vmem>>, vector<256x32xf32>,
    return
  }
  func.func @transform_0(%arg0: i32) -> (i32, i32) {
    %c0_i32 = arith.constant 0 : i32
    %c0_i32_0 = arith.constant 0 : i32
    return %arg0, %c0_i32 : i32, i32
  }
  func.func @transform_1(%arg0: i32) -> (i32, i32) {
    %c0_i32 = arith.constant 0 : i32
    %c0_i32_0 = arith.constant 0 : i32
    return %arg0, %c0_i32 : i32, i32
  }
  func.func @transform_2(%arg0: i32) -> (i32, i32) {
    %c0_i32 = arith.constant 0 : i32
    %c0_i32_0 = arith.constant 0 : i32
    return %arg0, %c0_i32 : i32, i32
  }
  func.func @transform_3(%arg0: i32) -> (i32, i32) {
    %c0_i32 = arith.constant 0 : i32
    %c0_i32_0 = arith.constant 0 : i32
    return %arg0, %c0_i32 : i32, i32
  }
  func.func @transform_4(%arg0: i32) -> (i32, i32) {
    %c0_i32 = arith.constant 0 : i32
    %c0_i32_0 = arith.constant 0 : i32
    return %arg0, %c0_i32 : i32, i32
  }
  func.func @transform_5(%arg0: i32) -> i32 {
    %jit3A = arith.constant 4 : i32
    %div3A = arith.divsi %arg0, %jit3A : i32
    %sign3A = arith.constant 0 : i32
    %sign3A_0 = arith.cmpi sgt, %arg0, %sign3A : i32
    %sign3A_1 = arith.extui %sign3A_0 : i1 to i32
    %sign3A_2 = arith.constant 0 : i32
    %sign3A_3 = arith.cmpi slt, %arg0, %sign3A_2 : i32
    %sign3A_4 = arith.extui %sign3A_3 : i1 to i32
    %sign3A_5 = arith.subi %sign3A_1, %sign3A_4 : i32
    %sign3A_6 = arith.constant 0 : i32
    %sign3A_7 = arith.cmpi sgt, %jit3A, %sign3A_6 : i32
    %sign3A_8 = arith.extui %sign3A_7 : i1 to i32
    %sign3A_9 = arith.constant 0 : i32
    %sign3A_10 = arith.cmpi slt, %jit3A, %sign3A_9 : i32
    %sign3A_11 = arith.extui %sign3A_10 : i1 to i32
    %sign3A_12 = arith.subi %sign3A_8, %sign3A_11 : i32
    %ne3A = arith.cmpi ne, %sign3A_5, %sign3A_12 : i32
    %rem3A = arith.remsi %arg0, %jit3A : i32
    %ne3A_13 = arith.constant 0 : i32
    %ne3A_14 = arith.cmpi ne, %rem3A, %ne3A_13 : i32
    %and3A = arith.andi %ne3A, %ne3A_14 : i1
    %sub3A = arith.constant 1 : i32
    %sub3A_15 = arith.subi %div3A, %sub3A : i32
    %select_n3A = arith.select %and3A, %sub3A_15, %div3A : i32
    %c0_i32 = arith.constant 0 : i32
    return %select_n3A : i32
  }
  func.func @transform_6(%arg0: i32) -> i32 {
    %jit3A = arith.constant 4 : i32
    %div3A = arith.divsi %arg0, %jit3A : i32
    %sign3A = arith.constant 0 : i32
    %sign3A_0 = arith.cmpi sgt, %arg0, %sign3A : i32
    %sign3A_1 = arith.extui %sign3A_0 : i1 to i32
    %sign3A_2 = arith.constant 0 : i32
    %sign3A_3 = arith.cmpi slt, %arg0, %sign3A_2 : i32
    %sign3A_4 = arith.extui %sign3A_3 : i1 to i32
    %sign3A_5 = arith.subi %sign3A_1, %sign3A_4 : i32
    %sign3A_6 = arith.constant 0 : i32
    %sign3A_7 = arith.cmpi sgt, %jit3A, %sign3A_6 : i32
    %sign3A_8 = arith.extui %sign3A_7 : i1 to i32
    %sign3A_9 = arith.constant 0 : i32
    %sign3A_10 = arith.cmpi slt, %jit3A, %sign3A_9 : i32
    %sign3A_11 = arith.extui %sign3A_10 : i1 to i32
    %sign3A_12 = arith.subi %sign3A_8, %sign3A_11 : i32
    %ne3A = arith.cmpi ne, %sign3A_5, %sign3A_12 : i32
    %rem3A = arith.remsi %arg0, %jit3A : i32
    %ne3A_13 = arith.constant 0 : i32
    %ne3A_14 = arith.cmpi ne, %rem3A, %ne3A_13 : i32
    %and3A = arith.andi %ne3A, %ne3A_14 : i1
    %sub3A = arith.constant 1 : i32
    %sub3A_15 = arith.subi %div3A, %sub3A : i32
    %select_n3A = arith.select %and3A, %sub3A_15, %div3A : i32
    %c0_i32 = arith.constant 0 : i32
    return %select_n3A : i32
  }
  func.func @transform_7(%arg0: i32) -> i32 {
    %jit3A = arith.constant 4 : i32
    %div3A = arith.divsi %arg0, %jit3A : i32
    %sign3A = arith.constant 0 : i32
    %sign3A_0 = arith.cmpi sgt, %arg0, %sign3A : i32
    %sign3A_1 = arith.extui %sign3A_0 : i1 to i32
    %sign3A_2 = arith.constant 0 : i32
    %sign3A_3 = arith.cmpi slt, %arg0, %sign3A_2 : i32
    %sign3A_4 = arith.extui %sign3A_3 : i1 to i32
    %sign3A_5 = arith.subi %sign3A_1, %sign3A_4 : i32
    %sign3A_6 = arith.constant 0 : i32
    %sign3A_7 = arith.cmpi sgt, %jit3A, %sign3A_6 : i32
    %sign3A_8 = arith.extui %sign3A_7 : i1 to i32
    %sign3A_9 = arith.constant 0 : i32
    %sign3A_10 = arith.cmpi slt, %jit3A, %sign3A_9 : i32
    %sign3A_11 = arith.extui %sign3A_10 : i1 to i32
    %sign3A_12 = arith.subi %sign3A_8, %sign3A_11 : i32
    %ne3A = arith.cmpi ne, %sign3A_5, %sign3A_12 : i32
    %rem3A = arith.remsi %arg0, %jit3A : i32
    %ne3A_13 = arith.constant 0 : i32
    %ne3A_14 = arith.cmpi ne, %rem3A, %ne3A_13 : i32
    %and3A = arith.andi %ne3A, %ne3A_14 : i1
    %sub3A = arith.constant 1 : i32
    %sub3A_15 = arith.subi %div3A, %sub3A : i32
    %select_n3A = arith.select %and3A, %sub3A_15, %div3A : i32
    %c0_i32 = arith.constant 0 : i32
    return %select_n3A : i32
  }
  func.func @transform_8(%arg0: i32) -> i32 {
    %jit3A = arith.constant 4 : i32
    %div3A = arith.divsi %arg0, %jit3A : i32
    %sign3A = arith.constant 0 : i32
    %sign3A_0 = arith.cmpi sgt, %arg0, %sign3A : i32
    %sign3A_1 = arith.extui %sign3A_0 : i1 to i32
    %sign3A_2 = arith.constant 0 : i32
    %sign3A_3 = arith.cmpi slt, %arg0, %sign3A_2 : i32
    %sign3A_4 = arith.extui %sign3A_3 : i1 to i32
    %sign3A_5 = arith.subi %sign3A_1, %sign3A_4 : i32
    %sign3A_6 = arith.constant 0 : i32
    %sign3A_7 = arith.cmpi sgt, %jit3A, %sign3A_6 : i32
    %sign3A_8 = arith.extui %sign3A_7 : i1 to i32
    %sign3A_9 = arith.constant 0 : i32
    %sign3A_10 = arith.cmpi slt, %jit3A, %sign3A_9 : i32
    %sign3A_11 = arith.extui %sign3A_10 : i1 to i32
    %sign3A_12 = arith.subi %sign3A_8, %sign3A_11 : i32
    %ne3A = arith.cmpi ne, %sign3A_5, %sign3A_12 : i32
    %rem3A = arith.remsi %arg0, %jit3A : i32
    %ne3A_13 = arith.constant 0 : i32
    %ne3A_14 = arith.cmpi ne, %rem3A, %ne3A_13 : i32
    %and3A = arith.andi %ne3A, %ne3A_14 : i1
    %sub3A = arith.constant 1 : i32
    %sub3A_15 = arith.subi %div3A, %sub3A : i32
    %select_n3A = arith.select %and3A, %sub3A_15, %div3A : i32
    %c0_i32 = arith.constant 0 : i32
    return %select_n3A : i32
  }
  func.func @transform_9(%arg0: i32) -> i32 {
    %jit3A = arith.constant 4 : i32
    %div3A = arith.divsi %arg0, %jit3A : i32
    %sign3A = arith.constant 0 : i32
    %sign3A_0 = arith.cmpi sgt, %arg0, %sign3A : i32
    %sign3A_1 = arith.extui %sign3A_0 : i1 to i32
    %sign3A_2 = arith.constant 0 : i32
    %sign3A_3 = arith.cmpi slt, %arg0, %sign3A_2 : i32
    %sign3A_4 = arith.extui %sign3A_3 : i1 to i32
    %sign3A_5 = arith.subi %sign3A_1, %sign3A_4 : i32
    %sign3A_6 = arith.constant 0 : i32
    %sign3A_7 = arith.cmpi sgt, %jit3A, %sign3A_6 : i32
    %sign3A_8 = arith.extui %sign3A_7 : i1 to i32
    %sign3A_9 = arith.constant 0 : i32
    %sign3A_10 = arith.cmpi slt, %jit3A, %sign3A_9 : i32
    %sign3A_11 = arith.extui %sign3A_10 : i1 to i32
    %sign3A_12 = arith.subi %sign3A_8, %sign3A_11 : i32
    %ne3A = arith.cmpi ne, %sign3A_5, %sign3A_12 : i32
    %rem3A = arith.remsi %arg0, %jit3A : i32
    %ne3A_13 = arith.constant 0 : i32
    %ne3A_14 = arith.cmpi ne, %rem3A, %ne3A_13 : i32
    %and3A = arith.andi %ne3A, %ne3A_14 : i1
    %sub3A = arith.constant 1 : i32
    %sub3A_15 = arith.subi %div3A, %sub3A : i32
    %select_n3A = arith.select %and3A, %sub3A_15, %div3A : i32
    %c0_i32 = arith.constant 0 : i32
    return %select_n3A : i32
  }
  func.func @transform_10(%arg0: i32) -> (i32, i32) {
    %c0_i32 = arith.constant 0 : i32
    %c0_i32_0 = arith.constant 0 : i32
    return %arg0, %c0_i32 : i32, i32
  }
  func.func @transform_11(%arg0: i32) -> (i32, i32) {
    %c0_i32 = arith.constant 0 : i32
    %c0_i32_0 = arith.constant 0 : i32
    return %arg0, %c0_i32 : i32, i32
  }
  func.func @transform_12(%arg0: i32) -> (i32, i32) {
    %c0_i32 = arith.constant 0 : i32
    %c0_i32_0 = arith.constant 0 : i32
    return %arg0, %c0_i32 : i32, i32
  }
  func.func @transform_13(%arg0: i32) -> (i32, i32) {
    %c0_i32 = arith.constant 0 : i32
    %c0_i32_0 = arith.constant 0 : i32
    return %arg0, %c0_i32 : i32, i32
  }
}

module attributes {stable_mosaic.version = 14 : i64} {
  func.func @_feat_body(%arg0: i32, %arg1: memref<4096x1xf32, #tpu.memory_space<vmem>>, %arg2: memref<4096x1xf32, #tpu.memory_space<vmem>>, %arg3: memref<128x1xi32, #tpu.memory_space<vmem>>, %arg4: memref<21x128xf32, #tpu.memory_space<vmem>>, %arg5: memref<128xf32, #tpu.memory_space<vmem>>, %arg6: memref<16xf32, #tpu.memory_space<vmem>>, %arg7: memref<145x128xf32, #tpu.memory_space<vmem>>, %arg8: memref<128xf32, #tpu.memory_space<vmem>>, %arg9: memref<128x4096xf32, #tpu.memory_space<vmem>>, %arg10: memref<128x128xf32, #tpu.memory_space<vmem>>, %arg11: memref<128xf32, #tpu.memory_space<vmem>>, %arg12: memref<128x128xf32, #tpu.memory_space<vmem>>, %arg13: memref<128xf32, #tpu.memory_space<vmem>>, %arg14: memref<4096x128xf32, #tpu.memory_space<vmem>>, %arg15: memref<128x128xf32, #tpu.memory_space<vmem>>, %arg16: memref<128x64xi32, #tpu.memory_space<vmem>>, %arg17: memref<128x64xi32, #tpu.memory_space<vmem>>) attributes {dimension_semantics = [#tpu.dimension_semantics<arbitrary>], iteration_bounds = array<i64: 32>, scalar_prefetch = 0 : i64, scratch_operands = 0 : i64, tpu.core_type = #tpu.core_type<tc>, window_params = [{transform_indices = @transform_0, window_bounds = array<i64: 4096, 1>}, {transform_indices = @transform_1, window_bounds = array<i64: 4096, 1>}, {transform_indices = @transform_2, window_bounds = array<i64: 128, 1>}, {pipeline_mode = #tpu.pipeline_mode<synchronous>, transform_indices = @transform_3, window_bounds = array<i64: 21, 128>}, {pipeline_mode = #tpu.pipeline_mode<synchronous>, transform_indices = @transform_4, window_bounds = array<i64: 128>}, {pipeline_mode = #tpu.pipeline_mode<synchronous>, transform_indices = @transform_5, window_bounds = array<i64: 16>}, {pipeline_mode = #tpu.pipeline_mode<synchronous>, transform_indices = @transform_6, window_bounds = array<i64: 145, 128>}, {pipeline_mode = #tpu.pipeline_mode<synchronous>, transform_indices = @transform_7, window_bounds = array<i64: 128>}, {pipeline_mode = #tpu.pipeline_mode<synchronous>, transform_indices = @transform_8, window_bounds = array<i64: 128, 4096>}, {pipeline_mode = #tpu.pipeline_mode<synchronous>, transform_indices = @transform_9, window_bounds = array<i64: 128, 128>}, {pipeline_mode = #tpu.pipeline_mode<synchronous>, transform_indices = @transform_10, window_bounds = array<i64: 128>}, {pipeline_mode = #tpu.pipeline_mode<synchronous>, transform_indices = @transform_11, window_bounds = array<i64: 128, 128>}, {pipeline_mode = #tpu.pipeline_mode<synchronous>, transform_indices = @transform_12, window_bounds = array<i64: 128>}, {transform_indices = @transform_13, window_bounds = array<i64: 4096, 128>}, {transform_indices = @transform_14, window_bounds = array<i64: 128, 128>}, {transform_indices = @transform_15, window_bounds = array<i64: 128, 64>}, {transform_indices = @transform_16, window_bounds = array<i64: 128, 64>}]} {
    %get3A = arith.constant 0 : index
    %get3A_0 = arith.constant 0 : index
    %get3A_1 = vector.load %arg1[%get3A, %get3A_0] : memref<4096x1xf32, #tpu.memory_space<vmem>>, vector<4096x1xf32>
    %get3A_2 = arith.constant 0 : index
    %get3A_3 = vector.load %arg6[%get3A_2] : memref<16xf32, #tpu.memory_space<vmem>>, vector<16xf32>
    %broadcast_in_dim3A = vector.shape_cast %get3A_3 : vector<16xf32> to vector<1x16xf32>
    %sub3A = vector.broadcast %get3A_1 : vector<4096x1xf32> to vector<4096x16xf32>
    %sub3A_4 = vector.broadcast %broadcast_in_dim3A : vector<1x16xf32> to vector<4096x16xf32>
    %sub3A_5 = arith.subf %sub3A, %sub3A_4 : vector<4096x16xf32>
    %div3A = arith.constant 1.250000e+00 : f32
    %div3A_6 = vector.broadcast %div3A : f32 to vector<4096x16xf32>
    %div3A_7 = arith.divf %sub3A_5, %div3A_6 : vector<4096x16xf32>
    %integer_pow3A = arith.mulf %div3A_7, %div3A_7 : vector<4096x16xf32>
    %neg3A = arith.constant 0.000000e+00 : f32
    %neg3A_8 = vector.broadcast %neg3A : f32 to vector<4096x16xf32>
    %neg3A_9 = arith.subf %neg3A_8, %integer_pow3A : vector<4096x16xf32>
    %exp3A = math.exp %neg3A_9 : vector<4096x16xf32>
    %get3A_10 = arith.constant 0 : index
    %get3A_11 = vector.load %arg5[%get3A_10] : memref<128xf32, #tpu.memory_space<vmem>>, vector<128xf32>
    %broadcast_in_dim3A_12 = vector.shape_cast %get3A_11 : vector<128xf32> to vector<1x128xf32>
    %div3A_13 = vector.broadcast %get3A_1 : vector<4096x1xf32> to vector<4096x128xf32>
    %div3A_14 = vector.broadcast %broadcast_in_dim3A_12 : vector<1x128xf32> to vector<4096x128xf32>
    %div3A_15 = arith.divf %div3A_13, %div3A_14 : vector<4096x128xf32>
    %add3A = arith.constant 5.000000e-01 : f32
    %add3A_16 = vector.broadcast %add3A : f32 to vector<4096x128xf32>
    %add3A_17 = arith.addf %div3A_15, %add3A_16 : vector<4096x128xf32>
    %floor3A = math.floor %add3A_17 : vector<4096x128xf32>
    %sub3A_18 = arith.subf %div3A_15, %floor3A : vector<4096x128xf32>
    %mul3A = arith.mulf %sub3A_18, %sub3A_18 : vector<4096x128xf32>
    %mul3A_19 = arith.constant -12.2724876 : f32
    %mul3A_20 = vector.broadcast %mul3A_19 : f32 to vector<4096x128xf32>
    %mul3A_21 = arith.mulf %mul3A_20, %mul3A : vector<4096x128xf32>
    %add3A_22 = arith.constant 41.2089348 : f32
    %add3A_23 = vector.broadcast %add3A_22 : f32 to vector<4096x128xf32>
    %add3A_24 = arith.addf %mul3A_21, %add3A_23 : vector<4096x128xf32>
    %mul3A_25 = arith.mulf %add3A_24, %mul3A : vector<4096x128xf32>
    %add3A_26 = arith.constant -76.5815887 : f32
    %add3A_27 = vector.broadcast %add3A_26 : f32 to vector<4096x128xf32>
    %add3A_28 = arith.addf %mul3A_25, %add3A_27 : vector<4096x128xf32>
    %mul3A_29 = arith.mulf %add3A_28, %mul3A : vector<4096x128xf32>
    %add3A_30 = arith.constant 81.596405 : f32
    %add3A_31 = vector.broadcast %add3A_30 : f32 to vector<4096x128xf32>
    %add3A_32 = arith.addf %mul3A_29, %add3A_31 : vector<4096x128xf32>
    %mul3A_33 = arith.mulf %add3A_32, %mul3A : vector<4096x128xf32>
    %add3A_34 = arith.constant -41.3414345 : f32
    %add3A_35 = vector.broadcast %add3A_34 : f32 to vector<4096x128xf32>
    %add3A_36 = arith.addf %mul3A_33, %add3A_35 : vector<4096x128xf32>
    %mul3A_37 = arith.mulf %add3A_36, %mul3A : vector<4096x128xf32>
    %add3A_38 = arith.constant 6.28318309 : f32
    %add3A_39 = vector.broadcast %add3A_38 : f32 to vector<4096x128xf32>
    %add3A_40 = arith.addf %mul3A_37, %add3A_39 : vector<4096x128xf32>
    %mul3A_41 = arith.mulf %add3A_40, %sub3A_18 : vector<4096x128xf32>
    %get3A_42 = arith.constant 0 : index
    %get3A_43 = arith.constant 0 : index
    %get3A_44 = vector.load %arg7[%get3A_42, %get3A_43] : memref<145x128xf32, #tpu.memory_space<vmem>>, vector<145x128xf32>
    %slice3A = vector.extract_strided_slice %get3A_44 {offsets = [0, 0], sizes = [16, 128], strides = [1, 1]} : vector<145x128xf32> to vector<16x128xf32>
    %convert_element_type3A = arith.truncf %exp3A : vector<4096x16xf32> to vector<4096x16xbf16>
    %convert_element_type3A_45 = arith.truncf %slice3A : vector<16x128xf32> to vector<16x128xbf16>
    %dot_general3A = arith.constant dense<0.000000e+00> : vector<4096x128xf32>
    %dot_general3A_46 = tpu.matmul %convert_element_type3A, %convert_element_type3A_45, %dot_general3A {dimension_numbers = #tpu.dot_dimension_numbers<[1], [0], [0], [1], [0, 0, 1, 1], [], []>, transpose_lhs_hint = false} : vector<4096x16xbf16>, vector<16x128xbf16>, vector<4096x128xf32> -> vector<4096x128xf32>
    %slice3A_47 = vector.extract_strided_slice %get3A_44 {offsets = [16, 0], sizes = [128, 128], strides = [1, 1]} : vector<145x128xf32> to vector<128x128xf32>
    %convert_element_type3A_48 = arith.truncf %mul3A_41 : vector<4096x128xf32> to vector<4096x128xbf16>
    %convert_element_type3A_49 = arith.truncf %slice3A_47 : vector<128x128xf32> to vector<128x128xbf16>
    %dot_general3A_50 = arith.constant dense<0.000000e+00> : vector<4096x128xf32>
    %dot_general3A_51 = tpu.matmul %convert_element_type3A_48, %convert_element_type3A_49, %dot_general3A_50 {dimension_numbers = #tpu.dot_dimension_numbers<[1], [0], [0], [1], [0, 0, 1, 1], [], []>, transpose_lhs_hint = false} : vector<4096x128xbf16>, vector<128x128xbf16>, vector<4096x128xf32> -> vector<4096x128xf32>
    %add3A_52 = arith.addf %dot_general3A_46, %dot_general3A_51 : vector<4096x128xf32>
    %get3A_53 = arith.constant 0 : index
    %get3A_54 = arith.constant 0 : index
    %get3A_55 = vector.load %arg2[%get3A_53, %get3A_54] : memref<4096x1xf32, #tpu.memory_space<vmem>>, vector<4096x1xf32>
    %slice3A_56 = vector.extract_strided_slice %get3A_44 {offsets = [144, 0], sizes = [1, 128], strides = [1, 1]} : vector<145x128xf32> to vector<1x128xf32>
    %squeeze3A = vector.shape_cast %slice3A_56 : vector<1x128xf32> to vector<128xf32>
    %broadcast_in_dim3A_57 = vector.shape_cast %squeeze3A : vector<128xf32> to vector<1x128xf32>
    %mul3A_58 = vector.broadcast %get3A_55 : vector<4096x1xf32> to vector<4096x128xf32>
    %mul3A_59 = vector.broadcast %broadcast_in_dim3A_57 : vector<1x128xf32> to vector<4096x128xf32>
    %mul3A_60 = arith.mulf %mul3A_58, %mul3A_59 : vector<4096x128xf32>
    %add3A_61 = arith.addf %add3A_52, %mul3A_60 : vector<4096x128xf32>
    %get3A_62 = arith.constant 0 : index
    %get3A_63 = vector.load %arg8[%get3A_62] : memref<128xf32, #tpu.memory_space<vmem>>, vector<128xf32>
    %broadcast_in_dim3A_64 = vector.shape_cast %get3A_63 : vector<128xf32> to vector<1x128xf32>
    %add3A_65 = vector.broadcast %broadcast_in_dim3A_64 : vector<1x128xf32> to vector<4096x128xf32>
    %add3A_66 = arith.addf %add3A_61, %add3A_65 : vector<4096x128xf32>
    %swap3A = arith.constant 0 : index
    %swap3A_67 = arith.constant 0 : index
    %swap3A_68 = vector.load %arg14[%swap3A, %swap3A_67] : memref<4096x128xf32, #tpu.memory_space<vmem>>, vector<4096x128xf32>
    tpu.vector_store %arg14[%swap3A, %swap3A_67], %add3A_66 {strides = array<i32>} : memref<4096x128xf32, #tpu.memory_space<vmem>>, vector<4096x128xf32>,
    %get3A_69 = arith.constant 0 : index
    %get3A_70 = arith.constant 0 : index
    %get3A_71 = vector.load %arg10[%get3A_69, %get3A_70] : memref<128x128xf32, #tpu.memory_space<vmem>>, vector<128x128xf32>
    %convert_element_type3A_72 = arith.truncf %add3A_66 : vector<4096x128xf32> to vector<4096x128xbf16>
    %convert_element_type3A_73 = arith.truncf %get3A_71 : vector<128x128xf32> to vector<128x128xbf16>
    %dot_general3A_74 = arith.constant dense<0.000000e+00> : vector<4096x128xf32>
    %dot_general3A_75 = tpu.matmul %convert_element_type3A_72, %convert_element_type3A_73, %dot_general3A_74 {dimension_numbers = #tpu.dot_dimension_numbers<[1], [0], [0], [1], [0, 0, 1, 1], [], []>, transpose_lhs_hint = false} : vector<4096x128xbf16>, vector<128x128xbf16>, vector<4096x128xf32> -> vector<4096x128xf32>
    %get3A_76 = arith.constant 0 : index
    %get3A_77 = vector.load %arg11[%get3A_76] : memref<128xf32, #tpu.memory_space<vmem>>, vector<128xf32>
    %broadcast_in_dim3A_78 = vector.shape_cast %get3A_77 : vector<128xf32> to vector<1x128xf32>
    %add3A_79 = vector.broadcast %broadcast_in_dim3A_78 : vector<1x128xf32> to vector<4096x128xf32>
    %add3A_80 = arith.addf %dot_general3A_75, %add3A_79 : vector<4096x128xf32>
    %max3A = arith.constant 0.000000e+00 : f32
    %max3A_81 = vector.broadcast %max3A : f32 to vector<4096x128xf32>
    %max3A_82 = arith.maximumf %add3A_80, %max3A_81 : vector<4096x128xf32>
    %get3A_83 = arith.constant 0 : index
    %get3A_84 = arith.constant 0 : index
    %get3A_85 = vector.load %arg9[%get3A_83, %get3A_84] : memref<128x4096xf32, #tpu.memory_space<vmem>>, vector<128x4096xf32>
    %convert_element_type3A_86 = arith.truncf %get3A_85 : vector<128x4096xf32> to vector<128x4096xbf16>
    %convert_element_type3A_87 = arith.truncf %max3A_82 : vector<4096x128xf32> to vector<4096x128xbf16>
    %dot_general3A_88 = arith.constant dense<0.000000e+00> : vector<128x128xf32>
    %dot_general3A_89 = tpu.matmul %convert_element_type3A_86, %convert_element_type3A_87, %dot_general3A_88 {dimension_numbers = #tpu.dot_dimension_numbers<[1], [0], [0], [1], [0, 0, 1, 1], [], []>, transpose_lhs_hint = false} : vector<128x4096xbf16>, vector<4096x128xbf16>, vector<128x128xf32> -> vector<128x128xf32>
    %mul3A_90 = arith.constant 0.0333333351 : f32
    %mul3A_91 = vector.broadcast %mul3A_90 : f32 to vector<128x128xf32>
    %mul3A_92 = arith.mulf %dot_general3A_89, %mul3A_91 : vector<128x128xf32>
    %get3A_93 = arith.constant 0 : index
    %get3A_94 = arith.constant 0 : index
    %get3A_95 = vector.load %arg12[%get3A_93, %get3A_94] : memref<128x128xf32, #tpu.memory_space<vmem>>, vector<128x128xf32>
    %dot_general3A_96 = arith.constant dense<0.000000e+00> : vector<128x128xf32>
    %dot_general3A_97 = tpu.matmul %mul3A_92, %get3A_95, %dot_general3A_96 {dimension_numbers = #tpu.dot_dimension_numbers<[1], [0], [0], [1], [0, 0, 1, 1], [], []>, transpose_lhs_hint = false} : vector<128x128xf32>, vector<128x128xf32>, vector<128x128xf32> -> vector<128x128xf32>
    %get3A_98 = arith.constant 0 : index
    %get3A_99 = vector.load %arg13[%get3A_98] : memref<128xf32, #tpu.memory_space<vmem>>, vector<128xf32>
    %broadcast_in_dim3A_100 = vector.shape_cast %get3A_99 : vector<128xf32> to vector<1x128xf32>
    %add3A_101 = vector.broadcast %broadcast_in_dim3A_100 : vector<1x128xf32> to vector<128x128xf32>
    %add3A_102 = arith.addf %dot_general3A_97, %add3A_101 : vector<128x128xf32>
    %reduce_sum3A = arith.constant dense<0.000000e+00> : vector<128xf32>
    %reduce_sum3A_103 = vector.multi_reduction <add>, %add3A_102, %reduce_sum3A [1] : vector<128x128xf32> to vector<128xf32>
    %broadcast_in_dim3A_104 = vector.shape_cast %reduce_sum3A_103 : vector<128xf32> to vector<128x1xf32>
    %div3A_105 = arith.constant 1.280000e+02 : f32
    %div3A_106 = vector.broadcast %div3A_105 : f32 to vector<128x1xf32>
    %div3A_107 = arith.divf %broadcast_in_dim3A_104, %div3A_106 : vector<128x1xf32>
    %jit3A = arith.constant 0 : i32
    %reduce_sum3A_108 = arith.constant dense<0.000000e+00> : vector<128xf32>
    %reduce_sum3A_109 = vector.multi_reduction <add>, %add3A_102, %reduce_sum3A_108 [1] : vector<128x128xf32> to vector<128xf32>
    %broadcast_in_dim3A_110 = vector.shape_cast %reduce_sum3A_109 : vector<128xf32> to vector<128x1xf32>
    %div3A_111 = arith.constant 1.280000e+02 : f32
    %div3A_112 = vector.broadcast %div3A_111 : f32 to vector<128x1xf32>
    %div3A_113 = arith.divf %broadcast_in_dim3A_110, %div3A_112 : vector<128x1xf32>
    %sub3A_114 = vector.broadcast %div3A_113 : vector<128x1xf32> to vector<128x128xf32>
    %sub3A_115 = arith.subf %add3A_102, %sub3A_114 : vector<128x128xf32>
    %square3A = arith.mulf %sub3A_115, %sub3A_115 : vector<128x128xf32>
    %convert_element_type3A_116 = arith.sitofp %jit3A : i32 to f32
    %sub3A_117 = arith.constant 1.280000e+02 : f32
    %sub3A_118 = arith.subf %sub3A_117, %convert_element_type3A_116 : f32
    %reduce_sum3A_119 = arith.constant dense<0.000000e+00> : vector<128xf32>
    %reduce_sum3A_120 = vector.multi_reduction <add>, %square3A, %reduce_sum3A_119 [1] : vector<128x128xf32> to vector<128xf32>
    %broadcast_in_dim3A_121 = vector.shape_cast %reduce_sum3A_120 : vector<128xf32> to vector<128x1xf32>
    %div3A_122 = vector.broadcast %sub3A_118 : f32 to vector<128x1xf32>
    %div3A_123 = arith.divf %broadcast_in_dim3A_121, %div3A_122 : vector<128x1xf32>
    %gt3A = arith.constant 0.000000e+00 : f32
    %gt3A_124 = arith.cmpf ogt, %sub3A_118, %gt3A : f32
    %jit3A_125 = arith.constant 0x7FC00000 : f32
    %broadcast_in_dim3A_126 = vector.broadcast %jit3A_125 : f32 to vector<128x1xf32>
    %select_n3A = arith.select %gt3A_124, %div3A_123, %broadcast_in_dim3A_126 : vector<128x1xf32>
    %sub3A_127 = vector.broadcast %div3A_107 : vector<128x1xf32> to vector<128x128xf32>
    %sub3A_128 = arith.subf %add3A_102, %sub3A_127 : vector<128x128xf32>
    %add3A_129 = arith.constant 9.99999974E-6 : f32
    %add3A_130 = vector.broadcast %add3A_129 : f32 to vector<128x1xf32>
    %add3A_131 = arith.addf %select_n3A, %add3A_130 : vector<128x1xf32>
    %sqrt3A = math.sqrt %add3A_131 : vector<128x1xf32>
    %div3A_132 = vector.broadcast %sqrt3A : vector<128x1xf32> to vector<128x128xf32>
    %div3A_133 = arith.divf %sub3A_128, %div3A_132 : vector<128x128xf32>
    %swap3A_134 = arith.constant 0 : index
    %swap3A_135 = arith.constant 0 : index
    %swap3A_136 = vector.load %arg15[%swap3A_134, %swap3A_135] : memref<128x128xf32, #tpu.memory_space<vmem>>, vector<128x128xf32>
    tpu.vector_store %arg15[%swap3A_134, %swap3A_135], %div3A_133 {strides = array<i32>} : memref<128x128xf32, #tpu.memory_space<vmem>>, vector<128x128xf32>,
    %convert_element_type3A_137 = arith.truncf %div3A_133 : vector<128x128xf32> to vector<128x128xbf16>
    %bitcast_convert_type3A = tpu.bitcast %convert_element_type3A_137 : vector<128x128xbf16> -> vector<128x128xi16>
    %slice3A_138 = vector.extract_strided_slice %bitcast_convert_type3A {offsets = [0, 0], sizes = [128, 64], strides = [1, 1]} : vector<128x128xi16> to vector<128x64xi16>
    %convert_element_type3A_139 = arith.extui %slice3A_138 : vector<128x64xi16> to vector<128x64xi32>
    %slice3A_140 = vector.extract_strided_slice %bitcast_convert_type3A {offsets = [0, 64], sizes = [128, 64], strides = [1, 1]} : vector<128x128xi16> to vector<128x64xi16>
    %convert_element_type3A_141 = arith.extui %slice3A_140 : vector<128x64xi16> to vector<128x64xi32>
    %shift_left3A = arith.constant 16 : i32
    %shift_left3A_142 = vector.broadcast %shift_left3A : i32 to vector<128x64xi32>
    %shift_left3A_143 = arith.shli %convert_element_type3A_141, %shift_left3A_142 : vector<128x64xi32>
    %or3A = arith.ori %convert_element_type3A_139, %shift_left3A_143 : vector<128x64xi32>
    %bitcast_convert_type3A_144 = tpu.bitcast %or3A : vector<128x64xi32> -> vector<128x64xi32>
    %swap3A_145 = arith.constant 0 : index
    %swap3A_146 = arith.constant 0 : index
    %swap3A_147 = vector.load %arg16[%swap3A_145, %swap3A_146] : memref<128x64xi32, #tpu.memory_space<vmem>>, vector<128x64xi32>
    tpu.vector_store %arg16[%swap3A_145, %swap3A_146], %bitcast_convert_type3A_144 {strides = array<i32>} : memref<128x64xi32, #tpu.memory_space<vmem>>, vector<128x64xi32>,
    %get3A_148 = arith.constant 0 : index
    %get3A_149 = arith.constant 0 : index
    %get3A_150 = vector.load %arg3[%get3A_148, %get3A_149] : memref<128x1xi32, #tpu.memory_space<vmem>>, vector<128x1xi32>
    %jit3A_151 = arith.constant 0 : i32
    %jit3A_152 = arith.constant 20 : i32
    %max3A_153 = vector.broadcast %jit3A_151 : i32 to vector<128x1xi32>
    %max3A_154 = arith.maxsi %max3A_153, %get3A_150 : vector<128x1xi32>
    %min3A = vector.broadcast %jit3A_152 : i32 to vector<128x1xi32>
    %min3A_155 = arith.minsi %min3A, %max3A_154 : vector<128x1xi32>
    %iota3A = tpu.iota {dimensions = array<i32: 1>} : vector<128x21xi32>
    %eq3A = vector.broadcast %min3A_155 : vector<128x1xi32> to vector<128x21xi32>
    %eq3A_156 = arith.cmpi eq, %eq3A, %iota3A : vector<128x21xi32>
    %convert_element_type3A_157 = arith.extui %eq3A_156 : vector<128x21xi1> to vector<128x21xi32>
    %convert_element_type3A_158 = arith.sitofp %convert_element_type3A_157 : vector<128x21xi32> to vector<128x21xf32>
    %get3A_159 = arith.constant 0 : index
    %get3A_160 = arith.constant 0 : index
    %get3A_161 = vector.load %arg4[%get3A_159, %get3A_160] : memref<21x128xf32, #tpu.memory_space<vmem>>, vector<21x128xf32>
    %dot_general3A_162 = arith.constant dense<0.000000e+00> : vector<128x128xf32>
    %dot_general3A_163 = tpu.matmul %convert_element_type3A_158, %get3A_161, %dot_general3A_162 {dimension_numbers = #tpu.dot_dimension_numbers<[1], [0], [0], [1], [0, 0, 1, 1], [], []>, transpose_lhs_hint = false} : vector<128x21xf32>, vector<21x128xf32>, vector<128x128xf32> -> vector<128x128xf32>
    %ge3A = arith.constant 0 : i32
    %ge3A_164 = vector.broadcast %ge3A : i32 to vector<128x1xi32>
    %ge3A_165 = arith.cmpi sge, %get3A_150, %ge3A_164 : vector<128x1xi32>
    %convert_element_type3A_166 = arith.extui %ge3A_165 : vector<128x1xi1> to vector<128x1xi32>
    %convert_element_type3A_167 = arith.sitofp %convert_element_type3A_166 : vector<128x1xi32> to vector<128x1xf32>
    %mul3A_168 = vector.broadcast %convert_element_type3A_167 : vector<128x1xf32> to vector<128x128xf32>
    %mul3A_169 = arith.mulf %dot_general3A_163, %mul3A_168 : vector<128x128xf32>
    %convert_element_type3A_170 = arith.truncf %mul3A_169 : vector<128x128xf32> to vector<128x128xbf16>
    %bitcast_convert_type3A_171 = tpu.bitcast %convert_element_type3A_170 : vector<128x128xbf16> -> vector<128x128xi16>
    %slice3A_172 = vector.extract_strided_slice %bitcast_convert_type3A_171 {offsets = [0, 0], sizes = [128, 64], strides = [1, 1]} : vector<128x128xi16> to vector<128x64xi16>
    %convert_element_type3A_173 = arith.extui %slice3A_172 : vector<128x64xi16> to vector<128x64xi32>
    %slice3A_174 = vector.extract_strided_slice %bitcast_convert_type3A_171 {offsets = [0, 64], sizes = [128, 64], strides = [1, 1]} : vector<128x128xi16> to vector<128x64xi16>
    %convert_element_type3A_175 = arith.extui %slice3A_174 : vector<128x64xi16> to vector<128x64xi32>
    %shift_left3A_176 = arith.constant 16 : i32
    %shift_left3A_177 = vector.broadcast %shift_left3A_176 : i32 to vector<128x64xi32>
    %shift_left3A_178 = arith.shli %convert_element_type3A_175, %shift_left3A_177 : vector<128x64xi32>
    %or3A_179 = arith.ori %convert_element_type3A_173, %shift_left3A_178 : vector<128x64xi32>
    %bitcast_convert_type3A_180 = tpu.bitcast %or3A_179 : vector<128x64xi32> -> vector<128x64xi32>
    %swap3A_181 = arith.constant 0 : index
    %swap3A_182 = arith.constant 0 : index
    %swap3A_183 = vector.load %arg17[%swap3A_181, %swap3A_182] : memref<128x64xi32, #tpu.memory_space<vmem>>, vector<128x64xi32>
    tpu.vector_store %arg17[%swap3A_181, %swap3A_182], %bitcast_convert_type3A_180 {strides = array<i32>} : memref<128x64xi32, #tpu.memory_space<vmem>>, vector<128x64xi32>,
    return
  }
  func.func @transform_0(%arg0: i32) -> (i32, i32) {
    %c0_i32 = arith.constant 0 : i32
    %c0_i32_0 = arith.constant 0 : i32
    return %arg0, %c0_i32 : i32, i32
  }
  func.func @transform_1(%arg0: i32) -> (i32, i32) {
    %c0_i32 = arith.constant 0 : i32
    %c0_i32_0 = arith.constant 0 : i32
    return %arg0, %c0_i32 : i32, i32
  }
  func.func @transform_2(%arg0: i32) -> (i32, i32) {
    %c0_i32 = arith.constant 0 : i32
    %c0_i32_0 = arith.constant 0 : i32
    return %arg0, %c0_i32 : i32, i32
  }
  func.func @transform_3(%arg0: i32) -> (i32, i32) {
    %c0_i32 = arith.constant 0 : i32
    %c0_i32_0 = arith.constant 0 : i32
    %c0_i32_1 = arith.constant 0 : i32
    return %c0_i32, %c0_i32_0 : i32, i32
  }
  func.func @transform_4(%arg0: i32) -> i32 {
    %c0_i32 = arith.constant 0 : i32
    %c0_i32_0 = arith.constant 0 : i32
    return %c0_i32 : i32
  }
  func.func @transform_5(%arg0: i32) -> i32 {
    %c0_i32 = arith.constant 0 : i32
    %c0_i32_0 = arith.constant 0 : i32
    return %c0_i32 : i32
  }
  func.func @transform_6(%arg0: i32) -> (i32, i32) {
    %c0_i32 = arith.constant 0 : i32
    %c0_i32_0 = arith.constant 0 : i32
    %c0_i32_1 = arith.constant 0 : i32
    return %c0_i32, %c0_i32_0 : i32, i32
  }
  func.func @transform_7(%arg0: i32) -> i32 {
    %c0_i32 = arith.constant 0 : i32
    %c0_i32_0 = arith.constant 0 : i32
    return %c0_i32 : i32
  }
  func.func @transform_8(%arg0: i32) -> (i32, i32) {
    %c0_i32 = arith.constant 0 : i32
    %c0_i32_0 = arith.constant 0 : i32
    %c0_i32_1 = arith.constant 0 : i32
    return %c0_i32, %c0_i32_0 : i32, i32
  }
  func.func @transform_9(%arg0: i32) -> (i32, i32) {
    %c0_i32 = arith.constant 0 : i32
    %c0_i32_0 = arith.constant 0 : i32
    %c0_i32_1 = arith.constant 0 : i32
    return %c0_i32, %c0_i32_0 : i32, i32
  }
  func.func @transform_10(%arg0: i32) -> i32 {
    %c0_i32 = arith.constant 0 : i32
    %c0_i32_0 = arith.constant 0 : i32
    return %c0_i32 : i32
  }
  func.func @transform_11(%arg0: i32) -> (i32, i32) {
    %c0_i32 = arith.constant 0 : i32
    %c0_i32_0 = arith.constant 0 : i32
    %c0_i32_1 = arith.constant 0 : i32
    return %c0_i32, %c0_i32_0 : i32, i32
  }
  func.func @transform_12(%arg0: i32) -> i32 {
    %c0_i32 = arith.constant 0 : i32
    %c0_i32_0 = arith.constant 0 : i32
    return %c0_i32 : i32
  }
  func.func @transform_13(%arg0: i32) -> (i32, i32) {
    %c0_i32 = arith.constant 0 : i32
    %c0_i32_0 = arith.constant 0 : i32
    return %arg0, %c0_i32 : i32, i32
  }
  func.func @transform_14(%arg0: i32) -> (i32, i32) {
    %c0_i32 = arith.constant 0 : i32
    %c0_i32_0 = arith.constant 0 : i32
    return %arg0, %c0_i32 : i32, i32
  }
  func.func @transform_15(%arg0: i32) -> (i32, i32) {
    %c0_i32 = arith.constant 0 : i32
    %c0_i32_0 = arith.constant 0 : i32
    return %arg0, %c0_i32 : i32, i32
  }
  func.func @transform_16(%arg0: i32) -> (i32, i32) {
    %c0_i32 = arith.constant 0 : i32
    %c0_i32_0 = arith.constant 0 : i32
    return %arg0, %c0_i32 : i32, i32
  }
}

module attributes {stable_mosaic.version = 14 : i64} {
  func.func @_edge_node_body(%arg0: i32, %arg1: memref<4096x128xf32, #tpu.memory_space<vmem>>, %arg2: memref<4096x128xf32, #tpu.memory_space<vmem>>, %arg3: memref<128x128xf32, #tpu.memory_space<vmem>>, %arg4: memref<4096x128xf32, #tpu.memory_space<vmem>>, %arg5: memref<128x4096xf32, #tpu.memory_space<vmem>>, %arg6: memref<384x128xf32, #tpu.memory_space<vmem>>, %arg7: memref<128xf32, #tpu.memory_space<vmem>>, %arg8: memref<128x128xf32, #tpu.memory_space<vmem>>, %arg9: memref<128xf32, #tpu.memory_space<vmem>>, %arg10: memref<384x128xf32, #tpu.memory_space<vmem>>, %arg11: memref<128xf32, #tpu.memory_space<vmem>>, %arg12: memref<128x128xf32, #tpu.memory_space<vmem>>, %arg13: memref<128xf32, #tpu.memory_space<vmem>>, %arg14: memref<4096x128xf32, #tpu.memory_space<vmem>>, %arg15: memref<128x128xf32, #tpu.memory_space<vmem>>, %arg16: memref<128x64xi32, #tpu.memory_space<vmem>>) attributes {dimension_semantics = [#tpu.dimension_semantics<arbitrary>], iteration_bounds = array<i64: 32>, scalar_prefetch = 0 : i64, scratch_operands = 0 : i64, tpu.core_type = #tpu.core_type<tc>, window_params = [{transform_indices = @transform_0, window_bounds = array<i64: 4096, 128>}, {transform_indices = @transform_1, window_bounds = array<i64: 4096, 128>}, {transform_indices = @transform_2, window_bounds = array<i64: 128, 128>}, {pipeline_mode = #tpu.pipeline_mode<synchronous>, transform_indices = @transform_3, window_bounds = array<i64: 4096, 128>}, {pipeline_mode = #tpu.pipeline_mode<synchronous>, transform_indices = @transform_4, window_bounds = array<i64: 128, 4096>}, {pipeline_mode = #tpu.pipeline_mode<synchronous>, transform_indices = @transform_5, window_bounds = array<i64: 384, 128>}, {pipeline_mode = #tpu.pipeline_mode<synchronous>, transform_indices = @transform_6, window_bounds = array<i64: 128>}, {pipeline_mode = #tpu.pipeline_mode<synchronous>, transform_indices = @transform_7, window_bounds = array<i64: 128, 128>}, {pipeline_mode = #tpu.pipeline_mode<synchronous>, transform_indices = @transform_8, window_bounds = array<i64: 128>}, {pipeline_mode = #tpu.pipeline_mode<synchronous>, transform_indices = @transform_9, window_bounds = array<i64: 384, 128>}, {pipeline_mode = #tpu.pipeline_mode<synchronous>, transform_indices = @transform_10, window_bounds = array<i64: 128>}, {pipeline_mode = #tpu.pipeline_mode<synchronous>, transform_indices = @transform_11, window_bounds = array<i64: 128, 128>}, {pipeline_mode = #tpu.pipeline_mode<synchronous>, transform_indices = @transform_12, window_bounds = array<i64: 128>}, {transform_indices = @transform_13, window_bounds = array<i64: 4096, 128>}, {transform_indices = @transform_14, window_bounds = array<i64: 128, 128>}, {transform_indices = @transform_15, window_bounds = array<i64: 128, 64>}]} {
    %get3A = arith.constant 0 : index
    %get3A_0 = arith.constant 0 : index
    %get3A_1 = vector.load %arg4[%get3A, %get3A_0] : memref<4096x128xf32, #tpu.memory_space<vmem>>, vector<4096x128xf32>
    %get3A_2 = arith.constant 0 : index
    %get3A_3 = arith.constant 0 : index
    %get3A_4 = vector.load %arg5[%get3A_2, %get3A_3] : memref<128x4096xf32, #tpu.memory_space<vmem>>, vector<128x4096xf32>
    %get3A_5 = arith.constant 0 : index
    %get3A_6 = arith.constant 0 : index
    %get3A_7 = vector.load %arg1[%get3A_5, %get3A_6] : memref<4096x128xf32, #tpu.memory_space<vmem>>, vector<4096x128xf32>
    %get3A_8 = arith.constant 0 : index
    %get3A_9 = arith.constant 0 : index
    %get3A_10 = vector.load %arg2[%get3A_8, %get3A_9] : memref<4096x128xf32, #tpu.memory_space<vmem>>, vector<4096x128xf32>
    %get3A_11 = arith.constant 0 : index
    %get3A_12 = arith.constant 0 : index
    %get3A_13 = vector.load %arg3[%get3A_11, %get3A_12] : memref<128x128xf32, #tpu.memory_space<vmem>>, vector<128x128xf32>
    %get3A_14 = arith.constant 0 : index
    %get3A_15 = arith.constant 0 : index
    %get3A_16 = vector.load %arg6[%get3A_14, %get3A_15] : memref<384x128xf32, #tpu.memory_space<vmem>>, vector<384x128xf32>
    %slice3A = vector.extract_strided_slice %get3A_16 {offsets = [0, 0], sizes = [128, 128], strides = [1, 1]} : vector<384x128xf32> to vector<128x128xf32>
    %dot_general3A = arith.constant dense<0.000000e+00> : vector<128x128xf32>
    %dot_general3A_17 = tpu.matmul %get3A_13, %slice3A, %dot_general3A {dimension_numbers = #tpu.dot_dimension_numbers<[1], [0], [0], [1], [0, 0, 1, 1], [], []>, transpose_lhs_hint = false} : vector<128x128xf32>, vector<128x128xf32>, vector<128x128xf32> -> vector<128x128xf32>
    %convert_element_type3A = arith.truncf %get3A_1 : vector<4096x128xf32> to vector<4096x128xbf16>
    %convert_element_type3A_18 = arith.truncf %dot_general3A_17 : vector<128x128xf32> to vector<128x128xbf16>
    %dot_general3A_19 = arith.constant dense<0.000000e+00> : vector<4096x128xf32>
    %dot_general3A_20 = tpu.matmul %convert_element_type3A, %convert_element_type3A_18, %dot_general3A_19 {dimension_numbers = #tpu.dot_dimension_numbers<[1], [0], [0], [1], [0, 0, 1, 1], [], []>, transpose_lhs_hint = false} : vector<4096x128xbf16>, vector<128x128xbf16>, vector<4096x128xf32> -> vector<4096x128xf32>
    %slice3A_21 = vector.extract_strided_slice %get3A_16 {offsets = [128, 0], sizes = [128, 128], strides = [1, 1]} : vector<384x128xf32> to vector<128x128xf32>
    %convert_element_type3A_22 = arith.truncf %get3A_10 : vector<4096x128xf32> to vector<4096x128xbf16>
    %convert_element_type3A_23 = arith.truncf %slice3A_21 : vector<128x128xf32> to vector<128x128xbf16>
    %dot_general3A_24 = arith.constant dense<0.000000e+00> : vector<4096x128xf32>
    %dot_general3A_25 = tpu.matmul %convert_element_type3A_22, %convert_element_type3A_23, %dot_general3A_24 {dimension_numbers = #tpu.dot_dimension_numbers<[1], [0], [0], [1], [0, 0, 1, 1], [], []>, transpose_lhs_hint = false} : vector<4096x128xbf16>, vector<128x128xbf16>, vector<4096x128xf32> -> vector<4096x128xf32>
    %add3A = arith.addf %dot_general3A_20, %dot_general3A_25 : vector<4096x128xf32>
    %slice3A_26 = vector.extract_strided_slice %get3A_16 {offsets = [256, 0], sizes = [128, 128], strides = [1, 1]} : vector<384x128xf32> to vector<128x128xf32>
    %convert_element_type3A_27 = arith.truncf %get3A_7 : vector<4096x128xf32> to vector<4096x128xbf16>
    %convert_element_type3A_28 = arith.truncf %slice3A_26 : vector<128x128xf32> to vector<128x128xbf16>
    %dot_general3A_29 = arith.constant dense<0.000000e+00> : vector<4096x128xf32>
    %dot_general3A_30 = tpu.matmul %convert_element_type3A_27, %convert_element_type3A_28, %dot_general3A_29 {dimension_numbers = #tpu.dot_dimension_numbers<[1], [0], [0], [1], [0, 0, 1, 1], [], []>, transpose_lhs_hint = false} : vector<4096x128xbf16>, vector<128x128xbf16>, vector<4096x128xf32> -> vector<4096x128xf32>
    %add3A_31 = arith.addf %add3A, %dot_general3A_30 : vector<4096x128xf32>
    %get3A_32 = arith.constant 0 : index
    %get3A_33 = vector.load %arg7[%get3A_32] : memref<128xf32, #tpu.memory_space<vmem>>, vector<128xf32>
    %broadcast_in_dim3A = vector.shape_cast %get3A_33 : vector<128xf32> to vector<1x128xf32>
    %add3A_34 = vector.broadcast %broadcast_in_dim3A : vector<1x128xf32> to vector<4096x128xf32>
    %add3A_35 = arith.addf %add3A_31, %add3A_34 : vector<4096x128xf32>
    %max3A = arith.constant 0.000000e+00 : f32
    %max3A_36 = vector.broadcast %max3A : f32 to vector<4096x128xf32>
    %max3A_37 = arith.maximumf %add3A_35, %max3A_36 : vector<4096x128xf32>
    %get3A_38 = arith.constant 0 : index
    %get3A_39 = arith.constant 0 : index
    %get3A_40 = vector.load %arg8[%get3A_38, %get3A_39] : memref<128x128xf32, #tpu.memory_space<vmem>>, vector<128x128xf32>
    %convert_element_type3A_41 = arith.truncf %max3A_37 : vector<4096x128xf32> to vector<4096x128xbf16>
    %convert_element_type3A_42 = arith.truncf %get3A_40 : vector<128x128xf32> to vector<128x128xbf16>
    %dot_general3A_43 = arith.constant dense<0.000000e+00> : vector<4096x128xf32>
    %dot_general3A_44 = tpu.matmul %convert_element_type3A_41, %convert_element_type3A_42, %dot_general3A_43 {dimension_numbers = #tpu.dot_dimension_numbers<[1], [0], [0], [1], [0, 0, 1, 1], [], []>, transpose_lhs_hint = false} : vector<4096x128xbf16>, vector<128x128xbf16>, vector<4096x128xf32> -> vector<4096x128xf32>
    %get3A_45 = arith.constant 0 : index
    %get3A_46 = vector.load %arg9[%get3A_45] : memref<128xf32, #tpu.memory_space<vmem>>, vector<128xf32>
    %broadcast_in_dim3A_47 = vector.shape_cast %get3A_46 : vector<128xf32> to vector<1x128xf32>
    %add3A_48 = vector.broadcast %broadcast_in_dim3A_47 : vector<1x128xf32> to vector<4096x128xf32>
    %add3A_49 = arith.addf %dot_general3A_44, %add3A_48 : vector<4096x128xf32>
    %add3A_50 = arith.addf %get3A_7, %add3A_49 : vector<4096x128xf32>
    %reduce_sum3A = arith.constant dense<0.000000e+00> : vector<4096xf32>
    %reduce_sum3A_51 = vector.multi_reduction <add>, %add3A_50, %reduce_sum3A [1] : vector<4096x128xf32> to vector<4096xf32>
    %broadcast_in_dim3A_52 = vector.shape_cast %reduce_sum3A_51 : vector<4096xf32> to vector<4096x1xf32>
    %div3A = arith.constant 1.280000e+02 : f32
    %div3A_53 = vector.broadcast %div3A : f32 to vector<4096x1xf32>
    %div3A_54 = arith.divf %broadcast_in_dim3A_52, %div3A_53 : vector<4096x1xf32>
    %jit3A = arith.constant 0 : i32
    %reduce_sum3A_55 = arith.constant dense<0.000000e+00> : vector<4096xf32>
    %reduce_sum3A_56 = vector.multi_reduction <add>, %add3A_50, %reduce_sum3A_55 [1] : vector<4096x128xf32> to vector<4096xf32>
    %broadcast_in_dim3A_57 = vector.shape_cast %reduce_sum3A_56 : vector<4096xf32> to vector<4096x1xf32>
    %div3A_58 = arith.constant 1.280000e+02 : f32
    %div3A_59 = vector.broadcast %div3A_58 : f32 to vector<4096x1xf32>
    %div3A_60 = arith.divf %broadcast_in_dim3A_57, %div3A_59 : vector<4096x1xf32>
    %sub3A = vector.broadcast %div3A_60 : vector<4096x1xf32> to vector<4096x128xf32>
    %sub3A_61 = arith.subf %add3A_50, %sub3A : vector<4096x128xf32>
    %square3A = arith.mulf %sub3A_61, %sub3A_61 : vector<4096x128xf32>
    %convert_element_type3A_62 = arith.sitofp %jit3A : i32 to f32
    %sub3A_63 = arith.constant 1.280000e+02 : f32
    %sub3A_64 = arith.subf %sub3A_63, %convert_element_type3A_62 : f32
    %reduce_sum3A_65 = arith.constant dense<0.000000e+00> : vector<4096xf32>
    %reduce_sum3A_66 = vector.multi_reduction <add>, %square3A, %reduce_sum3A_65 [1] : vector<4096x128xf32> to vector<4096xf32>
    %broadcast_in_dim3A_67 = vector.shape_cast %reduce_sum3A_66 : vector<4096xf32> to vector<4096x1xf32>
    %div3A_68 = vector.broadcast %sub3A_64 : f32 to vector<4096x1xf32>
    %div3A_69 = arith.divf %broadcast_in_dim3A_67, %div3A_68 : vector<4096x1xf32>
    %gt3A = arith.constant 0.000000e+00 : f32
    %gt3A_70 = arith.cmpf ogt, %sub3A_64, %gt3A : f32
    %jit3A_71 = arith.constant 0x7FC00000 : f32
    %broadcast_in_dim3A_72 = vector.broadcast %jit3A_71 : f32 to vector<4096x1xf32>
    %select_n3A = arith.select %gt3A_70, %div3A_69, %broadcast_in_dim3A_72 : vector<4096x1xf32>
    %sub3A_73 = vector.broadcast %div3A_54 : vector<4096x1xf32> to vector<4096x128xf32>
    %sub3A_74 = arith.subf %add3A_50, %sub3A_73 : vector<4096x128xf32>
    %add3A_75 = arith.constant 9.99999974E-6 : f32
    %add3A_76 = vector.broadcast %add3A_75 : f32 to vector<4096x1xf32>
    %add3A_77 = arith.addf %select_n3A, %add3A_76 : vector<4096x1xf32>
    %sqrt3A = math.sqrt %add3A_77 : vector<4096x1xf32>
    %div3A_78 = vector.broadcast %sqrt3A : vector<4096x1xf32> to vector<4096x128xf32>
    %div3A_79 = arith.divf %sub3A_74, %div3A_78 : vector<4096x128xf32>
    %swap3A = arith.constant 0 : index
    %swap3A_80 = arith.constant 0 : index
    %swap3A_81 = vector.load %arg14[%swap3A, %swap3A_80] : memref<4096x128xf32, #tpu.memory_space<vmem>>, vector<4096x128xf32>
    tpu.vector_store %arg14[%swap3A, %swap3A_80], %div3A_79 {strides = array<i32>} : memref<4096x128xf32, #tpu.memory_space<vmem>>, vector<4096x128xf32>,
    %get3A_82 = arith.constant 0 : index
    %get3A_83 = arith.constant 0 : index
    %get3A_84 = vector.load %arg10[%get3A_82, %get3A_83] : memref<384x128xf32, #tpu.memory_space<vmem>>, vector<384x128xf32>
    %slice3A_85 = vector.extract_strided_slice %get3A_84 {offsets = [0, 0], sizes = [128, 128], strides = [1, 1]} : vector<384x128xf32> to vector<128x128xf32>
    %dot_general3A_86 = arith.constant dense<0.000000e+00> : vector<128x128xf32>
    %dot_general3A_87 = tpu.matmul %get3A_13, %slice3A_85, %dot_general3A_86 {dimension_numbers = #tpu.dot_dimension_numbers<[1], [0], [0], [1], [0, 0, 1, 1], [], []>, transpose_lhs_hint = false} : vector<128x128xf32>, vector<128x128xf32>, vector<128x128xf32> -> vector<128x128xf32>
    %convert_element_type3A_88 = arith.truncf %get3A_1 : vector<4096x128xf32> to vector<4096x128xbf16>
    %convert_element_type3A_89 = arith.truncf %dot_general3A_87 : vector<128x128xf32> to vector<128x128xbf16>
    %dot_general3A_90 = arith.constant dense<0.000000e+00> : vector<4096x128xf32>
    %dot_general3A_91 = tpu.matmul %convert_element_type3A_88, %convert_element_type3A_89, %dot_general3A_90 {dimension_numbers = #tpu.dot_dimension_numbers<[1], [0], [0], [1], [0, 0, 1, 1], [], []>, transpose_lhs_hint = false} : vector<4096x128xbf16>, vector<128x128xbf16>, vector<4096x128xf32> -> vector<4096x128xf32>
    %slice3A_92 = vector.extract_strided_slice %get3A_84 {offsets = [128, 0], sizes = [128, 128], strides = [1, 1]} : vector<384x128xf32> to vector<128x128xf32>
    %convert_element_type3A_93 = arith.truncf %get3A_10 : vector<4096x128xf32> to vector<4096x128xbf16>
    %convert_element_type3A_94 = arith.truncf %slice3A_92 : vector<128x128xf32> to vector<128x128xbf16>
    %dot_general3A_95 = arith.constant dense<0.000000e+00> : vector<4096x128xf32>
    %dot_general3A_96 = tpu.matmul %convert_element_type3A_93, %convert_element_type3A_94, %dot_general3A_95 {dimension_numbers = #tpu.dot_dimension_numbers<[1], [0], [0], [1], [0, 0, 1, 1], [], []>, transpose_lhs_hint = false} : vector<4096x128xbf16>, vector<128x128xbf16>, vector<4096x128xf32> -> vector<4096x128xf32>
    %add3A_97 = arith.addf %dot_general3A_91, %dot_general3A_96 : vector<4096x128xf32>
    %slice3A_98 = vector.extract_strided_slice %get3A_84 {offsets = [256, 0], sizes = [128, 128], strides = [1, 1]} : vector<384x128xf32> to vector<128x128xf32>
    %convert_element_type3A_99 = arith.truncf %div3A_79 : vector<4096x128xf32> to vector<4096x128xbf16>
    %convert_element_type3A_100 = arith.truncf %slice3A_98 : vector<128x128xf32> to vector<128x128xbf16>
    %dot_general3A_101 = arith.constant dense<0.000000e+00> : vector<4096x128xf32>
    %dot_general3A_102 = tpu.matmul %convert_element_type3A_99, %convert_element_type3A_100, %dot_general3A_101 {dimension_numbers = #tpu.dot_dimension_numbers<[1], [0], [0], [1], [0, 0, 1, 1], [], []>, transpose_lhs_hint = false} : vector<4096x128xbf16>, vector<128x128xbf16>, vector<4096x128xf32> -> vector<4096x128xf32>
    %add3A_103 = arith.addf %add3A_97, %dot_general3A_102 : vector<4096x128xf32>
    %get3A_104 = arith.constant 0 : index
    %get3A_105 = vector.load %arg11[%get3A_104] : memref<128xf32, #tpu.memory_space<vmem>>, vector<128xf32>
    %broadcast_in_dim3A_106 = vector.shape_cast %get3A_105 : vector<128xf32> to vector<1x128xf32>
    %add3A_107 = vector.broadcast %broadcast_in_dim3A_106 : vector<1x128xf32> to vector<4096x128xf32>
    %add3A_108 = arith.addf %add3A_103, %add3A_107 : vector<4096x128xf32>
    %max3A_109 = arith.constant 0.000000e+00 : f32
    %max3A_110 = vector.broadcast %max3A_109 : f32 to vector<4096x128xf32>
    %max3A_111 = arith.maximumf %add3A_108, %max3A_110 : vector<4096x128xf32>
    %convert_element_type3A_112 = arith.truncf %get3A_4 : vector<128x4096xf32> to vector<128x4096xbf16>
    %convert_element_type3A_113 = arith.truncf %max3A_111 : vector<4096x128xf32> to vector<4096x128xbf16>
    %dot_general3A_114 = arith.constant dense<0.000000e+00> : vector<128x128xf32>
    %dot_general3A_115 = tpu.matmul %convert_element_type3A_112, %convert_element_type3A_113, %dot_general3A_114 {dimension_numbers = #tpu.dot_dimension_numbers<[1], [0], [0], [1], [0, 0, 1, 1], [], []>, transpose_lhs_hint = false} : vector<128x4096xbf16>, vector<4096x128xbf16>, vector<128x128xf32> -> vector<128x128xf32>
    %mul3A = arith.constant 0.0333333351 : f32
    %mul3A_116 = vector.broadcast %mul3A : f32 to vector<128x128xf32>
    %mul3A_117 = arith.mulf %dot_general3A_115, %mul3A_116 : vector<128x128xf32>
    %get3A_118 = arith.constant 0 : index
    %get3A_119 = arith.constant 0 : index
    %get3A_120 = vector.load %arg12[%get3A_118, %get3A_119] : memref<128x128xf32, #tpu.memory_space<vmem>>, vector<128x128xf32>
    %dot_general3A_121 = arith.constant dense<0.000000e+00> : vector<128x128xf32>
    %dot_general3A_122 = tpu.matmul %mul3A_117, %get3A_120, %dot_general3A_121 {dimension_numbers = #tpu.dot_dimension_numbers<[1], [0], [0], [1], [0, 0, 1, 1], [], []>, transpose_lhs_hint = false} : vector<128x128xf32>, vector<128x128xf32>, vector<128x128xf32> -> vector<128x128xf32>
    %get3A_123 = arith.constant 0 : index
    %get3A_124 = vector.load %arg13[%get3A_123] : memref<128xf32, #tpu.memory_space<vmem>>, vector<128xf32>
    %broadcast_in_dim3A_125 = vector.shape_cast %get3A_124 : vector<128xf32> to vector<1x128xf32>
    %add3A_126 = vector.broadcast %broadcast_in_dim3A_125 : vector<1x128xf32> to vector<128x128xf32>
    %add3A_127 = arith.addf %dot_general3A_122, %add3A_126 : vector<128x128xf32>
    %add3A_128 = arith.addf %get3A_13, %add3A_127 : vector<128x128xf32>
    %reduce_sum3A_129 = arith.constant dense<0.000000e+00> : vector<128xf32>
    %reduce_sum3A_130 = vector.multi_reduction <add>, %add3A_128, %reduce_sum3A_129 [1] : vector<128x128xf32> to vector<128xf32>
    %broadcast_in_dim3A_131 = vector.shape_cast %reduce_sum3A_130 : vector<128xf32> to vector<128x1xf32>
    %div3A_132 = arith.constant 1.280000e+02 : f32
    %div3A_133 = vector.broadcast %div3A_132 : f32 to vector<128x1xf32>
    %div3A_134 = arith.divf %broadcast_in_dim3A_131, %div3A_133 : vector<128x1xf32>
    %jit3A_135 = arith.constant 0 : i32
    %reduce_sum3A_136 = arith.constant dense<0.000000e+00> : vector<128xf32>
    %reduce_sum3A_137 = vector.multi_reduction <add>, %add3A_128, %reduce_sum3A_136 [1] : vector<128x128xf32> to vector<128xf32>
    %broadcast_in_dim3A_138 = vector.shape_cast %reduce_sum3A_137 : vector<128xf32> to vector<128x1xf32>
    %div3A_139 = arith.constant 1.280000e+02 : f32
    %div3A_140 = vector.broadcast %div3A_139 : f32 to vector<128x1xf32>
    %div3A_141 = arith.divf %broadcast_in_dim3A_138, %div3A_140 : vector<128x1xf32>
    %sub3A_142 = vector.broadcast %div3A_141 : vector<128x1xf32> to vector<128x128xf32>
    %sub3A_143 = arith.subf %add3A_128, %sub3A_142 : vector<128x128xf32>
    %square3A_144 = arith.mulf %sub3A_143, %sub3A_143 : vector<128x128xf32>
    %convert_element_type3A_145 = arith.sitofp %jit3A_135 : i32 to f32
    %sub3A_146 = arith.constant 1.280000e+02 : f32
    %sub3A_147 = arith.subf %sub3A_146, %convert_element_type3A_145 : f32
    %reduce_sum3A_148 = arith.constant dense<0.000000e+00> : vector<128xf32>
    %reduce_sum3A_149 = vector.multi_reduction <add>, %square3A_144, %reduce_sum3A_148 [1] : vector<128x128xf32> to vector<128xf32>
    %broadcast_in_dim3A_150 = vector.shape_cast %reduce_sum3A_149 : vector<128xf32> to vector<128x1xf32>
    %div3A_151 = vector.broadcast %sub3A_147 : f32 to vector<128x1xf32>
    %div3A_152 = arith.divf %broadcast_in_dim3A_150, %div3A_151 : vector<128x1xf32>
    %gt3A_153 = arith.constant 0.000000e+00 : f32
    %gt3A_154 = arith.cmpf ogt, %sub3A_147, %gt3A_153 : f32
    %jit3A_155 = arith.constant 0x7FC00000 : f32
    %broadcast_in_dim3A_156 = vector.broadcast %jit3A_155 : f32 to vector<128x1xf32>
    %select_n3A_157 = arith.select %gt3A_154, %div3A_152, %broadcast_in_dim3A_156 : vector<128x1xf32>
    %sub3A_158 = vector.broadcast %div3A_134 : vector<128x1xf32> to vector<128x128xf32>
    %sub3A_159 = arith.subf %add3A_128, %sub3A_158 : vector<128x128xf32>
    %add3A_160 = arith.constant 9.99999974E-6 : f32
    %add3A_161 = vector.broadcast %add3A_160 : f32 to vector<128x1xf32>
    %add3A_162 = arith.addf %select_n3A_157, %add3A_161 : vector<128x1xf32>
    %sqrt3A_163 = math.sqrt %add3A_162 : vector<128x1xf32>
    %div3A_164 = vector.broadcast %sqrt3A_163 : vector<128x1xf32> to vector<128x128xf32>
    %div3A_165 = arith.divf %sub3A_159, %div3A_164 : vector<128x128xf32>
    %swap3A_166 = arith.constant 0 : index
    %swap3A_167 = arith.constant 0 : index
    %swap3A_168 = vector.load %arg15[%swap3A_166, %swap3A_167] : memref<128x128xf32, #tpu.memory_space<vmem>>, vector<128x128xf32>
    tpu.vector_store %arg15[%swap3A_166, %swap3A_167], %div3A_165 {strides = array<i32>} : memref<128x128xf32, #tpu.memory_space<vmem>>, vector<128x128xf32>,
    %convert_element_type3A_169 = arith.truncf %div3A_165 : vector<128x128xf32> to vector<128x128xbf16>
    %bitcast_convert_type3A = tpu.bitcast %convert_element_type3A_169 : vector<128x128xbf16> -> vector<128x128xi16>
    %slice3A_170 = vector.extract_strided_slice %bitcast_convert_type3A {offsets = [0, 0], sizes = [128, 64], strides = [1, 1]} : vector<128x128xi16> to vector<128x64xi16>
    %convert_element_type3A_171 = arith.extui %slice3A_170 : vector<128x64xi16> to vector<128x64xi32>
    %slice3A_172 = vector.extract_strided_slice %bitcast_convert_type3A {offsets = [0, 64], sizes = [128, 64], strides = [1, 1]} : vector<128x128xi16> to vector<128x64xi16>
    %convert_element_type3A_173 = arith.extui %slice3A_172 : vector<128x64xi16> to vector<128x64xi32>
    %shift_left3A = arith.constant 16 : i32
    %shift_left3A_174 = vector.broadcast %shift_left3A : i32 to vector<128x64xi32>
    %shift_left3A_175 = arith.shli %convert_element_type3A_173, %shift_left3A_174 : vector<128x64xi32>
    %or3A = arith.ori %convert_element_type3A_171, %shift_left3A_175 : vector<128x64xi32>
    %bitcast_convert_type3A_176 = tpu.bitcast %or3A : vector<128x64xi32> -> vector<128x64xi32>
    %swap3A_177 = arith.constant 0 : index
    %swap3A_178 = arith.constant 0 : index
    %swap3A_179 = vector.load %arg16[%swap3A_177, %swap3A_178] : memref<128x64xi32, #tpu.memory_space<vmem>>, vector<128x64xi32>
    tpu.vector_store %arg16[%swap3A_177, %swap3A_178], %bitcast_convert_type3A_176 {strides = array<i32>} : memref<128x64xi32, #tpu.memory_space<vmem>>, vector<128x64xi32>,
    return
  }
  func.func @transform_0(%arg0: i32) -> (i32, i32) {
    %c0_i32 = arith.constant 0 : i32
    %c0_i32_0 = arith.constant 0 : i32
    return %arg0, %c0_i32 : i32, i32
  }
  func.func @transform_1(%arg0: i32) -> (i32, i32) {
    %c0_i32 = arith.constant 0 : i32
    %c0_i32_0 = arith.constant 0 : i32
    return %arg0, %c0_i32 : i32, i32
  }
  func.func @transform_2(%arg0: i32) -> (i32, i32) {
    %c0_i32 = arith.constant 0 : i32
    %c0_i32_0 = arith.constant 0 : i32
    return %arg0, %c0_i32 : i32, i32
  }
  func.func @transform_3(%arg0: i32) -> (i32, i32) {
    %c0_i32 = arith.constant 0 : i32
    %c0_i32_0 = arith.constant 0 : i32
    %c0_i32_1 = arith.constant 0 : i32
    return %c0_i32, %c0_i32_0 : i32, i32
  }
  func.func @transform_4(%arg0: i32) -> (i32, i32) {
    %c0_i32 = arith.constant 0 : i32
    %c0_i32_0 = arith.constant 0 : i32
    %c0_i32_1 = arith.constant 0 : i32
    return %c0_i32, %c0_i32_0 : i32, i32
  }
  func.func @transform_5(%arg0: i32) -> (i32, i32) {
    %c0_i32 = arith.constant 0 : i32
    %c0_i32_0 = arith.constant 0 : i32
    %c0_i32_1 = arith.constant 0 : i32
    return %c0_i32, %c0_i32_0 : i32, i32
  }
  func.func @transform_6(%arg0: i32) -> i32 {
    %c0_i32 = arith.constant 0 : i32
    %c0_i32_0 = arith.constant 0 : i32
    return %c0_i32 : i32
  }
  func.func @transform_7(%arg0: i32) -> (i32, i32) {
    %c0_i32 = arith.constant 0 : i32
    %c0_i32_0 = arith.constant 0 : i32
    %c0_i32_1 = arith.constant 0 : i32
    return %c0_i32, %c0_i32_0 : i32, i32
  }
  func.func @transform_8(%arg0: i32) -> i32 {
    %c0_i32 = arith.constant 0 : i32
    %c0_i32_0 = arith.constant 0 : i32
    return %c0_i32 : i32
  }
  func.func @transform_9(%arg0: i32) -> (i32, i32) {
    %c0_i32 = arith.constant 0 : i32
    %c0_i32_0 = arith.constant 0 : i32
    %c0_i32_1 = arith.constant 0 : i32
    return %c0_i32, %c0_i32_0 : i32, i32
  }
  func.func @transform_10(%arg0: i32) -> i32 {
    %c0_i32 = arith.constant 0 : i32
    %c0_i32_0 = arith.constant 0 : i32
    return %c0_i32 : i32
  }
  func.func @transform_11(%arg0: i32) -> (i32, i32) {
    %c0_i32 = arith.constant 0 : i32
    %c0_i32_0 = arith.constant 0 : i32
    %c0_i32_1 = arith.constant 0 : i32
    return %c0_i32, %c0_i32_0 : i32, i32
  }
  func.func @transform_12(%arg0: i32) -> i32 {
    %c0_i32 = arith.constant 0 : i32
    %c0_i32_0 = arith.constant 0 : i32
    return %c0_i32 : i32
  }
  func.func @transform_13(%arg0: i32) -> (i32, i32) {
    %c0_i32 = arith.constant 0 : i32
    %c0_i32_0 = arith.constant 0 : i32
    return %arg0, %c0_i32 : i32, i32
  }
  func.func @transform_14(%arg0: i32) -> (i32, i32) {
    %c0_i32 = arith.constant 0 : i32
    %c0_i32_0 = arith.constant 0 : i32
    return %arg0, %c0_i32 : i32, i32
  }
  func.func @transform_15(%arg0: i32) -> (i32, i32) {
    %c0_i32 = arith.constant 0 : i32
    %c0_i32_0 = arith.constant 0 : i32
    return %arg0, %c0_i32 : i32, i32
  }
}

module attributes {stable_mosaic.version = 14 : i64} {
  func.func @_edge_node_body(%arg0: i32, %arg1: memref<4096x128xf32, #tpu.memory_space<vmem>>, %arg2: memref<4096x128xf32, #tpu.memory_space<vmem>>, %arg3: memref<128x128xf32, #tpu.memory_space<vmem>>, %arg4: memref<4096x128xf32, #tpu.memory_space<vmem>>, %arg5: memref<128x4096xf32, #tpu.memory_space<vmem>>, %arg6: memref<384x128xf32, #tpu.memory_space<vmem>>, %arg7: memref<128xf32, #tpu.memory_space<vmem>>, %arg8: memref<128x128xf32, #tpu.memory_space<vmem>>, %arg9: memref<128xf32, #tpu.memory_space<vmem>>, %arg10: memref<384x128xf32, #tpu.memory_space<vmem>>, %arg11: memref<128xf32, #tpu.memory_space<vmem>>, %arg12: memref<128x128xf32, #tpu.memory_space<vmem>>, %arg13: memref<128xf32, #tpu.memory_space<vmem>>, %arg14: memref<4096x128xf32, #tpu.memory_space<vmem>>, %arg15: memref<128x128xf32, #tpu.memory_space<vmem>>, %arg16: memref<128x64xi32, #tpu.memory_space<vmem>>) attributes {dimension_semantics = [#tpu.dimension_semantics<arbitrary>], iteration_bounds = array<i64: 32>, scalar_prefetch = 0 : i64, scratch_operands = 0 : i64, tpu.core_type = #tpu.core_type<tc>, window_params = [{transform_indices = @transform_0, window_bounds = array<i64: 4096, 128>}, {transform_indices = @transform_1, window_bounds = array<i64: 4096, 128>}, {transform_indices = @transform_2, window_bounds = array<i64: 128, 128>}, {pipeline_mode = #tpu.pipeline_mode<synchronous>, transform_indices = @transform_3, window_bounds = array<i64: 4096, 128>}, {pipeline_mode = #tpu.pipeline_mode<synchronous>, transform_indices = @transform_4, window_bounds = array<i64: 128, 4096>}, {pipeline_mode = #tpu.pipeline_mode<synchronous>, transform_indices = @transform_5, window_bounds = array<i64: 384, 128>}, {pipeline_mode = #tpu.pipeline_mode<synchronous>, transform_indices = @transform_6, window_bounds = array<i64: 128>}, {pipeline_mode = #tpu.pipeline_mode<synchronous>, transform_indices = @transform_7, window_bounds = array<i64: 128, 128>}, {pipeline_mode = #tpu.pipeline_mode<synchronous>, transform_indices = @transform_8, window_bounds = array<i64: 128>}, {pipeline_mode = #tpu.pipeline_mode<synchronous>, transform_indices = @transform_9, window_bounds = array<i64: 384, 128>}, {pipeline_mode = #tpu.pipeline_mode<synchronous>, transform_indices = @transform_10, window_bounds = array<i64: 128>}, {pipeline_mode = #tpu.pipeline_mode<synchronous>, transform_indices = @transform_11, window_bounds = array<i64: 128, 128>}, {pipeline_mode = #tpu.pipeline_mode<synchronous>, transform_indices = @transform_12, window_bounds = array<i64: 128>}, {transform_indices = @transform_13, window_bounds = array<i64: 4096, 128>}, {transform_indices = @transform_14, window_bounds = array<i64: 128, 128>}, {transform_indices = @transform_15, window_bounds = array<i64: 128, 64>}]} {
    %get3A = arith.constant 0 : index
    %get3A_0 = arith.constant 0 : index
    %get3A_1 = vector.load %arg4[%get3A, %get3A_0] : memref<4096x128xf32, #tpu.memory_space<vmem>>, vector<4096x128xf32>
    %get3A_2 = arith.constant 0 : index
    %get3A_3 = arith.constant 0 : index
    %get3A_4 = vector.load %arg5[%get3A_2, %get3A_3] : memref<128x4096xf32, #tpu.memory_space<vmem>>, vector<128x4096xf32>
    %get3A_5 = arith.constant 0 : index
    %get3A_6 = arith.constant 0 : index
    %get3A_7 = vector.load %arg1[%get3A_5, %get3A_6] : memref<4096x128xf32, #tpu.memory_space<vmem>>, vector<4096x128xf32>
    %get3A_8 = arith.constant 0 : index
    %get3A_9 = arith.constant 0 : index
    %get3A_10 = vector.load %arg2[%get3A_8, %get3A_9] : memref<4096x128xf32, #tpu.memory_space<vmem>>, vector<4096x128xf32>
    %get3A_11 = arith.constant 0 : index
    %get3A_12 = arith.constant 0 : index
    %get3A_13 = vector.load %arg3[%get3A_11, %get3A_12] : memref<128x128xf32, #tpu.memory_space<vmem>>, vector<128x128xf32>
    %get3A_14 = arith.constant 0 : index
    %get3A_15 = arith.constant 0 : index
    %get3A_16 = vector.load %arg6[%get3A_14, %get3A_15] : memref<384x128xf32, #tpu.memory_space<vmem>>, vector<384x128xf32>
    %slice3A = vector.extract_strided_slice %get3A_16 {offsets = [0, 0], sizes = [128, 128], strides = [1, 1]} : vector<384x128xf32> to vector<128x128xf32>
    %dot_general3A = arith.constant dense<0.000000e+00> : vector<128x128xf32>
    %dot_general3A_17 = tpu.matmul %get3A_13, %slice3A, %dot_general3A {dimension_numbers = #tpu.dot_dimension_numbers<[1], [0], [0], [1], [0, 0, 1, 1], [], []>, transpose_lhs_hint = false} : vector<128x128xf32>, vector<128x128xf32>, vector<128x128xf32> -> vector<128x128xf32>
    %convert_element_type3A = arith.truncf %get3A_1 : vector<4096x128xf32> to vector<4096x128xbf16>
    %convert_element_type3A_18 = arith.truncf %dot_general3A_17 : vector<128x128xf32> to vector<128x128xbf16>
    %dot_general3A_19 = arith.constant dense<0.000000e+00> : vector<4096x128xf32>
    %dot_general3A_20 = tpu.matmul %convert_element_type3A, %convert_element_type3A_18, %dot_general3A_19 {dimension_numbers = #tpu.dot_dimension_numbers<[1], [0], [0], [1], [0, 0, 1, 1], [], []>, transpose_lhs_hint = false} : vector<4096x128xbf16>, vector<128x128xbf16>, vector<4096x128xf32> -> vector<4096x128xf32>
    %slice3A_21 = vector.extract_strided_slice %get3A_16 {offsets = [128, 0], sizes = [128, 128], strides = [1, 1]} : vector<384x128xf32> to vector<128x128xf32>
    %convert_element_type3A_22 = arith.truncf %get3A_10 : vector<4096x128xf32> to vector<4096x128xbf16>
    %convert_element_type3A_23 = arith.truncf %slice3A_21 : vector<128x128xf32> to vector<128x128xbf16>
    %dot_general3A_24 = arith.constant dense<0.000000e+00> : vector<4096x128xf32>
    %dot_general3A_25 = tpu.matmul %convert_element_type3A_22, %convert_element_type3A_23, %dot_general3A_24 {dimension_numbers = #tpu.dot_dimension_numbers<[1], [0], [0], [1], [0, 0, 1, 1], [], []>, transpose_lhs_hint = false} : vector<4096x128xbf16>, vector<128x128xbf16>, vector<4096x128xf32> -> vector<4096x128xf32>
    %add3A = arith.addf %dot_general3A_20, %dot_general3A_25 : vector<4096x128xf32>
    %slice3A_26 = vector.extract_strided_slice %get3A_16 {offsets = [256, 0], sizes = [128, 128], strides = [1, 1]} : vector<384x128xf32> to vector<128x128xf32>
    %convert_element_type3A_27 = arith.truncf %get3A_7 : vector<4096x128xf32> to vector<4096x128xbf16>
    %convert_element_type3A_28 = arith.truncf %slice3A_26 : vector<128x128xf32> to vector<128x128xbf16>
    %dot_general3A_29 = arith.constant dense<0.000000e+00> : vector<4096x128xf32>
    %dot_general3A_30 = tpu.matmul %convert_element_type3A_27, %convert_element_type3A_28, %dot_general3A_29 {dimension_numbers = #tpu.dot_dimension_numbers<[1], [0], [0], [1], [0, 0, 1, 1], [], []>, transpose_lhs_hint = false} : vector<4096x128xbf16>, vector<128x128xbf16>, vector<4096x128xf32> -> vector<4096x128xf32>
    %add3A_31 = arith.addf %add3A, %dot_general3A_30 : vector<4096x128xf32>
    %get3A_32 = arith.constant 0 : index
    %get3A_33 = vector.load %arg7[%get3A_32] : memref<128xf32, #tpu.memory_space<vmem>>, vector<128xf32>
    %broadcast_in_dim3A = vector.shape_cast %get3A_33 : vector<128xf32> to vector<1x128xf32>
    %add3A_34 = vector.broadcast %broadcast_in_dim3A : vector<1x128xf32> to vector<4096x128xf32>
    %add3A_35 = arith.addf %add3A_31, %add3A_34 : vector<4096x128xf32>
    %max3A = arith.constant 0.000000e+00 : f32
    %max3A_36 = vector.broadcast %max3A : f32 to vector<4096x128xf32>
    %max3A_37 = arith.maximumf %add3A_35, %max3A_36 : vector<4096x128xf32>
    %get3A_38 = arith.constant 0 : index
    %get3A_39 = arith.constant 0 : index
    %get3A_40 = vector.load %arg8[%get3A_38, %get3A_39] : memref<128x128xf32, #tpu.memory_space<vmem>>, vector<128x128xf32>
    %convert_element_type3A_41 = arith.truncf %max3A_37 : vector<4096x128xf32> to vector<4096x128xbf16>
    %convert_element_type3A_42 = arith.truncf %get3A_40 : vector<128x128xf32> to vector<128x128xbf16>
    %dot_general3A_43 = arith.constant dense<0.000000e+00> : vector<4096x128xf32>
    %dot_general3A_44 = tpu.matmul %convert_element_type3A_41, %convert_element_type3A_42, %dot_general3A_43 {dimension_numbers = #tpu.dot_dimension_numbers<[1], [0], [0], [1], [0, 0, 1, 1], [], []>, transpose_lhs_hint = false} : vector<4096x128xbf16>, vector<128x128xbf16>, vector<4096x128xf32> -> vector<4096x128xf32>
    %get3A_45 = arith.constant 0 : index
    %get3A_46 = vector.load %arg9[%get3A_45] : memref<128xf32, #tpu.memory_space<vmem>>, vector<128xf32>
    %broadcast_in_dim3A_47 = vector.shape_cast %get3A_46 : vector<128xf32> to vector<1x128xf32>
    %add3A_48 = vector.broadcast %broadcast_in_dim3A_47 : vector<1x128xf32> to vector<4096x128xf32>
    %add3A_49 = arith.addf %dot_general3A_44, %add3A_48 : vector<4096x128xf32>
    %add3A_50 = arith.addf %get3A_7, %add3A_49 : vector<4096x128xf32>
    %reduce_sum3A = arith.constant dense<0.000000e+00> : vector<4096xf32>
    %reduce_sum3A_51 = vector.multi_reduction <add>, %add3A_50, %reduce_sum3A [1] : vector<4096x128xf32> to vector<4096xf32>
    %broadcast_in_dim3A_52 = vector.shape_cast %reduce_sum3A_51 : vector<4096xf32> to vector<4096x1xf32>
    %div3A = arith.constant 1.280000e+02 : f32
    %div3A_53 = vector.broadcast %div3A : f32 to vector<4096x1xf32>
    %div3A_54 = arith.divf %broadcast_in_dim3A_52, %div3A_53 : vector<4096x1xf32>
    %jit3A = arith.constant 0 : i32
    %reduce_sum3A_55 = arith.constant dense<0.000000e+00> : vector<4096xf32>
    %reduce_sum3A_56 = vector.multi_reduction <add>, %add3A_50, %reduce_sum3A_55 [1] : vector<4096x128xf32> to vector<4096xf32>
    %broadcast_in_dim3A_57 = vector.shape_cast %reduce_sum3A_56 : vector<4096xf32> to vector<4096x1xf32>
    %div3A_58 = arith.constant 1.280000e+02 : f32
    %div3A_59 = vector.broadcast %div3A_58 : f32 to vector<4096x1xf32>
    %div3A_60 = arith.divf %broadcast_in_dim3A_57, %div3A_59 : vector<4096x1xf32>
    %sub3A = vector.broadcast %div3A_60 : vector<4096x1xf32> to vector<4096x128xf32>
    %sub3A_61 = arith.subf %add3A_50, %sub3A : vector<4096x128xf32>
    %square3A = arith.mulf %sub3A_61, %sub3A_61 : vector<4096x128xf32>
    %convert_element_type3A_62 = arith.sitofp %jit3A : i32 to f32
    %sub3A_63 = arith.constant 1.280000e+02 : f32
    %sub3A_64 = arith.subf %sub3A_63, %convert_element_type3A_62 : f32
    %reduce_sum3A_65 = arith.constant dense<0.000000e+00> : vector<4096xf32>
    %reduce_sum3A_66 = vector.multi_reduction <add>, %square3A, %reduce_sum3A_65 [1] : vector<4096x128xf32> to vector<4096xf32>
    %broadcast_in_dim3A_67 = vector.shape_cast %reduce_sum3A_66 : vector<4096xf32> to vector<4096x1xf32>
    %div3A_68 = vector.broadcast %sub3A_64 : f32 to vector<4096x1xf32>
    %div3A_69 = arith.divf %broadcast_in_dim3A_67, %div3A_68 : vector<4096x1xf32>
    %gt3A = arith.constant 0.000000e+00 : f32
    %gt3A_70 = arith.cmpf ogt, %sub3A_64, %gt3A : f32
    %jit3A_71 = arith.constant 0x7FC00000 : f32
    %broadcast_in_dim3A_72 = vector.broadcast %jit3A_71 : f32 to vector<4096x1xf32>
    %select_n3A = arith.select %gt3A_70, %div3A_69, %broadcast_in_dim3A_72 : vector<4096x1xf32>
    %sub3A_73 = vector.broadcast %div3A_54 : vector<4096x1xf32> to vector<4096x128xf32>
    %sub3A_74 = arith.subf %add3A_50, %sub3A_73 : vector<4096x128xf32>
    %add3A_75 = arith.constant 9.99999974E-6 : f32
    %add3A_76 = vector.broadcast %add3A_75 : f32 to vector<4096x1xf32>
    %add3A_77 = arith.addf %select_n3A, %add3A_76 : vector<4096x1xf32>
    %sqrt3A = math.sqrt %add3A_77 : vector<4096x1xf32>
    %div3A_78 = vector.broadcast %sqrt3A : vector<4096x1xf32> to vector<4096x128xf32>
    %div3A_79 = arith.divf %sub3A_74, %div3A_78 : vector<4096x128xf32>
    %swap3A = arith.constant 0 : index
    %swap3A_80 = arith.constant 0 : index
    %swap3A_81 = vector.load %arg14[%swap3A, %swap3A_80] : memref<4096x128xf32, #tpu.memory_space<vmem>>, vector<4096x128xf32>
    tpu.vector_store %arg14[%swap3A, %swap3A_80], %div3A_79 {strides = array<i32>} : memref<4096x128xf32, #tpu.memory_space<vmem>>, vector<4096x128xf32>,
    %get3A_82 = arith.constant 0 : index
    %get3A_83 = arith.constant 0 : index
    %get3A_84 = vector.load %arg10[%get3A_82, %get3A_83] : memref<384x128xf32, #tpu.memory_space<vmem>>, vector<384x128xf32>
    %slice3A_85 = vector.extract_strided_slice %get3A_84 {offsets = [0, 0], sizes = [128, 128], strides = [1, 1]} : vector<384x128xf32> to vector<128x128xf32>
    %dot_general3A_86 = arith.constant dense<0.000000e+00> : vector<128x128xf32>
    %dot_general3A_87 = tpu.matmul %get3A_13, %slice3A_85, %dot_general3A_86 {dimension_numbers = #tpu.dot_dimension_numbers<[1], [0], [0], [1], [0, 0, 1, 1], [], []>, transpose_lhs_hint = false} : vector<128x128xf32>, vector<128x128xf32>, vector<128x128xf32> -> vector<128x128xf32>
    %convert_element_type3A_88 = arith.truncf %get3A_1 : vector<4096x128xf32> to vector<4096x128xbf16>
    %convert_element_type3A_89 = arith.truncf %dot_general3A_87 : vector<128x128xf32> to vector<128x128xbf16>
    %dot_general3A_90 = arith.constant dense<0.000000e+00> : vector<4096x128xf32>
    %dot_general3A_91 = tpu.matmul %convert_element_type3A_88, %convert_element_type3A_89, %dot_general3A_90 {dimension_numbers = #tpu.dot_dimension_numbers<[1], [0], [0], [1], [0, 0, 1, 1], [], []>, transpose_lhs_hint = false} : vector<4096x128xbf16>, vector<128x128xbf16>, vector<4096x128xf32> -> vector<4096x128xf32>
    %slice3A_92 = vector.extract_strided_slice %get3A_84 {offsets = [128, 0], sizes = [128, 128], strides = [1, 1]} : vector<384x128xf32> to vector<128x128xf32>
    %convert_element_type3A_93 = arith.truncf %get3A_10 : vector<4096x128xf32> to vector<4096x128xbf16>
    %convert_element_type3A_94 = arith.truncf %slice3A_92 : vector<128x128xf32> to vector<128x128xbf16>
    %dot_general3A_95 = arith.constant dense<0.000000e+00> : vector<4096x128xf32>
    %dot_general3A_96 = tpu.matmul %convert_element_type3A_93, %convert_element_type3A_94, %dot_general3A_95 {dimension_numbers = #tpu.dot_dimension_numbers<[1], [0], [0], [1], [0, 0, 1, 1], [], []>, transpose_lhs_hint = false} : vector<4096x128xbf16>, vector<128x128xbf16>, vector<4096x128xf32> -> vector<4096x128xf32>
    %add3A_97 = arith.addf %dot_general3A_91, %dot_general3A_96 : vector<4096x128xf32>
    %slice3A_98 = vector.extract_strided_slice %get3A_84 {offsets = [256, 0], sizes = [128, 128], strides = [1, 1]} : vector<384x128xf32> to vector<128x128xf32>
    %convert_element_type3A_99 = arith.truncf %div3A_79 : vector<4096x128xf32> to vector<4096x128xbf16>
    %convert_element_type3A_100 = arith.truncf %slice3A_98 : vector<128x128xf32> to vector<128x128xbf16>
    %dot_general3A_101 = arith.constant dense<0.000000e+00> : vector<4096x128xf32>
    %dot_general3A_102 = tpu.matmul %convert_element_type3A_99, %convert_element_type3A_100, %dot_general3A_101 {dimension_numbers = #tpu.dot_dimension_numbers<[1], [0], [0], [1], [0, 0, 1, 1], [], []>, transpose_lhs_hint = false} : vector<4096x128xbf16>, vector<128x128xbf16>, vector<4096x128xf32> -> vector<4096x128xf32>
    %add3A_103 = arith.addf %add3A_97, %dot_general3A_102 : vector<4096x128xf32>
    %get3A_104 = arith.constant 0 : index
    %get3A_105 = vector.load %arg11[%get3A_104] : memref<128xf32, #tpu.memory_space<vmem>>, vector<128xf32>
    %broadcast_in_dim3A_106 = vector.shape_cast %get3A_105 : vector<128xf32> to vector<1x128xf32>
    %add3A_107 = vector.broadcast %broadcast_in_dim3A_106 : vector<1x128xf32> to vector<4096x128xf32>
    %add3A_108 = arith.addf %add3A_103, %add3A_107 : vector<4096x128xf32>
    %max3A_109 = arith.constant 0.000000e+00 : f32
    %max3A_110 = vector.broadcast %max3A_109 : f32 to vector<4096x128xf32>
    %max3A_111 = arith.maximumf %add3A_108, %max3A_110 : vector<4096x128xf32>
    %convert_element_type3A_112 = arith.truncf %get3A_4 : vector<128x4096xf32> to vector<128x4096xbf16>
    %convert_element_type3A_113 = arith.truncf %max3A_111 : vector<4096x128xf32> to vector<4096x128xbf16>
    %dot_general3A_114 = arith.constant dense<0.000000e+00> : vector<128x128xf32>
    %dot_general3A_115 = tpu.matmul %convert_element_type3A_112, %convert_element_type3A_113, %dot_general3A_114 {dimension_numbers = #tpu.dot_dimension_numbers<[1], [0], [0], [1], [0, 0, 1, 1], [], []>, transpose_lhs_hint = false} : vector<128x4096xbf16>, vector<4096x128xbf16>, vector<128x128xf32> -> vector<128x128xf32>
    %mul3A = arith.constant 0.0333333351 : f32
    %mul3A_116 = vector.broadcast %mul3A : f32 to vector<128x128xf32>
    %mul3A_117 = arith.mulf %dot_general3A_115, %mul3A_116 : vector<128x128xf32>
    %get3A_118 = arith.constant 0 : index
    %get3A_119 = arith.constant 0 : index
    %get3A_120 = vector.load %arg12[%get3A_118, %get3A_119] : memref<128x128xf32, #tpu.memory_space<vmem>>, vector<128x128xf32>
    %dot_general3A_121 = arith.constant dense<0.000000e+00> : vector<128x128xf32>
    %dot_general3A_122 = tpu.matmul %mul3A_117, %get3A_120, %dot_general3A_121 {dimension_numbers = #tpu.dot_dimension_numbers<[1], [0], [0], [1], [0, 0, 1, 1], [], []>, transpose_lhs_hint = false} : vector<128x128xf32>, vector<128x128xf32>, vector<128x128xf32> -> vector<128x128xf32>
    %get3A_123 = arith.constant 0 : index
    %get3A_124 = vector.load %arg13[%get3A_123] : memref<128xf32, #tpu.memory_space<vmem>>, vector<128xf32>
    %broadcast_in_dim3A_125 = vector.shape_cast %get3A_124 : vector<128xf32> to vector<1x128xf32>
    %add3A_126 = vector.broadcast %broadcast_in_dim3A_125 : vector<1x128xf32> to vector<128x128xf32>
    %add3A_127 = arith.addf %dot_general3A_122, %add3A_126 : vector<128x128xf32>
    %add3A_128 = arith.addf %get3A_13, %add3A_127 : vector<128x128xf32>
    %reduce_sum3A_129 = arith.constant dense<0.000000e+00> : vector<128xf32>
    %reduce_sum3A_130 = vector.multi_reduction <add>, %add3A_128, %reduce_sum3A_129 [1] : vector<128x128xf32> to vector<128xf32>
    %broadcast_in_dim3A_131 = vector.shape_cast %reduce_sum3A_130 : vector<128xf32> to vector<128x1xf32>
    %div3A_132 = arith.constant 1.280000e+02 : f32
    %div3A_133 = vector.broadcast %div3A_132 : f32 to vector<128x1xf32>
    %div3A_134 = arith.divf %broadcast_in_dim3A_131, %div3A_133 : vector<128x1xf32>
    %jit3A_135 = arith.constant 0 : i32
    %reduce_sum3A_136 = arith.constant dense<0.000000e+00> : vector<128xf32>
    %reduce_sum3A_137 = vector.multi_reduction <add>, %add3A_128, %reduce_sum3A_136 [1] : vector<128x128xf32> to vector<128xf32>
    %broadcast_in_dim3A_138 = vector.shape_cast %reduce_sum3A_137 : vector<128xf32> to vector<128x1xf32>
    %div3A_139 = arith.constant 1.280000e+02 : f32
    %div3A_140 = vector.broadcast %div3A_139 : f32 to vector<128x1xf32>
    %div3A_141 = arith.divf %broadcast_in_dim3A_138, %div3A_140 : vector<128x1xf32>
    %sub3A_142 = vector.broadcast %div3A_141 : vector<128x1xf32> to vector<128x128xf32>
    %sub3A_143 = arith.subf %add3A_128, %sub3A_142 : vector<128x128xf32>
    %square3A_144 = arith.mulf %sub3A_143, %sub3A_143 : vector<128x128xf32>
    %convert_element_type3A_145 = arith.sitofp %jit3A_135 : i32 to f32
    %sub3A_146 = arith.constant 1.280000e+02 : f32
    %sub3A_147 = arith.subf %sub3A_146, %convert_element_type3A_145 : f32
    %reduce_sum3A_148 = arith.constant dense<0.000000e+00> : vector<128xf32>
    %reduce_sum3A_149 = vector.multi_reduction <add>, %square3A_144, %reduce_sum3A_148 [1] : vector<128x128xf32> to vector<128xf32>
    %broadcast_in_dim3A_150 = vector.shape_cast %reduce_sum3A_149 : vector<128xf32> to vector<128x1xf32>
    %div3A_151 = vector.broadcast %sub3A_147 : f32 to vector<128x1xf32>
    %div3A_152 = arith.divf %broadcast_in_dim3A_150, %div3A_151 : vector<128x1xf32>
    %gt3A_153 = arith.constant 0.000000e+00 : f32
    %gt3A_154 = arith.cmpf ogt, %sub3A_147, %gt3A_153 : f32
    %jit3A_155 = arith.constant 0x7FC00000 : f32
    %broadcast_in_dim3A_156 = vector.broadcast %jit3A_155 : f32 to vector<128x1xf32>
    %select_n3A_157 = arith.select %gt3A_154, %div3A_152, %broadcast_in_dim3A_156 : vector<128x1xf32>
    %sub3A_158 = vector.broadcast %div3A_134 : vector<128x1xf32> to vector<128x128xf32>
    %sub3A_159 = arith.subf %add3A_128, %sub3A_158 : vector<128x128xf32>
    %add3A_160 = arith.constant 9.99999974E-6 : f32
    %add3A_161 = vector.broadcast %add3A_160 : f32 to vector<128x1xf32>
    %add3A_162 = arith.addf %select_n3A_157, %add3A_161 : vector<128x1xf32>
    %sqrt3A_163 = math.sqrt %add3A_162 : vector<128x1xf32>
    %div3A_164 = vector.broadcast %sqrt3A_163 : vector<128x1xf32> to vector<128x128xf32>
    %div3A_165 = arith.divf %sub3A_159, %div3A_164 : vector<128x128xf32>
    %swap3A_166 = arith.constant 0 : index
    %swap3A_167 = arith.constant 0 : index
    %swap3A_168 = vector.load %arg15[%swap3A_166, %swap3A_167] : memref<128x128xf32, #tpu.memory_space<vmem>>, vector<128x128xf32>
    tpu.vector_store %arg15[%swap3A_166, %swap3A_167], %div3A_165 {strides = array<i32>} : memref<128x128xf32, #tpu.memory_space<vmem>>, vector<128x128xf32>,
    %convert_element_type3A_169 = arith.truncf %div3A_165 : vector<128x128xf32> to vector<128x128xbf16>
    %bitcast_convert_type3A = tpu.bitcast %convert_element_type3A_169 : vector<128x128xbf16> -> vector<128x128xi16>
    %slice3A_170 = vector.extract_strided_slice %bitcast_convert_type3A {offsets = [0, 0], sizes = [128, 64], strides = [1, 1]} : vector<128x128xi16> to vector<128x64xi16>
    %convert_element_type3A_171 = arith.extui %slice3A_170 : vector<128x64xi16> to vector<128x64xi32>
    %slice3A_172 = vector.extract_strided_slice %bitcast_convert_type3A {offsets = [0, 64], sizes = [128, 64], strides = [1, 1]} : vector<128x128xi16> to vector<128x64xi16>
    %convert_element_type3A_173 = arith.extui %slice3A_172 : vector<128x64xi16> to vector<128x64xi32>
    %shift_left3A = arith.constant 16 : i32
    %shift_left3A_174 = vector.broadcast %shift_left3A : i32 to vector<128x64xi32>
    %shift_left3A_175 = arith.shli %convert_element_type3A_173, %shift_left3A_174 : vector<128x64xi32>
    %or3A = arith.ori %convert_element_type3A_171, %shift_left3A_175 : vector<128x64xi32>
    %bitcast_convert_type3A_176 = tpu.bitcast %or3A : vector<128x64xi32> -> vector<128x64xi32>
    %swap3A_177 = arith.constant 0 : index
    %swap3A_178 = arith.constant 0 : index
    %swap3A_179 = vector.load %arg16[%swap3A_177, %swap3A_178] : memref<128x64xi32, #tpu.memory_space<vmem>>, vector<128x64xi32>
    tpu.vector_store %arg16[%swap3A_177, %swap3A_178], %bitcast_convert_type3A_176 {strides = array<i32>} : memref<128x64xi32, #tpu.memory_space<vmem>>, vector<128x64xi32>,
    return
  }
  func.func @transform_0(%arg0: i32) -> (i32, i32) {
    %c0_i32 = arith.constant 0 : i32
    %c0_i32_0 = arith.constant 0 : i32
    return %arg0, %c0_i32 : i32, i32
  }
  func.func @transform_1(%arg0: i32) -> (i32, i32) {
    %c0_i32 = arith.constant 0 : i32
    %c0_i32_0 = arith.constant 0 : i32
    return %arg0, %c0_i32 : i32, i32
  }
  func.func @transform_2(%arg0: i32) -> (i32, i32) {
    %c0_i32 = arith.constant 0 : i32
    %c0_i32_0 = arith.constant 0 : i32
    return %arg0, %c0_i32 : i32, i32
  }
  func.func @transform_3(%arg0: i32) -> (i32, i32) {
    %c0_i32 = arith.constant 0 : i32
    %c0_i32_0 = arith.constant 0 : i32
    %c0_i32_1 = arith.constant 0 : i32
    return %c0_i32, %c0_i32_0 : i32, i32
  }
  func.func @transform_4(%arg0: i32) -> (i32, i32) {
    %c0_i32 = arith.constant 0 : i32
    %c0_i32_0 = arith.constant 0 : i32
    %c0_i32_1 = arith.constant 0 : i32
    return %c0_i32, %c0_i32_0 : i32, i32
  }
  func.func @transform_5(%arg0: i32) -> (i32, i32) {
    %c0_i32 = arith.constant 0 : i32
    %c0_i32_0 = arith.constant 0 : i32
    %c0_i32_1 = arith.constant 0 : i32
    return %c0_i32, %c0_i32_0 : i32, i32
  }
  func.func @transform_6(%arg0: i32) -> i32 {
    %c0_i32 = arith.constant 0 : i32
    %c0_i32_0 = arith.constant 0 : i32
    return %c0_i32 : i32
  }
  func.func @transform_7(%arg0: i32) -> (i32, i32) {
    %c0_i32 = arith.constant 0 : i32
    %c0_i32_0 = arith.constant 0 : i32
    %c0_i32_1 = arith.constant 0 : i32
    return %c0_i32, %c0_i32_0 : i32, i32
  }
  func.func @transform_8(%arg0: i32) -> i32 {
    %c0_i32 = arith.constant 0 : i32
    %c0_i32_0 = arith.constant 0 : i32
    return %c0_i32 : i32
  }
  func.func @transform_9(%arg0: i32) -> (i32, i32) {
    %c0_i32 = arith.constant 0 : i32
    %c0_i32_0 = arith.constant 0 : i32
    %c0_i32_1 = arith.constant 0 : i32
    return %c0_i32, %c0_i32_0 : i32, i32
  }
  func.func @transform_10(%arg0: i32) -> i32 {
    %c0_i32 = arith.constant 0 : i32
    %c0_i32_0 = arith.constant 0 : i32
    return %c0_i32 : i32
  }
  func.func @transform_11(%arg0: i32) -> (i32, i32) {
    %c0_i32 = arith.constant 0 : i32
    %c0_i32_0 = arith.constant 0 : i32
    %c0_i32_1 = arith.constant 0 : i32
    return %c0_i32, %c0_i32_0 : i32, i32
  }
  func.func @transform_12(%arg0: i32) -> i32 {
    %c0_i32 = arith.constant 0 : i32
    %c0_i32_0 = arith.constant 0 : i32
    return %c0_i32 : i32
  }
  func.func @transform_13(%arg0: i32) -> (i32, i32) {
    %c0_i32 = arith.constant 0 : i32
    %c0_i32_0 = arith.constant 0 : i32
    return %arg0, %c0_i32 : i32, i32
  }
  func.func @transform_14(%arg0: i32) -> (i32, i32) {
    %c0_i32 = arith.constant 0 : i32
    %c0_i32_0 = arith.constant 0 : i32
    return %arg0, %c0_i32 : i32, i32
  }
  func.func @transform_15(%arg0: i32) -> (i32, i32) {
    %c0_i32 = arith.constant 0 : i32
    %c0_i32_0 = arith.constant 0 : i32
    return %arg0, %c0_i32 : i32, i32
  }
}

module attributes {stable_mosaic.version = 14 : i64} {
  func.func @_dec_body(%arg0: i32, %arg1: memref<4096x128xf32, #tpu.memory_space<vmem>>, %arg2: memref<4096x128xi32, #tpu.memory_space<vmem>>, %arg3: memref<4096x1xf32, #tpu.memory_space<vmem>>, %arg4: memref<128x128xf32, #tpu.memory_space<vmem>>, %arg5: memref<4096x128xf32, #tpu.memory_space<vmem>>, %arg6: memref<128x4096xf32, #tpu.memory_space<vmem>>, %arg7: memref<384x128xf32, #tpu.memory_space<vmem>>, %arg8: memref<128xf32, #tpu.memory_space<vmem>>, %arg9: memref<128x128xf32, #tpu.memory_space<vmem>>, %arg10: memref<128xf32, #tpu.memory_space<vmem>>, %arg11: memref<3x128x128xf32, #tpu.memory_space<vmem>>, %arg12: memref<3x128x128xf32, #tpu.memory_space<vmem>>, %arg13: memref<3x128x128xf32, #tpu.memory_space<vmem>>, %arg14: memref<3x128x128xf32, #tpu.memory_space<vmem>>, %arg15: memref<3x128xf32, #tpu.memory_space<vmem>>, %arg16: memref<3x128x128xf32, #tpu.memory_space<vmem>>, %arg17: memref<3x128xf32, #tpu.memory_space<vmem>>, %arg18: memref<128x20xf32, #tpu.memory_space<vmem>>, %arg19: memref<20xf32, #tpu.memory_space<vmem>>, %arg20: memref<128x20xf32, #tpu.memory_space<vmem>>) attributes {dimension_semantics = [#tpu.dimension_semantics<arbitrary>], iteration_bounds = array<i64: 32>, scalar_prefetch = 0 : i64, scratch_operands = 0 : i64, tpu.core_type = #tpu.core_type<tc>, window_params = [{transform_indices = @transform_0, window_bounds = array<i64: 4096, 128>}, {transform_indices = @transform_1, window_bounds = array<i64: 4096, 128>}, {transform_indices = @transform_2, window_bounds = array<i64: 4096, 1>}, {transform_indices = @transform_3, window_bounds = array<i64: 128, 128>}, {pipeline_mode = #tpu.pipeline_mode<synchronous>, transform_indices = @transform_4, window_bounds = array<i64: 4096, 128>}, {pipeline_mode = #tpu.pipeline_mode<synchronous>, transform_indices = @transform_5, window_bounds = array<i64: 128, 4096>}, {pipeline_mode = #tpu.pipeline_mode<synchronous>, transform_indices = @transform_6, window_bounds = array<i64: 384, 128>}, {pipeline_mode = #tpu.pipeline_mode<synchronous>, transform_indices = @transform_7, window_bounds = array<i64: 128>}, {pipeline_mode = #tpu.pipeline_mode<synchronous>, transform_indices = @transform_8, window_bounds = array<i64: 128, 128>}, {pipeline_mode = #tpu.pipeline_mode<synchronous>, transform_indices = @transform_9, window_bounds = array<i64: 128>}, {pipeline_mode = #tpu.pipeline_mode<synchronous>, transform_indices = @transform_10, window_bounds = array<i64: 3, 128, 128>}, {pipeline_mode = #tpu.pipeline_mode<synchronous>, transform_indices = @transform_11, window_bounds = array<i64: 3, 128, 128>}, {pipeline_mode = #tpu.pipeline_mode<synchronous>, transform_indices = @transform_12, window_bounds = array<i64: 3, 128, 128>}, {pipeline_mode = #tpu.pipeline_mode<synchronous>, transform_indices = @transform_13, window_bounds = array<i64: 3, 128, 128>}, {pipeline_mode = #tpu.pipeline_mode<synchronous>, transform_indices = @transform_14, window_bounds = array<i64: 3, 128>}, {pipeline_mode = #tpu.pipeline_mode<synchronous>, transform_indices = @transform_15, window_bounds = array<i64: 3, 128, 128>}, {pipeline_mode = #tpu.pipeline_mode<synchronous>, transform_indices = @transform_16, window_bounds = array<i64: 3, 128>}, {pipeline_mode = #tpu.pipeline_mode<synchronous>, transform_indices = @transform_17, window_bounds = array<i64: 128, 20>}, {pipeline_mode = #tpu.pipeline_mode<synchronous>, transform_indices = @transform_18, window_bounds = array<i64: 20>}, {transform_indices = @transform_19, window_bounds = array<i64: 128, 20>}]} {
    %get3A = arith.constant 0 : index
    %get3A_0 = arith.constant 0 : index
    %get3A_1 = vector.load %arg5[%get3A, %get3A_0] : memref<4096x128xf32, #tpu.memory_space<vmem>>, vector<4096x128xf32>
    %get3A_2 = arith.constant 0 : index
    %get3A_3 = arith.constant 0 : index
    %get3A_4 = vector.load %arg6[%get3A_2, %get3A_3] : memref<128x4096xf32, #tpu.memory_space<vmem>>, vector<128x4096xf32>
    %get3A_5 = arith.constant 0 : index
    %get3A_6 = arith.constant 0 : index
    %get3A_7 = vector.load %arg1[%get3A_5, %get3A_6] : memref<4096x128xf32, #tpu.memory_space<vmem>>, vector<4096x128xf32>
    %get3A_8 = arith.constant 0 : index
    %get3A_9 = arith.constant 0 : index
    %get3A_10 = vector.load %arg4[%get3A_8, %get3A_9] : memref<128x128xf32, #tpu.memory_space<vmem>>, vector<128x128xf32>
    %get3A_11 = arith.constant 0 : index
    %get3A_12 = arith.constant 0 : index
    %get3A_13 = vector.load %arg2[%get3A_11, %get3A_12] : memref<4096x128xi32, #tpu.memory_space<vmem>>, vector<4096x128xi32>
    %slice3A = vector.extract_strided_slice %get3A_13 {offsets = [0, 0], sizes = [4096, 64], strides = [1, 1]} : vector<4096x128xi32> to vector<4096x64xi32>
    %bitcast_convert_type3A = tpu.bitcast %slice3A : vector<4096x64xi32> -> vector<4096x64xi32>
    %and3A = arith.constant 65535 : i32
    %and3A_14 = vector.broadcast %and3A : i32 to vector<4096x64xi32>
    %and3A_15 = arith.andi %bitcast_convert_type3A, %and3A_14 : vector<4096x64xi32>
    %convert_element_type3A = arith.trunci %and3A_15 : vector<4096x64xi32> to vector<4096x64xi16>
    %shift_right_logical3A = arith.constant 16 : i32
    %shift_right_logical3A_16 = vector.broadcast %shift_right_logical3A : i32 to vector<4096x64xi32>
    %shift_right_logical3A_17 = arith.shrui %bitcast_convert_type3A, %shift_right_logical3A_16 : vector<4096x64xi32>
    %convert_element_type3A_18 = arith.trunci %shift_right_logical3A_17 : vector<4096x64xi32> to vector<4096x64xi16>
    %bitcast_convert_type3A_19 = tpu.bitcast %convert_element_type3A : vector<4096x64xi16> -> vector<4096x64xbf16>
    %bitcast_convert_type3A_20 = tpu.bitcast %convert_element_type3A_18 : vector<4096x64xi16> -> vector<4096x64xbf16>
    %concatenate3A = tpu.concatenate %bitcast_convert_type3A_19, %bitcast_convert_type3A_20 in 1 : vector<4096x64xbf16>, vector<4096x64xbf16> -> vector<4096x128xbf16>
    %get3A_21 = arith.constant 0 : index
    %get3A_22 = arith.constant 0 : index
    %get3A_23 = vector.load %arg7[%get3A_21, %get3A_22] : memref<384x128xf32, #tpu.memory_space<vmem>>, vector<384x128xf32>
    %slice3A_24 = vector.extract_strided_slice %get3A_23 {offsets = [0, 0], sizes = [128, 128], strides = [1, 1]} : vector<384x128xf32> to vector<128x128xf32>
    %dot_general3A = arith.constant dense<0.000000e+00> : vector<128x128xf32>
    %dot_general3A_25 = tpu.matmul %get3A_10, %slice3A_24, %dot_general3A {dimension_numbers = #tpu.dot_dimension_numbers<[1], [0], [0], [1], [0, 0, 1, 1], [], []>, transpose_lhs_hint = false} : vector<128x128xf32>, vector<128x128xf32>, vector<128x128xf32> -> vector<128x128xf32>
    %convert_element_type3A_26 = arith.truncf %get3A_1 : vector<4096x128xf32> to vector<4096x128xbf16>
    %convert_element_type3A_27 = arith.truncf %dot_general3A_25 : vector<128x128xf32> to vector<128x128xbf16>
    %dot_general3A_28 = arith.constant dense<0.000000e+00> : vector<4096x128xf32>
    %dot_general3A_29 = tpu.matmul %convert_element_type3A_26, %convert_element_type3A_27, %dot_general3A_28 {dimension_numbers = #tpu.dot_dimension_numbers<[1], [0], [0], [1], [0, 0, 1, 1], [], []>, transpose_lhs_hint = false} : vector<4096x128xbf16>, vector<128x128xbf16>, vector<4096x128xf32> -> vector<4096x128xf32>
    %slice3A_30 = vector.extract_strided_slice %get3A_23 {offsets = [128, 0], sizes = [128, 128], strides = [1, 1]} : vector<384x128xf32> to vector<128x128xf32>
    %convert_element_type3A_31 = arith.truncf %slice3A_30 : vector<128x128xf32> to vector<128x128xbf16>
    %dot_general3A_32 = arith.constant dense<0.000000e+00> : vector<4096x128xf32>
    %dot_general3A_33 = tpu.matmul %concatenate3A, %convert_element_type3A_31, %dot_general3A_32 {dimension_numbers = #tpu.dot_dimension_numbers<[1], [0], [0], [1], [0, 0, 1, 1], [], []>, transpose_lhs_hint = false} : vector<4096x128xbf16>, vector<128x128xbf16>, vector<4096x128xf32> -> vector<4096x128xf32>
    %add3A = arith.addf %dot_general3A_29, %dot_general3A_33 : vector<4096x128xf32>
    %slice3A_34 = vector.extract_strided_slice %get3A_23 {offsets = [256, 0], sizes = [128, 128], strides = [1, 1]} : vector<384x128xf32> to vector<128x128xf32>
    %convert_element_type3A_35 = arith.truncf %get3A_7 : vector<4096x128xf32> to vector<4096x128xbf16>
    %convert_element_type3A_36 = arith.truncf %slice3A_34 : vector<128x128xf32> to vector<128x128xbf16>
    %dot_general3A_37 = arith.constant dense<0.000000e+00> : vector<4096x128xf32>
    %dot_general3A_38 = tpu.matmul %convert_element_type3A_35, %convert_element_type3A_36, %dot_general3A_37 {dimension_numbers = #tpu.dot_dimension_numbers<[1], [0], [0], [1], [0, 0, 1, 1], [], []>, transpose_lhs_hint = false} : vector<4096x128xbf16>, vector<128x128xbf16>, vector<4096x128xf32> -> vector<4096x128xf32>
    %add3A_39 = arith.addf %add3A, %dot_general3A_38 : vector<4096x128xf32>
    %get3A_40 = arith.constant 0 : index
    %get3A_41 = vector.load %arg8[%get3A_40] : memref<128xf32, #tpu.memory_space<vmem>>, vector<128xf32>
    %broadcast_in_dim3A = vector.shape_cast %get3A_41 : vector<128xf32> to vector<1x128xf32>
    %add3A_42 = vector.broadcast %broadcast_in_dim3A : vector<1x128xf32> to vector<4096x128xf32>
    %add3A_43 = arith.addf %add3A_39, %add3A_42 : vector<4096x128xf32>
    %max3A = arith.constant 0.000000e+00 : f32
    %max3A_44 = vector.broadcast %max3A : f32 to vector<4096x128xf32>
    %max3A_45 = arith.maximumf %add3A_43, %max3A_44 : vector<4096x128xf32>
    %get3A_46 = arith.constant 0 : index
    %get3A_47 = arith.constant 0 : index
    %get3A_48 = vector.load %arg9[%get3A_46, %get3A_47] : memref<128x128xf32, #tpu.memory_space<vmem>>, vector<128x128xf32>
    %convert_element_type3A_49 = arith.truncf %max3A_45 : vector<4096x128xf32> to vector<4096x128xbf16>
    %convert_element_type3A_50 = arith.truncf %get3A_48 : vector<128x128xf32> to vector<128x128xbf16>
    %dot_general3A_51 = arith.constant dense<0.000000e+00> : vector<4096x128xf32>
    %dot_general3A_52 = tpu.matmul %convert_element_type3A_49, %convert_element_type3A_50, %dot_general3A_51 {dimension_numbers = #tpu.dot_dimension_numbers<[1], [0], [0], [1], [0, 0, 1, 1], [], []>, transpose_lhs_hint = false} : vector<4096x128xbf16>, vector<128x128xbf16>, vector<4096x128xf32> -> vector<4096x128xf32>
    %add3A_53 = arith.addf %get3A_7, %dot_general3A_52 : vector<4096x128xf32>
    %get3A_54 = arith.constant 0 : index
    %get3A_55 = vector.load %arg10[%get3A_54] : memref<128xf32, #tpu.memory_space<vmem>>, vector<128xf32>
    %broadcast_in_dim3A_56 = vector.shape_cast %get3A_55 : vector<128xf32> to vector<1x128xf32>
    %add3A_57 = vector.broadcast %broadcast_in_dim3A_56 : vector<1x128xf32> to vector<4096x128xf32>
    %add3A_58 = arith.addf %add3A_53, %add3A_57 : vector<4096x128xf32>
    %reduce_sum3A = arith.constant dense<0.000000e+00> : vector<4096xf32>
    %reduce_sum3A_59 = vector.multi_reduction <add>, %add3A_58, %reduce_sum3A [1] : vector<4096x128xf32> to vector<4096xf32>
    %broadcast_in_dim3A_60 = vector.shape_cast %reduce_sum3A_59 : vector<4096xf32> to vector<4096x1xf32>
    %div3A = arith.constant 1.280000e+02 : f32
    %div3A_61 = vector.broadcast %div3A : f32 to vector<4096x1xf32>
    %div3A_62 = arith.divf %broadcast_in_dim3A_60, %div3A_61 : vector<4096x1xf32>
    %jit3A = arith.constant 0 : i32
    %reduce_sum3A_63 = arith.constant dense<0.000000e+00> : vector<4096xf32>
    %reduce_sum3A_64 = vector.multi_reduction <add>, %add3A_58, %reduce_sum3A_63 [1] : vector<4096x128xf32> to vector<4096xf32>
    %broadcast_in_dim3A_65 = vector.shape_cast %reduce_sum3A_64 : vector<4096xf32> to vector<4096x1xf32>
    %div3A_66 = arith.constant 1.280000e+02 : f32
    %div3A_67 = vector.broadcast %div3A_66 : f32 to vector<4096x1xf32>
    %div3A_68 = arith.divf %broadcast_in_dim3A_65, %div3A_67 : vector<4096x1xf32>
    %sub3A = vector.broadcast %div3A_68 : vector<4096x1xf32> to vector<4096x128xf32>
    %sub3A_69 = arith.subf %add3A_58, %sub3A : vector<4096x128xf32>
    %square3A = arith.mulf %sub3A_69, %sub3A_69 : vector<4096x128xf32>
    %convert_element_type3A_70 = arith.sitofp %jit3A : i32 to f32
    %sub3A_71 = arith.constant 1.280000e+02 : f32
    %sub3A_72 = arith.subf %sub3A_71, %convert_element_type3A_70 : f32
    %reduce_sum3A_73 = arith.constant dense<0.000000e+00> : vector<4096xf32>
    %reduce_sum3A_74 = vector.multi_reduction <add>, %square3A, %reduce_sum3A_73 [1] : vector<4096x128xf32> to vector<4096xf32>
    %broadcast_in_dim3A_75 = vector.shape_cast %reduce_sum3A_74 : vector<4096xf32> to vector<4096x1xf32>
    %div3A_76 = vector.broadcast %sub3A_72 : f32 to vector<4096x1xf32>
    %div3A_77 = arith.divf %broadcast_in_dim3A_75, %div3A_76 : vector<4096x1xf32>
    %gt3A = arith.constant 0.000000e+00 : f32
    %gt3A_78 = arith.cmpf ogt, %sub3A_72, %gt3A : f32
    %jit3A_79 = arith.constant 0x7FC00000 : f32
    %broadcast_in_dim3A_80 = vector.broadcast %jit3A_79 : f32 to vector<4096x1xf32>
    %select_n3A = arith.select %gt3A_78, %div3A_77, %broadcast_in_dim3A_80 : vector<4096x1xf32>
    %sub3A_81 = vector.broadcast %div3A_62 : vector<4096x1xf32> to vector<4096x128xf32>
    %sub3A_82 = arith.subf %add3A_58, %sub3A_81 : vector<4096x128xf32>
    %add3A_83 = arith.constant 9.99999974E-6 : f32
    %add3A_84 = vector.broadcast %add3A_83 : f32 to vector<4096x1xf32>
    %add3A_85 = arith.addf %select_n3A, %add3A_84 : vector<4096x1xf32>
    %sqrt3A = math.sqrt %add3A_85 : vector<4096x1xf32>
    %div3A_86 = vector.broadcast %sqrt3A : vector<4096x1xf32> to vector<4096x128xf32>
    %div3A_87 = arith.divf %sub3A_82, %div3A_86 : vector<4096x128xf32>
    %slice3A_88 = vector.extract_strided_slice %get3A_13 {offsets = [0, 64], sizes = [4096, 64], strides = [1, 1]} : vector<4096x128xi32> to vector<4096x64xi32>
    %bitcast_convert_type3A_89 = tpu.bitcast %slice3A_88 : vector<4096x64xi32> -> vector<4096x64xi32>
    %and3A_90 = arith.constant 65535 : i32
    %and3A_91 = vector.broadcast %and3A_90 : i32 to vector<4096x64xi32>
    %and3A_92 = arith.andi %bitcast_convert_type3A_89, %and3A_91 : vector<4096x64xi32>
    %convert_element_type3A_93 = arith.trunci %and3A_92 : vector<4096x64xi32> to vector<4096x64xi16>
    %shift_right_logical3A_94 = arith.constant 16 : i32
    %shift_right_logical3A_95 = vector.broadcast %shift_right_logical3A_94 : i32 to vector<4096x64xi32>
    %shift_right_logical3A_96 = arith.shrui %bitcast_convert_type3A_89, %shift_right_logical3A_95 : vector<4096x64xi32>
    %convert_element_type3A_97 = arith.trunci %shift_right_logical3A_96 : vector<4096x64xi32> to vector<4096x64xi16>
    %bitcast_convert_type3A_98 = tpu.bitcast %convert_element_type3A_93 : vector<4096x64xi16> -> vector<4096x64xbf16>
    %bitcast_convert_type3A_99 = tpu.bitcast %convert_element_type3A_97 : vector<4096x64xi16> -> vector<4096x64xbf16>
    %concatenate3A_100 = tpu.concatenate %bitcast_convert_type3A_98, %bitcast_convert_type3A_99 in 1 : vector<4096x64xbf16>, vector<4096x64xbf16> -> vector<4096x128xbf16>
    %convert_element_type3A_101 = arith.extf %concatenate3A_100 : vector<4096x128xbf16> to vector<4096x128xf32>
    %get3A_102 = arith.constant 0 : index
    %get3A_103 = arith.constant 0 : index
    %get3A_104 = vector.load %arg3[%get3A_102, %get3A_103] : memref<4096x1xf32, #tpu.memory_space<vmem>>, vector<4096x1xf32>
    %mul3A = vector.broadcast %get3A_104 : vector<4096x1xf32> to vector<4096x128xf32>
    %mul3A_105 = arith.mulf %convert_element_type3A_101, %mul3A : vector<4096x128xf32>
    %get3A_106 = arith.constant 0 : index
    %get3A_107 = arith.constant 0 : index
    %get3A_108 = arith.constant 0 : index
    %get3A_109 = vector.load %arg11[%get3A_106, %get3A_107, %get3A_108] : memref<3x128x128xf32, #tpu.memory_space<vmem>>, vector<1x128x128xf32>
    %get3A_110 = vector.shape_cast %get3A_109 : vector<1x128x128xf32> to vector<128x128xf32>
    %dot_general3A_111 = arith.constant dense<0.000000e+00> : vector<128x128xf32>
    %dot_general3A_112 = tpu.matmul %get3A_10, %get3A_110, %dot_general3A_111 {dimension_numbers = #tpu.dot_dimension_numbers<[1], [0], [0], [1], [0, 0, 1, 1], [], []>, transpose_lhs_hint = false} : vector<128x128xf32>, vector<128x128xf32>, vector<128x128xf32> -> vector<128x128xf32>
    %convert_element_type3A_113 = arith.truncf %get3A_1 : vector<4096x128xf32> to vector<4096x128xbf16>
    %convert_element_type3A_114 = arith.truncf %dot_general3A_112 : vector<128x128xf32> to vector<128x128xbf16>
    %dot_general3A_115 = arith.constant dense<0.000000e+00> : vector<4096x128xf32>
    %dot_general3A_116 = tpu.matmul %convert_element_type3A_113, %convert_element_type3A_114, %dot_general3A_115 {dimension_numbers = #tpu.dot_dimension_numbers<[1], [0], [0], [1], [0, 0, 1, 1], [], []>, transpose_lhs_hint = false} : vector<4096x128xbf16>, vector<128x128xbf16>, vector<4096x128xf32> -> vector<4096x128xf32>
    %get3A_117 = arith.constant 0 : index
    %get3A_118 = arith.constant 0 : index
    %get3A_119 = arith.constant 0 : index
    %get3A_120 = vector.load %arg12[%get3A_117, %get3A_118, %get3A_119] : memref<3x128x128xf32, #tpu.memory_space<vmem>>, vector<1x128x128xf32>
    %get3A_121 = vector.shape_cast %get3A_120 : vector<1x128x128xf32> to vector<128x128xf32>
    %convert_element_type3A_122 = arith.truncf %div3A_87 : vector<4096x128xf32> to vector<4096x128xbf16>
    %convert_element_type3A_123 = arith.truncf %get3A_121 : vector<128x128xf32> to vector<128x128xbf16>
    %dot_general3A_124 = arith.constant dense<0.000000e+00> : vector<4096x128xf32>
    %dot_general3A_125 = tpu.matmul %convert_element_type3A_122, %convert_element_type3A_123, %dot_general3A_124 {dimension_numbers = #tpu.dot_dimension_numbers<[1], [0], [0], [1], [0, 0, 1, 1], [], []>, transpose_lhs_hint = false} : vector<4096x128xbf16>, vector<128x128xbf16>, vector<4096x128xf32> -> vector<4096x128xf32>
    %add3A_126 = arith.addf %dot_general3A_116, %dot_general3A_125 : vector<4096x128xf32>
    %get3A_127 = arith.constant 0 : index
    %get3A_128 = arith.constant 0 : index
    %get3A_129 = arith.constant 0 : index
    %get3A_130 = vector.load %arg13[%get3A_127, %get3A_128, %get3A_129] : memref<3x128x128xf32, #tpu.memory_space<vmem>>, vector<1x128x128xf32>
    %get3A_131 = vector.shape_cast %get3A_130 : vector<1x128x128xf32> to vector<128x128xf32>
    %convert_element_type3A_132 = arith.truncf %get3A_131 : vector<128x128xf32> to vector<128x128xbf16>
    %dot_general3A_133 = arith.constant dense<0.000000e+00> : vector<4096x128xf32>
    %dot_general3A_134 = tpu.matmul %concatenate3A, %convert_element_type3A_132, %dot_general3A_133 {dimension_numbers = #tpu.dot_dimension_numbers<[1], [0], [0], [1], [0, 0, 1, 1], [], []>, transpose_lhs_hint = false} : vector<4096x128xbf16>, vector<128x128xbf16>, vector<4096x128xf32> -> vector<4096x128xf32>
    %add3A_135 = arith.addf %add3A_126, %dot_general3A_134 : vector<4096x128xf32>
    %get3A_136 = arith.constant 0 : index
    %get3A_137 = arith.constant 0 : index
    %get3A_138 = arith.constant 0 : index
    %get3A_139 = vector.load %arg14[%get3A_136, %get3A_137, %get3A_138] : memref<3x128x128xf32, #tpu.memory_space<vmem>>, vector<1x128x128xf32>
    %get3A_140 = vector.shape_cast %get3A_139 : vector<1x128x128xf32> to vector<128x128xf32>
    %convert_element_type3A_141 = arith.truncf %mul3A_105 : vector<4096x128xf32> to vector<4096x128xbf16>
    %convert_element_type3A_142 = arith.truncf %get3A_140 : vector<128x128xf32> to vector<128x128xbf16>
    %dot_general3A_143 = arith.constant dense<0.000000e+00> : vector<4096x128xf32>
    %dot_general3A_144 = tpu.matmul %convert_element_type3A_141, %convert_element_type3A_142, %dot_general3A_143 {dimension_numbers = #tpu.dot_dimension_numbers<[1], [0], [0], [1], [0, 0, 1, 1], [], []>, transpose_lhs_hint = false} : vector<4096x128xbf16>, vector<128x128xbf16>, vector<4096x128xf32> -> vector<4096x128xf32>
    %add3A_145 = arith.addf %add3A_135, %dot_general3A_144 : vector<4096x128xf32>
    %get3A_146 = arith.constant 0 : index
    %get3A_147 = arith.constant 0 : index
    %get3A_148 = vector.load %arg15[%get3A_146, %get3A_147] : memref<3x128xf32, #tpu.memory_space<vmem>>, vector<1x128xf32>
    %get3A_149 = vector.shape_cast %get3A_148 : vector<1x128xf32> to vector<128xf32>
    %broadcast_in_dim3A_150 = vector.shape_cast %get3A_149 : vector<128xf32> to vector<1x128xf32>
    %add3A_151 = vector.broadcast %broadcast_in_dim3A_150 : vector<1x128xf32> to vector<4096x128xf32>
    %add3A_152 = arith.addf %add3A_145, %add3A_151 : vector<4096x128xf32>
    %max3A_153 = arith.constant 0.000000e+00 : f32
    %max3A_154 = vector.broadcast %max3A_153 : f32 to vector<4096x128xf32>
    %max3A_155 = arith.maximumf %add3A_152, %max3A_154 : vector<4096x128xf32>
    %convert_element_type3A_156 = arith.truncf %get3A_4 : vector<128x4096xf32> to vector<128x4096xbf16>
    %convert_element_type3A_157 = arith.truncf %max3A_155 : vector<4096x128xf32> to vector<4096x128xbf16>
    %dot_general3A_158 = arith.constant dense<0.000000e+00> : vector<128x128xf32>
    %dot_general3A_159 = tpu.matmul %convert_element_type3A_156, %convert_element_type3A_157, %dot_general3A_158 {dimension_numbers = #tpu.dot_dimension_numbers<[1], [0], [0], [1], [0, 0, 1, 1], [], []>, transpose_lhs_hint = false} : vector<128x4096xbf16>, vector<4096x128xbf16>, vector<128x128xf32> -> vector<128x128xf32>
    %mul3A_160 = arith.constant 0.0333333351 : f32
    %mul3A_161 = vector.broadcast %mul3A_160 : f32 to vector<128x128xf32>
    %mul3A_162 = arith.mulf %dot_general3A_159, %mul3A_161 : vector<128x128xf32>
    %get3A_163 = arith.constant 0 : index
    %get3A_164 = arith.constant 0 : index
    %get3A_165 = arith.constant 0 : index
    %get3A_166 = vector.load %arg16[%get3A_163, %get3A_164, %get3A_165] : memref<3x128x128xf32, #tpu.memory_space<vmem>>, vector<1x128x128xf32>
    %get3A_167 = vector.shape_cast %get3A_166 : vector<1x128x128xf32> to vector<128x128xf32>
    %dot_general3A_168 = arith.constant dense<0.000000e+00> : vector<128x128xf32>
    %dot_general3A_169 = tpu.matmul %mul3A_162, %get3A_167, %dot_general3A_168 {dimension_numbers = #tpu.dot_dimension_numbers<[1], [0], [0], [1], [0, 0, 1, 1], [], []>, transpose_lhs_hint = false} : vector<128x128xf32>, vector<128x128xf32>, vector<128x128xf32> -> vector<128x128xf32>
    %get3A_170 = arith.constant 0 : index
    %get3A_171 = arith.constant 0 : index
    %get3A_172 = vector.load %arg17[%get3A_170, %get3A_171] : memref<3x128xf32, #tpu.memory_space<vmem>>, vector<1x128xf32>
    %get3A_173 = vector.shape_cast %get3A_172 : vector<1x128xf32> to vector<128xf32>
    %broadcast_in_dim3A_174 = vector.shape_cast %get3A_173 : vector<128xf32> to vector<1x128xf32>
    %add3A_175 = vector.broadcast %broadcast_in_dim3A_174 : vector<1x128xf32> to vector<128x128xf32>
    %add3A_176 = arith.addf %dot_general3A_169, %add3A_175 : vector<128x128xf32>
    %add3A_177 = arith.addf %get3A_10, %add3A_176 : vector<128x128xf32>
    %reduce_sum3A_178 = arith.constant dense<0.000000e+00> : vector<128xf32>
    %reduce_sum3A_179 = vector.multi_reduction <add>, %add3A_177, %reduce_sum3A_178 [1] : vector<128x128xf32> to vector<128xf32>
    %broadcast_in_dim3A_180 = vector.shape_cast %reduce_sum3A_179 : vector<128xf32> to vector<128x1xf32>
    %div3A_181 = arith.constant 1.280000e+02 : f32
    %div3A_182 = vector.broadcast %div3A_181 : f32 to vector<128x1xf32>
    %div3A_183 = arith.divf %broadcast_in_dim3A_180, %div3A_182 : vector<128x1xf32>
    %jit3A_184 = arith.constant 0 : i32
    %reduce_sum3A_185 = arith.constant dense<0.000000e+00> : vector<128xf32>
    %reduce_sum3A_186 = vector.multi_reduction <add>, %add3A_177, %reduce_sum3A_185 [1] : vector<128x128xf32> to vector<128xf32>
    %broadcast_in_dim3A_187 = vector.shape_cast %reduce_sum3A_186 : vector<128xf32> to vector<128x1xf32>
    %div3A_188 = arith.constant 1.280000e+02 : f32
    %div3A_189 = vector.broadcast %div3A_188 : f32 to vector<128x1xf32>
    %div3A_190 = arith.divf %broadcast_in_dim3A_187, %div3A_189 : vector<128x1xf32>
    %sub3A_191 = vector.broadcast %div3A_190 : vector<128x1xf32> to vector<128x128xf32>
    %sub3A_192 = arith.subf %add3A_177, %sub3A_191 : vector<128x128xf32>
    %square3A_193 = arith.mulf %sub3A_192, %sub3A_192 : vector<128x128xf32>
    %convert_element_type3A_194 = arith.sitofp %jit3A_184 : i32 to f32
    %sub3A_195 = arith.constant 1.280000e+02 : f32
    %sub3A_196 = arith.subf %sub3A_195, %convert_element_type3A_194 : f32
    %reduce_sum3A_197 = arith.constant dense<0.000000e+00> : vector<128xf32>
    %reduce_sum3A_198 = vector.multi_reduction <add>, %square3A_193, %reduce_sum3A_197 [1] : vector<128x128xf32> to vector<128xf32>
    %broadcast_in_dim3A_199 = vector.shape_cast %reduce_sum3A_198 : vector<128xf32> to vector<128x1xf32>
    %div3A_200 = vector.broadcast %sub3A_196 : f32 to vector<128x1xf32>
    %div3A_201 = arith.divf %broadcast_in_dim3A_199, %div3A_200 : vector<128x1xf32>
    %gt3A_202 = arith.constant 0.000000e+00 : f32
    %gt3A_203 = arith.cmpf ogt, %sub3A_196, %gt3A_202 : f32
    %jit3A_204 = arith.constant 0x7FC00000 : f32
    %broadcast_in_dim3A_205 = vector.broadcast %jit3A_204 : f32 to vector<128x1xf32>
    %select_n3A_206 = arith.select %gt3A_203, %div3A_201, %broadcast_in_dim3A_205 : vector<128x1xf32>
    %sub3A_207 = vector.broadcast %div3A_183 : vector<128x1xf32> to vector<128x128xf32>
    %sub3A_208 = arith.subf %add3A_177, %sub3A_207 : vector<128x128xf32>
    %add3A_209 = arith.constant 9.99999974E-6 : f32
    %add3A_210 = vector.broadcast %add3A_209 : f32 to vector<128x1xf32>
    %add3A_211 = arith.addf %select_n3A_206, %add3A_210 : vector<128x1xf32>
    %sqrt3A_212 = math.sqrt %add3A_211 : vector<128x1xf32>
    %div3A_213 = vector.broadcast %sqrt3A_212 : vector<128x1xf32> to vector<128x128xf32>
    %div3A_214 = arith.divf %sub3A_208, %div3A_213 : vector<128x128xf32>
    %get3A_215 = arith.constant 1 : index
    %get3A_216 = arith.constant 0 : index
    %get3A_217 = arith.constant 0 : index
    %get3A_218 = vector.load %arg11[%get3A_215, %get3A_216, %get3A_217] : memref<3x128x128xf32, #tpu.memory_space<vmem>>, vector<1x128x128xf32>
    %get3A_219 = vector.shape_cast %get3A_218 : vector<1x128x128xf32> to vector<128x128xf32>
    %dot_general3A_220 = arith.constant dense<0.000000e+00> : vector<128x128xf32>
    %dot_general3A_221 = tpu.matmul %div3A_214, %get3A_219, %dot_general3A_220 {dimension_numbers = #tpu.dot_dimension_numbers<[1], [0], [0], [1], [0, 0, 1, 1], [], []>, transpose_lhs_hint = false} : vector<128x128xf32>, vector<128x128xf32>, vector<128x128xf32> -> vector<128x128xf32>
    %convert_element_type3A_222 = arith.truncf %get3A_1 : vector<4096x128xf32> to vector<4096x128xbf16>
    %convert_element_type3A_223 = arith.truncf %dot_general3A_221 : vector<128x128xf32> to vector<128x128xbf16>
    %dot_general3A_224 = arith.constant dense<0.000000e+00> : vector<4096x128xf32>
    %dot_general3A_225 = tpu.matmul %convert_element_type3A_222, %convert_element_type3A_223, %dot_general3A_224 {dimension_numbers = #tpu.dot_dimension_numbers<[1], [0], [0], [1], [0, 0, 1, 1], [], []>, transpose_lhs_hint = false} : vector<4096x128xbf16>, vector<128x128xbf16>, vector<4096x128xf32> -> vector<4096x128xf32>
    %get3A_226 = arith.constant 1 : index
    %get3A_227 = arith.constant 0 : index
    %get3A_228 = arith.constant 0 : index
    %get3A_229 = vector.load %arg12[%get3A_226, %get3A_227, %get3A_228] : memref<3x128x128xf32, #tpu.memory_space<vmem>>, vector<1x128x128xf32>
    %get3A_230 = vector.shape_cast %get3A_229 : vector<1x128x128xf32> to vector<128x128xf32>
    %convert_element_type3A_231 = arith.truncf %div3A_87 : vector<4096x128xf32> to vector<4096x128xbf16>
    %convert_element_type3A_232 = arith.truncf %get3A_230 : vector<128x128xf32> to vector<128x128xbf16>
    %dot_general3A_233 = arith.constant dense<0.000000e+00> : vector<4096x128xf32>
    %dot_general3A_234 = tpu.matmul %convert_element_type3A_231, %convert_element_type3A_232, %dot_general3A_233 {dimension_numbers = #tpu.dot_dimension_numbers<[1], [0], [0], [1], [0, 0, 1, 1], [], []>, transpose_lhs_hint = false} : vector<4096x128xbf16>, vector<128x128xbf16>, vector<4096x128xf32> -> vector<4096x128xf32>
    %add3A_235 = arith.addf %dot_general3A_225, %dot_general3A_234 : vector<4096x128xf32>
    %get3A_236 = arith.constant 1 : index
    %get3A_237 = arith.constant 0 : index
    %get3A_238 = arith.constant 0 : index
    %get3A_239 = vector.load %arg13[%get3A_236, %get3A_237, %get3A_238] : memref<3x128x128xf32, #tpu.memory_space<vmem>>, vector<1x128x128xf32>
    %get3A_240 = vector.shape_cast %get3A_239 : vector<1x128x128xf32> to vector<128x128xf32>
    %convert_element_type3A_241 = arith.truncf %get3A_240 : vector<128x128xf32> to vector<128x128xbf16>
    %dot_general3A_242 = arith.constant dense<0.000000e+00> : vector<4096x128xf32>
    %dot_general3A_243 = tpu.matmul %concatenate3A, %convert_element_type3A_241, %dot_general3A_242 {dimension_numbers = #tpu.dot_dimension_numbers<[1], [0], [0], [1], [0, 0, 1, 1], [], []>, transpose_lhs_hint = false} : vector<4096x128xbf16>, vector<128x128xbf16>, vector<4096x128xf32> -> vector<4096x128xf32>
    %add3A_244 = arith.addf %add3A_235, %dot_general3A_243 : vector<4096x128xf32>
    %get3A_245 = arith.constant 1 : index
    %get3A_246 = arith.constant 0 : index
    %get3A_247 = arith.constant 0 : index
    %get3A_248 = vector.load %arg14[%get3A_245, %get3A_246, %get3A_247] : memref<3x128x128xf32, #tpu.memory_space<vmem>>, vector<1x128x128xf32>
    %get3A_249 = vector.shape_cast %get3A_248 : vector<1x128x128xf32> to vector<128x128xf32>
    %convert_element_type3A_250 = arith.truncf %mul3A_105 : vector<4096x128xf32> to vector<4096x128xbf16>
    %convert_element_type3A_251 = arith.truncf %get3A_249 : vector<128x128xf32> to vector<128x128xbf16>
    %dot_general3A_252 = arith.constant dense<0.000000e+00> : vector<4096x128xf32>
    %dot_general3A_253 = tpu.matmul %convert_element_type3A_250, %convert_element_type3A_251, %dot_general3A_252 {dimension_numbers = #tpu.dot_dimension_numbers<[1], [0], [0], [1], [0, 0, 1, 1], [], []>, transpose_lhs_hint = false} : vector<4096x128xbf16>, vector<128x128xbf16>, vector<4096x128xf32> -> vector<4096x128xf32>
    %add3A_254 = arith.addf %add3A_244, %dot_general3A_253 : vector<4096x128xf32>
    %get3A_255 = arith.constant 1 : index
    %get3A_256 = arith.constant 0 : index
    %get3A_257 = vector.load %arg15[%get3A_255, %get3A_256] : memref<3x128xf32, #tpu.memory_space<vmem>>, vector<1x128xf32>
    %get3A_258 = vector.shape_cast %get3A_257 : vector<1x128xf32> to vector<128xf32>
    %broadcast_in_dim3A_259 = vector.shape_cast %get3A_258 : vector<128xf32> to vector<1x128xf32>
    %add3A_260 = vector.broadcast %broadcast_in_dim3A_259 : vector<1x128xf32> to vector<4096x128xf32>
    %add3A_261 = arith.addf %add3A_254, %add3A_260 : vector<4096x128xf32>
    %max3A_262 = arith.constant 0.000000e+00 : f32
    %max3A_263 = vector.broadcast %max3A_262 : f32 to vector<4096x128xf32>
    %max3A_264 = arith.maximumf %add3A_261, %max3A_263 : vector<4096x128xf32>
    %convert_element_type3A_265 = arith.truncf %get3A_4 : vector<128x4096xf32> to vector<128x4096xbf16>
    %convert_element_type3A_266 = arith.truncf %max3A_264 : vector<4096x128xf32> to vector<4096x128xbf16>
    %dot_general3A_267 = arith.constant dense<0.000000e+00> : vector<128x128xf32>
    %dot_general3A_268 = tpu.matmul %convert_element_type3A_265, %convert_element_type3A_266, %dot_general3A_267 {dimension_numbers = #tpu.dot_dimension_numbers<[1], [0], [0], [1], [0, 0, 1, 1], [], []>, transpose_lhs_hint = false} : vector<128x4096xbf16>, vector<4096x128xbf16>, vector<128x128xf32> -> vector<128x128xf32>
    %mul3A_269 = arith.constant 0.0333333351 : f32
    %mul3A_270 = vector.broadcast %mul3A_269 : f32 to vector<128x128xf32>
    %mul3A_271 = arith.mulf %dot_general3A_268, %mul3A_270 : vector<128x128xf32>
    %get3A_272 = arith.constant 1 : index
    %get3A_273 = arith.constant 0 : index
    %get3A_274 = arith.constant 0 : index
    %get3A_275 = vector.load %arg16[%get3A_272, %get3A_273, %get3A_274] : memref<3x128x128xf32, #tpu.memory_space<vmem>>, vector<1x128x128xf32>
    %get3A_276 = vector.shape_cast %get3A_275 : vector<1x128x128xf32> to vector<128x128xf32>
    %dot_general3A_277 = arith.constant dense<0.000000e+00> : vector<128x128xf32>
    %dot_general3A_278 = tpu.matmul %mul3A_271, %get3A_276, %dot_general3A_277 {dimension_numbers = #tpu.dot_dimension_numbers<[1], [0], [0], [1], [0, 0, 1, 1], [], []>, transpose_lhs_hint = false} : vector<128x128xf32>, vector<128x128xf32>, vector<128x128xf32> -> vector<128x128xf32>
    %get3A_279 = arith.constant 1 : index
    %get3A_280 = arith.constant 0 : index
    %get3A_281 = vector.load %arg17[%get3A_279, %get3A_280] : memref<3x128xf32, #tpu.memory_space<vmem>>, vector<1x128xf32>
    %get3A_282 = vector.shape_cast %get3A_281 : vector<1x128xf32> to vector<128xf32>
    %broadcast_in_dim3A_283 = vector.shape_cast %get3A_282 : vector<128xf32> to vector<1x128xf32>
    %add3A_284 = vector.broadcast %broadcast_in_dim3A_283 : vector<1x128xf32> to vector<128x128xf32>
    %add3A_285 = arith.addf %dot_general3A_278, %add3A_284 : vector<128x128xf32>
    %add3A_286 = arith.addf %div3A_214, %add3A_285 : vector<128x128xf32>
    %reduce_sum3A_287 = arith.constant dense<0.000000e+00> : vector<128xf32>
    %reduce_sum3A_288 = vector.multi_reduction <add>, %add3A_286, %reduce_sum3A_287 [1] : vector<128x128xf32> to vector<128xf32>
    %broadcast_in_dim3A_289 = vector.shape_cast %reduce_sum3A_288 : vector<128xf32> to vector<128x1xf32>
    %div3A_290 = arith.constant 1.280000e+02 : f32
    %div3A_291 = vector.broadcast %div3A_290 : f32 to vector<128x1xf32>
    %div3A_292 = arith.divf %broadcast_in_dim3A_289, %div3A_291 : vector<128x1xf32>
    %jit3A_293 = arith.constant 0 : i32
    %reduce_sum3A_294 = arith.constant dense<0.000000e+00> : vector<128xf32>
    %reduce_sum3A_295 = vector.multi_reduction <add>, %add3A_286, %reduce_sum3A_294 [1] : vector<128x128xf32> to vector<128xf32>
    %broadcast_in_dim3A_296 = vector.shape_cast %reduce_sum3A_295 : vector<128xf32> to vector<128x1xf32>
    %div3A_297 = arith.constant 1.280000e+02 : f32
    %div3A_298 = vector.broadcast %div3A_297 : f32 to vector<128x1xf32>
    %div3A_299 = arith.divf %broadcast_in_dim3A_296, %div3A_298 : vector<128x1xf32>
    %sub3A_300 = vector.broadcast %div3A_299 : vector<128x1xf32> to vector<128x128xf32>
    %sub3A_301 = arith.subf %add3A_286, %sub3A_300 : vector<128x128xf32>
    %square3A_302 = arith.mulf %sub3A_301, %sub3A_301 : vector<128x128xf32>
    %convert_element_type3A_303 = arith.sitofp %jit3A_293 : i32 to f32
    %sub3A_304 = arith.constant 1.280000e+02 : f32
    %sub3A_305 = arith.subf %sub3A_304, %convert_element_type3A_303 : f32
    %reduce_sum3A_306 = arith.constant dense<0.000000e+00> : vector<128xf32>
    %reduce_sum3A_307 = vector.multi_reduction <add>, %square3A_302, %reduce_sum3A_306 [1] : vector<128x128xf32> to vector<128xf32>
    %broadcast_in_dim3A_308 = vector.shape_cast %reduce_sum3A_307 : vector<128xf32> to vector<128x1xf32>
    %div3A_309 = vector.broadcast %sub3A_305 : f32 to vector<128x1xf32>
    %div3A_310 = arith.divf %broadcast_in_dim3A_308, %div3A_309 : vector<128x1xf32>
    %gt3A_311 = arith.constant 0.000000e+00 : f32
    %gt3A_312 = arith.cmpf ogt, %sub3A_305, %gt3A_311 : f32
    %jit3A_313 = arith.constant 0x7FC00000 : f32
    %broadcast_in_dim3A_314 = vector.broadcast %jit3A_313 : f32 to vector<128x1xf32>
    %select_n3A_315 = arith.select %gt3A_312, %div3A_310, %broadcast_in_dim3A_314 : vector<128x1xf32>
    %sub3A_316 = vector.broadcast %div3A_292 : vector<128x1xf32> to vector<128x128xf32>
    %sub3A_317 = arith.subf %add3A_286, %sub3A_316 : vector<128x128xf32>
    %add3A_318 = arith.constant 9.99999974E-6 : f32
    %add3A_319 = vector.broadcast %add3A_318 : f32 to vector<128x1xf32>
    %add3A_320 = arith.addf %select_n3A_315, %add3A_319 : vector<128x1xf32>
    %sqrt3A_321 = math.sqrt %add3A_320 : vector<128x1xf32>
    %div3A_322 = vector.broadcast %sqrt3A_321 : vector<128x1xf32> to vector<128x128xf32>
    %div3A_323 = arith.divf %sub3A_317, %div3A_322 : vector<128x128xf32>
    %get3A_324 = arith.constant 2 : index
    %get3A_325 = arith.constant 0 : index
    %get3A_326 = arith.constant 0 : index
    %get3A_327 = vector.load %arg11[%get3A_324, %get3A_325, %get3A_326] : memref<3x128x128xf32, #tpu.memory_space<vmem>>, vector<1x128x128xf32>
    %get3A_328 = vector.shape_cast %get3A_327 : vector<1x128x128xf32> to vector<128x128xf32>
    %dot_general3A_329 = arith.constant dense<0.000000e+00> : vector<128x128xf32>
    %dot_general3A_330 = tpu.matmul %div3A_323, %get3A_328, %dot_general3A_329 {dimension_numbers = #tpu.dot_dimension_numbers<[1], [0], [0], [1], [0, 0, 1, 1], [], []>, transpose_lhs_hint = false} : vector<128x128xf32>, vector<128x128xf32>, vector<128x128xf32> -> vector<128x128xf32>
    %convert_element_type3A_331 = arith.truncf %get3A_1 : vector<4096x128xf32> to vector<4096x128xbf16>
    %convert_element_type3A_332 = arith.truncf %dot_general3A_330 : vector<128x128xf32> to vector<128x128xbf16>
    %dot_general3A_333 = arith.constant dense<0.000000e+00> : vector<4096x128xf32>
    %dot_general3A_334 = tpu.matmul %convert_element_type3A_331, %convert_element_type3A_332, %dot_general3A_333 {dimension_numbers = #tpu.dot_dimension_numbers<[1], [0], [0], [1], [0, 0, 1, 1], [], []>, transpose_lhs_hint = false} : vector<4096x128xbf16>, vector<128x128xbf16>, vector<4096x128xf32> -> vector<4096x128xf32>
    %get3A_335 = arith.constant 2 : index
    %get3A_336 = arith.constant 0 : index
    %get3A_337 = arith.constant 0 : index
    %get3A_338 = vector.load %arg12[%get3A_335, %get3A_336, %get3A_337] : memref<3x128x128xf32, #tpu.memory_space<vmem>>, vector<1x128x128xf32>
    %get3A_339 = vector.shape_cast %get3A_338 : vector<1x128x128xf32> to vector<128x128xf32>
    %convert_element_type3A_340 = arith.truncf %div3A_87 : vector<4096x128xf32> to vector<4096x128xbf16>
    %convert_element_type3A_341 = arith.truncf %get3A_339 : vector<128x128xf32> to vector<128x128xbf16>
    %dot_general3A_342 = arith.constant dense<0.000000e+00> : vector<4096x128xf32>
    %dot_general3A_343 = tpu.matmul %convert_element_type3A_340, %convert_element_type3A_341, %dot_general3A_342 {dimension_numbers = #tpu.dot_dimension_numbers<[1], [0], [0], [1], [0, 0, 1, 1], [], []>, transpose_lhs_hint = false} : vector<4096x128xbf16>, vector<128x128xbf16>, vector<4096x128xf32> -> vector<4096x128xf32>
    %add3A_344 = arith.addf %dot_general3A_334, %dot_general3A_343 : vector<4096x128xf32>
    %get3A_345 = arith.constant 2 : index
    %get3A_346 = arith.constant 0 : index
    %get3A_347 = arith.constant 0 : index
    %get3A_348 = vector.load %arg13[%get3A_345, %get3A_346, %get3A_347] : memref<3x128x128xf32, #tpu.memory_space<vmem>>, vector<1x128x128xf32>
    %get3A_349 = vector.shape_cast %get3A_348 : vector<1x128x128xf32> to vector<128x128xf32>
    %convert_element_type3A_350 = arith.truncf %get3A_349 : vector<128x128xf32> to vector<128x128xbf16>
    %dot_general3A_351 = arith.constant dense<0.000000e+00> : vector<4096x128xf32>
    %dot_general3A_352 = tpu.matmul %concatenate3A, %convert_element_type3A_350, %dot_general3A_351 {dimension_numbers = #tpu.dot_dimension_numbers<[1], [0], [0], [1], [0, 0, 1, 1], [], []>, transpose_lhs_hint = false} : vector<4096x128xbf16>, vector<128x128xbf16>, vector<4096x128xf32> -> vector<4096x128xf32>
    %add3A_353 = arith.addf %add3A_344, %dot_general3A_352 : vector<4096x128xf32>
    %get3A_354 = arith.constant 2 : index
    %get3A_355 = arith.constant 0 : index
    %get3A_356 = arith.constant 0 : index
    %get3A_357 = vector.load %arg14[%get3A_354, %get3A_355, %get3A_356] : memref<3x128x128xf32, #tpu.memory_space<vmem>>, vector<1x128x128xf32>
    %get3A_358 = vector.shape_cast %get3A_357 : vector<1x128x128xf32> to vector<128x128xf32>
    %convert_element_type3A_359 = arith.truncf %mul3A_105 : vector<4096x128xf32> to vector<4096x128xbf16>
    %convert_element_type3A_360 = arith.truncf %get3A_358 : vector<128x128xf32> to vector<128x128xbf16>
    %dot_general3A_361 = arith.constant dense<0.000000e+00> : vector<4096x128xf32>
    %dot_general3A_362 = tpu.matmul %convert_element_type3A_359, %convert_element_type3A_360, %dot_general3A_361 {dimension_numbers = #tpu.dot_dimension_numbers<[1], [0], [0], [1], [0, 0, 1, 1], [], []>, transpose_lhs_hint = false} : vector<4096x128xbf16>, vector<128x128xbf16>, vector<4096x128xf32> -> vector<4096x128xf32>
    %add3A_363 = arith.addf %add3A_353, %dot_general3A_362 : vector<4096x128xf32>
    %get3A_364 = arith.constant 2 : index
    %get3A_365 = arith.constant 0 : index
    %get3A_366 = vector.load %arg15[%get3A_364, %get3A_365] : memref<3x128xf32, #tpu.memory_space<vmem>>, vector<1x128xf32>
    %get3A_367 = vector.shape_cast %get3A_366 : vector<1x128xf32> to vector<128xf32>
    %broadcast_in_dim3A_368 = vector.shape_cast %get3A_367 : vector<128xf32> to vector<1x128xf32>
    %add3A_369 = vector.broadcast %broadcast_in_dim3A_368 : vector<1x128xf32> to vector<4096x128xf32>
    %add3A_370 = arith.addf %add3A_363, %add3A_369 : vector<4096x128xf32>
    %max3A_371 = arith.constant 0.000000e+00 : f32
    %max3A_372 = vector.broadcast %max3A_371 : f32 to vector<4096x128xf32>
    %max3A_373 = arith.maximumf %add3A_370, %max3A_372 : vector<4096x128xf32>
    %convert_element_type3A_374 = arith.truncf %get3A_4 : vector<128x4096xf32> to vector<128x4096xbf16>
    %convert_element_type3A_375 = arith.truncf %max3A_373 : vector<4096x128xf32> to vector<4096x128xbf16>
    %dot_general3A_376 = arith.constant dense<0.000000e+00> : vector<128x128xf32>
    %dot_general3A_377 = tpu.matmul %convert_element_type3A_374, %convert_element_type3A_375, %dot_general3A_376 {dimension_numbers = #tpu.dot_dimension_numbers<[1], [0], [0], [1], [0, 0, 1, 1], [], []>, transpose_lhs_hint = false} : vector<128x4096xbf16>, vector<4096x128xbf16>, vector<128x128xf32> -> vector<128x128xf32>
    %mul3A_378 = arith.constant 0.0333333351 : f32
    %mul3A_379 = vector.broadcast %mul3A_378 : f32 to vector<128x128xf32>
    %mul3A_380 = arith.mulf %dot_general3A_377, %mul3A_379 : vector<128x128xf32>
    %get3A_381 = arith.constant 2 : index
    %get3A_382 = arith.constant 0 : index
    %get3A_383 = arith.constant 0 : index
    %get3A_384 = vector.load %arg16[%get3A_381, %get3A_382, %get3A_383] : memref<3x128x128xf32, #tpu.memory_space<vmem>>, vector<1x128x128xf32>
    %get3A_385 = vector.shape_cast %get3A_384 : vector<1x128x128xf32> to vector<128x128xf32>
    %dot_general3A_386 = arith.constant dense<0.000000e+00> : vector<128x128xf32>
    %dot_general3A_387 = tpu.matmul %mul3A_380, %get3A_385, %dot_general3A_386 {dimension_numbers = #tpu.dot_dimension_numbers<[1], [0], [0], [1], [0, 0, 1, 1], [], []>, transpose_lhs_hint = false} : vector<128x128xf32>, vector<128x128xf32>, vector<128x128xf32> -> vector<128x128xf32>
    %get3A_388 = arith.constant 2 : index
    %get3A_389 = arith.constant 0 : index
    %get3A_390 = vector.load %arg17[%get3A_388, %get3A_389] : memref<3x128xf32, #tpu.memory_space<vmem>>, vector<1x128xf32>
    %get3A_391 = vector.shape_cast %get3A_390 : vector<1x128xf32> to vector<128xf32>
    %broadcast_in_dim3A_392 = vector.shape_cast %get3A_391 : vector<128xf32> to vector<1x128xf32>
    %add3A_393 = vector.broadcast %broadcast_in_dim3A_392 : vector<1x128xf32> to vector<128x128xf32>
    %add3A_394 = arith.addf %dot_general3A_387, %add3A_393 : vector<128x128xf32>
    %add3A_395 = arith.addf %div3A_323, %add3A_394 : vector<128x128xf32>
    %reduce_sum3A_396 = arith.constant dense<0.000000e+00> : vector<128xf32>
    %reduce_sum3A_397 = vector.multi_reduction <add>, %add3A_395, %reduce_sum3A_396 [1] : vector<128x128xf32> to vector<128xf32>
    %broadcast_in_dim3A_398 = vector.shape_cast %reduce_sum3A_397 : vector<128xf32> to vector<128x1xf32>
    %div3A_399 = arith.constant 1.280000e+02 : f32
    %div3A_400 = vector.broadcast %div3A_399 : f32 to vector<128x1xf32>
    %div3A_401 = arith.divf %broadcast_in_dim3A_398, %div3A_400 : vector<128x1xf32>
    %jit3A_402 = arith.constant 0 : i32
    %reduce_sum3A_403 = arith.constant dense<0.000000e+00> : vector<128xf32>
    %reduce_sum3A_404 = vector.multi_reduction <add>, %add3A_395, %reduce_sum3A_403 [1] : vector<128x128xf32> to vector<128xf32>
    %broadcast_in_dim3A_405 = vector.shape_cast %reduce_sum3A_404 : vector<128xf32> to vector<128x1xf32>
    %div3A_406 = arith.constant 1.280000e+02 : f32
    %div3A_407 = vector.broadcast %div3A_406 : f32 to vector<128x1xf32>
    %div3A_408 = arith.divf %broadcast_in_dim3A_405, %div3A_407 : vector<128x1xf32>
    %sub3A_409 = vector.broadcast %div3A_408 : vector<128x1xf32> to vector<128x128xf32>
    %sub3A_410 = arith.subf %add3A_395, %sub3A_409 : vector<128x128xf32>
    %square3A_411 = arith.mulf %sub3A_410, %sub3A_410 : vector<128x128xf32>
    %convert_element_type3A_412 = arith.sitofp %jit3A_402 : i32 to f32
    %sub3A_413 = arith.constant 1.280000e+02 : f32
    %sub3A_414 = arith.subf %sub3A_413, %convert_element_type3A_412 : f32
    %reduce_sum3A_415 = arith.constant dense<0.000000e+00> : vector<128xf32>
    %reduce_sum3A_416 = vector.multi_reduction <add>, %square3A_411, %reduce_sum3A_415 [1] : vector<128x128xf32> to vector<128xf32>
    %broadcast_in_dim3A_417 = vector.shape_cast %reduce_sum3A_416 : vector<128xf32> to vector<128x1xf32>
    %div3A_418 = vector.broadcast %sub3A_414 : f32 to vector<128x1xf32>
    %div3A_419 = arith.divf %broadcast_in_dim3A_417, %div3A_418 : vector<128x1xf32>
    %gt3A_420 = arith.constant 0.000000e+00 : f32
    %gt3A_421 = arith.cmpf ogt, %sub3A_414, %gt3A_420 : f32
    %jit3A_422 = arith.constant 0x7FC00000 : f32
    %broadcast_in_dim3A_423 = vector.broadcast %jit3A_422 : f32 to vector<128x1xf32>
    %select_n3A_424 = arith.select %gt3A_421, %div3A_419, %broadcast_in_dim3A_423 : vector<128x1xf32>
    %sub3A_425 = vector.broadcast %div3A_401 : vector<128x1xf32> to vector<128x128xf32>
    %sub3A_426 = arith.subf %add3A_395, %sub3A_425 : vector<128x128xf32>
    %add3A_427 = arith.constant 9.99999974E-6 : f32
    %add3A_428 = vector.broadcast %add3A_427 : f32 to vector<128x1xf32>
    %add3A_429 = arith.addf %select_n3A_424, %add3A_428 : vector<128x1xf32>
    %sqrt3A_430 = math.sqrt %add3A_429 : vector<128x1xf32>
    %div3A_431 = vector.broadcast %sqrt3A_430 : vector<128x1xf32> to vector<128x128xf32>
    %div3A_432 = arith.divf %sub3A_426, %div3A_431 : vector<128x128xf32>
    %get3A_433 = arith.constant 0 : index
    %get3A_434 = arith.constant 0 : index
    %get3A_435 = vector.load %arg18[%get3A_433, %get3A_434] : memref<128x20xf32, #tpu.memory_space<vmem>>, vector<128x20xf32>
    %dot_general3A_436 = arith.constant dense<0.000000e+00> : vector<128x20xf32>
    %dot_general3A_437 = tpu.matmul %div3A_432, %get3A_435, %dot_general3A_436 {dimension_numbers = #tpu.dot_dimension_numbers<[1], [0], [0], [1], [0, 0, 1, 1], [], []>, transpose_lhs_hint = false} : vector<128x128xf32>, vector<128x20xf32>, vector<128x20xf32> -> vector<128x20xf32>
    %get3A_438 = arith.constant 0 : index
    %get3A_439 = vector.load %arg19[%get3A_438] : memref<20xf32, #tpu.memory_space<vmem>>, vector<20xf32>
    %broadcast_in_dim3A_440 = vector.shape_cast %get3A_439 : vector<20xf32> to vector<1x20xf32>
    %add3A_441 = vector.broadcast %broadcast_in_dim3A_440 : vector<1x20xf32> to vector<128x20xf32>
    %add3A_442 = arith.addf %dot_general3A_437, %add3A_441 : vector<128x20xf32>
    %swap3A = arith.constant 0 : index
    %swap3A_443 = arith.constant 0 : index
    %swap3A_444 = vector.load %arg20[%swap3A, %swap3A_443] : memref<128x20xf32, #tpu.memory_space<vmem>>, vector<128x20xf32>
    tpu.vector_store %arg20[%swap3A, %swap3A_443], %add3A_442 {strides = array<i32>} : memref<128x20xf32, #tpu.memory_space<vmem>>, vector<128x20xf32>,
    return
  }
  func.func @transform_0(%arg0: i32) -> (i32, i32) {
    %c0_i32 = arith.constant 0 : i32
    %c0_i32_0 = arith.constant 0 : i32
    return %arg0, %c0_i32 : i32, i32
  }
  func.func @transform_1(%arg0: i32) -> (i32, i32) {
    %c0_i32 = arith.constant 0 : i32
    %c0_i32_0 = arith.constant 0 : i32
    return %arg0, %c0_i32 : i32, i32
  }
  func.func @transform_2(%arg0: i32) -> (i32, i32) {
    %c0_i32 = arith.constant 0 : i32
    %c0_i32_0 = arith.constant 0 : i32
    return %arg0, %c0_i32 : i32, i32
  }
  func.func @transform_3(%arg0: i32) -> (i32, i32) {
    %c0_i32 = arith.constant 0 : i32
    %c0_i32_0 = arith.constant 0 : i32
    return %arg0, %c0_i32 : i32, i32
  }
  func.func @transform_4(%arg0: i32) -> (i32, i32) {
    %c0_i32 = arith.constant 0 : i32
    %c0_i32_0 = arith.constant 0 : i32
    %c0_i32_1 = arith.constant 0 : i32
    return %c0_i32, %c0_i32_0 : i32, i32
  }
  func.func @transform_5(%arg0: i32) -> (i32, i32) {
    %c0_i32 = arith.constant 0 : i32
    %c0_i32_0 = arith.constant 0 : i32
    %c0_i32_1 = arith.constant 0 : i32
    return %c0_i32, %c0_i32_0 : i32, i32
  }
  func.func @transform_6(%arg0: i32) -> (i32, i32) {
    %c0_i32 = arith.constant 0 : i32
    %c0_i32_0 = arith.constant 0 : i32
    %c0_i32_1 = arith.constant 0 : i32
    return %c0_i32, %c0_i32_0 : i32, i32
  }
  func.func @transform_7(%arg0: i32) -> i32 {
    %c0_i32 = arith.constant 0 : i32
    %c0_i32_0 = arith.constant 0 : i32
    return %c0_i32 : i32
  }
  func.func @transform_8(%arg0: i32) -> (i32, i32) {
    %c0_i32 = arith.constant 0 : i32
    %c0_i32_0 = arith.constant 0 : i32
    %c0_i32_1 = arith.constant 0 : i32
    return %c0_i32, %c0_i32_0 : i32, i32
  }
  func.func @transform_9(%arg0: i32) -> i32 {
    %c0_i32 = arith.constant 0 : i32
    %c0_i32_0 = arith.constant 0 : i32
    return %c0_i32 : i32
  }
  func.func @transform_10(%arg0: i32) -> (i32, i32, i32) {
    %c0_i32 = arith.constant 0 : i32
    %c0_i32_0 = arith.constant 0 : i32
    %c0_i32_1 = arith.constant 0 : i32
    %c0_i32_2 = arith.constant 0 : i32
    return %c0_i32, %c0_i32_0, %c0_i32_1 : i32, i32, i32
  }
  func.func @transform_11(%arg0: i32) -> (i32, i32, i32) {
    %c0_i32 = arith.constant 0 : i32
    %c0_i32_0 = arith.constant 0 : i32
    %c0_i32_1 = arith.constant 0 : i32
    %c0_i32_2 = arith.constant 0 : i32
    return %c0_i32, %c0_i32_0, %c0_i32_1 : i32, i32, i32
  }
  func.func @transform_12(%arg0: i32) -> (i32, i32, i32) {
    %c0_i32 = arith.constant 0 : i32
    %c0_i32_0 = arith.constant 0 : i32
    %c0_i32_1 = arith.constant 0 : i32
    %c0_i32_2 = arith.constant 0 : i32
    return %c0_i32, %c0_i32_0, %c0_i32_1 : i32, i32, i32
  }
  func.func @transform_13(%arg0: i32) -> (i32, i32, i32) {
    %c0_i32 = arith.constant 0 : i32
    %c0_i32_0 = arith.constant 0 : i32
    %c0_i32_1 = arith.constant 0 : i32
    %c0_i32_2 = arith.constant 0 : i32
    return %c0_i32, %c0_i32_0, %c0_i32_1 : i32, i32, i32
  }
  func.func @transform_14(%arg0: i32) -> (i32, i32) {
    %c0_i32 = arith.constant 0 : i32
    %c0_i32_0 = arith.constant 0 : i32
    %c0_i32_1 = arith.constant 0 : i32
    return %c0_i32, %c0_i32_0 : i32, i32
  }
  func.func @transform_15(%arg0: i32) -> (i32, i32, i32) {
    %c0_i32 = arith.constant 0 : i32
    %c0_i32_0 = arith.constant 0 : i32
    %c0_i32_1 = arith.constant 0 : i32
    %c0_i32_2 = arith.constant 0 : i32
    return %c0_i32, %c0_i32_0, %c0_i32_1 : i32, i32, i32
  }
  func.func @transform_16(%arg0: i32) -> (i32, i32) {
    %c0_i32 = arith.constant 0 : i32
    %c0_i32_0 = arith.constant 0 : i32
    %c0_i32_1 = arith.constant 0 : i32
    return %c0_i32, %c0_i32_0 : i32, i32
  }
  func.func @transform_17(%arg0: i32) -> (i32, i32) {
    %c0_i32 = arith.constant 0 : i32
    %c0_i32_0 = arith.constant 0 : i32
    %c0_i32_1 = arith.constant 0 : i32
    return %c0_i32, %c0_i32_0 : i32, i32
  }
  func.func @transform_18(%arg0: i32) -> i32 {
    %c0_i32 = arith.constant 0 : i32
    %c0_i32_0 = arith.constant 0 : i32
    return %c0_i32 : i32
  }
  func.func @transform_19(%arg0: i32) -> (i32, i32) {
    %c0_i32 = arith.constant 0 : i32
    %c0_i32_0 = arith.constant 0 : i32
    return %arg0, %c0_i32 : i32, i32
  }
}

</mosaic_0001>

<sc_bundles>
// kernel: kernel.10.cloned.1.call-start
scs
__scs_entry_jumppad:
0x0: {  	(pc) =	sbr.rel $0x88, $3  }
0x1: {  	(tag) =	ssettag $0x0;
	lr =	simm.s32 $0x1  }
0x2: {  	[smem:$0x3F8B] =	sst lr;
	_ =	strace $0xD0000000  }
0x3: {  	_ = 	snop  }
0x4: {  	_ = 	snop  }
0x5: {  	_ = 	snop  }
0x6: {  	_ = 	snop  }
0x7: {  	_ = 	snop  }
__scs_overlays_trampoline_lowered:
0x8: {  	[smem:$0x3F9A] =	sst s0  }
0x9: {  	[smem:$0x3F9B] =	sst s1  }
0xa: {  	[smem:$0x3F9C] =	sst s2  }
0xb: {  	[smem:$0x3F9D] =	sst s3  }
0xc: {  	[smem:$0x3F9E] =	sst s4  }
0xd: {  	[smem:$0x3F9F] =	sst s5  }
0xe: {  	[smem:$0x3FA0] =	sst s6  }
0xf: {  	[smem:$0x3FA1] =	sst s7  }
0x10: {  	[smem:$0x3FA2] =	sst s8  }
0x11: {  	[smem:$0x3FA3] =	sst s9;
	s0 =	simm.s32 @!p0 $0x0  }
0x12: {  	s1 =	sld [smem:$0x3F89];
	s0 =	simm.s32 @p0 $0x1  }
0x13: {  	[smem:$0x3FA4] =	sst s0;
	s0 =	simm.s32 @!p1 $0x0  }
0x14: {  	s2 =	sld [smem:$0x3F88];
	s0 =	simm.s32 @p1 $0x1  }
0x15: {  	[smem:$0x3FA5] =	sst s0;
	s0 =	simm.s32 @!p2 $0x0  }
0x16: {  	s3 =	sld [smem:$0x3FDB];
	s0 =	simm.s32 @p2 $0x1  }
0x17: {  	s4 =	simm.s32 $0x1BF5;
	[smem:$0x3FA7] =	sst s0  }
0x18: {  	s0 =	sld [smem:$0x3F8A];
	_ =	swait.ge [sflag:s4], $0x0  }
0x19: {  	s7 =	sld [smem:$0x3F8B]  }
0x1a: {  	s8 =	sadd.s32 $0xFFFFE003, lr  }
0x1b: {  	s9 =	sadd.s32 $0xFFFFFEF7, lr;
	s5 =	simm.s32 $0xFFFFFFFF;
	p2 =	slt.u32 s8, $0xFFFFF086  }
0x1c: {  	p1 =	slt.u32 s9, $0xF7A;
	s5 =	simm.s32 @!p2 $0x0  }
0x1d: {  	s5 =	simm.s32 @p1 $0x1;
	p0 =	seq.s32 s7, s2  }
0x1e: {  	s7 =	smul.u32 @!p0 $0xF7A, s2;
	p2 =	seq.s32 @!p0 s5, $0x0  }
0x1f: {  	s9 =	smul.u32 $0xF7A, s1;
	s8 =	simm.s32 @!p0 $0x1BF5;
	p2 =	por !p2, p0  }
0x20: {  	[sflag:s8] =	ssyncset.s32 @!p0 $0xFFFFF086;
	s6 =	sadd.s32 @!p0 s3, s7;
	s7 =	simm.s32 @!p0 $0x108  }
0x21: {  	s3 =	sadd.s32 s3, s9;
	s6 =	sadd.s32 @!p0 $0x88, s6;
	s7 =	simm.s32 @p2 $0x1082  }
0x22: {  	[simem:s7], [sflag:s8] =	dma.local @!p0 [hbm:s6], $0xF7A  }
0x23: {  	s9 =	sor.u32 $0xD0000000, s2;
	s6 =	simm.s32 $0x108;
	_ =	swait.ge @!p0 [sflag:s8], $0x0  }
0x24: {  	s3 =	sadd.s32 $0x88, s3;
	s6 =	simm.s32 @!p1 $0x1082;
	[sflag:s4] =	ssyncset.s32 $0xFFFFF086  }
0x25: {  	[simem:s6], [sflag:s4] =	dma.local [hbm:s3], $0xF7A  }
0x26: {  	[smem:$0x3F8B] =	sst s1;
	(tag) =	ssettag s2;
	_ =	strace s9  }
0x27: {  	s1 =	sld [smem:$0x3F9B]  }
0x28: {  	s2 =	sld [smem:$0x3F9C]  }
0x29: {  	s4 =	sld [smem:$0x3F9E]  }
0x2a: {  	p0 =	seq.s32 s5, $0x0;
	s5 =	sld [smem:$0x3F9F]  }
0x2b: {  	s6 =	sld [smem:$0x3FA0]  }
0x2c: {  	s7 =	sld [smem:$0x3FA1]  }
0x2d: {  	s3 =	simm.s32 $0x108;
	s8 =	sld [smem:$0x3FA2]  }
0x2e: {  	s3 =	simm.s32 @!p0 $0x1082;
	s9 =	sld [smem:$0x3FA3]  }
0x2f: {  	lr =	sadd.s32 s0, s3;
	s0 =	sld [smem:$0x3F9A]  }
0x30: {  	s3 =	sld [smem:$0x3F9D]  }
0x31: {  	[smem:$0x3FA6] =	sst s10  }
0x32: {  	s10 =	sld [smem:$0x3FA4];
	_ =	sdelay $0x3  }
0x33: {  	p0 =	seq.s32 s10, $0x1;
	s10 =	sld [smem:$0x3FA6];
	_ =	sdelay $0x3  }
0x34: {  	[smem:$0x3FA6] =	sst s10  }
0x35: {  	s10 =	sld [smem:$0x3FA5];
	_ =	sdelay $0x3  }
0x36: {  	p1 =	seq.s32 s10, $0x1;
	s10 =	sld [smem:$0x3FA6];
	_ =	sdelay $0x3  }
0x37: {  	[smem:$0x3FA6] =	sst s10  }
0x38: {  	s10 =	sld [smem:$0x3FA7]  }
0x39: {  	_ = 	snop;
	(pc) =	sbr.ind lr, $3  }
0x3a: {  	_ = 	snop  }
0x3b: {  	_ = 	snop  }
0x3c: {  	p2 =	seq.s32 s10, $0x1;
	s10 =	sld [smem:$0x3FA6]  }
0x3d: {  	_ =	shalt  }
0x3e: {  	_ =	shalt  }
0x3f: {  	_ =	shalt  }
0x40: {  	_ =	shalt  }
0x41: {  	_ =	shalt  }
0x42: {  	_ =	shalt  }
0x43: {  	_ =	shalt  }
0x44: {  	_ =	shalt  }
0x45: {  	_ =	shalt  }
0x46: {  	_ =	shalt  }
0x47: {  	_ =	shalt  }
0x48: {  	_ =	shalt  }
0x49: {  	_ =	shalt  }
0x4a: {  	_ =	shalt  }
0x4b: {  	_ =	shalt  }
0x4c: {  	_ =	shalt  }
0x4d: {  	_ =	shalt  }
0x4e: {  	_ =	shalt  }
0x4f: {  	_ =	shalt  }
0x50: {  	_ =	shalt  }
0x51: {  	_ =	shalt  }
0x52: {  	_ =	shalt  }
0x53: {  	_ =	shalt  }
0x54: {  	_ =	shalt  }
0x55: {  	_ =	shalt  }
0x56: {  	_ =	shalt  }
0x57: {  	_ =	shalt  }
0x58: {  	_ =	shalt  }
0x59: {  	_ =	shalt  }
0x5a: {  	_ =	shalt  }
0x5b: {  	_ =	shalt  }
0x5c: {  	_ =	shalt  }
0x5d: {  	_ =	shalt  }
0x5e: {  	_ =	shalt  }
0x5f: {  	_ =	shalt  }
0x60: {  	_ =	shalt  }
0x61: {  	_ =	shalt  }
0x62: {  	_ =	shalt  }
0x63: {  	_ =	shalt  }
0x64: {  	_ =	shalt  }
0x65: {  	_ =	shalt  }
0x66: {  	_ =	shalt  }
0x67: {  	_ =	shalt  }
0x68: {  	_ =	shalt  }
0x69: {  	_ =	shalt  }
0x6a: {  	_ =	shalt  }
0x6b: {  	_ =	shalt  }
0x6c: {  	_ =	shalt  }
0x6d: {  	_ =	shalt  }
0x6e: {  	_ =	shalt  }
0x6f: {  	_ =	shalt  }
0x70: {  	_ =	shalt  }
0x71: {  	_ =	shalt  }
0x72: {  	_ =	shalt  }
0x73: {  	_ =	shalt  }
0x74: {  	_ =	shalt  }
0x75: {  	_ =	shalt  }
0x76: {  	_ =	shalt  }
0x77: {  	_ =	shalt  }
0x78: {  	_ =	shalt  }
0x79: {  	_ =	shalt  }
0x7a: {  	_ =	shalt  }
0x7b: {  	_ =	shalt  }
0x7c: {  	_ =	shalt  }
0x7d: {  	_ =	shalt  }
0x7e: {  	_ =	shalt  }
0x7f: {  	_ =	shalt  }
0x80: {  	_ =	shalt  }
0x81: {  	_ =	shalt  }
0x82: {  	_ =	shalt  }
0x83: {  	_ =	shalt  }
0x84: {  	_ =	shalt  }
0x85: {  	_ =	shalt  }
0x86: {  	_ =	shalt  }
0x87: {  	_ =	shalt  }
.Lfunc_end0:
.L_simem_size_0:
called_computation_lowered:
.L_overlay_start_0:
0x88: {  	s2 =	sld [smem:$0x3FD9]  }
0x89: {  	s3 =	sld [smem:$0x3FFE];
	_ =	sdelay $0x1  }
0x8a: {  	s1 =	srdreg.scid  }
0x8b: {  	s0 =	sand.u32 $0x1, s1  }
0x8c: {  	s16 =	sshll.u32 s0, $0xA;
	s2 =	sadd.s32 s3, s2  }
0x8d: {  	s2 =	sadd.s32 s2, s16  }
0x8e: {  	[smem:$0x3FB2] =	sst s2  }
0x8f: {  	_ = 	snop  }
0x90: {  	(tm) =	ssettm $0x1  }
0x91: {  	s17 =	sld [smem:$0x3FFB];
	_ =	sdelay $0x3  }
0x92: {  	_ =	strace s17  }
0x93: {  	s2 =	sld [smem:$0x3FFC];
	_ =	sdelay $0x3  }
0x94: {  	_ =	strace s2  }
0x95: {  	s2 =	sld [smem:$0x3FFD];
	_ =	sdelay $0x3  }
0x96: {  	_ =	strace s2  }
0x97: {  	_ =	strace $0x8FFFFFFF  }
0x98: {  	s18 =	sld [smem:$0x3FDB];
	_ =	sdelay $0x1  }
0x99: {  	s19 =	simm.s32 $_scs_section_size  }
0x9a: {  	s4 =	simm.s32 $_size__tile_overlayer_lowered;
	s5 =	simm.s32 $_tile_overlayer_lowered  }
0x9b: {  	s22 =	simm.s32 $0x1BFF;
	s21 =	sshll.u32 s5, $0x1;
	s2 =	sadd.s32 s19, s18  }
0x9c: {  	s6 =	simm.s32 $0x0;
	s20 =	sshll.u32 s4, $0x1;
	s4 =	sadd.s32 s21, s2  }
0x9d: {  	[timem:s6], [sflag:s22] =	dma.local [hbm:s4], s20  }
0x9e: {  	_ =	swait.ge [sflag:s22], s20  }
0x9f: {  	s3 =	ssub.s32 $0x0, s20;
	[sflag:s22] =	ssyncset.done $0x0  }
0xa0: {  	[sflag:s22] =	ssyncadd.s32 s3;
	_ =	sdelay $0x1  }
0xa1: {  	s23 =	simm.s32 $0x1B8B  }
0xa2: {  	_ =	swait.ge [sflag:s23], $0x1  }
0xa3: {  	[sflag:s23] =	ssyncset.done $0x0  }
0xa4: {  	s25 =	simm.s32 $0x1B8E;
	s24 =	sld [smem:$0x3FFE];
	[sflag:s23] =	ssyncadd.s32 $0xFFFFFFFF  }
0xa5: {  	s26 =	simm.s32 $execute0_lowered;
	[smem:$0x3FD2] =	sst s25  }
0xa6: {  	s4 =	sshll.u32 s26, $0x1;
	_ =	strace $0x80000046;
	[dreg:$0x1] =	wrdreg $0xFFFFFFFF  }
0xa7: {  	s28 =	simm.s32 $_size_execute0_lowered;
	s2 =	sadd.s32 s2, s4;
	[dreg:$0x0] =	wrdreg $0x0  }
0xa8: {  	s4 =	sshll.u32 s28, $0x1;
	[dreg:$0x2] =	wrdreg s2  }
0xa9: {  	[dreg:$0x3] =	wrdreg s4  }
0xaa: {  	[dreg:$0x4] =	wrdreg $0xC0  }
0xab: {  	_ =	task [dreg:s6], $0x5FFFF  }
0xac: {  	[dreg:$0x1] =	wrdreg $0xFFFFFFFF  }
0xad: {  	[dreg:$0x0] =	wrdreg $0x60  }
0xae: {  	[dreg:$0x2] =	wrdreg s24  }
0xaf: {  	[dreg:$0x3] =	wrdreg $0x9  }
0xb0: {  	_ =	task.clear_ibuf [dreg:s6], $0x4FFFF;
	_ =	strace $0x90000046  }
0xb1: {  	s29 =	simm.s32 $0x9;
	_ =	strace $0x80000048  }
0xb2: {  	_ =	swait.ge [sflag:s29], $0x1  }
0xb3: {  	[sflag:s29] =	ssyncadd.s32 $0xFFFFFFFF  }
0xb4: {  	_ =	strace $0x90000048  }
0xb5: {  	_ =	sfence  }
0xb6: {  	s30 =	sld [smem:$0x0];
	_ =	sdelay $0x2  }
0xb7: {  	s31 =	sshll.u32 s1, $0xD;
	s1 =	sshrl.u32 s1, $0x2  }
0xb8: {  	s3 =	sand.u32 $0x4000, s31;
	s1 =	sadd.s32 s1, s30  }
0xb9: {  	s0 =	sor.u32 s3, s0;
	s1 =	sshll.u32 s1, $0x11  }
0xba: {  	s0 =	sor.u32 s1, s0  }
0xbb: {  	s0 =	sadd.s32 $0x8F2B, s0  }
0xbc: {  	[sflag:s0] =	ssyncadd.remote.s32 $0x1  }
0xbd: {  	_ =	sfence.sel $0xFFFF  }
0xbe: {  	[dreg:$0x0] =	wrdreg $0xFFFFFFFF;
	(pc) =	sbr.abs _section_cstart, $3  }
0xbf: {  	[dreg:$0x1] =	wrdreg $0xFFFFFFFF  }
0xc0: {  	_ =	task.clear_ibuf [dreg:s6], $0x2FFFF;
	_ =	strace $0x9FFFFFFF  }
0xc1: {  	(tm) =	ssettm $0x7FFFFFFF  }
tec
execute0_lowered:
.L_overlay_start_1:
0x0: {  	(tag) =	ssettag $0x1  }
0x1: {  	s2 =	rddreg [dreg:$0x0]  }
0x2: {  	s0 =	rddreg [dreg:$0x1];
	s1 =	simm.s32 $0x0;
	s3 =	srdreg.scid  }
0x3: {  	s13 =	simm.s32 $0x80;
	s14 =	simm.s32 $0x4100;
	s15 =	simm.s32 $0x8180  }
0x4: {  	s16 =	simm.s32 $0xC200;
	s17 =	simm.s32 $0x1;
	s18 =	simm.s32 $0x2  }
0x5: {  	s19 =	simm.s32 $0x3;
	s20 =	simm.s32 $0x4;
	s21 =	simm.s32 $0x0  }
0x6: {  	[smem:$0x7FF] =	sst s1;
	s6 =	sand.u32 $0x1, s3;
	s3 =	sadd.s32 $0x417600, s2  }
0x7: {  	s4 =	sadd.s32 $0x41C200, s2;
	s7 =	sadd.s32 $0x27600, s2;
	s2 =	stileid.u32  }
0x8: {  	_ =	strace $0x80000047;
	s5 =	ssub.s32 $0x2, s6;
	s30 =	sshll.u32 s2, $0x11  }
0x9: {  	s9 =	sshll.u32 s6, $0x10;
	s11 =	sshll.u32 s2, $0xA;
	s12 =	sshll.u32 s6, $0x9  }
0xa: {  	s8 =	sshrl.u32 s5, $0x1;
	s10 =	sadd.s32 s30, s7;
	s31 =	sor.u32 s12, s11  }
0xb: {  	s11 =	simm.s32 $0x8100;
	s12 =	simm.s32 $0xC180;
	s5 =	ssub.s32 s5, s8  }
0xc: {  	s8 =	sor.u32 s9, s30;
	s6 =	sadd.s32 s9, s10;
	[dreg:$0x2] =	wrdreg s31  }
0xd: {  	s9 =	simm.s32 $0x5;
	s10 =	simm.s32 $0x4080;
	s8 =	sadd.s32 s8, s7  }
0xe: {  	s5 =	smax.u32 s5, $0x1;
	s7 =	sadd.s32 $0x1800, s8;
	s8 =	sadd.s32 $0x1000, s8  }
.LBB2_1:
0xf: {  	s22 =	rddreg [dreg:$0x2]  }
0x10: {  	s23 =	sand.u32 $0x40, s1;
	s22 =	sadd.s32 $0x0, s22  }
0x11: {  	s23 =	sadd.s32 s3, s23;
	s24 =	sand.u32 $0x3F80, s22  }
0x12: {  	s23 =	sadd.s32 s24, s23  }
0x13: {  	[tilespmem:s1], [sflag:$0x5] =	stream.linear.gather [hbm4b:s23+s1], $0x80, $0x38;
	[tilespmem:$0x10200] =	vst v63  }
0x14: {  	s29 =	sadd.s32 $0x10, s22;
	_ =	swait.ge [sflag:s9], $0x80  }
0x15: {  	s24 =	sadd.s32 s3, s24;
	s23 =	sand.u32 $0x50, s29;
	[sflag:s9] =	ssyncset.done $0x0  }
0x16: {  	s23 =	sadd.s32 s23, s24;
	[sflag:s9] =	ssyncadd.s32 $0xFFFFFF80  }
0x17: {  	[tilespmem:s10], [sflag:$0x5] =	stream.linear.gather [hbm4b:s23+s1], $0x80, $0x38;
	[tilespmem:$0x10200] =	vst v63  }
0x18: {  	s30 =	sadd.s32 $0x20, s22;
	_ =	swait.ge [sflag:s9], $0x80  }
0x19: {  	s23 =	sand.u32 $0x60, s30;
	[sflag:s9] =	ssyncset.done $0x0  }
0x1a: {  	s23 =	sadd.s32 s23, s24;
	[sflag:s9] =	ssyncadd.s32 $0xFFFFFF80  }
0x1b: {  	[tilespmem:s11], [sflag:$0x5] =	stream.linear.gather [hbm4b:s23+s1], $0x80, $0x38;
	[tilespmem:$0x10200] =	vst v63  }
0x1c: {  	s22 =	sadd.s32 $0x30, s22;
	_ =	swait.ge [sflag:s9], $0x80  }
0x1d: {  	s22 =	sand.u32 $0x70, s22;
	[sflag:s9] =	ssyncset.done $0x0  }
0x1e: {  	s22 =	sadd.s32 s22, s24;
	[sflag:s9] =	ssyncadd.s32 $0xFFFFFF80  }
0x1f: {  	[tilespmem:s12], [sflag:$0x5] =	stream.linear.gather [hbm4b:s22+s1], $0x80, $0x38;
	[tilespmem:$0x10200] =	vst v63  }
0x20: {  	_ =	swait.ge [sflag:s9], $0x80  }
0x21: {  	[sflag:s9] =	ssyncset.done $0x0  }
0x22: {  	[sflag:s9] =	ssyncadd.s32 $0xFFFFFF80  }
0x23: {  	[tilespmem:s13], [sflag:$0x1] =	stream.indirect.gather [hbm4b:s4+s13], $0x80, s1, s13, $0xb8;
	[tilespmem:$0x10200] =	vst v63  }
0x24: {  	_ = 	snop  }
0x25: {  	[tilespmem:s14], [sflag:$0x2] =	stream.indirect.gather [hbm4b:s4+s13], $0x80, s10, s13, $0xb8;
	[tilespmem:$0x10200] =	vst v63  }
0x26: {  	_ = 	snop  }
0x27: {  	[tilespmem:s15], [sflag:$0x3] =	stream.indirect.gather [hbm4b:s4+s13], $0x80, s11, s13, $0xb8;
	[tilespmem:$0x10200] =	vst v63  }
0x28: {  	_ = 	snop  }
0x29: {  	[tilespmem:s16], [sflag:$0x4] =	stream.indirect.gather [hbm4b:s4+s13], $0x80, s12, s13, $0xb8;
	[tilespmem:$0x10200] =	vst v63  }
0x2a: {  	_ =	swait.ge [sflag:s17], $0x4000  }
0x2b: {  	[sflag:s17] =	ssyncset.done $0x0  }
0x2c: {  	[sflag:s17] =	ssyncadd.s32 $0xFFFFC000  }
0x2d: {  	[hbm4b:s6+s1] =	stream.linear.scatter [tilespmem:s13], [sflag:$0x5], $0x4000, $0x38;
	[tilespmem:$0x10200] =	vst v63  }
0x2e: {  	_ =	swait.ge [sflag:s9], $0x4000  }
0x2f: {  	[sflag:s9] =	ssyncset.done $0x0  }
0x30: {  	[sflag:s9] =	ssyncadd.s32 $0xFFFFC000  }
0x31: {  	_ =	swait.ge [sflag:s18], $0x4000  }
0x32: {  	[sflag:s18] =	ssyncset.done $0x0  }
0x33: {  	s31 =	sadd.s32 $0xFFFFF000, s7;
	[sflag:s18] =	ssyncadd.s32 $0xFFFFC000  }
0x34: {  	[hbm4b:s31+s1] =	stream.linear.scatter [tilespmem:s14], [sflag:$0x5], $0x4000, $0x38;
	[tilespmem:$0x10200] =	vst v63  }
0x35: {  	_ =	swait.ge [sflag:s9], $0x4000  }
0x36: {  	[sflag:s9] =	ssyncset.done $0x0  }
0x37: {  	[sflag:s9] =	ssyncadd.s32 $0xFFFFC000  }
0x38: {  	_ =	swait.ge [sflag:s19], $0x4000  }
0x39: {  	[sflag:s19] =	ssyncset.done $0x0  }
0x3a: {  	[sflag:s19] =	ssyncadd.s32 $0xFFFFC000  }
0x3b: {  	[hbm4b:s8+s1] =	stream.linear.scatter [tilespmem:s15], [sflag:$0x5], $0x4000, $0x38;
	[tilespmem:$0x10200] =	vst v63  }
0x3c: {  	_ =	swait.ge [sflag:s9], $0x4000  }
0x3d: {  	[sflag:s9] =	ssyncset.done $0x0  }
0x3e: {  	[sflag:s9] =	ssyncadd.s32 $0xFFFFC000  }
0x3f: {  	_ =	swait.ge [sflag:s20], $0x4000  }
0x40: {  	s25 =	simm.s32 $0x40;
	[sflag:s20] =	ssyncset.done $0x0  }
0x41: {  	s26 =	simm.s32 $0x80;
	s24 =	smov.u32 s6;
	[sflag:s20] =	ssyncadd.s32 $0xFFFFC000  }
0x42: {  	[hbm4b:s7+s1] =	stream.linear.scatter [tilespmem:s16], [sflag:$0x5], $0x4000, $0x38;
	[tilespmem:$0x10200] =	vst v63  }
0x43: {  	s23 =	sadd.s32 $0x2000, s8;
	s22 =	sadd.s32 $0x2000, s7;
	_ =	swait.ge [sflag:s9], $0x4000  }
.LBB2_2:
0x44: {  	s28 =	rddreg [dreg:$0x2];
	[sflag:s9] =	ssyncset.done $0x0  }
0x45: {  	s29 =	smov.u32 s26;
	s30 =	sand.u32 $0x40, s25;
	s28 =	sadd.s32 s25, s28  }
0x46: {  	s25 =	smov.u32 s29;
	s30 =	sadd.s32 s3, s30;
	s29 =	sand.u32 $0x3F80, s28  }
0x47: {  	[sflag:s9] =	ssyncadd.s32 $0xFFFFC000;
	s30 =	sadd.s32 s29, s30  }
0x48: {  	[tilespmem:s1], [sflag:$0x5] =	stream.linear.gather [hbm4b:s30+s1], $0x80, $0x38;
	[tilespmem:$0x10200] =	vst v63  }
0x49: {  	s31 =	sadd.s32 $0x10, s28;
	_ =	swait.ge [sflag:s9], $0x80  }
0x4a: {  	s31 =	sand.u32 $0x50, s31;
	s29 =	sadd.s32 s3, s29;
	[sflag:s9] =	ssyncset.done $0x0  }
0x4b: {  	s30 =	sadd.s32 s31, s29;
	[sflag:s9] =	ssyncadd.s32 $0xFFFFFF80  }
0x4c: {  	[tilespmem:s10], [sflag:$0x5] =	stream.linear.gather [hbm4b:s30+s1], $0x80, $0x38;
	[tilespmem:$0x10200] =	vst v63  }
0x4d: {  	s31 =	sadd.s32 $0x20, s28;
	_ =	swait.ge [sflag:s9], $0x80  }
0x4e: {  	s31 =	sand.u32 $0x60, s31;
	[sflag:s9] =	ssyncset.done $0x0  }
0x4f: {  	s31 =	sadd.s32 s31, s29;
	[sflag:s9] =	ssyncadd.s32 $0xFFFFFF80  }
0x50: {  	[tilespmem:s11], [sflag:$0x5] =	stream.linear.gather [hbm4b:s31+s1], $0x80, $0x38;
	[tilespmem:$0x10200] =	vst v63  }
0x51: {  	s28 =	sadd.s32 $0x30, s28;
	_ =	swait.ge [sflag:s9], $0x80  }
0x52: {  	s28 =	sand.u32 $0x70, s28;
	[sflag:s9] =	ssyncset.done $0x0  }
0x53: {  	s28 =	sadd.s32 s28, s29;
	[sflag:s9] =	ssyncadd.s32 $0xFFFFFF80  }
0x54: {  	[tilespmem:s12], [sflag:$0x5] =	stream.linear.gather [hbm4b:s28+s1], $0x80, $0x38;
	[tilespmem:$0x10200] =	vst v63  }
0x55: {  	_ =	swait.ge [sflag:s9], $0x80  }
0x56: {  	[sflag:s9] =	ssyncset.done $0x0  }
0x57: {  	[sflag:s9] =	ssyncadd.s32 $0xFFFFFF80  }
0x58: {  	[tilespmem:s13], [sflag:$0x1] =	stream.indirect.gather [hbm4b:s4+s13], $0x80, s1, s13, $0xb8;
	[tilespmem:$0x10200] =	vst v63  }
0x59: {  	_ = 	snop  }
0x5a: {  	[tilespmem:s14], [sflag:$0x2] =	stream.indirect.gather [hbm4b:s4+s13], $0x80, s10, s13, $0xb8;
	[tilespmem:$0x10200] =	vst v63  }
0x5b: {  	_ = 	snop  }
0x5c: {  	[tilespmem:s15], [sflag:$0x3] =	stream.indirect.gather [hbm4b:s4+s13], $0x80, s11, s13, $0xb8;
	[tilespmem:$0x10200] =	vst v63  }
0x5d: {  	_ = 	snop  }
0x5e: {  	[tilespmem:s16], [sflag:$0x4] =	stream.indirect.gather [hbm4b:s4+s13], $0x80, s12, s13, $0xb8;
	[tilespmem:$0x10200] =	vst v63  }
0x5f: {  	_ =	swait.ge [sflag:s17], $0x4000  }
0x60: {  	[sflag:s17] =	ssyncset.done $0x0  }
0x61: {  	s24 =	sadd.s32 $0x2000, s24;
	[sflag:s17] =	ssyncadd.s32 $0xFFFFC000  }
0x62: {  	[hbm4b:s24+s1] =	stream.linear.scatter [tilespmem:s13], [sflag:$0x5], $0x4000, $0x38;
	[tilespmem:$0x10200] =	vst v63  }
0x63: {  	_ =	swait.ge [sflag:s9], $0x4000  }
0x64: {  	[sflag:s9] =	ssyncset.done $0x0  }
0x65: {  	[sflag:s9] =	ssyncadd.s32 $0xFFFFC000  }
0x66: {  	_ =	swait.ge [sflag:s18], $0x4000  }
0x67: {  	[sflag:s18] =	ssyncset.done $0x0  }
0x68: {  	s31 =	sadd.s32 $0xFFFFF000, s22;
	[sflag:s18] =	ssyncadd.s32 $0xFFFFC000  }
0x69: {  	[hbm4b:s31+s1] =	stream.linear.scatter [tilespmem:s14], [sflag:$0x5], $0x4000, $0x38;
	[tilespmem:$0x10200] =	vst v63  }
0x6a: {  	_ =	swait.ge [sflag:s9], $0x4000  }
0x6b: {  	[sflag:s9] =	ssyncset.done $0x0  }
0x6c: {  	[sflag:s9] =	ssyncadd.s32 $0xFFFFC000  }
0x6d: {  	_ =	swait.ge [sflag:s19], $0x4000  }
0x6e: {  	[sflag:s19] =	ssyncset.done $0x0  }
0x6f: {  	[sflag:s19] =	ssyncadd.s32 $0xFFFFC000  }
0x70: {  	[hbm4b:s23+s1] =	stream.linear.scatter [tilespmem:s15], [sflag:$0x5], $0x4000, $0x38;
	[tilespmem:$0x10200] =	vst v63  }
0x71: {  	_ =	swait.ge [sflag:s9], $0x4000  }
0x72: {  	[sflag:s9] =	ssyncset.done $0x0  }
0x73: {  	p0 =	sne.s32 s26, $0x1C0;
	[sflag:s9] =	ssyncadd.s32 $0xFFFFC000  }
.Ltmp0:
0x74: {  	_ =	swait.ge [sflag:s20], $0x4000;
	(pc) =	sbr.rel @p0 .LBB2_2-.Ltmp0, $4  }
0x75: {  	[sflag:s20] =	ssyncset.done $0x0  }
0x76: {  	s26 =	sadd.s32 $0x40, s26;
	[sflag:s20] =	ssyncadd.s32 $0xFFFFC000  }
0x77: {  	[hbm4b:s22+s1] =	stream.linear.scatter [tilespmem:s16], [sflag:$0x5], $0x4000, $0x38;
	[tilespmem:$0x10200] =	vst v63  }
0x78: {  	s23 =	sadd.s32 $0x2000, s23;
	s22 =	sadd.s32 $0x2000, s22;
	_ =	swait.ge [sflag:s9], $0x4000  }
0x79: {  	s26 =	rddreg [dreg:$0x2]  }
0x7a: {  	s28 =	sand.u32 $0x40, s25;
	s31 =	sadd.s32 s25, s26  }
0x7b: {  	[sflag:s9] =	ssyncset.done $0x0;
	s28 =	sadd.s32 s3, s28;
	s26 =	sand.u32 $0x3F80, s31  }
0x7c: {  	[sflag:s9] =	ssyncadd.s32 $0xFFFFC000;
	s28 =	sadd.s32 s26, s28  }
0x7d: {  	[tilespmem:s1], [sflag:$0x5] =	stream.linear.gather [hbm4b:s28+s1], $0x80, $0x38;
	[tilespmem:$0x10200] =	vst v63  }
0x7e: {  	s29 =	sadd.s32 $0x10, s31;
	_ =	swait.ge [sflag:s9], $0x80  }
0x7f: {  	s26 =	sadd.s32 s3, s26;
	s28 =	sand.u32 $0x50, s29;
	[sflag:s9] =	ssyncset.done $0x0  }
0x80: {  	s28 =	sadd.s32 s28, s26;
	[sflag:s9] =	ssyncadd.s32 $0xFFFFFF80  }
0x81: {  	[tilespmem:s10], [sflag:$0x5] =	stream.linear.gather [hbm4b:s28+s1], $0x80, $0x38;
	[tilespmem:$0x10200] =	vst v63  }
0x82: {  	s30 =	sadd.s32 $0x20, s31;
	_ =	swait.ge [sflag:s9], $0x80  }
0x83: {  	s28 =	sand.u32 $0x60, s30;
	[sflag:s9] =	ssyncset.done $0x0  }
0x84: {  	s28 =	sadd.s32 s28, s26;
	[sflag:s9] =	ssyncadd.s32 $0xFFFFFF80  }
0x85: {  	[tilespmem:s11], [sflag:$0x5] =	stream.linear.gather [hbm4b:s28+s1], $0x80, $0x38;
	[tilespmem:$0x10200] =	vst v63  }
0x86: {  	s25 =	sadd.s32 $0x30, s31;
	_ =	swait.ge [sflag:s9], $0x80  }
0x87: {  	s25 =	sand.u32 $0x70, s25;
	[sflag:s9] =	ssyncset.done $0x0  }
0x88: {  	s25 =	sadd.s32 s25, s26;
	[sflag:s9] =	ssyncadd.s32 $0xFFFFFF80  }
0x89: {  	[tilespmem:s12], [sflag:$0x5] =	stream.linear.gather [hbm4b:s25+s1], $0x80, $0x38;
	[tilespmem:$0x10200] =	vst v63  }
0x8a: {  	_ =	swait.ge [sflag:s9], $0x80  }
0x8b: {  	[sflag:s9] =	ssyncset.done $0x0  }
0x8c: {  	[sflag:s9] =	ssyncadd.s32 $0xFFFFFF80  }
0x8d: {  	[tilespmem:s13], [sflag:$0x1] =	stream.indirect.gather [hbm4b:s4+s13], $0x80, s1, s13, $0xb8;
	[tilespmem:$0x10200] =	vst v63  }
0x8e: {  	_ = 	snop  }
0x8f: {  	[tilespmem:s14], [sflag:$0x2] =	stream.indirect.gather [hbm4b:s4+s13], $0x80, s10, s13, $0xb8;
	[tilespmem:$0x10200] =	vst v63  }
0x90: {  	_ = 	snop  }
0x91: {  	[tilespmem:s15], [sflag:$0x3] =	stream.indirect.gather [hbm4b:s4+s13], $0x80, s11, s13, $0xb8;
	[tilespmem:$0x10200] =	vst v63  }
0x92: {  	_ = 	snop  }
0x93: {  	[tilespmem:s16], [sflag:$0x4] =	stream.indirect.gather [hbm4b:s4+s13], $0x80, s12, s13, $0xb8;
	[tilespmem:$0x10200] =	vst v63  }
0x94: {  	_ =	swait.ge [sflag:s17], $0x4000  }
0x95: {  	[sflag:s17] =	ssyncset.done $0x0  }
0x96: {  	s24 =	sadd.s32 $0x2000, s24;
	[sflag:s17] =	ssyncadd.s32 $0xFFFFC000  }
0x97: {  	[hbm4b:s24+s1] =	stream.linear.scatter [tilespmem:s13], [sflag:$0x5], $0x4000, $0x38;
	[tilespmem:$0x10200] =	vst v63  }
0x98: {  	_ =	swait.ge [sflag:s9], $0x4000  }
0x99: {  	[sflag:s9] =	ssyncset.done $0x0  }
0x9a: {  	[sflag:s9] =	ssyncadd.s32 $0xFFFFC000  }
0x9b: {  	_ =	swait.ge [sflag:s18], $0x4000  }
0x9c: {  	[sflag:s18] =	ssyncset.done $0x0  }
0x9d: {  	s31 =	sadd.s32 $0xFFFFF000, s22;
	[sflag:s18] =	ssyncadd.s32 $0xFFFFC000  }
0x9e: {  	[hbm4b:s31+s1] =	stream.linear.scatter [tilespmem:s14], [sflag:$0x5], $0x4000, $0x38;
	[tilespmem:$0x10200] =	vst v63  }
0x9f: {  	_ =	swait.ge [sflag:s9], $0x4000  }
0xa0: {  	[sflag:s9] =	ssyncset.done $0x0  }
0xa1: {  	[sflag:s9] =	ssyncadd.s32 $0xFFFFC000  }
0xa2: {  	_ =	swait.ge [sflag:s19], $0x4000  }
0xa3: {  	[sflag:s19] =	ssyncset.done $0x0  }
0xa4: {  	[sflag:s19] =	ssyncadd.s32 $0xFFFFC000  }
0xa5: {  	[hbm4b:s23+s1] =	stream.linear.scatter [tilespmem:s15], [sflag:$0x5], $0x4000, $0x38;
	[tilespmem:$0x10200] =	vst v63  }
0xa6: {  	_ =	swait.ge [sflag:s9], $0x4000  }
0xa7: {  	[sflag:s9] =	ssyncset.done $0x0  }
0xa8: {  	[sflag:s9] =	ssyncadd.s32 $0xFFFFC000  }
0xa9: {  	s21 =	sadd.s32 $0x1, s21;
	_ =	swait.ge [sflag:s20], $0x4000  }
0xaa: {  	p0 =	sne.s32 s21, s5;
	[sflag:s20] =	ssyncset.done $0x0  }
.Ltmp1:
0xab: {  	[sflag:s20] =	ssyncadd.s32 $0xFFFFC000;
	(pc) =	sbr.rel @p0 .LBB2_1-.Ltmp1, $4  }
0xac: {  	[hbm4b:s22+s1] =	stream.linear.scatter [tilespmem:s16], [sflag:$0x5], $0x4000, $0x38;
	[tilespmem:$0x10200] =	vst v63  }
0xad: {  	_ =	swait.ge [sflag:s9], $0x4000  }
0xae: {  	[sflag:s9] =	ssyncset.done $0x0  }
0xaf: {  	[sflag:s9] =	ssyncadd.s32 $0xFFFFC000  }
0xb0: {  	_ =	sfence.sel $0x180000  }
0xb1: {  	[bflag:$0x0] =	sbarrier.arrive $0xFFFF  }
0xb2: {  	p0 =	sne.s32 s2, $0x0;
	_ =	strace $0x90000047  }
0xb3: {  	s0 =	sadd.s32 @!p0 $0x100000, s0;
	[bflag:$0x2] =	sbarrier.arrive $0xFFFF  }
0xb4: {  	[sflag:s0] =	ssyncadd.tile.s32 @!p0 $0x1;
	_ =	shalt  }
.Lfunc_end2:
_tile_overlayer_lowered:
.L_overlay_start_2:
0xb5: {  	(tag) =	ssettag $0x2  }
0xb6: {  	s0 =	rddreg [dreg:$0x0];
	s2 =	stileid.u32  }
0xb7: {  	s1 =	rddreg [dreg:$0x1];
	p0 =	sne.s32 s2, $0x0  }
0xb8: {  	s3 =	rddreg [dreg:$0x2];
	[bflag:$0x3] =	sbarrier.arrive $0xFFFF;
	s2 =	simm.s32 @!p0 $0x1C05  }
0xb9: {  	[timem:s3], [sflag:s2] =	dma.local @!p0 [hbm:s0], s1  }
0xba: {  	s0 =	simm.s32 @!p0 $0x5  }
0xbb: {  	_ =	swait.ge @!p0 [sflag:s0], s1  }
0xbc: {  	s1 =	ssub.s32 @!p0 $0x0, s1;
	[sflag:s0] =	ssyncset.done @!p0 $0x0  }
0xbd: {  	[sflag:s0] =	ssyncadd.s32 @!p0 s1  }
0xbe: {  	[bflag:$0x3] =	sbarrier.arrive $0xFFFF  }
0xbf: {  	_ =	shalt  }

// kernel: kernel.13.cloned.1.call-start
scs
__scs_entry_jumppad:
0x0: {  	(pc) =	sbr.rel $0x88, $3  }
0x1: {  	(tag) =	ssettag $0x0;
	lr =	simm.s32 $0x1  }
0x2: {  	[smem:$0x3F8B] =	sst lr;
	_ =	strace $0xD0000000  }
0x3: {  	_ = 	snop  }
0x4: {  	_ = 	snop  }
0x5: {  	_ = 	snop  }
0x6: {  	_ = 	snop  }
0x7: {  	_ = 	snop  }
__scs_overlays_trampoline_lowered:
0x8: {  	[smem:$0x3F9A] =	sst s0  }
0x9: {  	[smem:$0x3F9B] =	sst s1  }
0xa: {  	[smem:$0x3F9C] =	sst s2  }
0xb: {  	[smem:$0x3F9D] =	sst s3  }
0xc: {  	[smem:$0x3F9E] =	sst s4  }
0xd: {  	[smem:$0x3F9F] =	sst s5  }
0xe: {  	[smem:$0x3FA0] =	sst s6  }
0xf: {  	[smem:$0x3FA1] =	sst s7  }
0x10: {  	[smem:$0x3FA2] =	sst s8  }
0x11: {  	[smem:$0x3FA3] =	sst s9;
	s0 =	simm.s32 @!p0 $0x0  }
0x12: {  	s1 =	sld [smem:$0x3F89];
	s0 =	simm.s32 @p0 $0x1  }
0x13: {  	[smem:$0x3FA4] =	sst s0;
	s0 =	simm.s32 @!p1 $0x0  }
0x14: {  	s2 =	sld [smem:$0x3F88];
	s0 =	simm.s32 @p1 $0x1  }
0x15: {  	[smem:$0x3FA5] =	sst s0;
	s0 =	simm.s32 @!p2 $0x0  }
0x16: {  	s3 =	sld [smem:$0x3FDB];
	s0 =	simm.s32 @p2 $0x1  }
0x17: {  	s4 =	simm.s32 $0x1BF5;
	[smem:$0x3FA7] =	sst s0  }
0x18: {  	s0 =	sld [smem:$0x3F8A];
	_ =	swait.ge [sflag:s4], $0x0  }
0x19: {  	s7 =	sld [smem:$0x3F8B]  }
0x1a: {  	s8 =	sadd.s32 $0xFFFFE003, lr  }
0x1b: {  	s9 =	sadd.s32 $0xFFFFFEF7, lr;
	s5 =	simm.s32 $0xFFFFFFFF;
	p2 =	slt.u32 s8, $0xFFFFF086  }
0x1c: {  	p1 =	slt.u32 s9, $0xF7A;
	s5 =	simm.s32 @!p2 $0x0  }
0x1d: {  	s5 =	simm.s32 @p1 $0x1;
	p0 =	seq.s32 s7, s2  }
0x1e: {  	s7 =	smul.u32 @!p0 $0xF7A, s2;
	p2 =	seq.s32 @!p0 s5, $0x0  }
0x1f: {  	s9 =	smul.u32 $0xF7A, s1;
	s8 =	simm.s32 @!p0 $0x1BF5;
	p2 =	por !p2, p0  }
0x20: {  	[sflag:s8] =	ssyncset.s32 @!p0 $0xFFFFF086;
	s6 =	sadd.s32 @!p0 s3, s7;
	s7 =	simm.s32 @!p0 $0x108  }
0x21: {  	s3 =	sadd.s32 s3, s9;
	s6 =	sadd.s32 @!p0 $0x88, s6;
	s7 =	simm.s32 @p2 $0x1082  }
0x22: {  	[simem:s7], [sflag:s8] =	dma.local @!p0 [hbm:s6], $0xF7A  }
0x23: {  	s9 =	sor.u32 $0xD0000000, s2;
	s6 =	simm.s32 $0x108;
	_ =	swait.ge @!p0 [sflag:s8], $0x0  }
0x24: {  	s3 =	sadd.s32 $0x88, s3;
	s6 =	simm.s32 @!p1 $0x1082;
	[sflag:s4] =	ssyncset.s32 $0xFFFFF086  }
0x25: {  	[simem:s6], [sflag:s4] =	dma.local [hbm:s3], $0xF7A  }
0x26: {  	[smem:$0x3F8B] =	sst s1;
	(tag) =	ssettag s2;
	_ =	strace s9  }
0x27: {  	s1 =	sld [smem:$0x3F9B]  }
0x28: {  	s2 =	sld [smem:$0x3F9C]  }
0x29: {  	s4 =	sld [smem:$0x3F9E]  }
0x2a: {  	p0 =	seq.s32 s5, $0x0;
	s5 =	sld [smem:$0x3F9F]  }
0x2b: {  	s6 =	sld [smem:$0x3FA0]  }
0x2c: {  	s7 =	sld [smem:$0x3FA1]  }
0x2d: {  	s3 =	simm.s32 $0x108;
	s8 =	sld [smem:$0x3FA2]  }
0x2e: {  	s3 =	simm.s32 @!p0 $0x1082;
	s9 =	sld [smem:$0x3FA3]  }
0x2f: {  	lr =	sadd.s32 s0, s3;
	s0 =	sld [smem:$0x3F9A]  }
0x30: {  	s3 =	sld [smem:$0x3F9D]  }
0x31: {  	[smem:$0x3FA6] =	sst s10  }
0x32: {  	s10 =	sld [smem:$0x3FA4];
	_ =	sdelay $0x3  }
0x33: {  	p0 =	seq.s32 s10, $0x1;
	s10 =	sld [smem:$0x3FA6];
	_ =	sdelay $0x3  }
0x34: {  	[smem:$0x3FA6] =	sst s10  }
0x35: {  	s10 =	sld [smem:$0x3FA5];
	_ =	sdelay $0x3  }
0x36: {  	p1 =	seq.s32 s10, $0x1;
	s10 =	sld [smem:$0x3FA6];
	_ =	sdelay $0x3  }
0x37: {  	[smem:$0x3FA6] =	sst s10  }
0x38: {  	s10 =	sld [smem:$0x3FA7]  }
0x39: {  	_ = 	snop;
	(pc) =	sbr.ind lr, $3  }
0x3a: {  	_ = 	snop  }
0x3b: {  	_ = 	snop  }
0x3c: {  	p2 =	seq.s32 s10, $0x1;
	s10 =	sld [smem:$0x3FA6]  }
0x3d: {  	_ =	shalt  }
0x3e: {  	_ =	shalt  }
0x3f: {  	_ =	shalt  }
0x40: {  	_ =	shalt  }
0x41: {  	_ =	shalt  }
0x42: {  	_ =	shalt  }
0x43: {  	_ =	shalt  }
0x44: {  	_ =	shalt  }
0x45: {  	_ =	shalt  }
0x46: {  	_ =	shalt  }
0x47: {  	_ =	shalt  }
0x48: {  	_ =	shalt  }
0x49: {  	_ =	shalt  }
0x4a: {  	_ =	shalt  }
0x4b: {  	_ =	shalt  }
0x4c: {  	_ =	shalt  }
0x4d: {  	_ =	shalt  }
0x4e: {  	_ =	shalt  }
0x4f: {  	_ =	shalt  }
0x50: {  	_ =	shalt  }
0x51: {  	_ =	shalt  }
0x52: {  	_ =	shalt  }
0x53: {  	_ =	shalt  }
0x54: {  	_ =	shalt  }
0x55: {  	_ =	shalt  }
0x56: {  	_ =	shalt  }
0x57: {  	_ =	shalt  }
0x58: {  	_ =	shalt  }
0x59: {  	_ =	shalt  }
0x5a: {  	_ =	shalt  }
0x5b: {  	_ =	shalt  }
0x5c: {  	_ =	shalt  }
0x5d: {  	_ =	shalt  }
0x5e: {  	_ =	shalt  }
0x5f: {  	_ =	shalt  }
0x60: {  	_ =	shalt  }
0x61: {  	_ =	shalt  }
0x62: {  	_ =	shalt  }
0x63: {  	_ =	shalt  }
0x64: {  	_ =	shalt  }
0x65: {  	_ =	shalt  }
0x66: {  	_ =	shalt  }
0x67: {  	_ =	shalt  }
0x68: {  	_ =	shalt  }
0x69: {  	_ =	shalt  }
0x6a: {  	_ =	shalt  }
0x6b: {  	_ =	shalt  }
0x6c: {  	_ =	shalt  }
0x6d: {  	_ =	shalt  }
0x6e: {  	_ =	shalt  }
0x6f: {  	_ =	shalt  }
0x70: {  	_ =	shalt  }
0x71: {  	_ =	shalt  }
0x72: {  	_ =	shalt  }
0x73: {  	_ =	shalt  }
0x74: {  	_ =	shalt  }
0x75: {  	_ =	shalt  }
0x76: {  	_ =	shalt  }
0x77: {  	_ =	shalt  }
0x78: {  	_ =	shalt  }
0x79: {  	_ =	shalt  }
0x7a: {  	_ =	shalt  }
0x7b: {  	_ =	shalt  }
0x7c: {  	_ =	shalt  }
0x7d: {  	_ =	shalt  }
0x7e: {  	_ =	shalt  }
0x7f: {  	_ =	shalt  }
0x80: {  	_ =	shalt  }
0x81: {  	_ =	shalt  }
0x82: {  	_ =	shalt  }
0x83: {  	_ =	shalt  }
0x84: {  	_ =	shalt  }
0x85: {  	_ =	shalt  }
0x86: {  	_ =	shalt  }
0x87: {  	_ =	shalt  }
.Lfunc_end0:
.L_simem_size_0:
called_computation.1_lowered:
.L_overlay_start_0:
0x88: {  	s2 =	sld [smem:$0x3FD9]  }
0x89: {  	s3 =	sld [smem:$0x3FFE];
	_ =	sdelay $0x1  }
0x8a: {  	s1 =	srdreg.scid  }
0x8b: {  	s0 =	sand.u32 $0x1, s1  }
0x8c: {  	s16 =	sshll.u32 s0, $0xA;
	s2 =	sadd.s32 s3, s2  }
0x8d: {  	s2 =	sadd.s32 s2, s16  }
0x8e: {  	[smem:$0x3FB2] =	sst s2  }
0x8f: {  	_ = 	snop  }
0x90: {  	(tm) =	ssettm $0x1  }
0x91: {  	s17 =	sld [smem:$0x3FFB];
	_ =	sdelay $0x3  }
0x92: {  	_ =	strace s17  }
0x93: {  	s2 =	sld [smem:$0x3FFC];
	_ =	sdelay $0x3  }
0x94: {  	_ =	strace s2  }
0x95: {  	s2 =	sld [smem:$0x3FFD];
	_ =	sdelay $0x3  }
0x96: {  	_ =	strace s2  }
0x97: {  	_ =	strace $0x8FFFFFFF  }
0x98: {  	s18 =	sld [smem:$0x3FDB];
	_ =	sdelay $0x1  }
0x99: {  	s19 =	simm.s32 $_scs_section_size  }
0x9a: {  	s4 =	simm.s32 $_size__tile_overlayer_lowered;
	s5 =	simm.s32 $_tile_overlayer_lowered  }
0x9b: {  	s22 =	simm.s32 $0x1BFF;
	s21 =	sshll.u32 s5, $0x1;
	s2 =	sadd.s32 s19, s18  }
0x9c: {  	s6 =	simm.s32 $0x0;
	s20 =	sshll.u32 s4, $0x1;
	s4 =	sadd.s32 s21, s2  }
0x9d: {  	[timem:s6], [sflag:s22] =	dma.local [hbm:s4], s20  }
0x9e: {  	_ =	swait.ge [sflag:s22], s20  }
0x9f: {  	s3 =	ssub.s32 $0x0, s20;
	[sflag:s22] =	ssyncset.done $0x0  }
0xa0: {  	[sflag:s22] =	ssyncadd.s32 s3;
	_ =	sdelay $0x1  }
0xa1: {  	s23 =	simm.s32 $0x1B8B  }
0xa2: {  	_ =	swait.ge [sflag:s23], $0x1  }
0xa3: {  	[sflag:s23] =	ssyncset.done $0x0  }
0xa4: {  	s25 =	simm.s32 $0x1B8E;
	s24 =	sld [smem:$0x3FFE];
	[sflag:s23] =	ssyncadd.s32 $0xFFFFFFFF  }
0xa5: {  	s26 =	simm.s32 $execute0_lowered;
	[smem:$0x3FD2] =	sst s25  }
0xa6: {  	s4 =	sshll.u32 s26, $0x1;
	_ =	strace $0x80000049;
	[dreg:$0x1] =	wrdreg $0xFFFFFFFF  }
0xa7: {  	s28 =	simm.s32 $_size_execute0_lowered;
	s2 =	sadd.s32 s2, s4;
	[dreg:$0x0] =	wrdreg $0x0  }
0xa8: {  	s4 =	sshll.u32 s28, $0x1;
	[dreg:$0x2] =	wrdreg s2  }
0xa9: {  	[dreg:$0x3] =	wrdreg s4  }
0xaa: {  	[dreg:$0x4] =	wrdreg $0xC0  }
0xab: {  	_ =	task [dreg:s6], $0x5FFFF  }
0xac: {  	[dreg:$0x1] =	wrdreg $0xFFFFFFFF  }
0xad: {  	[dreg:$0x0] =	wrdreg $0x60  }
0xae: {  	[dreg:$0x2] =	wrdreg s24  }
0xaf: {  	[dreg:$0x3] =	wrdreg $0x9  }
0xb0: {  	_ =	task.clear_ibuf [dreg:s6], $0x4FFFF;
	_ =	strace $0x90000049  }
0xb1: {  	s29 =	simm.s32 $0x9;
	_ =	strace $0x8000004B  }
0xb2: {  	_ =	swait.ge [sflag:s29], $0x1  }
0xb3: {  	[sflag:s29] =	ssyncadd.s32 $0xFFFFFFFF  }
0xb4: {  	_ =	strace $0x9000004B  }
0xb5: {  	_ =	sfence  }
0xb6: {  	s30 =	sld [smem:$0x0];
	_ =	sdelay $0x2  }
0xb7: {  	s31 =	sshll.u32 s1, $0xD;
	s1 =	sshrl.u32 s1, $0x2  }
0xb8: {  	s3 =	sand.u32 $0x4000, s31;
	s1 =	sadd.s32 s1, s30  }
0xb9: {  	s0 =	sor.u32 s3, s0;
	s1 =	sshll.u32 s1, $0x11  }
0xba: {  	s0 =	sor.u32 s1, s0  }
0xbb: {  	s0 =	sadd.s32 $0x8F2B, s0  }
0xbc: {  	[sflag:s0] =	ssyncadd.remote.s32 $0x1  }
0xbd: {  	_ =	sfence.sel $0xFFFF  }
0xbe: {  	[dreg:$0x0] =	wrdreg $0xFFFFFFFF;
	(pc) =	sbr.abs _section_cstart, $3  }
0xbf: {  	[dreg:$0x1] =	wrdreg $0xFFFFFFFF  }
0xc0: {  	_ =	task.clear_ibuf [dreg:s6], $0x2FFFF;
	_ =	strace $0x9FFFFFFF  }
0xc1: {  	(tm) =	ssettm $0x7FFFFFFF  }
tec
execute0_lowered:
.L_overlay_start_1:
0x0: {  	(tag) =	ssettag $0x1  }
0x1: {  	s2 =	rddreg [dreg:$0x0]  }
0x2: {  	s0 =	rddreg [dreg:$0x1];
	s1 =	simm.s32 $0x0;
	s3 =	srdreg.scid  }
0x3: {  	s13 =	simm.s32 $0x80;
	s14 =	simm.s32 $0x4100;
	s15 =	simm.s32 $0x8180  }
0x4: {  	s16 =	simm.s32 $0xC200;
	s17 =	simm.s32 $0x1;
	s18 =	simm.s32 $0x2  }
0x5: {  	s19 =	simm.s32 $0x3;
	s20 =	simm.s32 $0x4;
	s21 =	simm.s32 $0x0  }
0x6: {  	[smem:$0x7FF] =	sst s1;
	s6 =	sand.u32 $0x1, s3;
	s3 =	sadd.s32 $0x417600, s2  }
0x7: {  	s4 =	sadd.s32 $0x228200, s2;
	s7 =	sadd.s32 $0x27600, s2;
	s2 =	stileid.u32  }
0x8: {  	_ =	strace $0x8000004A;
	s5 =	ssub.s32 $0x2, s6;
	s30 =	sshll.u32 s2, $0x11  }
0x9: {  	s9 =	sshll.u32 s6, $0x10;
	s11 =	sshll.u32 s2, $0xA;
	s12 =	sshll.u32 s6, $0x9  }
0xa: {  	s8 =	sshrl.u32 s5, $0x1;
	s10 =	sadd.s32 s30, s7;
	s31 =	sor.u32 s12, s11  }
0xb: {  	s11 =	simm.s32 $0x8100;
	s12 =	simm.s32 $0xC180;
	s5 =	ssub.s32 s5, s8  }
0xc: {  	s8 =	sor.u32 s9, s30;
	s6 =	sadd.s32 s9, s10;
	[dreg:$0x2] =	wrdreg s31  }
0xd: {  	s9 =	simm.s32 $0x5;
	s10 =	simm.s32 $0x4080;
	s8 =	sadd.s32 s8, s7  }
0xe: {  	s5 =	smax.u32 s5, $0x1;
	s7 =	sadd.s32 $0x1800, s8;
	s8 =	sadd.s32 $0x1000, s8  }
.LBB2_1:
0xf: {  	s22 =	rddreg [dreg:$0x2]  }
0x10: {  	s23 =	sand.u32 $0x40, s1;
	s22 =	sadd.s32 $0x0, s22  }
0x11: {  	s23 =	sadd.s32 s3, s23;
	s24 =	sand.u32 $0x3F80, s22  }
0x12: {  	s23 =	sadd.s32 s24, s23  }
0x13: {  	[tilespmem:s1], [sflag:$0x5] =	stream.linear.gather [hbm4b:s23+s1], $0x80, $0x38;
	[tilespmem:$0x10200] =	vst v63  }
0x14: {  	s29 =	sadd.s32 $0x10, s22;
	_ =	swait.ge [sflag:s9], $0x80  }
0x15: {  	s24 =	sadd.s32 s3, s24;
	s23 =	sand.u32 $0x50, s29;
	[sflag:s9] =	ssyncset.done $0x0  }
0x16: {  	s23 =	sadd.s32 s23, s24;
	[sflag:s9] =	ssyncadd.s32 $0xFFFFFF80  }
0x17: {  	[tilespmem:s10], [sflag:$0x5] =	stream.linear.gather [hbm4b:s23+s1], $0x80, $0x38;
	[tilespmem:$0x10200] =	vst v63  }
0x18: {  	s30 =	sadd.s32 $0x20, s22;
	_ =	swait.ge [sflag:s9], $0x80  }
0x19: {  	s23 =	sand.u32 $0x60, s30;
	[sflag:s9] =	ssyncset.done $0x0  }
0x1a: {  	s23 =	sadd.s32 s23, s24;
	[sflag:s9] =	ssyncadd.s32 $0xFFFFFF80  }
0x1b: {  	[tilespmem:s11], [sflag:$0x5] =	stream.linear.gather [hbm4b:s23+s1], $0x80, $0x38;
	[tilespmem:$0x10200] =	vst v63  }
0x1c: {  	s22 =	sadd.s32 $0x30, s22;
	_ =	swait.ge [sflag:s9], $0x80  }
0x1d: {  	s22 =	sand.u32 $0x70, s22;
	[sflag:s9] =	ssyncset.done $0x0  }
0x1e: {  	s22 =	sadd.s32 s22, s24;
	[sflag:s9] =	ssyncadd.s32 $0xFFFFFF80  }
0x1f: {  	[tilespmem:s12], [sflag:$0x5] =	stream.linear.gather [hbm4b:s22+s1], $0x80, $0x38;
	[tilespmem:$0x10200] =	vst v63  }
0x20: {  	_ =	swait.ge [sflag:s9], $0x80  }
0x21: {  	[sflag:s9] =	ssyncset.done $0x0  }
0x22: {  	[sflag:s9] =	ssyncadd.s32 $0xFFFFFF80  }
0x23: {  	[tilespmem:s13], [sflag:$0x1] =	stream.indirect.gather [hbm4b:s4+s13], $0x80, s1, s13, $0xb8;
	[tilespmem:$0x10200] =	vst v63  }
0x24: {  	_ = 	snop  }
0x25: {  	[tilespmem:s14], [sflag:$0x2] =	stream.indirect.gather [hbm4b:s4+s13], $0x80, s10, s13, $0xb8;
	[tilespmem:$0x10200] =	vst v63  }
0x26: {  	_ = 	snop  }
0x27: {  	[tilespmem:s15], [sflag:$0x3] =	stream.indirect.gather [hbm4b:s4+s13], $0x80, s11, s13, $0xb8;
	[tilespmem:$0x10200] =	vst v63  }
0x28: {  	_ = 	snop  }
0x29: {  	[tilespmem:s16], [sflag:$0x4] =	stream.indirect.gather [hbm4b:s4+s13], $0x80, s12, s13, $0xb8;
	[tilespmem:$0x10200] =	vst v63  }
0x2a: {  	_ =	swait.ge [sflag:s17], $0x4000  }
0x2b: {  	[sflag:s17] =	ssyncset.done $0x0  }
0x2c: {  	[sflag:s17] =	ssyncadd.s32 $0xFFFFC000  }
0x2d: {  	[hbm4b:s6+s1] =	stream.linear.scatter [tilespmem:s13], [sflag:$0x5], $0x4000, $0x38;
	[tilespmem:$0x10200] =	vst v63  }
0x2e: {  	_ =	swait.ge [sflag:s9], $0x4000  }
0x2f: {  	[sflag:s9] =	ssyncset.done $0x0  }
0x30: {  	[sflag:s9] =	ssyncadd.s32 $0xFFFFC000  }
0x31: {  	_ =	swait.ge [sflag:s18], $0x4000  }
0x32: {  	[sflag:s18] =	ssyncset.done $0x0  }
0x33: {  	s31 =	sadd.s32 $0xFFFFF000, s7;
	[sflag:s18] =	ssyncadd.s32 $0xFFFFC000  }
0x34: {  	[hbm4b:s31+s1] =	stream.linear.scatter [tilespmem:s14], [sflag:$0x5], $0x4000, $0x38;
	[tilespmem:$0x10200] =	vst v63  }
0x35: {  	_ =	swait.ge [sflag:s9], $0x4000  }
0x36: {  	[sflag:s9] =	ssyncset.done $0x0  }
0x37: {  	[sflag:s9] =	ssyncadd.s32 $0xFFFFC000  }
0x38: {  	_ =	swait.ge [sflag:s19], $0x4000  }
0x39: {  	[sflag:s19] =	ssyncset.done $0x0  }
0x3a: {  	[sflag:s19] =	ssyncadd.s32 $0xFFFFC000  }
0x3b: {  	[hbm4b:s8+s1] =	stream.linear.scatter [tilespmem:s15], [sflag:$0x5], $0x4000, $0x38;
	[tilespmem:$0x10200] =	vst v63  }
0x3c: {  	_ =	swait.ge [sflag:s9], $0x4000  }
0x3d: {  	[sflag:s9] =	ssyncset.done $0x0  }
0x3e: {  	[sflag:s9] =	ssyncadd.s32 $0xFFFFC000  }
0x3f: {  	_ =	swait.ge [sflag:s20], $0x4000  }
0x40: {  	s25 =	simm.s32 $0x40;
	[sflag:s20] =	ssyncset.done $0x0  }
0x41: {  	s26 =	simm.s32 $0x80;
	s24 =	smov.u32 s6;
	[sflag:s20] =	ssyncadd.s32 $0xFFFFC000  }
0x42: {  	[hbm4b:s7+s1] =	stream.linear.scatter [tilespmem:s16], [sflag:$0x5], $0x4000, $0x38;
	[tilespmem:$0x10200] =	vst v63  }
0x43: {  	s23 =	sadd.s32 $0x2000, s8;
	s22 =	sadd.s32 $0x2000, s7;
	_ =	swait.ge [sflag:s9], $0x4000  }
.LBB2_2:
0x44: {  	s28 =	rddreg [dreg:$0x2];
	[sflag:s9] =	ssyncset.done $0x0  }
0x45: {  	s29 =	smov.u32 s26;
	s30 =	sand.u32 $0x40, s25;
	s28 =	sadd.s32 s25, s28  }
0x46: {  	s25 =	smov.u32 s29;
	s30 =	sadd.s32 s3, s30;
	s29 =	sand.u32 $0x3F80, s28  }
0x47: {  	[sflag:s9] =	ssyncadd.s32 $0xFFFFC000;
	s30 =	sadd.s32 s29, s30  }
0x48: {  	[tilespmem:s1], [sflag:$0x5] =	stream.linear.gather [hbm4b:s30+s1], $0x80, $0x38;
	[tilespmem:$0x10200] =	vst v63  }
0x49: {  	s31 =	sadd.s32 $0x10, s28;
	_ =	swait.ge [sflag:s9], $0x80  }
0x4a: {  	s31 =	sand.u32 $0x50, s31;
	s29 =	sadd.s32 s3, s29;
	[sflag:s9] =	ssyncset.done $0x0  }
0x4b: {  	s30 =	sadd.s32 s31, s29;
	[sflag:s9] =	ssyncadd.s32 $0xFFFFFF80  }
0x4c: {  	[tilespmem:s10], [sflag:$0x5] =	stream.linear.gather [hbm4b:s30+s1], $0x80, $0x38;
	[tilespmem:$0x10200] =	vst v63  }
0x4d: {  	s31 =	sadd.s32 $0x20, s28;
	_ =	swait.ge [sflag:s9], $0x80  }
0x4e: {  	s31 =	sand.u32 $0x60, s31;
	[sflag:s9] =	ssyncset.done $0x0  }
0x4f: {  	s31 =	sadd.s32 s31, s29;
	[sflag:s9] =	ssyncadd.s32 $0xFFFFFF80  }
0x50: {  	[tilespmem:s11], [sflag:$0x5] =	stream.linear.gather [hbm4b:s31+s1], $0x80, $0x38;
	[tilespmem:$0x10200] =	vst v63  }
0x51: {  	s28 =	sadd.s32 $0x30, s28;
	_ =	swait.ge [sflag:s9], $0x80  }
0x52: {  	s28 =	sand.u32 $0x70, s28;
	[sflag:s9] =	ssyncset.done $0x0  }
0x53: {  	s28 =	sadd.s32 s28, s29;
	[sflag:s9] =	ssyncadd.s32 $0xFFFFFF80  }
0x54: {  	[tilespmem:s12], [sflag:$0x5] =	stream.linear.gather [hbm4b:s28+s1], $0x80, $0x38;
	[tilespmem:$0x10200] =	vst v63  }
0x55: {  	_ =	swait.ge [sflag:s9], $0x80  }
0x56: {  	[sflag:s9] =	ssyncset.done $0x0  }
0x57: {  	[sflag:s9] =	ssyncadd.s32 $0xFFFFFF80  }
0x58: {  	[tilespmem:s13], [sflag:$0x1] =	stream.indirect.gather [hbm4b:s4+s13], $0x80, s1, s13, $0xb8;
	[tilespmem:$0x10200] =	vst v63  }
0x59: {  	_ = 	snop  }
0x5a: {  	[tilespmem:s14], [sflag:$0x2] =	stream.indirect.gather [hbm4b:s4+s13], $0x80, s10, s13, $0xb8;
	[tilespmem:$0x10200] =	vst v63  }
0x5b: {  	_ = 	snop  }
0x5c: {  	[tilespmem:s15], [sflag:$0x3] =	stream.indirect.gather [hbm4b:s4+s13], $0x80, s11, s13, $0xb8;
	[tilespmem:$0x10200] =	vst v63  }
0x5d: {  	_ = 	snop  }
0x5e: {  	[tilespmem:s16], [sflag:$0x4] =	stream.indirect.gather [hbm4b:s4+s13], $0x80, s12, s13, $0xb8;
	[tilespmem:$0x10200] =	vst v63  }
0x5f: {  	_ =	swait.ge [sflag:s17], $0x4000  }
0x60: {  	[sflag:s17] =	ssyncset.done $0x0  }
0x61: {  	s24 =	sadd.s32 $0x2000, s24;
	[sflag:s17] =	ssyncadd.s32 $0xFFFFC000  }
0x62: {  	[hbm4b:s24+s1] =	stream.linear.scatter [tilespmem:s13], [sflag:$0x5], $0x4000, $0x38;
	[tilespmem:$0x10200] =	vst v63  }
0x63: {  	_ =	swait.ge [sflag:s9], $0x4000  }
0x64: {  	[sflag:s9] =	ssyncset.done $0x0  }
0x65: {  	[sflag:s9] =	ssyncadd.s32 $0xFFFFC000  }
0x66: {  	_ =	swait.ge [sflag:s18], $0x4000  }
0x67: {  	[sflag:s18] =	ssyncset.done $0x0  }
0x68: {  	s31 =	sadd.s32 $0xFFFFF000, s22;
	[sflag:s18] =	ssyncadd.s32 $0xFFFFC000  }
0x69: {  	[hbm4b:s31+s1] =	stream.linear.scatter [tilespmem:s14], [sflag:$0x5], $0x4000, $0x38;
	[tilespmem:$0x10200] =	vst v63  }
0x6a: {  	_ =	swait.ge [sflag:s9], $0x4000  }
0x6b: {  	[sflag:s9] =	ssyncset.done $0x0  }
0x6c: {  	[sflag:s9] =	ssyncadd.s32 $0xFFFFC000  }
0x6d: {  	_ =	swait.ge [sflag:s19], $0x4000  }
0x6e: {  	[sflag:s19] =	ssyncset.done $0x0  }
0x6f: {  	[sflag:s19] =	ssyncadd.s32 $0xFFFFC000  }
0x70: {  	[hbm4b:s23+s1] =	stream.linear.scatter [tilespmem:s15], [sflag:$0x5], $0x4000, $0x38;
	[tilespmem:$0x10200] =	vst v63  }
0x71: {  	_ =	swait.ge [sflag:s9], $0x4000  }
0x72: {  	[sflag:s9] =	ssyncset.done $0x0  }
0x73: {  	p0 =	sne.s32 s26, $0x1C0;
	[sflag:s9] =	ssyncadd.s32 $0xFFFFC000  }
.Ltmp0:
0x74: {  	_ =	swait.ge [sflag:s20], $0x4000;
	(pc) =	sbr.rel @p0 .LBB2_2-.Ltmp0, $4  }
0x75: {  	[sflag:s20] =	ssyncset.done $0x0  }
0x76: {  	s26 =	sadd.s32 $0x40, s26;
	[sflag:s20] =	ssyncadd.s32 $0xFFFFC000  }
0x77: {  	[hbm4b:s22+s1] =	stream.linear.scatter [tilespmem:s16], [sflag:$0x5], $0x4000, $0x38;
	[tilespmem:$0x10200] =	vst v63  }
0x78: {  	s23 =	sadd.s32 $0x2000, s23;
	s22 =	sadd.s32 $0x2000, s22;
	_ =	swait.ge [sflag:s9], $0x4000  }
0x79: {  	s26 =	rddreg [dreg:$0x2]  }
0x7a: {  	s28 =	sand.u32 $0x40, s25;
	s31 =	sadd.s32 s25, s26  }
0x7b: {  	[sflag:s9] =	ssyncset.done $0x0;
	s28 =	sadd.s32 s3, s28;
	s26 =	sand.u32 $0x3F80, s31  }
0x7c: {  	[sflag:s9] =	ssyncadd.s32 $0xFFFFC000;
	s28 =	sadd.s32 s26, s28  }
0x7d: {  	[tilespmem:s1], [sflag:$0x5] =	stream.linear.gather [hbm4b:s28+s1], $0x80, $0x38;
	[tilespmem:$0x10200] =	vst v63  }
0x7e: {  	s29 =	sadd.s32 $0x10, s31;
	_ =	swait.ge [sflag:s9], $0x80  }
0x7f: {  	s26 =	sadd.s32 s3, s26;
	s28 =	sand.u32 $0x50, s29;
	[sflag:s9] =	ssyncset.done $0x0  }
0x80: {  	s28 =	sadd.s32 s28, s26;
	[sflag:s9] =	ssyncadd.s32 $0xFFFFFF80  }
0x81: {  	[tilespmem:s10], [sflag:$0x5] =	stream.linear.gather [hbm4b:s28+s1], $0x80, $0x38;
	[tilespmem:$0x10200] =	vst v63  }
0x82: {  	s30 =	sadd.s32 $0x20, s31;
	_ =	swait.ge [sflag:s9], $0x80  }
0x83: {  	s28 =	sand.u32 $0x60, s30;
	[sflag:s9] =	ssyncset.done $0x0  }
0x84: {  	s28 =	sadd.s32 s28, s26;
	[sflag:s9] =	ssyncadd.s32 $0xFFFFFF80  }
0x85: {  	[tilespmem:s11], [sflag:$0x5] =	stream.linear.gather [hbm4b:s28+s1], $0x80, $0x38;
	[tilespmem:$0x10200] =	vst v63  }
0x86: {  	s25 =	sadd.s32 $0x30, s31;
	_ =	swait.ge [sflag:s9], $0x80  }
0x87: {  	s25 =	sand.u32 $0x70, s25;
	[sflag:s9] =	ssyncset.done $0x0  }
0x88: {  	s25 =	sadd.s32 s25, s26;
	[sflag:s9] =	ssyncadd.s32 $0xFFFFFF80  }
0x89: {  	[tilespmem:s12], [sflag:$0x5] =	stream.linear.gather [hbm4b:s25+s1], $0x80, $0x38;
	[tilespmem:$0x10200] =	vst v63  }
0x8a: {  	_ =	swait.ge [sflag:s9], $0x80  }
0x8b: {  	[sflag:s9] =	ssyncset.done $0x0  }
0x8c: {  	[sflag:s9] =	ssyncadd.s32 $0xFFFFFF80  }
0x8d: {  	[tilespmem:s13], [sflag:$0x1] =	stream.indirect.gather [hbm4b:s4+s13], $0x80, s1, s13, $0xb8;
	[tilespmem:$0x10200] =	vst v63  }
0x8e: {  	_ = 	snop  }
0x8f: {  	[tilespmem:s14], [sflag:$0x2] =	stream.indirect.gather [hbm4b:s4+s13], $0x80, s10, s13, $0xb8;
	[tilespmem:$0x10200] =	vst v63  }
0x90: {  	_ = 	snop  }
0x91: {  	[tilespmem:s15], [sflag:$0x3] =	stream.indirect.gather [hbm4b:s4+s13], $0x80, s11, s13, $0xb8;
	[tilespmem:$0x10200] =	vst v63  }
0x92: {  	_ = 	snop  }
0x93: {  	[tilespmem:s16], [sflag:$0x4] =	stream.indirect.gather [hbm4b:s4+s13], $0x80, s12, s13, $0xb8;
	[tilespmem:$0x10200] =	vst v63  }
0x94: {  	_ =	swait.ge [sflag:s17], $0x4000  }
0x95: {  	[sflag:s17] =	ssyncset.done $0x0  }
0x96: {  	s24 =	sadd.s32 $0x2000, s24;
	[sflag:s17] =	ssyncadd.s32 $0xFFFFC000  }
0x97: {  	[hbm4b:s24+s1] =	stream.linear.scatter [tilespmem:s13], [sflag:$0x5], $0x4000, $0x38;
	[tilespmem:$0x10200] =	vst v63  }
0x98: {  	_ =	swait.ge [sflag:s9], $0x4000  }
0x99: {  	[sflag:s9] =	ssyncset.done $0x0  }
0x9a: {  	[sflag:s9] =	ssyncadd.s32 $0xFFFFC000  }
0x9b: {  	_ =	swait.ge [sflag:s18], $0x4000  }
0x9c: {  	[sflag:s18] =	ssyncset.done $0x0  }
0x9d: {  	s31 =	sadd.s32 $0xFFFFF000, s22;
	[sflag:s18] =	ssyncadd.s32 $0xFFFFC000  }
0x9e: {  	[hbm4b:s31+s1] =	stream.linear.scatter [tilespmem:s14], [sflag:$0x5], $0x4000, $0x38;
	[tilespmem:$0x10200] =	vst v63  }
0x9f: {  	_ =	swait.ge [sflag:s9], $0x4000  }
0xa0: {  	[sflag:s9] =	ssyncset.done $0x0  }
0xa1: {  	[sflag:s9] =	ssyncadd.s32 $0xFFFFC000  }
0xa2: {  	_ =	swait.ge [sflag:s19], $0x4000  }
0xa3: {  	[sflag:s19] =	ssyncset.done $0x0  }
0xa4: {  	[sflag:s19] =	ssyncadd.s32 $0xFFFFC000  }
0xa5: {  	[hbm4b:s23+s1] =	stream.linear.scatter [tilespmem:s15], [sflag:$0x5], $0x4000, $0x38;
	[tilespmem:$0x10200] =	vst v63  }
0xa6: {  	_ =	swait.ge [sflag:s9], $0x4000  }
0xa7: {  	[sflag:s9] =	ssyncset.done $0x0  }
0xa8: {  	[sflag:s9] =	ssyncadd.s32 $0xFFFFC000  }
0xa9: {  	s21 =	sadd.s32 $0x1, s21;
	_ =	swait.ge [sflag:s20], $0x4000  }
0xaa: {  	p0 =	sne.s32 s21, s5;
	[sflag:s20] =	ssyncset.done $0x0  }
.Ltmp1:
0xab: {  	[sflag:s20] =	ssyncadd.s32 $0xFFFFC000;
	(pc) =	sbr.rel @p0 .LBB2_1-.Ltmp1, $4  }
0xac: {  	[hbm4b:s22+s1] =	stream.linear.scatter [tilespmem:s16], [sflag:$0x5], $0x4000, $0x38;
	[tilespmem:$0x10200] =	vst v63  }
0xad: {  	_ =	swait.ge [sflag:s9], $0x4000  }
0xae: {  	[sflag:s9] =	ssyncset.done $0x0  }
0xaf: {  	[sflag:s9] =	ssyncadd.s32 $0xFFFFC000  }
0xb0: {  	_ =	sfence.sel $0x180000  }
0xb1: {  	[bflag:$0x0] =	sbarrier.arrive $0xFFFF  }
0xb2: {  	p0 =	sne.s32 s2, $0x0;
	_ =	strace $0x9000004A  }
0xb3: {  	s0 =	sadd.s32 @!p0 $0x100000, s0;
	[bflag:$0x2] =	sbarrier.arrive $0xFFFF  }
0xb4: {  	[sflag:s0] =	ssyncadd.tile.s32 @!p0 $0x1;
	_ =	shalt  }
.Lfunc_end2:
_tile_overlayer_lowered:
.L_overlay_start_2:
0xb5: {  	(tag) =	ssettag $0x2  }
0xb6: {  	s0 =	rddreg [dreg:$0x0];
	s2 =	stileid.u32  }
0xb7: {  	s1 =	rddreg [dreg:$0x1];
	p0 =	sne.s32 s2, $0x0  }
0xb8: {  	s3 =	rddreg [dreg:$0x2];
	[bflag:$0x3] =	sbarrier.arrive $0xFFFF;
	s2 =	simm.s32 @!p0 $0x1C05  }
0xb9: {  	[timem:s3], [sflag:s2] =	dma.local @!p0 [hbm:s0], s1  }
0xba: {  	s0 =	simm.s32 @!p0 $0x5  }
0xbb: {  	_ =	swait.ge @!p0 [sflag:s0], s1  }
0xbc: {  	s1 =	ssub.s32 @!p0 $0x0, s1;
	[sflag:s0] =	ssyncset.done @!p0 $0x0  }
0xbd: {  	[sflag:s0] =	ssyncadd.s32 @!p0 s1  }
0xbe: {  	[bflag:$0x3] =	sbarrier.arrive $0xFFFF  }
0xbf: {  	_ =	shalt  }

// kernel: kernel.16.cloned.1.call-start
scs
__scs_entry_jumppad:
0x0: {  	(pc) =	sbr.rel $0x88, $3  }
0x1: {  	(tag) =	ssettag $0x0;
	lr =	simm.s32 $0x1  }
0x2: {  	[smem:$0x3F8B] =	sst lr;
	_ =	strace $0xD0000000  }
0x3: {  	_ = 	snop  }
0x4: {  	_ = 	snop  }
0x5: {  	_ = 	snop  }
0x6: {  	_ = 	snop  }
0x7: {  	_ = 	snop  }
__scs_overlays_trampoline_lowered:
0x8: {  	[smem:$0x3F9A] =	sst s0  }
0x9: {  	[smem:$0x3F9B] =	sst s1  }
0xa: {  	[smem:$0x3F9C] =	sst s2  }
0xb: {  	[smem:$0x3F9D] =	sst s3  }
0xc: {  	[smem:$0x3F9E] =	sst s4  }
0xd: {  	[smem:$0x3F9F] =	sst s5  }
0xe: {  	[smem:$0x3FA0] =	sst s6  }
0xf: {  	[smem:$0x3FA1] =	sst s7  }
0x10: {  	[smem:$0x3FA2] =	sst s8  }
0x11: {  	[smem:$0x3FA3] =	sst s9;
	s0 =	simm.s32 @!p0 $0x0  }
0x12: {  	s1 =	sld [smem:$0x3F89];
	s0 =	simm.s32 @p0 $0x1  }
0x13: {  	[smem:$0x3FA4] =	sst s0;
	s0 =	simm.s32 @!p1 $0x0  }
0x14: {  	s2 =	sld [smem:$0x3F88];
	s0 =	simm.s32 @p1 $0x1  }
0x15: {  	[smem:$0x3FA5] =	sst s0;
	s0 =	simm.s32 @!p2 $0x0  }
0x16: {  	s3 =	sld [smem:$0x3FDB];
	s0 =	simm.s32 @p2 $0x1  }
0x17: {  	s4 =	simm.s32 $0x1BF5;
	[smem:$0x3FA7] =	sst s0  }
0x18: {  	s0 =	sld [smem:$0x3F8A];
	_ =	swait.ge [sflag:s4], $0x0  }
0x19: {  	s7 =	sld [smem:$0x3F8B]  }
0x1a: {  	s8 =	sadd.s32 $0xFFFFE003, lr  }
0x1b: {  	s9 =	sadd.s32 $0xFFFFFEF7, lr;
	s5 =	simm.s32 $0xFFFFFFFF;
	p2 =	slt.u32 s8, $0xFFFFF086  }
0x1c: {  	p1 =	slt.u32 s9, $0xF7A;
	s5 =	simm.s32 @!p2 $0x0  }
0x1d: {  	s5 =	simm.s32 @p1 $0x1;
	p0 =	seq.s32 s7, s2  }
0x1e: {  	s7 =	smul.u32 @!p0 $0xF7A, s2;
	p2 =	seq.s32 @!p0 s5, $0x0  }
0x1f: {  	s9 =	smul.u32 $0xF7A, s1;
	s8 =	simm.s32 @!p0 $0x1BF5;
	p2 =	por !p2, p0  }
0x20: {  	[sflag:s8] =	ssyncset.s32 @!p0 $0xFFFFF086;
	s6 =	sadd.s32 @!p0 s3, s7;
	s7 =	simm.s32 @!p0 $0x108  }
0x21: {  	s3 =	sadd.s32 s3, s9;
	s6 =	sadd.s32 @!p0 $0x88, s6;
	s7 =	simm.s32 @p2 $0x1082  }
0x22: {  	[simem:s7], [sflag:s8] =	dma.local @!p0 [hbm:s6], $0xF7A  }
0x23: {  	s9 =	sor.u32 $0xD0000000, s2;
	s6 =	simm.s32 $0x108;
	_ =	swait.ge @!p0 [sflag:s8], $0x0  }
0x24: {  	s3 =	sadd.s32 $0x88, s3;
	s6 =	simm.s32 @!p1 $0x1082;
	[sflag:s4] =	ssyncset.s32 $0xFFFFF086  }
0x25: {  	[simem:s6], [sflag:s4] =	dma.local [hbm:s3], $0xF7A  }
0x26: {  	[smem:$0x3F8B] =	sst s1;
	(tag) =	ssettag s2;
	_ =	strace s9  }
0x27: {  	s1 =	sld [smem:$0x3F9B]  }
0x28: {  	s2 =	sld [smem:$0x3F9C]  }
0x29: {  	s4 =	sld [smem:$0x3F9E]  }
0x2a: {  	p0 =	seq.s32 s5, $0x0;
	s5 =	sld [smem:$0x3F9F]  }
0x2b: {  	s6 =	sld [smem:$0x3FA0]  }
0x2c: {  	s7 =	sld [smem:$0x3FA1]  }
0x2d: {  	s3 =	simm.s32 $0x108;
	s8 =	sld [smem:$0x3FA2]  }
0x2e: {  	s3 =	simm.s32 @!p0 $0x1082;
	s9 =	sld [smem:$0x3FA3]  }
0x2f: {  	lr =	sadd.s32 s0, s3;
	s0 =	sld [smem:$0x3F9A]  }
0x30: {  	s3 =	sld [smem:$0x3F9D]  }
0x31: {  	[smem:$0x3FA6] =	sst s10  }
0x32: {  	s10 =	sld [smem:$0x3FA4];
	_ =	sdelay $0x3  }
0x33: {  	p0 =	seq.s32 s10, $0x1;
	s10 =	sld [smem:$0x3FA6];
	_ =	sdelay $0x3  }
0x34: {  	[smem:$0x3FA6] =	sst s10  }
0x35: {  	s10 =	sld [smem:$0x3FA5];
	_ =	sdelay $0x3  }
0x36: {  	p1 =	seq.s32 s10, $0x1;
	s10 =	sld [smem:$0x3FA6];
	_ =	sdelay $0x3  }
0x37: {  	[smem:$0x3FA6] =	sst s10  }
0x38: {  	s10 =	sld [smem:$0x3FA7]  }
0x39: {  	_ = 	snop;
	(pc) =	sbr.ind lr, $3  }
0x3a: {  	_ = 	snop  }
0x3b: {  	_ = 	snop  }
0x3c: {  	p2 =	seq.s32 s10, $0x1;
	s10 =	sld [smem:$0x3FA6]  }
0x3d: {  	_ =	shalt  }
0x3e: {  	_ =	shalt  }
0x3f: {  	_ =	shalt  }
0x40: {  	_ =	shalt  }
0x41: {  	_ =	shalt  }
0x42: {  	_ =	shalt  }
0x43: {  	_ =	shalt  }
0x44: {  	_ =	shalt  }
0x45: {  	_ =	shalt  }
0x46: {  	_ =	shalt  }
0x47: {  	_ =	shalt  }
0x48: {  	_ =	shalt  }
0x49: {  	_ =	shalt  }
0x4a: {  	_ =	shalt  }
0x4b: {  	_ =	shalt  }
0x4c: {  	_ =	shalt  }
0x4d: {  	_ =	shalt  }
0x4e: {  	_ =	shalt  }
0x4f: {  	_ =	shalt  }
0x50: {  	_ =	shalt  }
0x51: {  	_ =	shalt  }
0x52: {  	_ =	shalt  }
0x53: {  	_ =	shalt  }
0x54: {  	_ =	shalt  }
0x55: {  	_ =	shalt  }
0x56: {  	_ =	shalt  }
0x57: {  	_ =	shalt  }
0x58: {  	_ =	shalt  }
0x59: {  	_ =	shalt  }
0x5a: {  	_ =	shalt  }
0x5b: {  	_ =	shalt  }
0x5c: {  	_ =	shalt  }
0x5d: {  	_ =	shalt  }
0x5e: {  	_ =	shalt  }
0x5f: {  	_ =	shalt  }
0x60: {  	_ =	shalt  }
0x61: {  	_ =	shalt  }
0x62: {  	_ =	shalt  }
0x63: {  	_ =	shalt  }
0x64: {  	_ =	shalt  }
0x65: {  	_ =	shalt  }
0x66: {  	_ =	shalt  }
0x67: {  	_ =	shalt  }
0x68: {  	_ =	shalt  }
0x69: {  	_ =	shalt  }
0x6a: {  	_ =	shalt  }
0x6b: {  	_ =	shalt  }
0x6c: {  	_ =	shalt  }
0x6d: {  	_ =	shalt  }
0x6e: {  	_ =	shalt  }
0x6f: {  	_ =	shalt  }
0x70: {  	_ =	shalt  }
0x71: {  	_ =	shalt  }
0x72: {  	_ =	shalt  }
0x73: {  	_ =	shalt  }
0x74: {  	_ =	shalt  }
0x75: {  	_ =	shalt  }
0x76: {  	_ =	shalt  }
0x77: {  	_ =	shalt  }
0x78: {  	_ =	shalt  }
0x79: {  	_ =	shalt  }
0x7a: {  	_ =	shalt  }
0x7b: {  	_ =	shalt  }
0x7c: {  	_ =	shalt  }
0x7d: {  	_ =	shalt  }
0x7e: {  	_ =	shalt  }
0x7f: {  	_ =	shalt  }
0x80: {  	_ =	shalt  }
0x81: {  	_ =	shalt  }
0x82: {  	_ =	shalt  }
0x83: {  	_ =	shalt  }
0x84: {  	_ =	shalt  }
0x85: {  	_ =	shalt  }
0x86: {  	_ =	shalt  }
0x87: {  	_ =	shalt  }
.Lfunc_end0:
.L_simem_size_0:
called_computation.2_lowered:
.L_overlay_start_0:
0x88: {  	s2 =	sld [smem:$0x3FD9]  }
0x89: {  	s3 =	sld [smem:$0x3FFE];
	_ =	sdelay $0x1  }
0x8a: {  	s1 =	srdreg.scid  }
0x8b: {  	s0 =	sand.u32 $0x1, s1  }
0x8c: {  	s16 =	sshll.u32 s0, $0xA;
	s2 =	sadd.s32 s3, s2  }
0x8d: {  	s2 =	sadd.s32 s2, s16  }
0x8e: {  	[smem:$0x3FB2] =	sst s2  }
0x8f: {  	_ = 	snop  }
0x90: {  	(tm) =	ssettm $0x1  }
0x91: {  	s17 =	sld [smem:$0x3FFB];
	_ =	sdelay $0x3  }
0x92: {  	_ =	strace s17  }
0x93: {  	s2 =	sld [smem:$0x3FFC];
	_ =	sdelay $0x3  }
0x94: {  	_ =	strace s2  }
0x95: {  	s2 =	sld [smem:$0x3FFD];
	_ =	sdelay $0x3  }
0x96: {  	_ =	strace s2  }
0x97: {  	_ =	strace $0x8FFFFFFF  }
0x98: {  	s18 =	sld [smem:$0x3FDB];
	_ =	sdelay $0x1  }
0x99: {  	s19 =	simm.s32 $_scs_section_size  }
0x9a: {  	s4 =	simm.s32 $_size__tile_overlayer_lowered;
	s5 =	simm.s32 $_tile_overlayer_lowered  }
0x9b: {  	s22 =	simm.s32 $0x1BFF;
	s21 =	sshll.u32 s5, $0x1;
	s2 =	sadd.s32 s19, s18  }
0x9c: {  	s6 =	simm.s32 $0x0;
	s20 =	sshll.u32 s4, $0x1;
	s4 =	sadd.s32 s21, s2  }
0x9d: {  	[timem:s6], [sflag:s22] =	dma.local [hbm:s4], s20  }
0x9e: {  	_ =	swait.ge [sflag:s22], s20  }
0x9f: {  	s3 =	ssub.s32 $0x0, s20;
	[sflag:s22] =	ssyncset.done $0x0  }
0xa0: {  	[sflag:s22] =	ssyncadd.s32 s3;
	_ =	sdelay $0x1  }
0xa1: {  	s23 =	simm.s32 $0x1B8B  }
0xa2: {  	_ =	swait.ge [sflag:s23], $0x1  }
0xa3: {  	[sflag:s23] =	ssyncset.done $0x0  }
0xa4: {  	s25 =	simm.s32 $0x1B8E;
	s24 =	sld [smem:$0x3FFE];
	[sflag:s23] =	ssyncadd.s32 $0xFFFFFFFF  }
0xa5: {  	s26 =	simm.s32 $execute0_lowered;
	[smem:$0x3FD2] =	sst s25  }
0xa6: {  	s4 =	sshll.u32 s26, $0x1;
	_ =	strace $0x8000004C;
	[dreg:$0x1] =	wrdreg $0xFFFFFFFF  }
0xa7: {  	s28 =	simm.s32 $_size_execute0_lowered;
	s2 =	sadd.s32 s2, s4;
	[dreg:$0x0] =	wrdreg $0x0  }
0xa8: {  	s4 =	sshll.u32 s28, $0x1;
	[dreg:$0x2] =	wrdreg s2  }
0xa9: {  	[dreg:$0x3] =	wrdreg s4  }
0xaa: {  	[dreg:$0x4] =	wrdreg $0xC0  }
0xab: {  	_ =	task [dreg:s6], $0x5FFFF  }
0xac: {  	[dreg:$0x1] =	wrdreg $0xFFFFFFFF  }
0xad: {  	[dreg:$0x0] =	wrdreg $0x60  }
0xae: {  	[dreg:$0x2] =	wrdreg s24  }
0xaf: {  	[dreg:$0x3] =	wrdreg $0x9  }
0xb0: {  	_ =	task.clear_ibuf [dreg:s6], $0x4FFFF;
	_ =	strace $0x9000004C  }
0xb1: {  	s29 =	simm.s32 $0x9;
	_ =	strace $0x8000004E  }
0xb2: {  	_ =	swait.ge [sflag:s29], $0x1  }
0xb3: {  	[sflag:s29] =	ssyncadd.s32 $0xFFFFFFFF  }
0xb4: {  	_ =	strace $0x9000004E  }
0xb5: {  	_ =	sfence  }
0xb6: {  	s30 =	sld [smem:$0x0];
	_ =	sdelay $0x2  }
0xb7: {  	s31 =	sshll.u32 s1, $0xD;
	s1 =	sshrl.u32 s1, $0x2  }
0xb8: {  	s3 =	sand.u32 $0x4000, s31;
	s1 =	sadd.s32 s1, s30  }
0xb9: {  	s0 =	sor.u32 s3, s0;
	s1 =	sshll.u32 s1, $0x11  }
0xba: {  	s0 =	sor.u32 s1, s0  }
0xbb: {  	s0 =	sadd.s32 $0x8F2B, s0  }
0xbc: {  	[sflag:s0] =	ssyncadd.remote.s32 $0x1  }
0xbd: {  	_ =	sfence.sel $0xFFFF  }
0xbe: {  	[dreg:$0x0] =	wrdreg $0xFFFFFFFF;
	(pc) =	sbr.abs _section_cstart, $3  }
0xbf: {  	[dreg:$0x1] =	wrdreg $0xFFFFFFFF  }
0xc0: {  	_ =	task.clear_ibuf [dreg:s6], $0x2FFFF;
	_ =	strace $0x9FFFFFFF  }
0xc1: {  	(tm) =	ssettm $0x7FFFFFFF  }
tec
execute0_lowered:
.L_overlay_start_1:
0x0: {  	(tag) =	ssettag $0x1  }
0x1: {  	s2 =	rddreg [dreg:$0x0]  }
0x2: {  	s0 =	rddreg [dreg:$0x1];
	s1 =	simm.s32 $0x0;
	s3 =	srdreg.scid  }
0x3: {  	s13 =	simm.s32 $0x80;
	s14 =	simm.s32 $0x4100;
	s15 =	simm.s32 $0x8180  }
0x4: {  	s16 =	simm.s32 $0xC200;
	s17 =	simm.s32 $0x1;
	s18 =	simm.s32 $0x2  }
0x5: {  	s19 =	simm.s32 $0x3;
	s20 =	simm.s32 $0x4;
	s21 =	simm.s32 $0x0  }
0x6: {  	[smem:$0x7FF] =	sst s1;
	s6 =	sand.u32 $0x1, s3;
	s3 =	sadd.s32 $0x417600, s2  }
0x7: {  	s4 =	sadd.s32 $0x228200, s2;
	s7 =	sadd.s32 $0x17600, s2;
	s2 =	stileid.u32  }
0x8: {  	_ =	strace $0x8000004D;
	s5 =	ssub.s32 $0x2, s6;
	s30 =	sshll.u32 s2, $0x11  }
0x9: {  	s9 =	sshll.u32 s6, $0x10;
	s11 =	sshll.u32 s2, $0xA;
	s12 =	sshll.u32 s6, $0x9  }
0xa: {  	s8 =	sshrl.u32 s5, $0x1;
	s10 =	sadd.s32 s30, s7;
	s31 =	sor.u32 s12, s11  }
0xb: {  	s11 =	simm.s32 $0x8100;
	s12 =	simm.s32 $0xC180;
	s5 =	ssub.s32 s5, s8  }
0xc: {  	s8 =	sor.u32 s9, s30;
	s6 =	sadd.s32 s9, s10;
	[dreg:$0x2] =	wrdreg s31  }
0xd: {  	s9 =	simm.s32 $0x5;
	s10 =	simm.s32 $0x4080;
	s8 =	sadd.s32 s8, s7  }
0xe: {  	s5 =	smax.u32 s5, $0x1;
	s7 =	sadd.s32 $0x1800, s8;
	s8 =	sadd.s32 $0x1000, s8  }
.LBB2_1:
0xf: {  	s22 =	rddreg [dreg:$0x2]  }
0x10: {  	s23 =	sand.u32 $0x40, s1;
	s22 =	sadd.s32 $0x0, s22  }
0x11: {  	s23 =	sadd.s32 s3, s23;
	s24 =	sand.u32 $0x3F80, s22  }
0x12: {  	s23 =	sadd.s32 s24, s23  }
0x13: {  	[tilespmem:s1], [sflag:$0x5] =	stream.linear.gather [hbm4b:s23+s1], $0x80, $0x38;
	[tilespmem:$0x10200] =	vst v63  }
0x14: {  	s29 =	sadd.s32 $0x10, s22;
	_ =	swait.ge [sflag:s9], $0x80  }
0x15: {  	s24 =	sadd.s32 s3, s24;
	s23 =	sand.u32 $0x50, s29;
	[sflag:s9] =	ssyncset.done $0x0  }
0x16: {  	s23 =	sadd.s32 s23, s24;
	[sflag:s9] =	ssyncadd.s32 $0xFFFFFF80  }
0x17: {  	[tilespmem:s10], [sflag:$0x5] =	stream.linear.gather [hbm4b:s23+s1], $0x80, $0x38;
	[tilespmem:$0x10200] =	vst v63  }
0x18: {  	s30 =	sadd.s32 $0x20, s22;
	_ =	swait.ge [sflag:s9], $0x80  }
0x19: {  	s23 =	sand.u32 $0x60, s30;
	[sflag:s9] =	ssyncset.done $0x0  }
0x1a: {  	s23 =	sadd.s32 s23, s24;
	[sflag:s9] =	ssyncadd.s32 $0xFFFFFF80  }
0x1b: {  	[tilespmem:s11], [sflag:$0x5] =	stream.linear.gather [hbm4b:s23+s1], $0x80, $0x38;
	[tilespmem:$0x10200] =	vst v63  }
0x1c: {  	s22 =	sadd.s32 $0x30, s22;
	_ =	swait.ge [sflag:s9], $0x80  }
0x1d: {  	s22 =	sand.u32 $0x70, s22;
	[sflag:s9] =	ssyncset.done $0x0  }
0x1e: {  	s22 =	sadd.s32 s22, s24;
	[sflag:s9] =	ssyncadd.s32 $0xFFFFFF80  }
0x1f: {  	[tilespmem:s12], [sflag:$0x5] =	stream.linear.gather [hbm4b:s22+s1], $0x80, $0x38;
	[tilespmem:$0x10200] =	vst v63  }
0x20: {  	_ =	swait.ge [sflag:s9], $0x80  }
0x21: {  	[sflag:s9] =	ssyncset.done $0x0  }
0x22: {  	[sflag:s9] =	ssyncadd.s32 $0xFFFFFF80  }
0x23: {  	[tilespmem:s13], [sflag:$0x1] =	stream.indirect.gather [hbm4b:s4+s13], $0x80, s1, s13, $0xb8;
	[tilespmem:$0x10200] =	vst v63  }
0x24: {  	_ = 	snop  }
0x25: {  	[tilespmem:s14], [sflag:$0x2] =	stream.indirect.gather [hbm4b:s4+s13], $0x80, s10, s13, $0xb8;
	[tilespmem:$0x10200] =	vst v63  }
0x26: {  	_ = 	snop  }
0x27: {  	[tilespmem:s15], [sflag:$0x3] =	stream.indirect.gather [hbm4b:s4+s13], $0x80, s11, s13, $0xb8;
	[tilespmem:$0x10200] =	vst v63  }
0x28: {  	_ = 	snop  }
0x29: {  	[tilespmem:s16], [sflag:$0x4] =	stream.indirect.gather [hbm4b:s4+s13], $0x80, s12, s13, $0xb8;
	[tilespmem:$0x10200] =	vst v63  }
0x2a: {  	_ =	swait.ge [sflag:s17], $0x4000  }
0x2b: {  	[sflag:s17] =	ssyncset.done $0x0  }
0x2c: {  	[sflag:s17] =	ssyncadd.s32 $0xFFFFC000  }
0x2d: {  	[hbm4b:s6+s1] =	stream.linear.scatter [tilespmem:s13], [sflag:$0x5], $0x4000, $0x38;
	[tilespmem:$0x10200] =	vst v63  }
0x2e: {  	_ =	swait.ge [sflag:s9], $0x4000  }
0x2f: {  	[sflag:s9] =	ssyncset.done $0x0  }
0x30: {  	[sflag:s9] =	ssyncadd.s32 $0xFFFFC000  }
0x31: {  	_ =	swait.ge [sflag:s18], $0x4000  }
0x32: {  	[sflag:s18] =	ssyncset.done $0x0  }
0x33: {  	s31 =	sadd.s32 $0xFFFFF000, s7;
	[sflag:s18] =	ssyncadd.s32 $0xFFFFC000  }
0x34: {  	[hbm4b:s31+s1] =	stream.linear.scatter [tilespmem:s14], [sflag:$0x5], $0x4000, $0x38;
	[tilespmem:$0x10200] =	vst v63  }
0x35: {  	_ =	swait.ge [sflag:s9], $0x4000  }
0x36: {  	[sflag:s9] =	ssyncset.done $0x0  }
0x37: {  	[sflag:s9] =	ssyncadd.s32 $0xFFFFC000  }
0x38: {  	_ =	swait.ge [sflag:s19], $0x4000  }
0x39: {  	[sflag:s19] =	ssyncset.done $0x0  }
0x3a: {  	[sflag:s19] =	ssyncadd.s32 $0xFFFFC000  }
0x3b: {  	[hbm4b:s8+s1] =	stream.linear.scatter [tilespmem:s15], [sflag:$0x5], $0x4000, $0x38;
	[tilespmem:$0x10200] =	vst v63  }
0x3c: {  	_ =	swait.ge [sflag:s9], $0x4000  }
0x3d: {  	[sflag:s9] =	ssyncset.done $0x0  }
0x3e: {  	[sflag:s9] =	ssyncadd.s32 $0xFFFFC000  }
0x3f: {  	_ =	swait.ge [sflag:s20], $0x4000  }
0x40: {  	s25 =	simm.s32 $0x40;
	[sflag:s20] =	ssyncset.done $0x0  }
0x41: {  	s26 =	simm.s32 $0x80;
	s24 =	smov.u32 s6;
	[sflag:s20] =	ssyncadd.s32 $0xFFFFC000  }
0x42: {  	[hbm4b:s7+s1] =	stream.linear.scatter [tilespmem:s16], [sflag:$0x5], $0x4000, $0x38;
	[tilespmem:$0x10200] =	vst v63  }
0x43: {  	s23 =	sadd.s32 $0x2000, s8;
	s22 =	sadd.s32 $0x2000, s7;
	_ =	swait.ge [sflag:s9], $0x4000  }
.LBB2_2:
0x44: {  	s28 =	rddreg [dreg:$0x2];
	[sflag:s9] =	ssyncset.done $0x0  }
0x45: {  	s29 =	smov.u32 s26;
	s30 =	sand.u32 $0x40, s25;
	s28 =	sadd.s32 s25, s28  }
0x46: {  	s25 =	smov.u32 s29;
	s30 =	sadd.s32 s3, s30;
	s29 =	sand.u32 $0x3F80, s28  }
0x47: {  	[sflag:s9] =	ssyncadd.s32 $0xFFFFC000;
	s30 =	sadd.s32 s29, s30  }
0x48: {  	[tilespmem:s1], [sflag:$0x5] =	stream.linear.gather [hbm4b:s30+s1], $0x80, $0x38;
	[tilespmem:$0x10200] =	vst v63  }
0x49: {  	s31 =	sadd.s32 $0x10, s28;
	_ =	swait.ge [sflag:s9], $0x80  }
0x4a: {  	s31 =	sand.u32 $0x50, s31;
	s29 =	sadd.s32 s3, s29;
	[sflag:s9] =	ssyncset.done $0x0  }
0x4b: {  	s30 =	sadd.s32 s31, s29;
	[sflag:s9] =	ssyncadd.s32 $0xFFFFFF80  }
0x4c: {  	[tilespmem:s10], [sflag:$0x5] =	stream.linear.gather [hbm4b:s30+s1], $0x80, $0x38;
	[tilespmem:$0x10200] =	vst v63  }
0x4d: {  	s31 =	sadd.s32 $0x20, s28;
	_ =	swait.ge [sflag:s9], $0x80  }
0x4e: {  	s31 =	sand.u32 $0x60, s31;
	[sflag:s9] =	ssyncset.done $0x0  }
0x4f: {  	s31 =	sadd.s32 s31, s29;
	[sflag:s9] =	ssyncadd.s32 $0xFFFFFF80  }
0x50: {  	[tilespmem:s11], [sflag:$0x5] =	stream.linear.gather [hbm4b:s31+s1], $0x80, $0x38;
	[tilespmem:$0x10200] =	vst v63  }
0x51: {  	s28 =	sadd.s32 $0x30, s28;
	_ =	swait.ge [sflag:s9], $0x80  }
0x52: {  	s28 =	sand.u32 $0x70, s28;
	[sflag:s9] =	ssyncset.done $0x0  }
0x53: {  	s28 =	sadd.s32 s28, s29;
	[sflag:s9] =	ssyncadd.s32 $0xFFFFFF80  }
0x54: {  	[tilespmem:s12], [sflag:$0x5] =	stream.linear.gather [hbm4b:s28+s1], $0x80, $0x38;
	[tilespmem:$0x10200] =	vst v63  }
0x55: {  	_ =	swait.ge [sflag:s9], $0x80  }
0x56: {  	[sflag:s9] =	ssyncset.done $0x0  }
0x57: {  	[sflag:s9] =	ssyncadd.s32 $0xFFFFFF80  }
0x58: {  	[tilespmem:s13], [sflag:$0x1] =	stream.indirect.gather [hbm4b:s4+s13], $0x80, s1, s13, $0xb8;
	[tilespmem:$0x10200] =	vst v63  }
0x59: {  	_ = 	snop  }
0x5a: {  	[tilespmem:s14], [sflag:$0x2] =	stream.indirect.gather [hbm4b:s4+s13], $0x80, s10, s13, $0xb8;
	[tilespmem:$0x10200] =	vst v63  }
0x5b: {  	_ = 	snop  }
0x5c: {  	[tilespmem:s15], [sflag:$0x3] =	stream.indirect.gather [hbm4b:s4+s13], $0x80, s11, s13, $0xb8;
	[tilespmem:$0x10200] =	vst v63  }
0x5d: {  	_ = 	snop  }
0x5e: {  	[tilespmem:s16], [sflag:$0x4] =	stream.indirect.gather [hbm4b:s4+s13], $0x80, s12, s13, $0xb8;
	[tilespmem:$0x10200] =	vst v63  }
0x5f: {  	_ =	swait.ge [sflag:s17], $0x4000  }
0x60: {  	[sflag:s17] =	ssyncset.done $0x0  }
0x61: {  	s24 =	sadd.s32 $0x2000, s24;
	[sflag:s17] =	ssyncadd.s32 $0xFFFFC000  }
0x62: {  	[hbm4b:s24+s1] =	stream.linear.scatter [tilespmem:s13], [sflag:$0x5], $0x4000, $0x38;
	[tilespmem:$0x10200] =	vst v63  }
0x63: {  	_ =	swait.ge [sflag:s9], $0x4000  }
0x64: {  	[sflag:s9] =	ssyncset.done $0x0  }
0x65: {  	[sflag:s9] =	ssyncadd.s32 $0xFFFFC000  }
0x66: {  	_ =	swait.ge [sflag:s18], $0x4000  }
0x67: {  	[sflag:s18] =	ssyncset.done $0x0  }
0x68: {  	s31 =	sadd.s32 $0xFFFFF000, s22;
	[sflag:s18] =	ssyncadd.s32 $0xFFFFC000  }
0x69: {  	[hbm4b:s31+s1] =	stream.linear.scatter [tilespmem:s14], [sflag:$0x5], $0x4000, $0x38;
	[tilespmem:$0x10200] =	vst v63  }
0x6a: {  	_ =	swait.ge [sflag:s9], $0x4000  }
0x6b: {  	[sflag:s9] =	ssyncset.done $0x0  }
0x6c: {  	[sflag:s9] =	ssyncadd.s32 $0xFFFFC000  }
0x6d: {  	_ =	swait.ge [sflag:s19], $0x4000  }
0x6e: {  	[sflag:s19] =	ssyncset.done $0x0  }
0x6f: {  	[sflag:s19] =	ssyncadd.s32 $0xFFFFC000  }
0x70: {  	[hbm4b:s23+s1] =	stream.linear.scatter [tilespmem:s15], [sflag:$0x5], $0x4000, $0x38;
	[tilespmem:$0x10200] =	vst v63  }
0x71: {  	_ =	swait.ge [sflag:s9], $0x4000  }
0x72: {  	[sflag:s9] =	ssyncset.done $0x0  }
0x73: {  	p0 =	sne.s32 s26, $0x1C0;
	[sflag:s9] =	ssyncadd.s32 $0xFFFFC000  }
.Ltmp0:
0x74: {  	_ =	swait.ge [sflag:s20], $0x4000;
	(pc) =	sbr.rel @p0 .LBB2_2-.Ltmp0, $4  }
0x75: {  	[sflag:s20] =	ssyncset.done $0x0  }
0x76: {  	s26 =	sadd.s32 $0x40, s26;
	[sflag:s20] =	ssyncadd.s32 $0xFFFFC000  }
0x77: {  	[hbm4b:s22+s1] =	stream.linear.scatter [tilespmem:s16], [sflag:$0x5], $0x4000, $0x38;
	[tilespmem:$0x10200] =	vst v63  }
0x78: {  	s23 =	sadd.s32 $0x2000, s23;
	s22 =	sadd.s32 $0x2000, s22;
	_ =	swait.ge [sflag:s9], $0x4000  }
0x79: {  	s26 =	rddreg [dreg:$0x2]  }
0x7a: {  	s28 =	sand.u32 $0x40, s25;
	s31 =	sadd.s32 s25, s26  }
0x7b: {  	[sflag:s9] =	ssyncset.done $0x0;
	s28 =	sadd.s32 s3, s28;
	s26 =	sand.u32 $0x3F80, s31  }
0x7c: {  	[sflag:s9] =	ssyncadd.s32 $0xFFFFC000;
	s28 =	sadd.s32 s26, s28  }
0x7d: {  	[tilespmem:s1], [sflag:$0x5] =	stream.linear.gather [hbm4b:s28+s1], $0x80, $0x38;
	[tilespmem:$0x10200] =	vst v63  }
0x7e: {  	s29 =	sadd.s32 $0x10, s31;
	_ =	swait.ge [sflag:s9], $0x80  }
0x7f: {  	s26 =	sadd.s32 s3, s26;
	s28 =	sand.u32 $0x50, s29;
	[sflag:s9] =	ssyncset.done $0x0  }
0x80: {  	s28 =	sadd.s32 s28, s26;
	[sflag:s9] =	ssyncadd.s32 $0xFFFFFF80  }
0x81: {  	[tilespmem:s10], [sflag:$0x5] =	stream.linear.gather [hbm4b:s28+s1], $0x80, $0x38;
	[tilespmem:$0x10200] =	vst v63  }
0x82: {  	s30 =	sadd.s32 $0x20, s31;
	_ =	swait.ge [sflag:s9], $0x80  }
0x83: {  	s28 =	sand.u32 $0x60, s30;
	[sflag:s9] =	ssyncset.done $0x0  }
0x84: {  	s28 =	sadd.s32 s28, s26;
	[sflag:s9] =	ssyncadd.s32 $0xFFFFFF80  }
0x85: {  	[tilespmem:s11], [sflag:$0x5] =	stream.linear.gather [hbm4b:s28+s1], $0x80, $0x38;
	[tilespmem:$0x10200] =	vst v63  }
0x86: {  	s25 =	sadd.s32 $0x30, s31;
	_ =	swait.ge [sflag:s9], $0x80  }
0x87: {  	s25 =	sand.u32 $0x70, s25;
	[sflag:s9] =	ssyncset.done $0x0  }
0x88: {  	s25 =	sadd.s32 s25, s26;
	[sflag:s9] =	ssyncadd.s32 $0xFFFFFF80  }
0x89: {  	[tilespmem:s12], [sflag:$0x5] =	stream.linear.gather [hbm4b:s25+s1], $0x80, $0x38;
	[tilespmem:$0x10200] =	vst v63  }
0x8a: {  	_ =	swait.ge [sflag:s9], $0x80  }
0x8b: {  	[sflag:s9] =	ssyncset.done $0x0  }
0x8c: {  	[sflag:s9] =	ssyncadd.s32 $0xFFFFFF80  }
0x8d: {  	[tilespmem:s13], [sflag:$0x1] =	stream.indirect.gather [hbm4b:s4+s13], $0x80, s1, s13, $0xb8;
	[tilespmem:$0x10200] =	vst v63  }
0x8e: {  	_ = 	snop  }
0x8f: {  	[tilespmem:s14], [sflag:$0x2] =	stream.indirect.gather [hbm4b:s4+s13], $0x80, s10, s13, $0xb8;
	[tilespmem:$0x10200] =	vst v63  }
0x90: {  	_ = 	snop  }
0x91: {  	[tilespmem:s15], [sflag:$0x3] =	stream.indirect.gather [hbm4b:s4+s13], $0x80, s11, s13, $0xb8;
	[tilespmem:$0x10200] =	vst v63  }
0x92: {  	_ = 	snop  }
0x93: {  	[tilespmem:s16], [sflag:$0x4] =	stream.indirect.gather [hbm4b:s4+s13], $0x80, s12, s13, $0xb8;
	[tilespmem:$0x10200] =	vst v63  }
0x94: {  	_ =	swait.ge [sflag:s17], $0x4000  }
0x95: {  	[sflag:s17] =	ssyncset.done $0x0  }
0x96: {  	s24 =	sadd.s32 $0x2000, s24;
	[sflag:s17] =	ssyncadd.s32 $0xFFFFC000  }
0x97: {  	[hbm4b:s24+s1] =	stream.linear.scatter [tilespmem:s13], [sflag:$0x5], $0x4000, $0x38;
	[tilespmem:$0x10200] =	vst v63  }
0x98: {  	_ =	swait.ge [sflag:s9], $0x4000  }
0x99: {  	[sflag:s9] =	ssyncset.done $0x0  }
0x9a: {  	[sflag:s9] =	ssyncadd.s32 $0xFFFFC000  }
0x9b: {  	_ =	swait.ge [sflag:s18], $0x4000  }
0x9c: {  	[sflag:s18] =	ssyncset.done $0x0  }
0x9d: {  	s31 =	sadd.s32 $0xFFFFF000, s22;
	[sflag:s18] =	ssyncadd.s32 $0xFFFFC000  }
0x9e: {  	[hbm4b:s31+s1] =	stream.linear.scatter [tilespmem:s14], [sflag:$0x5], $0x4000, $0x38;
	[tilespmem:$0x10200] =	vst v63  }
0x9f: {  	_ =	swait.ge [sflag:s9], $0x4000  }
0xa0: {  	[sflag:s9] =	ssyncset.done $0x0  }
0xa1: {  	[sflag:s9] =	ssyncadd.s32 $0xFFFFC000  }
0xa2: {  	_ =	swait.ge [sflag:s19], $0x4000  }
0xa3: {  	[sflag:s19] =	ssyncset.done $0x0  }
0xa4: {  	[sflag:s19] =	ssyncadd.s32 $0xFFFFC000  }
0xa5: {  	[hbm4b:s23+s1] =	stream.linear.scatter [tilespmem:s15], [sflag:$0x5], $0x4000, $0x38;
	[tilespmem:$0x10200] =	vst v63  }
0xa6: {  	_ =	swait.ge [sflag:s9], $0x4000  }
0xa7: {  	[sflag:s9] =	ssyncset.done $0x0  }
0xa8: {  	[sflag:s9] =	ssyncadd.s32 $0xFFFFC000  }
0xa9: {  	s21 =	sadd.s32 $0x1, s21;
	_ =	swait.ge [sflag:s20], $0x4000  }
0xaa: {  	p0 =	sne.s32 s21, s5;
	[sflag:s20] =	ssyncset.done $0x0  }
.Ltmp1:
0xab: {  	[sflag:s20] =	ssyncadd.s32 $0xFFFFC000;
	(pc) =	sbr.rel @p0 .LBB2_1-.Ltmp1, $4  }
0xac: {  	[hbm4b:s22+s1] =	stream.linear.scatter [tilespmem:s16], [sflag:$0x5], $0x4000, $0x38;
	[tilespmem:$0x10200] =	vst v63  }
0xad: {  	_ =	swait.ge [sflag:s9], $0x4000  }
0xae: {  	[sflag:s9] =	ssyncset.done $0x0  }
0xaf: {  	[sflag:s9] =	ssyncadd.s32 $0xFFFFC000  }
0xb0: {  	_ =	sfence.sel $0x180000  }
0xb1: {  	[bflag:$0x0] =	sbarrier.arrive $0xFFFF  }
0xb2: {  	p0 =	sne.s32 s2, $0x0;
	_ =	strace $0x9000004D  }
0xb3: {  	s0 =	sadd.s32 @!p0 $0x100000, s0;
	[bflag:$0x2] =	sbarrier.arrive $0xFFFF  }
0xb4: {  	[sflag:s0] =	ssyncadd.tile.s32 @!p0 $0x1;
	_ =	shalt  }
.Lfunc_end2:
_tile_overlayer_lowered:
.L_overlay_start_2:
0xb5: {  	(tag) =	ssettag $0x2  }
0xb6: {  	s0 =	rddreg [dreg:$0x0];
	s2 =	stileid.u32  }
0xb7: {  	s1 =	rddreg [dreg:$0x1];
	p0 =	sne.s32 s2, $0x0  }
0xb8: {  	s3 =	rddreg [dreg:$0x2];
	[bflag:$0x3] =	sbarrier.arrive $0xFFFF;
	s2 =	simm.s32 @!p0 $0x1C05  }
0xb9: {  	[timem:s3], [sflag:s2] =	dma.local @!p0 [hbm:s0], s1  }
0xba: {  	s0 =	simm.s32 @!p0 $0x5  }
0xbb: {  	_ =	swait.ge @!p0 [sflag:s0], s1  }
0xbc: {  	s1 =	ssub.s32 @!p0 $0x0, s1;
	[sflag:s0] =	ssyncset.done @!p0 $0x0  }
0xbd: {  	[sflag:s0] =	ssyncadd.s32 @!p0 s1  }
0xbe: {  	[bflag:$0x3] =	sbarrier.arrive $0xFFFF  }
0xbf: {  	_ =	shalt  }

</sc_bundles>
